<compile_context>
chip_gen: v7x
topology: tpu7x:2x2x1
jax: 0.10.2.dev20260603
libtpu: 0.0.44.dev20260713+nightly
codegen_flags: <defaults>
</compile_context>

<pallas_src>
import functools

import jax
import jax.numpy as jnp
from jax import lax
from jax.experimental import pallas as pl
from jax.experimental.pallas import tpu as pltpu
from jax.experimental.pallas import tpu_sc as plsc

_NC = 2
_NS = 16
_NW = _NC * _NS
_LANES = 16


@functools.lru_cache(maxsize=None)
def _make_sc_gather_sum(B, L, V, D):
    L2 = 2 * L
    PAIRS = B // 2 // _NW
    ROWS = B // _NW
    NBUF = 8
    NVR = D // _LANES
    UNROLL = 5
    assert B % (2 * _NW) == 0 and PAIRS % NBUF == 0
    assert L2 <= 128 and D % _LANES == 0 and L % UNROLL == 0

    mesh = plsc.VectorSubcoreMesh(core_axis_name="c", subcore_axis_name="s")

    @functools.partial(
        pl.kernel,
        mesh=mesh,
        compiler_params=pltpu.CompilerParams(use_tc_tiling_on_sc=False),
        out_type=jax.ShapeDtypeStruct((B, D), jnp.float32),
        scratch_types=[
            pltpu.VMEM((PAIRS, L2), jnp.int32),
            pltpu.VMEM((NBUF, L2, D), jnp.float32),
            pltpu.VMEM((ROWS, D), jnp.float32),
        ] + [pltpu.SemaphoreType.DMA] * NBUF,
    )
    def sc_gather_sum(x2_hbm, table_hbm, out_hbm, idx_v, rows_v, acc_v, *sems):
        wid = lax.axis_index("s") * _NC + lax.axis_index("c")
        pbase = wid * PAIRS
        pltpu.sync_copy(x2_hbm.at[pl.ds(pbase, PAIRS)], idx_v)

        def start(j, b):
            pltpu.async_copy(table_hbm.at[idx_v.at[j]], rows_v.at[b], sems[b])

        for b in range(NBUF):
            start(b, b)

        def outer(g, carry):
            for b in range(NBUF):
                j = g * NBUF + b
                pltpu.make_async_copy(
                    table_hbm.at[idx_v.at[j]], rows_v.at[b], sems[b]).wait()
                jn = j + NBUF

                @pl.when(jn < PAIRS)
                def _():
                    start(jn, b)

                for half in range(2):
                    def body(i, accs, half=half, b=b):
                        out = list(accs)
                        for u in range(UNROLL):
                            r = half * L + i * UNROLL + u
                            for q in range(NVR):
                                out[q] = out[q] + rows_v[
                                    b, r, pl.ds(q * _LANES, _LANES)]
                        return tuple(out)

                    zero = jnp.zeros((_LANES,), jnp.float32)
                    accs = lax.fori_loop(0, L // UNROLL, body, (zero,) * NVR)
                    row = 2 * j + half
                    for q in range(NVR):
                        acc_v[row, pl.ds(q * _LANES, _LANES)] = accs[q]
            return carry

        lax.fori_loop(0, PAIRS // NBUF, outer, 0)
        pltpu.sync_copy(acc_v, out_hbm.at[pl.ds(wid * ROWS, ROWS)])

    return sc_gather_sum


@functools.lru_cache(maxsize=None)
def _make_tc_mlp(B, L, D, H, C):
    BLK = 512
    assert B % BLK == 0

    def body(x_ref, s_ref, w1_ref, b1_ref, w2t_ref, b2t_ref, ot_ref):
        cnt = jnp.sum((x_ref[...] != 0).astype(jnp.float32), axis=1,
                      keepdims=True)
        avg = s_ref[...] / jnp.maximum(cnt, 1e-6)
        h = jnp.dot(avg, w1_ref[...], preferred_element_type=jnp.float32)
        h = jnp.maximum(h + b1_ref[...], 0.0)
        ot = lax.dot_general(w2t_ref[...], h, (((1,), (1,)), ((), ())),
                             preferred_element_type=jnp.float32)
        ot_ref[...] = ot + b2t_ref[...]

    return pl.pallas_call(
        body,
        grid=(B // BLK,),
        in_specs=[
            pl.BlockSpec((BLK, L), lambda i: (i, 0)),
            pl.BlockSpec((BLK, D), lambda i: (i, 0)),
            pl.BlockSpec((D, H), lambda i: (0, 0)),
            pl.BlockSpec((1, H), lambda i: (0, 0)),
            pl.BlockSpec((C, H), lambda i: (0, 0)),
            pl.BlockSpec((C, 1), lambda i: (0, 0)),
        ],
        out_specs=pl.BlockSpec((C, BLK), lambda i: (0, i)),
        out_shape=jax.ShapeDtypeStruct((C, B), jnp.float32),
    )


def kernel(x, table, W1, b1, W2, b2):
    B, L = x.shape
    V, D = table.shape
    H = W1.shape[1]
    C = W2.shape[1]
    xi = x.astype(jnp.int32)
    x2 = xi.reshape(B // 2, 2 * L)
    summed = _make_sc_gather_sum(B, L, V, D)(x2, table)
    out_t = _make_tc_mlp(B, L, D, H, C)(
        xi, summed, W1, b1.reshape(1, H), W2.T, b2.reshape(C, 1))
    return out_t.T

# --- scband reference (transcript-rebuilt; emitter-appended) ---
"""Pipeline reference for scband-avg-emb-classifier-4200478015749 (READ-ONLY COPY).

The authoritative reference and input builder live on the scoring server;
editing this copy changes nothing except your own understanding.
"""

import jax, jax.numpy as jnp
import numpy as np

VOCAB = 1000000
EMB = 64
HID = 128
NCLS = 1000
B = 16384
L = 50

def setup_inputs(seed: int = 0) -> dict:
    key = jax.random.key(seed)
    k_x, k_emb, k_w1, k_b1, k_w2, k_b2 = jax.random.split(key, 6)
    x = jax.random.randint(k_x, (B, L), 0, VOCAB, dtype=jnp.int64) if jax.config.jax_enable_x64 else jax.random.randint(k_x, (B, L), 0, VOCAB, dtype=jnp.int32)
    table = jax.random.normal(k_emb, (VOCAB, EMB), dtype=jnp.float32) * 0.02
    table = table.at[0].set(0.0)  # padding_idx=0
    W1 = jax.random.normal(k_w1, (EMB, HID), dtype=jnp.float32) * (1.0 / np.sqrt(EMB))
    b1 = jnp.zeros((HID,), dtype=jnp.float32)
    W2 = jax.random.normal(k_w2, (HID, NCLS), dtype=jnp.float32) * (1.0 / np.sqrt(HID))
    b2 = jnp.zeros((NCLS,), dtype=jnp.float32)
    return {"x": x, "table": table, "W1": W1, "b1": b1, "W2": W2, "b2": b2}

def reference(x, table, W1, b1, W2, b2):
    mask = (x != 0).astype(jnp.float32)[..., None]          # [B, L, 1]
    emb = jnp.take(table, x, axis=0)                         # [B, L, EMB] gather
    summed = jnp.sum(emb * mask, axis=1)                     # [B, EMB]
    lengths = jnp.clip(jnp.sum(mask, axis=1), 1e-6, None)    # [B, 1]
    avg = summed / lengths                                   # [B, EMB]
    h = jax.nn.relu(avg @ W1 + b1)                           # [B, HID]
    out = h @ W2 + b2                                        # [B, NCLS]
    return out

if __name__ == "__main__":
    import jax
    _d = setup_inputs()
    print(jax.jit(kernel)(*tuple(_d.values())))

</pallas_src>

<mosaic_0001>
#map = affine_map<(d0, d1) -> (0, 0)>
module attributes {stable_mosaic.version = 14 : i64} {
  func.func @sc_gather_sum(%arg0: i32, %arg1: i32, %arg2: memref<8192x100xi32, #tpu.memory_space<hbm>>, %arg3: memref<1000000x64xf32, #tpu.memory_space<hbm>>, %arg4: memref<16384x64xf32, #tpu.memory_space<hbm>>, %arg5: memref<256x100xi32, #tpu.memory_space<vmem>>, %arg6: memref<8x100x64xf32, #tpu.memory_space<vmem>>, %arg7: memref<512x64xf32, #tpu.memory_space<vmem>>, %arg8: memref<!tpu.dma_semaphore, #tpu.memory_space<semaphore_mem>>, %arg9: memref<!tpu.dma_semaphore, #tpu.memory_space<semaphore_mem>>, %arg10: memref<!tpu.dma_semaphore, #tpu.memory_space<semaphore_mem>>, %arg11: memref<!tpu.dma_semaphore, #tpu.memory_space<semaphore_mem>>, %arg12: memref<!tpu.dma_semaphore, #tpu.memory_space<semaphore_mem>>, %arg13: memref<!tpu.dma_semaphore, #tpu.memory_space<semaphore_mem>>, %arg14: memref<!tpu.dma_semaphore, #tpu.memory_space<semaphore_mem>>, %arg15: memref<!tpu.dma_semaphore, #tpu.memory_space<semaphore_mem>>) attributes {dimension_semantics = [#tpu.dimension_semantics<core_parallel>, #tpu.dimension_semantics<subcore_parallel>], iteration_bounds = array<i64: 2, 16>, scalar_prefetch = 0 : i64, scratch_operands = 11 : i64, tpu.core_type = #tpu.core_type<sc_vector_subcore>, window_params = [{transform_indices = #map}, {transform_indices = #map}, {transform_indices = #map}]} {
    %mul3A = arith.constant 2 : i32
    %mul3A_0 = arith.muli %arg1, %mul3A : i32
    %add3A = arith.addi %mul3A_0, %arg0 : i32
    %mul3A_1 = arith.constant 256 : i32
    %mul3A_2 = arith.muli %add3A, %mul3A_1 : i32
    "tpu.region"() ({
      %run_scoped3A = tpu.sem_alloc : memref<!tpu.dma_semaphore, #tpu.memory_space<semaphore_mem>>
      %dma_start3A_105 = arith.constant 0 : i32
      %dma_start3A_106 = tpu.memref_slice %arg2[%mul3A_2, %dma_start3A_105] : memref<8192x100xi32, #tpu.memory_space<hbm>> -> memref<256x100xi32, #tpu.memory_space<hbm>>
      %dma_start3A_107 = arith.constant 0 : i32
      %dma_start3A_108 = tpu.memref_slice %arg2[%mul3A_2, %dma_start3A_107] : memref<8192x100xi32, #tpu.memory_space<hbm>> -> memref<256x100xi32, #tpu.memory_space<hbm>>
      tpu.enqueue_dma source(%dma_start3A_108 : memref<256x100xi32, #tpu.memory_space<hbm>>) target(%arg5 : memref<256x100xi32, #tpu.memory_space<vmem>>) target_semaphore(%run_scoped3A : memref<!tpu.dma_semaphore, #tpu.memory_space<semaphore_mem>>)
      %dma_wait3A = arith.constant 0 : i32
      %dma_wait3A_109 = tpu.memref_slice %arg2[%mul3A_2, %dma_wait3A] : memref<8192x100xi32, #tpu.memory_space<hbm>> -> memref<256x100xi32, #tpu.memory_space<hbm>>
      %dma_wait3A_110 = arith.constant 0 : i32
      %dma_wait3A_111 = tpu.memref_slice %arg2[%mul3A_2, %dma_wait3A_110] : memref<8192x100xi32, #tpu.memory_space<hbm>> -> memref<256x100xi32, #tpu.memory_space<hbm>>
      tpu.wait_dma2 semaphore(%run_scoped3A : memref<!tpu.dma_semaphore, #tpu.memory_space<semaphore_mem>>) src(%dma_wait3A_111 : memref<256x100xi32, #tpu.memory_space<hbm>>) dst(%arg5 : memref<256x100xi32, #tpu.memory_space<vmem>>)
      tpu.yield
    }) : () -> ()
    %dma_start3A = arith.constant 0 : i32
    %dma_start3A_3 = arith.constant 0 : i32
    %dma_start3A_4 = arith.constant 0 : i32
    %dma_start3A_5 = arith.constant 0 : i32
    %dma_start3A_6 = tpu.memref_slice %arg6[%dma_start3A_3, %dma_start3A_4, %dma_start3A_5] : memref<8x100x64xf32, #tpu.memory_space<vmem>> -> memref<1x100x64xf32, #tpu.memory_space<vmem>>
    %dma_start3A_7 = tpu.memref_squeeze %dma_start3A_6 : memref<1x100x64xf32, #tpu.memory_space<vmem>> -> memref<100x64xf32, #tpu.memory_space<vmem>>
    %dma_start3A_8 = arith.constant 0 : i32
    %dma_start3A_9 = tpu.memref_slice %arg5[%dma_start3A, %dma_start3A_8] : memref<256x100xi32, #tpu.memory_space<vmem>> -> memref<1x100xi32, #tpu.memory_space<vmem>>
    %dma_start3A_10 = tpu.memref_squeeze %dma_start3A_9 : memref<1x100xi32, #tpu.memory_space<vmem>> -> memref<100xi32, #tpu.memory_space<vmem>>
    %dma_start3A_11 = arith.constant 0 : i32
    %dma_start3A_12 = arith.constant 0 : i32
    %dma_start3A_13 = tpu.memref_slice %arg3[%dma_start3A_11, %dma_start3A_12] : memref<1000000x64xf32, #tpu.memory_space<hbm>> -> memref<1000000x64xf32, #tpu.memory_space<hbm>>
    tpu.enqueue_indirect_dma source(%dma_start3A_13 : memref<1000000x64xf32, #tpu.memory_space<hbm>>) target(%dma_start3A_7 : memref<100x64xf32, #tpu.memory_space<vmem>>) offsets(%dma_start3A_10 : memref<100xi32, #tpu.memory_space<vmem>>) semaphore(%arg8 : memref<!tpu.dma_semaphore, #tpu.memory_space<semaphore_mem>>)
    %dma_start3A_14 = arith.constant 1 : i32
    %dma_start3A_15 = arith.constant 1 : i32
    %dma_start3A_16 = arith.constant 0 : i32
    %dma_start3A_17 = arith.constant 0 : i32
    %dma_start3A_18 = tpu.memref_slice %arg6[%dma_start3A_15, %dma_start3A_16, %dma_start3A_17] : memref<8x100x64xf32, #tpu.memory_space<vmem>> -> memref<1x100x64xf32, #tpu.memory_space<vmem>>
    %dma_start3A_19 = tpu.memref_squeeze %dma_start3A_18 : memref<1x100x64xf32, #tpu.memory_space<vmem>> -> memref<100x64xf32, #tpu.memory_space<vmem>>
    %dma_start3A_20 = arith.constant 0 : i32
    %dma_start3A_21 = tpu.memref_slice %arg5[%dma_start3A_14, %dma_start3A_20] : memref<256x100xi32, #tpu.memory_space<vmem>> -> memref<1x100xi32, #tpu.memory_space<vmem>>
    %dma_start3A_22 = tpu.memref_squeeze %dma_start3A_21 : memref<1x100xi32, #tpu.memory_space<vmem>> -> memref<100xi32, #tpu.memory_space<vmem>>
    %dma_start3A_23 = arith.constant 0 : i32
    %dma_start3A_24 = arith.constant 0 : i32
    %dma_start3A_25 = tpu.memref_slice %arg3[%dma_start3A_23, %dma_start3A_24] : memref<1000000x64xf32, #tpu.memory_space<hbm>> -> memref<1000000x64xf32, #tpu.memory_space<hbm>>
    tpu.enqueue_indirect_dma source(%dma_start3A_25 : memref<1000000x64xf32, #tpu.memory_space<hbm>>) target(%dma_start3A_19 : memref<100x64xf32, #tpu.memory_space<vmem>>) offsets(%dma_start3A_22 : memref<100xi32, #tpu.memory_space<vmem>>) semaphore(%arg9 : memref<!tpu.dma_semaphore, #tpu.memory_space<semaphore_mem>>)
    %dma_start3A_26 = arith.constant 2 : i32
    %dma_start3A_27 = arith.constant 2 : i32
    %dma_start3A_28 = arith.constant 0 : i32
    %dma_start3A_29 = arith.constant 0 : i32
    %dma_start3A_30 = tpu.memref_slice %arg6[%dma_start3A_27, %dma_start3A_28, %dma_start3A_29] : memref<8x100x64xf32, #tpu.memory_space<vmem>> -> memref<1x100x64xf32, #tpu.memory_space<vmem>>
    %dma_start3A_31 = tpu.memref_squeeze %dma_start3A_30 : memref<1x100x64xf32, #tpu.memory_space<vmem>> -> memref<100x64xf32, #tpu.memory_space<vmem>>
    %dma_start3A_32 = arith.constant 0 : i32
    %dma_start3A_33 = tpu.memref_slice %arg5[%dma_start3A_26, %dma_start3A_32] : memref<256x100xi32, #tpu.memory_space<vmem>> -> memref<1x100xi32, #tpu.memory_space<vmem>>
    %dma_start3A_34 = tpu.memref_squeeze %dma_start3A_33 : memref<1x100xi32, #tpu.memory_space<vmem>> -> memref<100xi32, #tpu.memory_space<vmem>>
    %dma_start3A_35 = arith.constant 0 : i32
    %dma_start3A_36 = arith.constant 0 : i32
    %dma_start3A_37 = tpu.memref_slice %arg3[%dma_start3A_35, %dma_start3A_36] : memref<1000000x64xf32, #tpu.memory_space<hbm>> -> memref<1000000x64xf32, #tpu.memory_space<hbm>>
    tpu.enqueue_indirect_dma source(%dma_start3A_37 : memref<1000000x64xf32, #tpu.memory_space<hbm>>) target(%dma_start3A_31 : memref<100x64xf32, #tpu.memory_space<vmem>>) offsets(%dma_start3A_34 : memref<100xi32, #tpu.memory_space<vmem>>) semaphore(%arg10 : memref<!tpu.dma_semaphore, #tpu.memory_space<semaphore_mem>>)
    %dma_start3A_38 = arith.constant 3 : i32
    %dma_start3A_39 = arith.constant 3 : i32
    %dma_start3A_40 = arith.constant 0 : i32
    %dma_start3A_41 = arith.constant 0 : i32
    %dma_start3A_42 = tpu.memref_slice %arg6[%dma_start3A_39, %dma_start3A_40, %dma_start3A_41] : memref<8x100x64xf32, #tpu.memory_space<vmem>> -> memref<1x100x64xf32, #tpu.memory_space<vmem>>
    %dma_start3A_43 = tpu.memref_squeeze %dma_start3A_42 : memref<1x100x64xf32, #tpu.memory_space<vmem>> -> memref<100x64xf32, #tpu.memory_space<vmem>>
    %dma_start3A_44 = arith.constant 0 : i32
    %dma_start3A_45 = tpu.memref_slice %arg5[%dma_start3A_38, %dma_start3A_44] : memref<256x100xi32, #tpu.memory_space<vmem>> -> memref<1x100xi32, #tpu.memory_space<vmem>>
    %dma_start3A_46 = tpu.memref_squeeze %dma_start3A_45 : memref<1x100xi32, #tpu.memory_space<vmem>> -> memref<100xi32, #tpu.memory_space<vmem>>
    %dma_start3A_47 = arith.constant 0 : i32
    %dma_start3A_48 = arith.constant 0 : i32
    %dma_start3A_49 = tpu.memref_slice %arg3[%dma_start3A_47, %dma_start3A_48] : memref<1000000x64xf32, #tpu.memory_space<hbm>> -> memref<1000000x64xf32, #tpu.memory_space<hbm>>
    tpu.enqueue_indirect_dma source(%dma_start3A_49 : memref<1000000x64xf32, #tpu.memory_space<hbm>>) target(%dma_start3A_43 : memref<100x64xf32, #tpu.memory_space<vmem>>) offsets(%dma_start3A_46 : memref<100xi32, #tpu.memory_space<vmem>>) semaphore(%arg11 : memref<!tpu.dma_semaphore, #tpu.memory_space<semaphore_mem>>)
    %dma_start3A_50 = arith.constant 4 : i32
    %dma_start3A_51 = arith.constant 4 : i32
    %dma_start3A_52 = arith.constant 0 : i32
    %dma_start3A_53 = arith.constant 0 : i32
    %dma_start3A_54 = tpu.memref_slice %arg6[%dma_start3A_51, %dma_start3A_52, %dma_start3A_53] : memref<8x100x64xf32, #tpu.memory_space<vmem>> -> memref<1x100x64xf32, #tpu.memory_space<vmem>>
    %dma_start3A_55 = tpu.memref_squeeze %dma_start3A_54 : memref<1x100x64xf32, #tpu.memory_space<vmem>> -> memref<100x64xf32, #tpu.memory_space<vmem>>
    %dma_start3A_56 = arith.constant 0 : i32
    %dma_start3A_57 = tpu.memref_slice %arg5[%dma_start3A_50, %dma_start3A_56] : memref<256x100xi32, #tpu.memory_space<vmem>> -> memref<1x100xi32, #tpu.memory_space<vmem>>
    %dma_start3A_58 = tpu.memref_squeeze %dma_start3A_57 : memref<1x100xi32, #tpu.memory_space<vmem>> -> memref<100xi32, #tpu.memory_space<vmem>>
    %dma_start3A_59 = arith.constant 0 : i32
    %dma_start3A_60 = arith.constant 0 : i32
    %dma_start3A_61 = tpu.memref_slice %arg3[%dma_start3A_59, %dma_start3A_60] : memref<1000000x64xf32, #tpu.memory_space<hbm>> -> memref<1000000x64xf32, #tpu.memory_space<hbm>>
    tpu.enqueue_indirect_dma source(%dma_start3A_61 : memref<1000000x64xf32, #tpu.memory_space<hbm>>) target(%dma_start3A_55 : memref<100x64xf32, #tpu.memory_space<vmem>>) offsets(%dma_start3A_58 : memref<100xi32, #tpu.memory_space<vmem>>) semaphore(%arg12 : memref<!tpu.dma_semaphore, #tpu.memory_space<semaphore_mem>>)
    %dma_start3A_62 = arith.constant 5 : i32
    %dma_start3A_63 = arith.constant 5 : i32
    %dma_start3A_64 = arith.constant 0 : i32
    %dma_start3A_65 = arith.constant 0 : i32
    %dma_start3A_66 = tpu.memref_slice %arg6[%dma_start3A_63, %dma_start3A_64, %dma_start3A_65] : memref<8x100x64xf32, #tpu.memory_space<vmem>> -> memref<1x100x64xf32, #tpu.memory_space<vmem>>
    %dma_start3A_67 = tpu.memref_squeeze %dma_start3A_66 : memref<1x100x64xf32, #tpu.memory_space<vmem>> -> memref<100x64xf32, #tpu.memory_space<vmem>>
    %dma_start3A_68 = arith.constant 0 : i32
    %dma_start3A_69 = tpu.memref_slice %arg5[%dma_start3A_62, %dma_start3A_68] : memref<256x100xi32, #tpu.memory_space<vmem>> -> memref<1x100xi32, #tpu.memory_space<vmem>>
    %dma_start3A_70 = tpu.memref_squeeze %dma_start3A_69 : memref<1x100xi32, #tpu.memory_space<vmem>> -> memref<100xi32, #tpu.memory_space<vmem>>
    %dma_start3A_71 = arith.constant 0 : i32
    %dma_start3A_72 = arith.constant 0 : i32
    %dma_start3A_73 = tpu.memref_slice %arg3[%dma_start3A_71, %dma_start3A_72] : memref<1000000x64xf32, #tpu.memory_space<hbm>> -> memref<1000000x64xf32, #tpu.memory_space<hbm>>
    tpu.enqueue_indirect_dma source(%dma_start3A_73 : memref<1000000x64xf32, #tpu.memory_space<hbm>>) target(%dma_start3A_67 : memref<100x64xf32, #tpu.memory_space<vmem>>) offsets(%dma_start3A_70 : memref<100xi32, #tpu.memory_space<vmem>>) semaphore(%arg13 : memref<!tpu.dma_semaphore, #tpu.memory_space<semaphore_mem>>)
    %dma_start3A_74 = arith.constant 6 : i32
    %dma_start3A_75 = arith.constant 6 : i32
    %dma_start3A_76 = arith.constant 0 : i32
    %dma_start3A_77 = arith.constant 0 : i32
    %dma_start3A_78 = tpu.memref_slice %arg6[%dma_start3A_75, %dma_start3A_76, %dma_start3A_77] : memref<8x100x64xf32, #tpu.memory_space<vmem>> -> memref<1x100x64xf32, #tpu.memory_space<vmem>>
    %dma_start3A_79 = tpu.memref_squeeze %dma_start3A_78 : memref<1x100x64xf32, #tpu.memory_space<vmem>> -> memref<100x64xf32, #tpu.memory_space<vmem>>
    %dma_start3A_80 = arith.constant 0 : i32
    %dma_start3A_81 = tpu.memref_slice %arg5[%dma_start3A_74, %dma_start3A_80] : memref<256x100xi32, #tpu.memory_space<vmem>> -> memref<1x100xi32, #tpu.memory_space<vmem>>
    %dma_start3A_82 = tpu.memref_squeeze %dma_start3A_81 : memref<1x100xi32, #tpu.memory_space<vmem>> -> memref<100xi32, #tpu.memory_space<vmem>>
    %dma_start3A_83 = arith.constant 0 : i32
    %dma_start3A_84 = arith.constant 0 : i32
    %dma_start3A_85 = tpu.memref_slice %arg3[%dma_start3A_83, %dma_start3A_84] : memref<1000000x64xf32, #tpu.memory_space<hbm>> -> memref<1000000x64xf32, #tpu.memory_space<hbm>>
    tpu.enqueue_indirect_dma source(%dma_start3A_85 : memref<1000000x64xf32, #tpu.memory_space<hbm>>) target(%dma_start3A_79 : memref<100x64xf32, #tpu.memory_space<vmem>>) offsets(%dma_start3A_82 : memref<100xi32, #tpu.memory_space<vmem>>) semaphore(%arg14 : memref<!tpu.dma_semaphore, #tpu.memory_space<semaphore_mem>>)
    %dma_start3A_86 = arith.constant 7 : i32
    %dma_start3A_87 = arith.constant 7 : i32
    %dma_start3A_88 = arith.constant 0 : i32
    %dma_start3A_89 = arith.constant 0 : i32
    %dma_start3A_90 = tpu.memref_slice %arg6[%dma_start3A_87, %dma_start3A_88, %dma_start3A_89] : memref<8x100x64xf32, #tpu.memory_space<vmem>> -> memref<1x100x64xf32, #tpu.memory_space<vmem>>
    %dma_start3A_91 = tpu.memref_squeeze %dma_start3A_90 : memref<1x100x64xf32, #tpu.memory_space<vmem>> -> memref<100x64xf32, #tpu.memory_space<vmem>>
    %dma_start3A_92 = arith.constant 0 : i32
    %dma_start3A_93 = tpu.memref_slice %arg5[%dma_start3A_86, %dma_start3A_92] : memref<256x100xi32, #tpu.memory_space<vmem>> -> memref<1x100xi32, #tpu.memory_space<vmem>>
    %dma_start3A_94 = tpu.memref_squeeze %dma_start3A_93 : memref<1x100xi32, #tpu.memory_space<vmem>> -> memref<100xi32, #tpu.memory_space<vmem>>
    %dma_start3A_95 = arith.constant 0 : i32
    %dma_start3A_96 = arith.constant 0 : i32
    %dma_start3A_97 = tpu.memref_slice %arg3[%dma_start3A_95, %dma_start3A_96] : memref<1000000x64xf32, #tpu.memory_space<hbm>> -> memref<1000000x64xf32, #tpu.memory_space<hbm>>
    tpu.enqueue_indirect_dma source(%dma_start3A_97 : memref<1000000x64xf32, #tpu.memory_space<hbm>>) target(%dma_start3A_91 : memref<100x64xf32, #tpu.memory_space<vmem>>) offsets(%dma_start3A_94 : memref<100xi32, #tpu.memory_space<vmem>>) semaphore(%arg15 : memref<!tpu.dma_semaphore, #tpu.memory_space<semaphore_mem>>)
    %scan3A = arith.constant 0 : i32
    %scan3A_98 = arith.constant 0 : i32
    %scan3A_99 = arith.constant 32 : i32
    %scan3A_100 = arith.addi %scan3A_98, %scan3A_99 : i32
    %scan3A_101 = arith.constant 1 : i32
    scf.for %scan3A_105 = %scan3A_98 to %scan3A_100 step %scan3A_101  : i32 {
      %mul3A_106 = arith.constant 8 : i32
      %mul3A_107 = arith.muli %scan3A_105, %mul3A_106 : i32
      %add3A_108 = arith.constant 0 : i32
      %add3A_109 = arith.addi %mul3A_107, %add3A_108 : i32
      %dma_wait3A = arith.constant 0 : i32
      %dma_wait3A_110 = arith.constant 0 : i32
      %dma_wait3A_111 = arith.constant 0 : i32
      %dma_wait3A_112 = tpu.memref_slice %arg6[%dma_wait3A, %dma_wait3A_110, %dma_wait3A_111] : memref<8x100x64xf32, #tpu.memory_space<vmem>> -> memref<1x100x64xf32, #tpu.memory_space<vmem>>
      %dma_wait3A_113 = tpu.memref_squeeze %dma_wait3A_112 : memref<1x100x64xf32, #tpu.memory_space<vmem>> -> memref<100x64xf32, #tpu.memory_space<vmem>>
      %dma_wait3A_114 = arith.constant 0 : i32
      %dma_wait3A_115 = tpu.memref_slice %arg5[%add3A_109, %dma_wait3A_114] : memref<256x100xi32, #tpu.memory_space<vmem>> -> memref<1x100xi32, #tpu.memory_space<vmem>>
      %dma_wait3A_116 = tpu.memref_squeeze %dma_wait3A_115 : memref<1x100xi32, #tpu.memory_space<vmem>> -> memref<100xi32, #tpu.memory_space<vmem>>
      %dma_wait3A_117 = arith.constant 0 : i32
      %dma_wait3A_118 = arith.constant 0 : i32
      %dma_wait3A_119 = tpu.memref_slice %arg3[%dma_wait3A_117, %dma_wait3A_118] : memref<1000000x64xf32, #tpu.memory_space<hbm>> -> memref<1000000x64xf32, #tpu.memory_space<hbm>>
      tpu.wait_indirect_dma semaphore(%arg8 : memref<!tpu.dma_semaphore, #tpu.memory_space<semaphore_mem>>) src(%dma_wait3A_119 : memref<1000000x64xf32, #tpu.memory_space<hbm>>) dst(%dma_wait3A_113 : memref<100x64xf32, #tpu.memory_space<vmem>>)
      %add3A_120 = arith.constant 8 : i32
      %add3A_121 = arith.addi %add3A_109, %add3A_120 : i32
      %lt3A = arith.constant 256 : i32
      %lt3A_122 = arith.cmpi slt, %add3A_121, %lt3A : i32
      %convert_element_type3A = arith.extui %lt3A_122 : i1 to i32
      %cond3A = arith.constant 0 : i32
      %cond3A_123 = arith.cmpi ne, %convert_element_type3A, %cond3A : i32
      scf.if %cond3A_123 {
        %dma_start3A_788 = arith.constant 0 : i32
        %dma_start3A_789 = arith.constant 0 : i32
        %dma_start3A_790 = arith.constant 0 : i32
        %dma_start3A_791 = tpu.memref_slice %arg6[%dma_start3A_788, %dma_start3A_789, %dma_start3A_790] : memref<8x100x64xf32, #tpu.memory_space<vmem>> -> memref<1x100x64xf32, #tpu.memory_space<vmem>>
        %dma_start3A_792 = tpu.memref_squeeze %dma_start3A_791 : memref<1x100x64xf32, #tpu.memory_space<vmem>> -> memref<100x64xf32, #tpu.memory_space<vmem>>
        %dma_start3A_793 = arith.constant 0 : i32
        %dma_start3A_794 = tpu.memref_slice %arg5[%add3A_121, %dma_start3A_793] : memref<256x100xi32, #tpu.memory_space<vmem>> -> memref<1x100xi32, #tpu.memory_space<vmem>>
        %dma_start3A_795 = tpu.memref_squeeze %dma_start3A_794 : memref<1x100xi32, #tpu.memory_space<vmem>> -> memref<100xi32, #tpu.memory_space<vmem>>
        %dma_start3A_796 = arith.constant 0 : i32
        %dma_start3A_797 = arith.constant 0 : i32
        %dma_start3A_798 = tpu.memref_slice %arg3[%dma_start3A_796, %dma_start3A_797] : memref<1000000x64xf32, #tpu.memory_space<hbm>> -> memref<1000000x64xf32, #tpu.memory_space<hbm>>
        tpu.enqueue_indirect_dma source(%dma_start3A_798 : memref<1000000x64xf32, #tpu.memory_space<hbm>>) target(%dma_start3A_792 : memref<100x64xf32, #tpu.memory_space<vmem>>) offsets(%dma_start3A_795 : memref<100xi32, #tpu.memory_space<vmem>>) semaphore(%arg8 : memref<!tpu.dma_semaphore, #tpu.memory_space<semaphore_mem>>)
      } else {
      }
      %broadcast_in_dim3A = arith.constant 0.000000e+00 : f32
      %broadcast_in_dim3A_124 = vector.broadcast %broadcast_in_dim3A : f32 to vector<16xf32>
      %scan3A_125 = arith.constant 0 : i32
      %scan3A_126 = arith.constant 10 : i32
      %scan3A_127 = arith.addi %scan3A_125, %scan3A_126 : i32
      %scan3A_128 = arith.constant 1 : i32
      %scan3A_129:4 = scf.for %scan3A_788 = %scan3A_125 to %scan3A_127 step %scan3A_128 iter_args(%scan3A_789 = %broadcast_in_dim3A_124, %scan3A_790 = %broadcast_in_dim3A_124, %scan3A_791 = %broadcast_in_dim3A_124, %scan3A_792 = %broadcast_in_dim3A_124) -> (vector<16xf32>, vector<16xf32>, vector<16xf32>, vector<16xf32>)  : i32 {
        %mul3A_793 = arith.constant 5 : i32
        %mul3A_794 = arith.muli %scan3A_788, %mul3A_793 : i32
        %add3A_795 = arith.constant 0 : i32
        %add3A_796 = arith.addi %add3A_795, %mul3A_794 : i32
        %add3A_797 = arith.constant 0 : i32
        %add3A_798 = arith.addi %add3A_796, %add3A_797 : i32
        %get3A = arith.constant 0 : i32
        %get3A_799 = arith.index_cast %get3A : i32 to index
        %get3A_800 = arith.index_cast %add3A_798 : i32 to index
        %get3A_801 = arith.constant 0 : index
        %get3A_802 = tpu.vector_load %arg6[%get3A_799, %get3A_800, %get3A_801] {strides = array<i32>} : memref<8x100x64xf32, #tpu.memory_space<vmem>>, vector<1x1x16xf32>,
        %get3A_803 = vector.shape_cast %get3A_802 : vector<1x1x16xf32> to vector<16xf32>
        %add3A_804 = arith.addf %scan3A_789, %get3A_803 : vector<16xf32>
        %get3A_805 = arith.constant 0 : i32
        %get3A_806 = arith.index_cast %get3A_805 : i32 to index
        %get3A_807 = arith.index_cast %add3A_798 : i32 to index
        %get3A_808 = arith.constant 16 : index
        %get3A_809 = tpu.vector_load %arg6[%get3A_806, %get3A_807, %get3A_808] {strides = array<i32>} : memref<8x100x64xf32, #tpu.memory_space<vmem>>, vector<1x1x16xf32>,
        %get3A_810 = vector.shape_cast %get3A_809 : vector<1x1x16xf32> to vector<16xf32>
        %add3A_811 = arith.addf %scan3A_790, %get3A_810 : vector<16xf32>
        %get3A_812 = arith.constant 0 : i32
        %get3A_813 = arith.index_cast %get3A_812 : i32 to index
        %get3A_814 = arith.index_cast %add3A_798 : i32 to index
        %get3A_815 = arith.constant 32 : index
        %get3A_816 = tpu.vector_load %arg6[%get3A_813, %get3A_814, %get3A_815] {strides = array<i32>} : memref<8x100x64xf32, #tpu.memory_space<vmem>>, vector<1x1x16xf32>,
        %get3A_817 = vector.shape_cast %get3A_816 : vector<1x1x16xf32> to vector<16xf32>
        %add3A_818 = arith.addf %scan3A_791, %get3A_817 : vector<16xf32>
        %get3A_819 = arith.constant 0 : i32
        %get3A_820 = arith.index_cast %get3A_819 : i32 to index
        %get3A_821 = arith.index_cast %add3A_798 : i32 to index
        %get3A_822 = arith.constant 48 : index
        %get3A_823 = tpu.vector_load %arg6[%get3A_820, %get3A_821, %get3A_822] {strides = array<i32>} : memref<8x100x64xf32, #tpu.memory_space<vmem>>, vector<1x1x16xf32>,
        %get3A_824 = vector.shape_cast %get3A_823 : vector<1x1x16xf32> to vector<16xf32>
        %add3A_825 = arith.addf %scan3A_792, %get3A_824 : vector<16xf32>
        %mul3A_826 = arith.constant 5 : i32
        %mul3A_827 = arith.muli %scan3A_788, %mul3A_826 : i32
        %add3A_828 = arith.constant 0 : i32
        %add3A_829 = arith.addi %add3A_828, %mul3A_827 : i32
        %add3A_830 = arith.constant 1 : i32
        %add3A_831 = arith.addi %add3A_829, %add3A_830 : i32
        %get3A_832 = arith.constant 0 : i32
        %get3A_833 = arith.index_cast %get3A_832 : i32 to index
        %get3A_834 = arith.index_cast %add3A_831 : i32 to index
        %get3A_835 = arith.constant 0 : index
        %get3A_836 = tpu.vector_load %arg6[%get3A_833, %get3A_834, %get3A_835] {strides = array<i32>} : memref<8x100x64xf32, #tpu.memory_space<vmem>>, vector<1x1x16xf32>,
        %get3A_837 = vector.shape_cast %get3A_836 : vector<1x1x16xf32> to vector<16xf32>
        %add3A_838 = arith.addf %add3A_804, %get3A_837 : vector<16xf32>
        %get3A_839 = arith.constant 0 : i32
        %get3A_840 = arith.index_cast %get3A_839 : i32 to index
        %get3A_841 = arith.index_cast %add3A_831 : i32 to index
        %get3A_842 = arith.constant 16 : index
        %get3A_843 = tpu.vector_load %arg6[%get3A_840, %get3A_841, %get3A_842] {strides = array<i32>} : memref<8x100x64xf32, #tpu.memory_space<vmem>>, vector<1x1x16xf32>,
        %get3A_844 = vector.shape_cast %get3A_843 : vector<1x1x16xf32> to vector<16xf32>
        %add3A_845 = arith.addf %add3A_811, %get3A_844 : vector<16xf32>
        %get3A_846 = arith.constant 0 : i32
        %get3A_847 = arith.index_cast %get3A_846 : i32 to index
        %get3A_848 = arith.index_cast %add3A_831 : i32 to index
        %get3A_849 = arith.constant 32 : index
        %get3A_850 = tpu.vector_load %arg6[%get3A_847, %get3A_848, %get3A_849] {strides = array<i32>} : memref<8x100x64xf32, #tpu.memory_space<vmem>>, vector<1x1x16xf32>,
        %get3A_851 = vector.shape_cast %get3A_850 : vector<1x1x16xf32> to vector<16xf32>
        %add3A_852 = arith.addf %add3A_818, %get3A_851 : vector<16xf32>
        %get3A_853 = arith.constant 0 : i32
        %get3A_854 = arith.index_cast %get3A_853 : i32 to index
        %get3A_855 = arith.index_cast %add3A_831 : i32 to index
        %get3A_856 = arith.constant 48 : index
        %get3A_857 = tpu.vector_load %arg6[%get3A_854, %get3A_855, %get3A_856] {strides = array<i32>} : memref<8x100x64xf32, #tpu.memory_space<vmem>>, vector<1x1x16xf32>,
        %get3A_858 = vector.shape_cast %get3A_857 : vector<1x1x16xf32> to vector<16xf32>
        %add3A_859 = arith.addf %add3A_825, %get3A_858 : vector<16xf32>
        %mul3A_860 = arith.constant 5 : i32
        %mul3A_861 = arith.muli %scan3A_788, %mul3A_860 : i32
        %add3A_862 = arith.constant 0 : i32
        %add3A_863 = arith.addi %add3A_862, %mul3A_861 : i32
        %add3A_864 = arith.constant 2 : i32
        %add3A_865 = arith.addi %add3A_863, %add3A_864 : i32
        %get3A_866 = arith.constant 0 : i32
        %get3A_867 = arith.index_cast %get3A_866 : i32 to index
        %get3A_868 = arith.index_cast %add3A_865 : i32 to index
        %get3A_869 = arith.constant 0 : index
        %get3A_870 = tpu.vector_load %arg6[%get3A_867, %get3A_868, %get3A_869] {strides = array<i32>} : memref<8x100x64xf32, #tpu.memory_space<vmem>>, vector<1x1x16xf32>,
        %get3A_871 = vector.shape_cast %get3A_870 : vector<1x1x16xf32> to vector<16xf32>
        %add3A_872 = arith.addf %add3A_838, %get3A_871 : vector<16xf32>
        %get3A_873 = arith.constant 0 : i32
        %get3A_874 = arith.index_cast %get3A_873 : i32 to index
        %get3A_875 = arith.index_cast %add3A_865 : i32 to index
        %get3A_876 = arith.constant 16 : index
        %get3A_877 = tpu.vector_load %arg6[%get3A_874, %get3A_875, %get3A_876] {strides = array<i32>} : memref<8x100x64xf32, #tpu.memory_space<vmem>>, vector<1x1x16xf32>,
        %get3A_878 = vector.shape_cast %get3A_877 : vector<1x1x16xf32> to vector<16xf32>
        %add3A_879 = arith.addf %add3A_845, %get3A_878 : vector<16xf32>
        %get3A_880 = arith.constant 0 : i32
        %get3A_881 = arith.index_cast %get3A_880 : i32 to index
        %get3A_882 = arith.index_cast %add3A_865 : i32 to index
        %get3A_883 = arith.constant 32 : index
        %get3A_884 = tpu.vector_load %arg6[%get3A_881, %get3A_882, %get3A_883] {strides = array<i32>} : memref<8x100x64xf32, #tpu.memory_space<vmem>>, vector<1x1x16xf32>,
        %get3A_885 = vector.shape_cast %get3A_884 : vector<1x1x16xf32> to vector<16xf32>
        %add3A_886 = arith.addf %add3A_852, %get3A_885 : vector<16xf32>
        %get3A_887 = arith.constant 0 : i32
        %get3A_888 = arith.index_cast %get3A_887 : i32 to index
        %get3A_889 = arith.index_cast %add3A_865 : i32 to index
        %get3A_890 = arith.constant 48 : index
        %get3A_891 = tpu.vector_load %arg6[%get3A_888, %get3A_889, %get3A_890] {strides = array<i32>} : memref<8x100x64xf32, #tpu.memory_space<vmem>>, vector<1x1x16xf32>,
        %get3A_892 = vector.shape_cast %get3A_891 : vector<1x1x16xf32> to vector<16xf32>
        %add3A_893 = arith.addf %add3A_859, %get3A_892 : vector<16xf32>
        %mul3A_894 = arith.constant 5 : i32
        %mul3A_895 = arith.muli %scan3A_788, %mul3A_894 : i32
        %add3A_896 = arith.constant 0 : i32
        %add3A_897 = arith.addi %add3A_896, %mul3A_895 : i32
        %add3A_898 = arith.constant 3 : i32
        %add3A_899 = arith.addi %add3A_897, %add3A_898 : i32
        %get3A_900 = arith.constant 0 : i32
        %get3A_901 = arith.index_cast %get3A_900 : i32 to index
        %get3A_902 = arith.index_cast %add3A_899 : i32 to index
        %get3A_903 = arith.constant 0 : index
        %get3A_904 = tpu.vector_load %arg6[%get3A_901, %get3A_902, %get3A_903] {strides = array<i32>} : memref<8x100x64xf32, #tpu.memory_space<vmem>>, vector<1x1x16xf32>,
        %get3A_905 = vector.shape_cast %get3A_904 : vector<1x1x16xf32> to vector<16xf32>
        %add3A_906 = arith.addf %add3A_872, %get3A_905 : vector<16xf32>
        %get3A_907 = arith.constant 0 : i32
        %get3A_908 = arith.index_cast %get3A_907 : i32 to index
        %get3A_909 = arith.index_cast %add3A_899 : i32 to index
        %get3A_910 = arith.constant 16 : index
        %get3A_911 = tpu.vector_load %arg6[%get3A_908, %get3A_909, %get3A_910] {strides = array<i32>} : memref<8x100x64xf32, #tpu.memory_space<vmem>>, vector<1x1x16xf32>,
        %get3A_912 = vector.shape_cast %get3A_911 : vector<1x1x16xf32> to vector<16xf32>
        %add3A_913 = arith.addf %add3A_879, %get3A_912 : vector<16xf32>
        %get3A_914 = arith.constant 0 : i32
        %get3A_915 = arith.index_cast %get3A_914 : i32 to index
        %get3A_916 = arith.index_cast %add3A_899 : i32 to index
        %get3A_917 = arith.constant 32 : index
        %get3A_918 = tpu.vector_load %arg6[%get3A_915, %get3A_916, %get3A_917] {strides = array<i32>} : memref<8x100x64xf32, #tpu.memory_space<vmem>>, vector<1x1x16xf32>,
        %get3A_919 = vector.shape_cast %get3A_918 : vector<1x1x16xf32> to vector<16xf32>
        %add3A_920 = arith.addf %add3A_886, %get3A_919 : vector<16xf32>
        %get3A_921 = arith.constant 0 : i32
        %get3A_922 = arith.index_cast %get3A_921 : i32 to index
        %get3A_923 = arith.index_cast %add3A_899 : i32 to index
        %get3A_924 = arith.constant 48 : index
        %get3A_925 = tpu.vector_load %arg6[%get3A_922, %get3A_923, %get3A_924] {strides = array<i32>} : memref<8x100x64xf32, #tpu.memory_space<vmem>>, vector<1x1x16xf32>,
        %get3A_926 = vector.shape_cast %get3A_925 : vector<1x1x16xf32> to vector<16xf32>
        %add3A_927 = arith.addf %add3A_893, %get3A_926 : vector<16xf32>
        %mul3A_928 = arith.constant 5 : i32
        %mul3A_929 = arith.muli %scan3A_788, %mul3A_928 : i32
        %add3A_930 = arith.constant 0 : i32
        %add3A_931 = arith.addi %add3A_930, %mul3A_929 : i32
        %add3A_932 = arith.constant 4 : i32
        %add3A_933 = arith.addi %add3A_931, %add3A_932 : i32
        %get3A_934 = arith.constant 0 : i32
        %get3A_935 = arith.index_cast %get3A_934 : i32 to index
        %get3A_936 = arith.index_cast %add3A_933 : i32 to index
        %get3A_937 = arith.constant 0 : index
        %get3A_938 = tpu.vector_load %arg6[%get3A_935, %get3A_936, %get3A_937] {strides = array<i32>} : memref<8x100x64xf32, #tpu.memory_space<vmem>>, vector<1x1x16xf32>,
        %get3A_939 = vector.shape_cast %get3A_938 : vector<1x1x16xf32> to vector<16xf32>
        %add3A_940 = arith.addf %add3A_906, %get3A_939 : vector<16xf32>
        %get3A_941 = arith.constant 0 : i32
        %get3A_942 = arith.index_cast %get3A_941 : i32 to index
        %get3A_943 = arith.index_cast %add3A_933 : i32 to index
        %get3A_944 = arith.constant 16 : index
        %get3A_945 = tpu.vector_load %arg6[%get3A_942, %get3A_943, %get3A_944] {strides = array<i32>} : memref<8x100x64xf32, #tpu.memory_space<vmem>>, vector<1x1x16xf32>,
        %get3A_946 = vector.shape_cast %get3A_945 : vector<1x1x16xf32> to vector<16xf32>
        %add3A_947 = arith.addf %add3A_913, %get3A_946 : vector<16xf32>
        %get3A_948 = arith.constant 0 : i32
        %get3A_949 = arith.index_cast %get3A_948 : i32 to index
        %get3A_950 = arith.index_cast %add3A_933 : i32 to index
        %get3A_951 = arith.constant 32 : index
        %get3A_952 = tpu.vector_load %arg6[%get3A_949, %get3A_950, %get3A_951] {strides = array<i32>} : memref<8x100x64xf32, #tpu.memory_space<vmem>>, vector<1x1x16xf32>,
        %get3A_953 = vector.shape_cast %get3A_952 : vector<1x1x16xf32> to vector<16xf32>
        %add3A_954 = arith.addf %add3A_920, %get3A_953 : vector<16xf32>
        %get3A_955 = arith.constant 0 : i32
        %get3A_956 = arith.index_cast %get3A_955 : i32 to index
        %get3A_957 = arith.index_cast %add3A_933 : i32 to index
        %get3A_958 = arith.constant 48 : index
        %get3A_959 = tpu.vector_load %arg6[%get3A_956, %get3A_957, %get3A_958] {strides = array<i32>} : memref<8x100x64xf32, #tpu.memory_space<vmem>>, vector<1x1x16xf32>,
        %get3A_960 = vector.shape_cast %get3A_959 : vector<1x1x16xf32> to vector<16xf32>
        %add3A_961 = arith.addf %add3A_927, %get3A_960 : vector<16xf32>
        scf.yield %add3A_940, %add3A_947, %add3A_954, %add3A_961 : vector<16xf32>, vector<16xf32>, vector<16xf32>, vector<16xf32>
      }
      %scan3A_130 = arith.constant 10 : i32
      %mul3A_131 = arith.constant 2 : i32
      %mul3A_132 = arith.muli %mul3A_131, %add3A_109 : i32
      %add3A_133 = arith.constant 0 : i32
      %add3A_134 = arith.addi %mul3A_132, %add3A_133 : i32
      %swap3A = arith.index_cast %add3A_134 : i32 to index
      %swap3A_135 = arith.constant 0 : index
      %swap3A_136 = tpu.vector_load %arg7[%swap3A, %swap3A_135] {strides = array<i32>} : memref<512x64xf32, #tpu.memory_space<vmem>>, vector<1x16xf32>,
      %swap3A_137 = vector.shape_cast %swap3A_136 : vector<1x16xf32> to vector<16xf32>
      %swap3A_138 = vector.shape_cast %scan3A_129#0 : vector<16xf32> to vector<1x16xf32>
      tpu.vector_store %arg7[%swap3A, %swap3A_135], %swap3A_138 {strides = array<i32>} : memref<512x64xf32, #tpu.memory_space<vmem>>, vector<1x16xf32>,
      %swap3A_139 = arith.index_cast %add3A_134 : i32 to index
      %swap3A_140 = arith.constant 16 : index
      %swap3A_141 = tpu.vector_load %arg7[%swap3A_139, %swap3A_140] {strides = array<i32>} : memref<512x64xf32, #tpu.memory_space<vmem>>, vector<1x16xf32>,
      %swap3A_142 = vector.shape_cast %swap3A_141 : vector<1x16xf32> to vector<16xf32>
      %swap3A_143 = vector.shape_cast %scan3A_129#1 : vector<16xf32> to vector<1x16xf32>
      tpu.vector_store %arg7[%swap3A_139, %swap3A_140], %swap3A_143 {strides = array<i32>} : memref<512x64xf32, #tpu.memory_space<vmem>>, vector<1x16xf32>,
      %swap3A_144 = arith.index_cast %add3A_134 : i32 to index
      %swap3A_145 = arith.constant 32 : index
      %swap3A_146 = tpu.vector_load %arg7[%swap3A_144, %swap3A_145] {strides = array<i32>} : memref<512x64xf32, #tpu.memory_space<vmem>>, vector<1x16xf32>,
      %swap3A_147 = vector.shape_cast %swap3A_146 : vector<1x16xf32> to vector<16xf32>
      %swap3A_148 = vector.shape_cast %scan3A_129#2 : vector<16xf32> to vector<1x16xf32>
      tpu.vector_store %arg7[%swap3A_144, %swap3A_145], %swap3A_148 {strides = array<i32>} : memref<512x64xf32, #tpu.memory_space<vmem>>, vector<1x16xf32>,
      %swap3A_149 = arith.index_cast %add3A_134 : i32 to index
      %swap3A_150 = arith.constant 48 : index
      %swap3A_151 = tpu.vector_load %arg7[%swap3A_149, %swap3A_150] {strides = array<i32>} : memref<512x64xf32, #tpu.memory_space<vmem>>, vector<1x16xf32>,
      %swap3A_152 = vector.shape_cast %swap3A_151 : vector<1x16xf32> to vector<16xf32>
      %swap3A_153 = vector.shape_cast %scan3A_129#3 : vector<16xf32> to vector<1x16xf32>
      tpu.vector_store %arg7[%swap3A_149, %swap3A_150], %swap3A_153 {strides = array<i32>} : memref<512x64xf32, #tpu.memory_space<vmem>>, vector<1x16xf32>,
      %broadcast_in_dim3A_154 = arith.constant 0.000000e+00 : f32
      %broadcast_in_dim3A_155 = vector.broadcast %broadcast_in_dim3A_154 : f32 to vector<16xf32>
      %scan3A_156 = arith.constant 0 : i32
      %scan3A_157 = arith.constant 10 : i32
      %scan3A_158 = arith.addi %scan3A_156, %scan3A_157 : i32
      %scan3A_159 = arith.constant 1 : i32
      %scan3A_160:4 = scf.for %scan3A_788 = %scan3A_156 to %scan3A_158 step %scan3A_159 iter_args(%scan3A_789 = %broadcast_in_dim3A_155, %scan3A_790 = %broadcast_in_dim3A_155, %scan3A_791 = %broadcast_in_dim3A_155, %scan3A_792 = %broadcast_in_dim3A_155) -> (vector<16xf32>, vector<16xf32>, vector<16xf32>, vector<16xf32>)  : i32 {
        %mul3A_793 = arith.constant 5 : i32
        %mul3A_794 = arith.muli %scan3A_788, %mul3A_793 : i32
        %add3A_795 = arith.constant 50 : i32
        %add3A_796 = arith.addi %add3A_795, %mul3A_794 : i32
        %add3A_797 = arith.constant 0 : i32
        %add3A_798 = arith.addi %add3A_796, %add3A_797 : i32
        %get3A = arith.constant 0 : i32
        %get3A_799 = arith.index_cast %get3A : i32 to index
        %get3A_800 = arith.index_cast %add3A_798 : i32 to index
        %get3A_801 = arith.constant 0 : index
        %get3A_802 = tpu.vector_load %arg6[%get3A_799, %get3A_800, %get3A_801] {strides = array<i32>} : memref<8x100x64xf32, #tpu.memory_space<vmem>>, vector<1x1x16xf32>,
        %get3A_803 = vector.shape_cast %get3A_802 : vector<1x1x16xf32> to vector<16xf32>
        %add3A_804 = arith.addf %scan3A_789, %get3A_803 : vector<16xf32>
        %get3A_805 = arith.constant 0 : i32
        %get3A_806 = arith.index_cast %get3A_805 : i32 to index
        %get3A_807 = arith.index_cast %add3A_798 : i32 to index
        %get3A_808 = arith.constant 16 : index
        %get3A_809 = tpu.vector_load %arg6[%get3A_806, %get3A_807, %get3A_808] {strides = array<i32>} : memref<8x100x64xf32, #tpu.memory_space<vmem>>, vector<1x1x16xf32>,
        %get3A_810 = vector.shape_cast %get3A_809 : vector<1x1x16xf32> to vector<16xf32>
        %add3A_811 = arith.addf %scan3A_790, %get3A_810 : vector<16xf32>
        %get3A_812 = arith.constant 0 : i32
        %get3A_813 = arith.index_cast %get3A_812 : i32 to index
        %get3A_814 = arith.index_cast %add3A_798 : i32 to index
        %get3A_815 = arith.constant 32 : index
        %get3A_816 = tpu.vector_load %arg6[%get3A_813, %get3A_814, %get3A_815] {strides = array<i32>} : memref<8x100x64xf32, #tpu.memory_space<vmem>>, vector<1x1x16xf32>,
        %get3A_817 = vector.shape_cast %get3A_816 : vector<1x1x16xf32> to vector<16xf32>
        %add3A_818 = arith.addf %scan3A_791, %get3A_817 : vector<16xf32>
        %get3A_819 = arith.constant 0 : i32
        %get3A_820 = arith.index_cast %get3A_819 : i32 to index
        %get3A_821 = arith.index_cast %add3A_798 : i32 to index
        %get3A_822 = arith.constant 48 : index
        %get3A_823 = tpu.vector_load %arg6[%get3A_820, %get3A_821, %get3A_822] {strides = array<i32>} : memref<8x100x64xf32, #tpu.memory_space<vmem>>, vector<1x1x16xf32>,
        %get3A_824 = vector.shape_cast %get3A_823 : vector<1x1x16xf32> to vector<16xf32>
        %add3A_825 = arith.addf %scan3A_792, %get3A_824 : vector<16xf32>
        %mul3A_826 = arith.constant 5 : i32
        %mul3A_827 = arith.muli %scan3A_788, %mul3A_826 : i32
        %add3A_828 = arith.constant 50 : i32
        %add3A_829 = arith.addi %add3A_828, %mul3A_827 : i32
        %add3A_830 = arith.constant 1 : i32
        %add3A_831 = arith.addi %add3A_829, %add3A_830 : i32
        %get3A_832 = arith.constant 0 : i32
        %get3A_833 = arith.index_cast %get3A_832 : i32 to index
        %get3A_834 = arith.index_cast %add3A_831 : i32 to index
        %get3A_835 = arith.constant 0 : index
        %get3A_836 = tpu.vector_load %arg6[%get3A_833, %get3A_834, %get3A_835] {strides = array<i32>} : memref<8x100x64xf32, #tpu.memory_space<vmem>>, vector<1x1x16xf32>,
        %get3A_837 = vector.shape_cast %get3A_836 : vector<1x1x16xf32> to vector<16xf32>
        %add3A_838 = arith.addf %add3A_804, %get3A_837 : vector<16xf32>
        %get3A_839 = arith.constant 0 : i32
        %get3A_840 = arith.index_cast %get3A_839 : i32 to index
        %get3A_841 = arith.index_cast %add3A_831 : i32 to index
        %get3A_842 = arith.constant 16 : index
        %get3A_843 = tpu.vector_load %arg6[%get3A_840, %get3A_841, %get3A_842] {strides = array<i32>} : memref<8x100x64xf32, #tpu.memory_space<vmem>>, vector<1x1x16xf32>,
        %get3A_844 = vector.shape_cast %get3A_843 : vector<1x1x16xf32> to vector<16xf32>
        %add3A_845 = arith.addf %add3A_811, %get3A_844 : vector<16xf32>
        %get3A_846 = arith.constant 0 : i32
        %get3A_847 = arith.index_cast %get3A_846 : i32 to index
        %get3A_848 = arith.index_cast %add3A_831 : i32 to index
        %get3A_849 = arith.constant 32 : index
        %get3A_850 = tpu.vector_load %arg6[%get3A_847, %get3A_848, %get3A_849] {strides = array<i32>} : memref<8x100x64xf32, #tpu.memory_space<vmem>>, vector<1x1x16xf32>,
        %get3A_851 = vector.shape_cast %get3A_850 : vector<1x1x16xf32> to vector<16xf32>
        %add3A_852 = arith.addf %add3A_818, %get3A_851 : vector<16xf32>
        %get3A_853 = arith.constant 0 : i32
        %get3A_854 = arith.index_cast %get3A_853 : i32 to index
        %get3A_855 = arith.index_cast %add3A_831 : i32 to index
        %get3A_856 = arith.constant 48 : index
        %get3A_857 = tpu.vector_load %arg6[%get3A_854, %get3A_855, %get3A_856] {strides = array<i32>} : memref<8x100x64xf32, #tpu.memory_space<vmem>>, vector<1x1x16xf32>,
        %get3A_858 = vector.shape_cast %get3A_857 : vector<1x1x16xf32> to vector<16xf32>
        %add3A_859 = arith.addf %add3A_825, %get3A_858 : vector<16xf32>
        %mul3A_860 = arith.constant 5 : i32
        %mul3A_861 = arith.muli %scan3A_788, %mul3A_860 : i32
        %add3A_862 = arith.constant 50 : i32
        %add3A_863 = arith.addi %add3A_862, %mul3A_861 : i32
        %add3A_864 = arith.constant 2 : i32
        %add3A_865 = arith.addi %add3A_863, %add3A_864 : i32
        %get3A_866 = arith.constant 0 : i32
        %get3A_867 = arith.index_cast %get3A_866 : i32 to index
        %get3A_868 = arith.index_cast %add3A_865 : i32 to index
        %get3A_869 = arith.constant 0 : index
        %get3A_870 = tpu.vector_load %arg6[%get3A_867, %get3A_868, %get3A_869] {strides = array<i32>} : memref<8x100x64xf32, #tpu.memory_space<vmem>>, vector<1x1x16xf32>,
        %get3A_871 = vector.shape_cast %get3A_870 : vector<1x1x16xf32> to vector<16xf32>
        %add3A_872 = arith.addf %add3A_838, %get3A_871 : vector<16xf32>
        %get3A_873 = arith.constant 0 : i32
        %get3A_874 = arith.index_cast %get3A_873 : i32 to index
        %get3A_875 = arith.index_cast %add3A_865 : i32 to index
        %get3A_876 = arith.constant 16 : index
        %get3A_877 = tpu.vector_load %arg6[%get3A_874, %get3A_875, %get3A_876] {strides = array<i32>} : memref<8x100x64xf32, #tpu.memory_space<vmem>>, vector<1x1x16xf32>,
        %get3A_878 = vector.shape_cast %get3A_877 : vector<1x1x16xf32> to vector<16xf32>
        %add3A_879 = arith.addf %add3A_845, %get3A_878 : vector<16xf32>
        %get3A_880 = arith.constant 0 : i32
        %get3A_881 = arith.index_cast %get3A_880 : i32 to index
        %get3A_882 = arith.index_cast %add3A_865 : i32 to index
        %get3A_883 = arith.constant 32 : index
        %get3A_884 = tpu.vector_load %arg6[%get3A_881, %get3A_882, %get3A_883] {strides = array<i32>} : memref<8x100x64xf32, #tpu.memory_space<vmem>>, vector<1x1x16xf32>,
        %get3A_885 = vector.shape_cast %get3A_884 : vector<1x1x16xf32> to vector<16xf32>
        %add3A_886 = arith.addf %add3A_852, %get3A_885 : vector<16xf32>
        %get3A_887 = arith.constant 0 : i32
        %get3A_888 = arith.index_cast %get3A_887 : i32 to index
        %get3A_889 = arith.index_cast %add3A_865 : i32 to index
        %get3A_890 = arith.constant 48 : index
        %get3A_891 = tpu.vector_load %arg6[%get3A_888, %get3A_889, %get3A_890] {strides = array<i32>} : memref<8x100x64xf32, #tpu.memory_space<vmem>>, vector<1x1x16xf32>,
        %get3A_892 = vector.shape_cast %get3A_891 : vector<1x1x16xf32> to vector<16xf32>
        %add3A_893 = arith.addf %add3A_859, %get3A_892 : vector<16xf32>
        %mul3A_894 = arith.constant 5 : i32
        %mul3A_895 = arith.muli %scan3A_788, %mul3A_894 : i32
        %add3A_896 = arith.constant 50 : i32
        %add3A_897 = arith.addi %add3A_896, %mul3A_895 : i32
        %add3A_898 = arith.constant 3 : i32
        %add3A_899 = arith.addi %add3A_897, %add3A_898 : i32
        %get3A_900 = arith.constant 0 : i32
        %get3A_901 = arith.index_cast %get3A_900 : i32 to index
        %get3A_902 = arith.index_cast %add3A_899 : i32 to index
        %get3A_903 = arith.constant 0 : index
        %get3A_904 = tpu.vector_load %arg6[%get3A_901, %get3A_902, %get3A_903] {strides = array<i32>} : memref<8x100x64xf32, #tpu.memory_space<vmem>>, vector<1x1x16xf32>,
        %get3A_905 = vector.shape_cast %get3A_904 : vector<1x1x16xf32> to vector<16xf32>
        %add3A_906 = arith.addf %add3A_872, %get3A_905 : vector<16xf32>
        %get3A_907 = arith.constant 0 : i32
        %get3A_908 = arith.index_cast %get3A_907 : i32 to index
        %get3A_909 = arith.index_cast %add3A_899 : i32 to index
        %get3A_910 = arith.constant 16 : index
        %get3A_911 = tpu.vector_load %arg6[%get3A_908, %get3A_909, %get3A_910] {strides = array<i32>} : memref<8x100x64xf32, #tpu.memory_space<vmem>>, vector<1x1x16xf32>,
        %get3A_912 = vector.shape_cast %get3A_911 : vector<1x1x16xf32> to vector<16xf32>
        %add3A_913 = arith.addf %add3A_879, %get3A_912 : vector<16xf32>
        %get3A_914 = arith.constant 0 : i32
        %get3A_915 = arith.index_cast %get3A_914 : i32 to index
        %get3A_916 = arith.index_cast %add3A_899 : i32 to index
        %get3A_917 = arith.constant 32 : index
        %get3A_918 = tpu.vector_load %arg6[%get3A_915, %get3A_916, %get3A_917] {strides = array<i32>} : memref<8x100x64xf32, #tpu.memory_space<vmem>>, vector<1x1x16xf32>,
        %get3A_919 = vector.shape_cast %get3A_918 : vector<1x1x16xf32> to vector<16xf32>
        %add3A_920 = arith.addf %add3A_886, %get3A_919 : vector<16xf32>
        %get3A_921 = arith.constant 0 : i32
        %get3A_922 = arith.index_cast %get3A_921 : i32 to index
        %get3A_923 = arith.index_cast %add3A_899 : i32 to index
        %get3A_924 = arith.constant 48 : index
        %get3A_925 = tpu.vector_load %arg6[%get3A_922, %get3A_923, %get3A_924] {strides = array<i32>} : memref<8x100x64xf32, #tpu.memory_space<vmem>>, vector<1x1x16xf32>,
        %get3A_926 = vector.shape_cast %get3A_925 : vector<1x1x16xf32> to vector<16xf32>
        %add3A_927 = arith.addf %add3A_893, %get3A_926 : vector<16xf32>
        %mul3A_928 = arith.constant 5 : i32
        %mul3A_929 = arith.muli %scan3A_788, %mul3A_928 : i32
        %add3A_930 = arith.constant 50 : i32
        %add3A_931 = arith.addi %add3A_930, %mul3A_929 : i32
        %add3A_932 = arith.constant 4 : i32
        %add3A_933 = arith.addi %add3A_931, %add3A_932 : i32
        %get3A_934 = arith.constant 0 : i32
        %get3A_935 = arith.index_cast %get3A_934 : i32 to index
        %get3A_936 = arith.index_cast %add3A_933 : i32 to index
        %get3A_937 = arith.constant 0 : index
        %get3A_938 = tpu.vector_load %arg6[%get3A_935, %get3A_936, %get3A_937] {strides = array<i32>} : memref<8x100x64xf32, #tpu.memory_space<vmem>>, vector<1x1x16xf32>,
        %get3A_939 = vector.shape_cast %get3A_938 : vector<1x1x16xf32> to vector<16xf32>
        %add3A_940 = arith.addf %add3A_906, %get3A_939 : vector<16xf32>
        %get3A_941 = arith.constant 0 : i32
        %get3A_942 = arith.index_cast %get3A_941 : i32 to index
        %get3A_943 = arith.index_cast %add3A_933 : i32 to index
        %get3A_944 = arith.constant 16 : index
        %get3A_945 = tpu.vector_load %arg6[%get3A_942, %get3A_943, %get3A_944] {strides = array<i32>} : memref<8x100x64xf32, #tpu.memory_space<vmem>>, vector<1x1x16xf32>,
        %get3A_946 = vector.shape_cast %get3A_945 : vector<1x1x16xf32> to vector<16xf32>
        %add3A_947 = arith.addf %add3A_913, %get3A_946 : vector<16xf32>
        %get3A_948 = arith.constant 0 : i32
        %get3A_949 = arith.index_cast %get3A_948 : i32 to index
        %get3A_950 = arith.index_cast %add3A_933 : i32 to index
        %get3A_951 = arith.constant 32 : index
        %get3A_952 = tpu.vector_load %arg6[%get3A_949, %get3A_950, %get3A_951] {strides = array<i32>} : memref<8x100x64xf32, #tpu.memory_space<vmem>>, vector<1x1x16xf32>,
        %get3A_953 = vector.shape_cast %get3A_952 : vector<1x1x16xf32> to vector<16xf32>
        %add3A_954 = arith.addf %add3A_920, %get3A_953 : vector<16xf32>
        %get3A_955 = arith.constant 0 : i32
        %get3A_956 = arith.index_cast %get3A_955 : i32 to index
        %get3A_957 = arith.index_cast %add3A_933 : i32 to index
        %get3A_958 = arith.constant 48 : index
        %get3A_959 = tpu.vector_load %arg6[%get3A_956, %get3A_957, %get3A_958] {strides = array<i32>} : memref<8x100x64xf32, #tpu.memory_space<vmem>>, vector<1x1x16xf32>,
        %get3A_960 = vector.shape_cast %get3A_959 : vector<1x1x16xf32> to vector<16xf32>
        %add3A_961 = arith.addf %add3A_927, %get3A_960 : vector<16xf32>
        scf.yield %add3A_940, %add3A_947, %add3A_954, %add3A_961 : vector<16xf32>, vector<16xf32>, vector<16xf32>, vector<16xf32>
      }
      %scan3A_161 = arith.constant 10 : i32
      %mul3A_162 = arith.constant 2 : i32
      %mul3A_163 = arith.muli %mul3A_162, %add3A_109 : i32
      %add3A_164 = arith.constant 1 : i32
      %add3A_165 = arith.addi %mul3A_163, %add3A_164 : i32
      %swap3A_166 = arith.index_cast %add3A_165 : i32 to index
      %swap3A_167 = arith.constant 0 : index
      %swap3A_168 = tpu.vector_load %arg7[%swap3A_166, %swap3A_167] {strides = array<i32>} : memref<512x64xf32, #tpu.memory_space<vmem>>, vector<1x16xf32>,
      %swap3A_169 = vector.shape_cast %swap3A_168 : vector<1x16xf32> to vector<16xf32>
      %swap3A_170 = vector.shape_cast %scan3A_160#0 : vector<16xf32> to vector<1x16xf32>
      tpu.vector_store %arg7[%swap3A_166, %swap3A_167], %swap3A_170 {strides = array<i32>} : memref<512x64xf32, #tpu.memory_space<vmem>>, vector<1x16xf32>,
      %swap3A_171 = arith.index_cast %add3A_165 : i32 to index
      %swap3A_172 = arith.constant 16 : index
      %swap3A_173 = tpu.vector_load %arg7[%swap3A_171, %swap3A_172] {strides = array<i32>} : memref<512x64xf32, #tpu.memory_space<vmem>>, vector<1x16xf32>,
      %swap3A_174 = vector.shape_cast %swap3A_173 : vector<1x16xf32> to vector<16xf32>
      %swap3A_175 = vector.shape_cast %scan3A_160#1 : vector<16xf32> to vector<1x16xf32>
      tpu.vector_store %arg7[%swap3A_171, %swap3A_172], %swap3A_175 {strides = array<i32>} : memref<512x64xf32, #tpu.memory_space<vmem>>, vector<1x16xf32>,
      %swap3A_176 = arith.index_cast %add3A_165 : i32 to index
      %swap3A_177 = arith.constant 32 : index
      %swap3A_178 = tpu.vector_load %arg7[%swap3A_176, %swap3A_177] {strides = array<i32>} : memref<512x64xf32, #tpu.memory_space<vmem>>, vector<1x16xf32>,
      %swap3A_179 = vector.shape_cast %swap3A_178 : vector<1x16xf32> to vector<16xf32>
      %swap3A_180 = vector.shape_cast %scan3A_160#2 : vector<16xf32> to vector<1x16xf32>
      tpu.vector_store %arg7[%swap3A_176, %swap3A_177], %swap3A_180 {strides = array<i32>} : memref<512x64xf32, #tpu.memory_space<vmem>>, vector<1x16xf32>,
      %swap3A_181 = arith.index_cast %add3A_165 : i32 to index
      %swap3A_182 = arith.constant 48 : index
      %swap3A_183 = tpu.vector_load %arg7[%swap3A_181, %swap3A_182] {strides = array<i32>} : memref<512x64xf32, #tpu.memory_space<vmem>>, vector<1x16xf32>,
      %swap3A_184 = vector.shape_cast %swap3A_183 : vector<1x16xf32> to vector<16xf32>
      %swap3A_185 = vector.shape_cast %scan3A_160#3 : vector<16xf32> to vector<1x16xf32>
      tpu.vector_store %arg7[%swap3A_181, %swap3A_182], %swap3A_185 {strides = array<i32>} : memref<512x64xf32, #tpu.memory_space<vmem>>, vector<1x16xf32>,
      %mul3A_186 = arith.constant 8 : i32
      %mul3A_187 = arith.muli %scan3A_105, %mul3A_186 : i32
      %add3A_188 = arith.constant 1 : i32
      %add3A_189 = arith.addi %mul3A_187, %add3A_188 : i32
      %dma_wait3A_190 = arith.constant 1 : i32
      %dma_wait3A_191 = arith.constant 0 : i32
      %dma_wait3A_192 = arith.constant 0 : i32
      %dma_wait3A_193 = tpu.memref_slice %arg6[%dma_wait3A_190, %dma_wait3A_191, %dma_wait3A_192] : memref<8x100x64xf32, #tpu.memory_space<vmem>> -> memref<1x100x64xf32, #tpu.memory_space<vmem>>
      %dma_wait3A_194 = tpu.memref_squeeze %dma_wait3A_193 : memref<1x100x64xf32, #tpu.memory_space<vmem>> -> memref<100x64xf32, #tpu.memory_space<vmem>>
      %dma_wait3A_195 = arith.constant 0 : i32
      %dma_wait3A_196 = tpu.memref_slice %arg5[%add3A_189, %dma_wait3A_195] : memref<256x100xi32, #tpu.memory_space<vmem>> -> memref<1x100xi32, #tpu.memory_space<vmem>>
      %dma_wait3A_197 = tpu.memref_squeeze %dma_wait3A_196 : memref<1x100xi32, #tpu.memory_space<vmem>> -> memref<100xi32, #tpu.memory_space<vmem>>
      %dma_wait3A_198 = arith.constant 0 : i32
      %dma_wait3A_199 = arith.constant 0 : i32
      %dma_wait3A_200 = tpu.memref_slice %arg3[%dma_wait3A_198, %dma_wait3A_199] : memref<1000000x64xf32, #tpu.memory_space<hbm>> -> memref<1000000x64xf32, #tpu.memory_space<hbm>>
      tpu.wait_indirect_dma semaphore(%arg9 : memref<!tpu.dma_semaphore, #tpu.memory_space<semaphore_mem>>) src(%dma_wait3A_200 : memref<1000000x64xf32, #tpu.memory_space<hbm>>) dst(%dma_wait3A_194 : memref<100x64xf32, #tpu.memory_space<vmem>>)
      %add3A_201 = arith.constant 8 : i32
      %add3A_202 = arith.addi %add3A_189, %add3A_201 : i32
      %lt3A_203 = arith.constant 256 : i32
      %lt3A_204 = arith.cmpi slt, %add3A_202, %lt3A_203 : i32
      %convert_element_type3A_205 = arith.extui %lt3A_204 : i1 to i32
      %cond3A_206 = arith.constant 0 : i32
      %cond3A_207 = arith.cmpi ne, %convert_element_type3A_205, %cond3A_206 : i32
      scf.if %cond3A_207 {
        %dma_start3A_788 = arith.constant 1 : i32
        %dma_start3A_789 = arith.constant 0 : i32
        %dma_start3A_790 = arith.constant 0 : i32
        %dma_start3A_791 = tpu.memref_slice %arg6[%dma_start3A_788, %dma_start3A_789, %dma_start3A_790] : memref<8x100x64xf32, #tpu.memory_space<vmem>> -> memref<1x100x64xf32, #tpu.memory_space<vmem>>
        %dma_start3A_792 = tpu.memref_squeeze %dma_start3A_791 : memref<1x100x64xf32, #tpu.memory_space<vmem>> -> memref<100x64xf32, #tpu.memory_space<vmem>>
        %dma_start3A_793 = arith.constant 0 : i32
        %dma_start3A_794 = tpu.memref_slice %arg5[%add3A_202, %dma_start3A_793] : memref<256x100xi32, #tpu.memory_space<vmem>> -> memref<1x100xi32, #tpu.memory_space<vmem>>
        %dma_start3A_795 = tpu.memref_squeeze %dma_start3A_794 : memref<1x100xi32, #tpu.memory_space<vmem>> -> memref<100xi32, #tpu.memory_space<vmem>>
        %dma_start3A_796 = arith.constant 0 : i32
        %dma_start3A_797 = arith.constant 0 : i32
        %dma_start3A_798 = tpu.memref_slice %arg3[%dma_start3A_796, %dma_start3A_797] : memref<1000000x64xf32, #tpu.memory_space<hbm>> -> memref<1000000x64xf32, #tpu.memory_space<hbm>>
        tpu.enqueue_indirect_dma source(%dma_start3A_798 : memref<1000000x64xf32, #tpu.memory_space<hbm>>) target(%dma_start3A_792 : memref<100x64xf32, #tpu.memory_space<vmem>>) offsets(%dma_start3A_795 : memref<100xi32, #tpu.memory_space<vmem>>) semaphore(%arg9 : memref<!tpu.dma_semaphore, #tpu.memory_space<semaphore_mem>>)
      } else {
      }
      %broadcast_in_dim3A_208 = arith.constant 0.000000e+00 : f32
      %broadcast_in_dim3A_209 = vector.broadcast %broadcast_in_dim3A_208 : f32 to vector<16xf32>
      %scan3A_210 = arith.constant 0 : i32
      %scan3A_211 = arith.constant 10 : i32
      %scan3A_212 = arith.addi %scan3A_210, %scan3A_211 : i32
      %scan3A_213 = arith.constant 1 : i32
      %scan3A_214:4 = scf.for %scan3A_788 = %scan3A_210 to %scan3A_212 step %scan3A_213 iter_args(%scan3A_789 = %broadcast_in_dim3A_209, %scan3A_790 = %broadcast_in_dim3A_209, %scan3A_791 = %broadcast_in_dim3A_209, %scan3A_792 = %broadcast_in_dim3A_209) -> (vector<16xf32>, vector<16xf32>, vector<16xf32>, vector<16xf32>)  : i32 {
        %mul3A_793 = arith.constant 5 : i32
        %mul3A_794 = arith.muli %scan3A_788, %mul3A_793 : i32
        %add3A_795 = arith.constant 0 : i32
        %add3A_796 = arith.addi %add3A_795, %mul3A_794 : i32
        %add3A_797 = arith.constant 0 : i32
        %add3A_798 = arith.addi %add3A_796, %add3A_797 : i32
        %get3A = arith.constant 1 : i32
        %get3A_799 = arith.index_cast %get3A : i32 to index
        %get3A_800 = arith.index_cast %add3A_798 : i32 to index
        %get3A_801 = arith.constant 0 : index
        %get3A_802 = tpu.vector_load %arg6[%get3A_799, %get3A_800, %get3A_801] {strides = array<i32>} : memref<8x100x64xf32, #tpu.memory_space<vmem>>, vector<1x1x16xf32>,
        %get3A_803 = vector.shape_cast %get3A_802 : vector<1x1x16xf32> to vector<16xf32>
        %add3A_804 = arith.addf %scan3A_789, %get3A_803 : vector<16xf32>
        %get3A_805 = arith.constant 1 : i32
        %get3A_806 = arith.index_cast %get3A_805 : i32 to index
        %get3A_807 = arith.index_cast %add3A_798 : i32 to index
        %get3A_808 = arith.constant 16 : index
        %get3A_809 = tpu.vector_load %arg6[%get3A_806, %get3A_807, %get3A_808] {strides = array<i32>} : memref<8x100x64xf32, #tpu.memory_space<vmem>>, vector<1x1x16xf32>,
        %get3A_810 = vector.shape_cast %get3A_809 : vector<1x1x16xf32> to vector<16xf32>
        %add3A_811 = arith.addf %scan3A_790, %get3A_810 : vector<16xf32>
        %get3A_812 = arith.constant 1 : i32
        %get3A_813 = arith.index_cast %get3A_812 : i32 to index
        %get3A_814 = arith.index_cast %add3A_798 : i32 to index
        %get3A_815 = arith.constant 32 : index
        %get3A_816 = tpu.vector_load %arg6[%get3A_813, %get3A_814, %get3A_815] {strides = array<i32>} : memref<8x100x64xf32, #tpu.memory_space<vmem>>, vector<1x1x16xf32>,
        %get3A_817 = vector.shape_cast %get3A_816 : vector<1x1x16xf32> to vector<16xf32>
        %add3A_818 = arith.addf %scan3A_791, %get3A_817 : vector<16xf32>
        %get3A_819 = arith.constant 1 : i32
        %get3A_820 = arith.index_cast %get3A_819 : i32 to index
        %get3A_821 = arith.index_cast %add3A_798 : i32 to index
        %get3A_822 = arith.constant 48 : index
        %get3A_823 = tpu.vector_load %arg6[%get3A_820, %get3A_821, %get3A_822] {strides = array<i32>} : memref<8x100x64xf32, #tpu.memory_space<vmem>>, vector<1x1x16xf32>,
        %get3A_824 = vector.shape_cast %get3A_823 : vector<1x1x16xf32> to vector<16xf32>
        %add3A_825 = arith.addf %scan3A_792, %get3A_824 : vector<16xf32>
        %mul3A_826 = arith.constant 5 : i32
        %mul3A_827 = arith.muli %scan3A_788, %mul3A_826 : i32
        %add3A_828 = arith.constant 0 : i32
        %add3A_829 = arith.addi %add3A_828, %mul3A_827 : i32
        %add3A_830 = arith.constant 1 : i32
        %add3A_831 = arith.addi %add3A_829, %add3A_830 : i32
        %get3A_832 = arith.constant 1 : i32
        %get3A_833 = arith.index_cast %get3A_832 : i32 to index
        %get3A_834 = arith.index_cast %add3A_831 : i32 to index
        %get3A_835 = arith.constant 0 : index
        %get3A_836 = tpu.vector_load %arg6[%get3A_833, %get3A_834, %get3A_835] {strides = array<i32>} : memref<8x100x64xf32, #tpu.memory_space<vmem>>, vector<1x1x16xf32>,
        %get3A_837 = vector.shape_cast %get3A_836 : vector<1x1x16xf32> to vector<16xf32>
        %add3A_838 = arith.addf %add3A_804, %get3A_837 : vector<16xf32>
        %get3A_839 = arith.constant 1 : i32
        %get3A_840 = arith.index_cast %get3A_839 : i32 to index
        %get3A_841 = arith.index_cast %add3A_831 : i32 to index
        %get3A_842 = arith.constant 16 : index
        %get3A_843 = tpu.vector_load %arg6[%get3A_840, %get3A_841, %get3A_842] {strides = array<i32>} : memref<8x100x64xf32, #tpu.memory_space<vmem>>, vector<1x1x16xf32>,
        %get3A_844 = vector.shape_cast %get3A_843 : vector<1x1x16xf32> to vector<16xf32>
        %add3A_845 = arith.addf %add3A_811, %get3A_844 : vector<16xf32>
        %get3A_846 = arith.constant 1 : i32
        %get3A_847 = arith.index_cast %get3A_846 : i32 to index
        %get3A_848 = arith.index_cast %add3A_831 : i32 to index
        %get3A_849 = arith.constant 32 : index
        %get3A_850 = tpu.vector_load %arg6[%get3A_847, %get3A_848, %get3A_849] {strides = array<i32>} : memref<8x100x64xf32, #tpu.memory_space<vmem>>, vector<1x1x16xf32>,
        %get3A_851 = vector.shape_cast %get3A_850 : vector<1x1x16xf32> to vector<16xf32>
        %add3A_852 = arith.addf %add3A_818, %get3A_851 : vector<16xf32>
        %get3A_853 = arith.constant 1 : i32
        %get3A_854 = arith.index_cast %get3A_853 : i32 to index
        %get3A_855 = arith.index_cast %add3A_831 : i32 to index
        %get3A_856 = arith.constant 48 : index
        %get3A_857 = tpu.vector_load %arg6[%get3A_854, %get3A_855, %get3A_856] {strides = array<i32>} : memref<8x100x64xf32, #tpu.memory_space<vmem>>, vector<1x1x16xf32>,
        %get3A_858 = vector.shape_cast %get3A_857 : vector<1x1x16xf32> to vector<16xf32>
        %add3A_859 = arith.addf %add3A_825, %get3A_858 : vector<16xf32>
        %mul3A_860 = arith.constant 5 : i32
        %mul3A_861 = arith.muli %scan3A_788, %mul3A_860 : i32
        %add3A_862 = arith.constant 0 : i32
        %add3A_863 = arith.addi %add3A_862, %mul3A_861 : i32
        %add3A_864 = arith.constant 2 : i32
        %add3A_865 = arith.addi %add3A_863, %add3A_864 : i32
        %get3A_866 = arith.constant 1 : i32
        %get3A_867 = arith.index_cast %get3A_866 : i32 to index
        %get3A_868 = arith.index_cast %add3A_865 : i32 to index
        %get3A_869 = arith.constant 0 : index
        %get3A_870 = tpu.vector_load %arg6[%get3A_867, %get3A_868, %get3A_869] {strides = array<i32>} : memref<8x100x64xf32, #tpu.memory_space<vmem>>, vector<1x1x16xf32>,
        %get3A_871 = vector.shape_cast %get3A_870 : vector<1x1x16xf32> to vector<16xf32>
        %add3A_872 = arith.addf %add3A_838, %get3A_871 : vector<16xf32>
        %get3A_873 = arith.constant 1 : i32
        %get3A_874 = arith.index_cast %get3A_873 : i32 to index
        %get3A_875 = arith.index_cast %add3A_865 : i32 to index
        %get3A_876 = arith.constant 16 : index
        %get3A_877 = tpu.vector_load %arg6[%get3A_874, %get3A_875, %get3A_876] {strides = array<i32>} : memref<8x100x64xf32, #tpu.memory_space<vmem>>, vector<1x1x16xf32>,
        %get3A_878 = vector.shape_cast %get3A_877 : vector<1x1x16xf32> to vector<16xf32>
        %add3A_879 = arith.addf %add3A_845, %get3A_878 : vector<16xf32>
        %get3A_880 = arith.constant 1 : i32
        %get3A_881 = arith.index_cast %get3A_880 : i32 to index
        %get3A_882 = arith.index_cast %add3A_865 : i32 to index
        %get3A_883 = arith.constant 32 : index
        %get3A_884 = tpu.vector_load %arg6[%get3A_881, %get3A_882, %get3A_883] {strides = array<i32>} : memref<8x100x64xf32, #tpu.memory_space<vmem>>, vector<1x1x16xf32>,
        %get3A_885 = vector.shape_cast %get3A_884 : vector<1x1x16xf32> to vector<16xf32>
        %add3A_886 = arith.addf %add3A_852, %get3A_885 : vector<16xf32>
        %get3A_887 = arith.constant 1 : i32
        %get3A_888 = arith.index_cast %get3A_887 : i32 to index
        %get3A_889 = arith.index_cast %add3A_865 : i32 to index
        %get3A_890 = arith.constant 48 : index
        %get3A_891 = tpu.vector_load %arg6[%get3A_888, %get3A_889, %get3A_890] {strides = array<i32>} : memref<8x100x64xf32, #tpu.memory_space<vmem>>, vector<1x1x16xf32>,
        %get3A_892 = vector.shape_cast %get3A_891 : vector<1x1x16xf32> to vector<16xf32>
        %add3A_893 = arith.addf %add3A_859, %get3A_892 : vector<16xf32>
        %mul3A_894 = arith.constant 5 : i32
        %mul3A_895 = arith.muli %scan3A_788, %mul3A_894 : i32
        %add3A_896 = arith.constant 0 : i32
        %add3A_897 = arith.addi %add3A_896, %mul3A_895 : i32
        %add3A_898 = arith.constant 3 : i32
        %add3A_899 = arith.addi %add3A_897, %add3A_898 : i32
        %get3A_900 = arith.constant 1 : i32
        %get3A_901 = arith.index_cast %get3A_900 : i32 to index
        %get3A_902 = arith.index_cast %add3A_899 : i32 to index
        %get3A_903 = arith.constant 0 : index
        %get3A_904 = tpu.vector_load %arg6[%get3A_901, %get3A_902, %get3A_903] {strides = array<i32>} : memref<8x100x64xf32, #tpu.memory_space<vmem>>, vector<1x1x16xf32>,
        %get3A_905 = vector.shape_cast %get3A_904 : vector<1x1x16xf32> to vector<16xf32>
        %add3A_906 = arith.addf %add3A_872, %get3A_905 : vector<16xf32>
        %get3A_907 = arith.constant 1 : i32
        %get3A_908 = arith.index_cast %get3A_907 : i32 to index
        %get3A_909 = arith.index_cast %add3A_899 : i32 to index
        %get3A_910 = arith.constant 16 : index
        %get3A_911 = tpu.vector_load %arg6[%get3A_908, %get3A_909, %get3A_910] {strides = array<i32>} : memref<8x100x64xf32, #tpu.memory_space<vmem>>, vector<1x1x16xf32>,
        %get3A_912 = vector.shape_cast %get3A_911 : vector<1x1x16xf32> to vector<16xf32>
        %add3A_913 = arith.addf %add3A_879, %get3A_912 : vector<16xf32>
        %get3A_914 = arith.constant 1 : i32
        %get3A_915 = arith.index_cast %get3A_914 : i32 to index
        %get3A_916 = arith.index_cast %add3A_899 : i32 to index
        %get3A_917 = arith.constant 32 : index
        %get3A_918 = tpu.vector_load %arg6[%get3A_915, %get3A_916, %get3A_917] {strides = array<i32>} : memref<8x100x64xf32, #tpu.memory_space<vmem>>, vector<1x1x16xf32>,
        %get3A_919 = vector.shape_cast %get3A_918 : vector<1x1x16xf32> to vector<16xf32>
        %add3A_920 = arith.addf %add3A_886, %get3A_919 : vector<16xf32>
        %get3A_921 = arith.constant 1 : i32
        %get3A_922 = arith.index_cast %get3A_921 : i32 to index
        %get3A_923 = arith.index_cast %add3A_899 : i32 to index
        %get3A_924 = arith.constant 48 : index
        %get3A_925 = tpu.vector_load %arg6[%get3A_922, %get3A_923, %get3A_924] {strides = array<i32>} : memref<8x100x64xf32, #tpu.memory_space<vmem>>, vector<1x1x16xf32>,
        %get3A_926 = vector.shape_cast %get3A_925 : vector<1x1x16xf32> to vector<16xf32>
        %add3A_927 = arith.addf %add3A_893, %get3A_926 : vector<16xf32>
        %mul3A_928 = arith.constant 5 : i32
        %mul3A_929 = arith.muli %scan3A_788, %mul3A_928 : i32
        %add3A_930 = arith.constant 0 : i32
        %add3A_931 = arith.addi %add3A_930, %mul3A_929 : i32
        %add3A_932 = arith.constant 4 : i32
        %add3A_933 = arith.addi %add3A_931, %add3A_932 : i32
        %get3A_934 = arith.constant 1 : i32
        %get3A_935 = arith.index_cast %get3A_934 : i32 to index
        %get3A_936 = arith.index_cast %add3A_933 : i32 to index
        %get3A_937 = arith.constant 0 : index
        %get3A_938 = tpu.vector_load %arg6[%get3A_935, %get3A_936, %get3A_937] {strides = array<i32>} : memref<8x100x64xf32, #tpu.memory_space<vmem>>, vector<1x1x16xf32>,
        %get3A_939 = vector.shape_cast %get3A_938 : vector<1x1x16xf32> to vector<16xf32>
        %add3A_940 = arith.addf %add3A_906, %get3A_939 : vector<16xf32>
        %get3A_941 = arith.constant 1 : i32
        %get3A_942 = arith.index_cast %get3A_941 : i32 to index
        %get3A_943 = arith.index_cast %add3A_933 : i32 to index
        %get3A_944 = arith.constant 16 : index
        %get3A_945 = tpu.vector_load %arg6[%get3A_942, %get3A_943, %get3A_944] {strides = array<i32>} : memref<8x100x64xf32, #tpu.memory_space<vmem>>, vector<1x1x16xf32>,
        %get3A_946 = vector.shape_cast %get3A_945 : vector<1x1x16xf32> to vector<16xf32>
        %add3A_947 = arith.addf %add3A_913, %get3A_946 : vector<16xf32>
        %get3A_948 = arith.constant 1 : i32
        %get3A_949 = arith.index_cast %get3A_948 : i32 to index
        %get3A_950 = arith.index_cast %add3A_933 : i32 to index
        %get3A_951 = arith.constant 32 : index
        %get3A_952 = tpu.vector_load %arg6[%get3A_949, %get3A_950, %get3A_951] {strides = array<i32>} : memref<8x100x64xf32, #tpu.memory_space<vmem>>, vector<1x1x16xf32>,
        %get3A_953 = vector.shape_cast %get3A_952 : vector<1x1x16xf32> to vector<16xf32>
        %add3A_954 = arith.addf %add3A_920, %get3A_953 : vector<16xf32>
        %get3A_955 = arith.constant 1 : i32
        %get3A_956 = arith.index_cast %get3A_955 : i32 to index
        %get3A_957 = arith.index_cast %add3A_933 : i32 to index
        %get3A_958 = arith.constant 48 : index
        %get3A_959 = tpu.vector_load %arg6[%get3A_956, %get3A_957, %get3A_958] {strides = array<i32>} : memref<8x100x64xf32, #tpu.memory_space<vmem>>, vector<1x1x16xf32>,
        %get3A_960 = vector.shape_cast %get3A_959 : vector<1x1x16xf32> to vector<16xf32>
        %add3A_961 = arith.addf %add3A_927, %get3A_960 : vector<16xf32>
        scf.yield %add3A_940, %add3A_947, %add3A_954, %add3A_961 : vector<16xf32>, vector<16xf32>, vector<16xf32>, vector<16xf32>
      }
      %scan3A_215 = arith.constant 10 : i32
      %mul3A_216 = arith.constant 2 : i32
      %mul3A_217 = arith.muli %mul3A_216, %add3A_189 : i32
      %add3A_218 = arith.constant 0 : i32
      %add3A_219 = arith.addi %mul3A_217, %add3A_218 : i32
      %swap3A_220 = arith.index_cast %add3A_219 : i32 to index
      %swap3A_221 = arith.constant 0 : index
      %swap3A_222 = tpu.vector_load %arg7[%swap3A_220, %swap3A_221] {strides = array<i32>} : memref<512x64xf32, #tpu.memory_space<vmem>>, vector<1x16xf32>,
      %swap3A_223 = vector.shape_cast %swap3A_222 : vector<1x16xf32> to vector<16xf32>
      %swap3A_224 = vector.shape_cast %scan3A_214#0 : vector<16xf32> to vector<1x16xf32>
      tpu.vector_store %arg7[%swap3A_220, %swap3A_221], %swap3A_224 {strides = array<i32>} : memref<512x64xf32, #tpu.memory_space<vmem>>, vector<1x16xf32>,
      %swap3A_225 = arith.index_cast %add3A_219 : i32 to index
      %swap3A_226 = arith.constant 16 : index
      %swap3A_227 = tpu.vector_load %arg7[%swap3A_225, %swap3A_226] {strides = array<i32>} : memref<512x64xf32, #tpu.memory_space<vmem>>, vector<1x16xf32>,
      %swap3A_228 = vector.shape_cast %swap3A_227 : vector<1x16xf32> to vector<16xf32>
      %swap3A_229 = vector.shape_cast %scan3A_214#1 : vector<16xf32> to vector<1x16xf32>
      tpu.vector_store %arg7[%swap3A_225, %swap3A_226], %swap3A_229 {strides = array<i32>} : memref<512x64xf32, #tpu.memory_space<vmem>>, vector<1x16xf32>,
      %swap3A_230 = arith.index_cast %add3A_219 : i32 to index
      %swap3A_231 = arith.constant 32 : index
      %swap3A_232 = tpu.vector_load %arg7[%swap3A_230, %swap3A_231] {strides = array<i32>} : memref<512x64xf32, #tpu.memory_space<vmem>>, vector<1x16xf32>,
      %swap3A_233 = vector.shape_cast %swap3A_232 : vector<1x16xf32> to vector<16xf32>
      %swap3A_234 = vector.shape_cast %scan3A_214#2 : vector<16xf32> to vector<1x16xf32>
      tpu.vector_store %arg7[%swap3A_230, %swap3A_231], %swap3A_234 {strides = array<i32>} : memref<512x64xf32, #tpu.memory_space<vmem>>, vector<1x16xf32>,
      %swap3A_235 = arith.index_cast %add3A_219 : i32 to index
      %swap3A_236 = arith.constant 48 : index
      %swap3A_237 = tpu.vector_load %arg7[%swap3A_235, %swap3A_236] {strides = array<i32>} : memref<512x64xf32, #tpu.memory_space<vmem>>, vector<1x16xf32>,
      %swap3A_238 = vector.shape_cast %swap3A_237 : vector<1x16xf32> to vector<16xf32>
      %swap3A_239 = vector.shape_cast %scan3A_214#3 : vector<16xf32> to vector<1x16xf32>
      tpu.vector_store %arg7[%swap3A_235, %swap3A_236], %swap3A_239 {strides = array<i32>} : memref<512x64xf32, #tpu.memory_space<vmem>>, vector<1x16xf32>,
      %broadcast_in_dim3A_240 = arith.constant 0.000000e+00 : f32
      %broadcast_in_dim3A_241 = vector.broadcast %broadcast_in_dim3A_240 : f32 to vector<16xf32>
      %scan3A_242 = arith.constant 0 : i32
      %scan3A_243 = arith.constant 10 : i32
      %scan3A_244 = arith.addi %scan3A_242, %scan3A_243 : i32
      %scan3A_245 = arith.constant 1 : i32
      %scan3A_246:4 = scf.for %scan3A_788 = %scan3A_242 to %scan3A_244 step %scan3A_245 iter_args(%scan3A_789 = %broadcast_in_dim3A_241, %scan3A_790 = %broadcast_in_dim3A_241, %scan3A_791 = %broadcast_in_dim3A_241, %scan3A_792 = %broadcast_in_dim3A_241) -> (vector<16xf32>, vector<16xf32>, vector<16xf32>, vector<16xf32>)  : i32 {
        %mul3A_793 = arith.constant 5 : i32
        %mul3A_794 = arith.muli %scan3A_788, %mul3A_793 : i32
        %add3A_795 = arith.constant 50 : i32
        %add3A_796 = arith.addi %add3A_795, %mul3A_794 : i32
        %add3A_797 = arith.constant 0 : i32
        %add3A_798 = arith.addi %add3A_796, %add3A_797 : i32
        %get3A = arith.constant 1 : i32
        %get3A_799 = arith.index_cast %get3A : i32 to index
        %get3A_800 = arith.index_cast %add3A_798 : i32 to index
        %get3A_801 = arith.constant 0 : index
        %get3A_802 = tpu.vector_load %arg6[%get3A_799, %get3A_800, %get3A_801] {strides = array<i32>} : memref<8x100x64xf32, #tpu.memory_space<vmem>>, vector<1x1x16xf32>,
        %get3A_803 = vector.shape_cast %get3A_802 : vector<1x1x16xf32> to vector<16xf32>
        %add3A_804 = arith.addf %scan3A_789, %get3A_803 : vector<16xf32>
        %get3A_805 = arith.constant 1 : i32
        %get3A_806 = arith.index_cast %get3A_805 : i32 to index
        %get3A_807 = arith.index_cast %add3A_798 : i32 to index
        %get3A_808 = arith.constant 16 : index
        %get3A_809 = tpu.vector_load %arg6[%get3A_806, %get3A_807, %get3A_808] {strides = array<i32>} : memref<8x100x64xf32, #tpu.memory_space<vmem>>, vector<1x1x16xf32>,
        %get3A_810 = vector.shape_cast %get3A_809 : vector<1x1x16xf32> to vector<16xf32>
        %add3A_811 = arith.addf %scan3A_790, %get3A_810 : vector<16xf32>
        %get3A_812 = arith.constant 1 : i32
        %get3A_813 = arith.index_cast %get3A_812 : i32 to index
        %get3A_814 = arith.index_cast %add3A_798 : i32 to index
        %get3A_815 = arith.constant 32 : index
        %get3A_816 = tpu.vector_load %arg6[%get3A_813, %get3A_814, %get3A_815] {strides = array<i32>} : memref<8x100x64xf32, #tpu.memory_space<vmem>>, vector<1x1x16xf32>,
        %get3A_817 = vector.shape_cast %get3A_816 : vector<1x1x16xf32> to vector<16xf32>
        %add3A_818 = arith.addf %scan3A_791, %get3A_817 : vector<16xf32>
        %get3A_819 = arith.constant 1 : i32
        %get3A_820 = arith.index_cast %get3A_819 : i32 to index
        %get3A_821 = arith.index_cast %add3A_798 : i32 to index
        %get3A_822 = arith.constant 48 : index
        %get3A_823 = tpu.vector_load %arg6[%get3A_820, %get3A_821, %get3A_822] {strides = array<i32>} : memref<8x100x64xf32, #tpu.memory_space<vmem>>, vector<1x1x16xf32>,
        %get3A_824 = vector.shape_cast %get3A_823 : vector<1x1x16xf32> to vector<16xf32>
        %add3A_825 = arith.addf %scan3A_792, %get3A_824 : vector<16xf32>
        %mul3A_826 = arith.constant 5 : i32
        %mul3A_827 = arith.muli %scan3A_788, %mul3A_826 : i32
        %add3A_828 = arith.constant 50 : i32
        %add3A_829 = arith.addi %add3A_828, %mul3A_827 : i32
        %add3A_830 = arith.constant 1 : i32
        %add3A_831 = arith.addi %add3A_829, %add3A_830 : i32
        %get3A_832 = arith.constant 1 : i32
        %get3A_833 = arith.index_cast %get3A_832 : i32 to index
        %get3A_834 = arith.index_cast %add3A_831 : i32 to index
        %get3A_835 = arith.constant 0 : index
        %get3A_836 = tpu.vector_load %arg6[%get3A_833, %get3A_834, %get3A_835] {strides = array<i32>} : memref<8x100x64xf32, #tpu.memory_space<vmem>>, vector<1x1x16xf32>,
        %get3A_837 = vector.shape_cast %get3A_836 : vector<1x1x16xf32> to vector<16xf32>
        %add3A_838 = arith.addf %add3A_804, %get3A_837 : vector<16xf32>
        %get3A_839 = arith.constant 1 : i32
        %get3A_840 = arith.index_cast %get3A_839 : i32 to index
        %get3A_841 = arith.index_cast %add3A_831 : i32 to index
        %get3A_842 = arith.constant 16 : index
        %get3A_843 = tpu.vector_load %arg6[%get3A_840, %get3A_841, %get3A_842] {strides = array<i32>} : memref<8x100x64xf32, #tpu.memory_space<vmem>>, vector<1x1x16xf32>,
        %get3A_844 = vector.shape_cast %get3A_843 : vector<1x1x16xf32> to vector<16xf32>
        %add3A_845 = arith.addf %add3A_811, %get3A_844 : vector<16xf32>
        %get3A_846 = arith.constant 1 : i32
        %get3A_847 = arith.index_cast %get3A_846 : i32 to index
        %get3A_848 = arith.index_cast %add3A_831 : i32 to index
        %get3A_849 = arith.constant 32 : index
        %get3A_850 = tpu.vector_load %arg6[%get3A_847, %get3A_848, %get3A_849] {strides = array<i32>} : memref<8x100x64xf32, #tpu.memory_space<vmem>>, vector<1x1x16xf32>,
        %get3A_851 = vector.shape_cast %get3A_850 : vector<1x1x16xf32> to vector<16xf32>
        %add3A_852 = arith.addf %add3A_818, %get3A_851 : vector<16xf32>
        %get3A_853 = arith.constant 1 : i32
        %get3A_854 = arith.index_cast %get3A_853 : i32 to index
        %get3A_855 = arith.index_cast %add3A_831 : i32 to index
        %get3A_856 = arith.constant 48 : index
        %get3A_857 = tpu.vector_load %arg6[%get3A_854, %get3A_855, %get3A_856] {strides = array<i32>} : memref<8x100x64xf32, #tpu.memory_space<vmem>>, vector<1x1x16xf32>,
        %get3A_858 = vector.shape_cast %get3A_857 : vector<1x1x16xf32> to vector<16xf32>
        %add3A_859 = arith.addf %add3A_825, %get3A_858 : vector<16xf32>
        %mul3A_860 = arith.constant 5 : i32
        %mul3A_861 = arith.muli %scan3A_788, %mul3A_860 : i32
        %add3A_862 = arith.constant 50 : i32
        %add3A_863 = arith.addi %add3A_862, %mul3A_861 : i32
        %add3A_864 = arith.constant 2 : i32
        %add3A_865 = arith.addi %add3A_863, %add3A_864 : i32
        %get3A_866 = arith.constant 1 : i32
        %get3A_867 = arith.index_cast %get3A_866 : i32 to index
        %get3A_868 = arith.index_cast %add3A_865 : i32 to index
        %get3A_869 = arith.constant 0 : index
        %get3A_870 = tpu.vector_load %arg6[%get3A_867, %get3A_868, %get3A_869] {strides = array<i32>} : memref<8x100x64xf32, #tpu.memory_space<vmem>>, vector<1x1x16xf32>,
        %get3A_871 = vector.shape_cast %get3A_870 : vector<1x1x16xf32> to vector<16xf32>
        %add3A_872 = arith.addf %add3A_838, %get3A_871 : vector<16xf32>
        %get3A_873 = arith.constant 1 : i32
        %get3A_874 = arith.index_cast %get3A_873 : i32 to index
        %get3A_875 = arith.index_cast %add3A_865 : i32 to index
        %get3A_876 = arith.constant 16 : index
        %get3A_877 = tpu.vector_load %arg6[%get3A_874, %get3A_875, %get3A_876] {strides = array<i32>} : memref<8x100x64xf32, #tpu.memory_space<vmem>>, vector<1x1x16xf32>,
        %get3A_878 = vector.shape_cast %get3A_877 : vector<1x1x16xf32> to vector<16xf32>
        %add3A_879 = arith.addf %add3A_845, %get3A_878 : vector<16xf32>
        %get3A_880 = arith.constant 1 : i32
        %get3A_881 = arith.index_cast %get3A_880 : i32 to index
        %get3A_882 = arith.index_cast %add3A_865 : i32 to index
        %get3A_883 = arith.constant 32 : index
        %get3A_884 = tpu.vector_load %arg6[%get3A_881, %get3A_882, %get3A_883] {strides = array<i32>} : memref<8x100x64xf32, #tpu.memory_space<vmem>>, vector<1x1x16xf32>,
        %get3A_885 = vector.shape_cast %get3A_884 : vector<1x1x16xf32> to vector<16xf32>
        %add3A_886 = arith.addf %add3A_852, %get3A_885 : vector<16xf32>
        %get3A_887 = arith.constant 1 : i32
        %get3A_888 = arith.index_cast %get3A_887 : i32 to index
        %get3A_889 = arith.index_cast %add3A_865 : i32 to index
        %get3A_890 = arith.constant 48 : index
        %get3A_891 = tpu.vector_load %arg6[%get3A_888, %get3A_889, %get3A_890] {strides = array<i32>} : memref<8x100x64xf32, #tpu.memory_space<vmem>>, vector<1x1x16xf32>,
        %get3A_892 = vector.shape_cast %get3A_891 : vector<1x1x16xf32> to vector<16xf32>
        %add3A_893 = arith.addf %add3A_859, %get3A_892 : vector<16xf32>
        %mul3A_894 = arith.constant 5 : i32
        %mul3A_895 = arith.muli %scan3A_788, %mul3A_894 : i32
        %add3A_896 = arith.constant 50 : i32
        %add3A_897 = arith.addi %add3A_896, %mul3A_895 : i32
        %add3A_898 = arith.constant 3 : i32
        %add3A_899 = arith.addi %add3A_897, %add3A_898 : i32
        %get3A_900 = arith.constant 1 : i32
        %get3A_901 = arith.index_cast %get3A_900 : i32 to index
        %get3A_902 = arith.index_cast %add3A_899 : i32 to index
        %get3A_903 = arith.constant 0 : index
        %get3A_904 = tpu.vector_load %arg6[%get3A_901, %get3A_902, %get3A_903] {strides = array<i32>} : memref<8x100x64xf32, #tpu.memory_space<vmem>>, vector<1x1x16xf32>,
        %get3A_905 = vector.shape_cast %get3A_904 : vector<1x1x16xf32> to vector<16xf32>
        %add3A_906 = arith.addf %add3A_872, %get3A_905 : vector<16xf32>
        %get3A_907 = arith.constant 1 : i32
        %get3A_908 = arith.index_cast %get3A_907 : i32 to index
        %get3A_909 = arith.index_cast %add3A_899 : i32 to index
        %get3A_910 = arith.constant 16 : index
        %get3A_911 = tpu.vector_load %arg6[%get3A_908, %get3A_909, %get3A_910] {strides = array<i32>} : memref<8x100x64xf32, #tpu.memory_space<vmem>>, vector<1x1x16xf32>,
        %get3A_912 = vector.shape_cast %get3A_911 : vector<1x1x16xf32> to vector<16xf32>
        %add3A_913 = arith.addf %add3A_879, %get3A_912 : vector<16xf32>
        %get3A_914 = arith.constant 1 : i32
        %get3A_915 = arith.index_cast %get3A_914 : i32 to index
        %get3A_916 = arith.index_cast %add3A_899 : i32 to index
        %get3A_917 = arith.constant 32 : index
        %get3A_918 = tpu.vector_load %arg6[%get3A_915, %get3A_916, %get3A_917] {strides = array<i32>} : memref<8x100x64xf32, #tpu.memory_space<vmem>>, vector<1x1x16xf32>,
        %get3A_919 = vector.shape_cast %get3A_918 : vector<1x1x16xf32> to vector<16xf32>
        %add3A_920 = arith.addf %add3A_886, %get3A_919 : vector<16xf32>
        %get3A_921 = arith.constant 1 : i32
        %get3A_922 = arith.index_cast %get3A_921 : i32 to index
        %get3A_923 = arith.index_cast %add3A_899 : i32 to index
        %get3A_924 = arith.constant 48 : index
        %get3A_925 = tpu.vector_load %arg6[%get3A_922, %get3A_923, %get3A_924] {strides = array<i32>} : memref<8x100x64xf32, #tpu.memory_space<vmem>>, vector<1x1x16xf32>,
        %get3A_926 = vector.shape_cast %get3A_925 : vector<1x1x16xf32> to vector<16xf32>
        %add3A_927 = arith.addf %add3A_893, %get3A_926 : vector<16xf32>
        %mul3A_928 = arith.constant 5 : i32
        %mul3A_929 = arith.muli %scan3A_788, %mul3A_928 : i32
        %add3A_930 = arith.constant 50 : i32
        %add3A_931 = arith.addi %add3A_930, %mul3A_929 : i32
        %add3A_932 = arith.constant 4 : i32
        %add3A_933 = arith.addi %add3A_931, %add3A_932 : i32
        %get3A_934 = arith.constant 1 : i32
        %get3A_935 = arith.index_cast %get3A_934 : i32 to index
        %get3A_936 = arith.index_cast %add3A_933 : i32 to index
        %get3A_937 = arith.constant 0 : index
        %get3A_938 = tpu.vector_load %arg6[%get3A_935, %get3A_936, %get3A_937] {strides = array<i32>} : memref<8x100x64xf32, #tpu.memory_space<vmem>>, vector<1x1x16xf32>,
        %get3A_939 = vector.shape_cast %get3A_938 : vector<1x1x16xf32> to vector<16xf32>
        %add3A_940 = arith.addf %add3A_906, %get3A_939 : vector<16xf32>
        %get3A_941 = arith.constant 1 : i32
        %get3A_942 = arith.index_cast %get3A_941 : i32 to index
        %get3A_943 = arith.index_cast %add3A_933 : i32 to index
        %get3A_944 = arith.constant 16 : index
        %get3A_945 = tpu.vector_load %arg6[%get3A_942, %get3A_943, %get3A_944] {strides = array<i32>} : memref<8x100x64xf32, #tpu.memory_space<vmem>>, vector<1x1x16xf32>,
        %get3A_946 = vector.shape_cast %get3A_945 : vector<1x1x16xf32> to vector<16xf32>
        %add3A_947 = arith.addf %add3A_913, %get3A_946 : vector<16xf32>
        %get3A_948 = arith.constant 1 : i32
        %get3A_949 = arith.index_cast %get3A_948 : i32 to index
        %get3A_950 = arith.index_cast %add3A_933 : i32 to index
        %get3A_951 = arith.constant 32 : index
        %get3A_952 = tpu.vector_load %arg6[%get3A_949, %get3A_950, %get3A_951] {strides = array<i32>} : memref<8x100x64xf32, #tpu.memory_space<vmem>>, vector<1x1x16xf32>,
        %get3A_953 = vector.shape_cast %get3A_952 : vector<1x1x16xf32> to vector<16xf32>
        %add3A_954 = arith.addf %add3A_920, %get3A_953 : vector<16xf32>
        %get3A_955 = arith.constant 1 : i32
        %get3A_956 = arith.index_cast %get3A_955 : i32 to index
        %get3A_957 = arith.index_cast %add3A_933 : i32 to index
        %get3A_958 = arith.constant 48 : index
        %get3A_959 = tpu.vector_load %arg6[%get3A_956, %get3A_957, %get3A_958] {strides = array<i32>} : memref<8x100x64xf32, #tpu.memory_space<vmem>>, vector<1x1x16xf32>,
        %get3A_960 = vector.shape_cast %get3A_959 : vector<1x1x16xf32> to vector<16xf32>
        %add3A_961 = arith.addf %add3A_927, %get3A_960 : vector<16xf32>
        scf.yield %add3A_940, %add3A_947, %add3A_954, %add3A_961 : vector<16xf32>, vector<16xf32>, vector<16xf32>, vector<16xf32>
      }
      %scan3A_247 = arith.constant 10 : i32
      %mul3A_248 = arith.constant 2 : i32
      %mul3A_249 = arith.muli %mul3A_248, %add3A_189 : i32
      %add3A_250 = arith.constant 1 : i32
      %add3A_251 = arith.addi %mul3A_249, %add3A_250 : i32
      %swap3A_252 = arith.index_cast %add3A_251 : i32 to index
      %swap3A_253 = arith.constant 0 : index
      %swap3A_254 = tpu.vector_load %arg7[%swap3A_252, %swap3A_253] {strides = array<i32>} : memref<512x64xf32, #tpu.memory_space<vmem>>, vector<1x16xf32>,
      %swap3A_255 = vector.shape_cast %swap3A_254 : vector<1x16xf32> to vector<16xf32>
      %swap3A_256 = vector.shape_cast %scan3A_246#0 : vector<16xf32> to vector<1x16xf32>
      tpu.vector_store %arg7[%swap3A_252, %swap3A_253], %swap3A_256 {strides = array<i32>} : memref<512x64xf32, #tpu.memory_space<vmem>>, vector<1x16xf32>,
      %swap3A_257 = arith.index_cast %add3A_251 : i32 to index
      %swap3A_258 = arith.constant 16 : index
      %swap3A_259 = tpu.vector_load %arg7[%swap3A_257, %swap3A_258] {strides = array<i32>} : memref<512x64xf32, #tpu.memory_space<vmem>>, vector<1x16xf32>,
      %swap3A_260 = vector.shape_cast %swap3A_259 : vector<1x16xf32> to vector<16xf32>
      %swap3A_261 = vector.shape_cast %scan3A_246#1 : vector<16xf32> to vector<1x16xf32>
      tpu.vector_store %arg7[%swap3A_257, %swap3A_258], %swap3A_261 {strides = array<i32>} : memref<512x64xf32, #tpu.memory_space<vmem>>, vector<1x16xf32>,
      %swap3A_262 = arith.index_cast %add3A_251 : i32 to index
      %swap3A_263 = arith.constant 32 : index
      %swap3A_264 = tpu.vector_load %arg7[%swap3A_262, %swap3A_263] {strides = array<i32>} : memref<512x64xf32, #tpu.memory_space<vmem>>, vector<1x16xf32>,
      %swap3A_265 = vector.shape_cast %swap3A_264 : vector<1x16xf32> to vector<16xf32>
      %swap3A_266 = vector.shape_cast %scan3A_246#2 : vector<16xf32> to vector<1x16xf32>
      tpu.vector_store %arg7[%swap3A_262, %swap3A_263], %swap3A_266 {strides = array<i32>} : memref<512x64xf32, #tpu.memory_space<vmem>>, vector<1x16xf32>,
      %swap3A_267 = arith.index_cast %add3A_251 : i32 to index
      %swap3A_268 = arith.constant 48 : index
      %swap3A_269 = tpu.vector_load %arg7[%swap3A_267, %swap3A_268] {strides = array<i32>} : memref<512x64xf32, #tpu.memory_space<vmem>>, vector<1x16xf32>,
      %swap3A_270 = vector.shape_cast %swap3A_269 : vector<1x16xf32> to vector<16xf32>
      %swap3A_271 = vector.shape_cast %scan3A_246#3 : vector<16xf32> to vector<1x16xf32>
      tpu.vector_store %arg7[%swap3A_267, %swap3A_268], %swap3A_271 {strides = array<i32>} : memref<512x64xf32, #tpu.memory_space<vmem>>, vector<1x16xf32>,
      %mul3A_272 = arith.constant 8 : i32
      %mul3A_273 = arith.muli %scan3A_105, %mul3A_272 : i32
      %add3A_274 = arith.constant 2 : i32
      %add3A_275 = arith.addi %mul3A_273, %add3A_274 : i32
      %dma_wait3A_276 = arith.constant 2 : i32
      %dma_wait3A_277 = arith.constant 0 : i32
      %dma_wait3A_278 = arith.constant 0 : i32
      %dma_wait3A_279 = tpu.memref_slice %arg6[%dma_wait3A_276, %dma_wait3A_277, %dma_wait3A_278] : memref<8x100x64xf32, #tpu.memory_space<vmem>> -> memref<1x100x64xf32, #tpu.memory_space<vmem>>
      %dma_wait3A_280 = tpu.memref_squeeze %dma_wait3A_279 : memref<1x100x64xf32, #tpu.memory_space<vmem>> -> memref<100x64xf32, #tpu.memory_space<vmem>>
      %dma_wait3A_281 = arith.constant 0 : i32
      %dma_wait3A_282 = tpu.memref_slice %arg5[%add3A_275, %dma_wait3A_281] : memref<256x100xi32, #tpu.memory_space<vmem>> -> memref<1x100xi32, #tpu.memory_space<vmem>>
      %dma_wait3A_283 = tpu.memref_squeeze %dma_wait3A_282 : memref<1x100xi32, #tpu.memory_space<vmem>> -> memref<100xi32, #tpu.memory_space<vmem>>
      %dma_wait3A_284 = arith.constant 0 : i32
      %dma_wait3A_285 = arith.constant 0 : i32
      %dma_wait3A_286 = tpu.memref_slice %arg3[%dma_wait3A_284, %dma_wait3A_285] : memref<1000000x64xf32, #tpu.memory_space<hbm>> -> memref<1000000x64xf32, #tpu.memory_space<hbm>>
      tpu.wait_indirect_dma semaphore(%arg10 : memref<!tpu.dma_semaphore, #tpu.memory_space<semaphore_mem>>) src(%dma_wait3A_286 : memref<1000000x64xf32, #tpu.memory_space<hbm>>) dst(%dma_wait3A_280 : memref<100x64xf32, #tpu.memory_space<vmem>>)
      %add3A_287 = arith.constant 8 : i32
      %add3A_288 = arith.addi %add3A_275, %add3A_287 : i32
      %lt3A_289 = arith.constant 256 : i32
      %lt3A_290 = arith.cmpi slt, %add3A_288, %lt3A_289 : i32
      %convert_element_type3A_291 = arith.extui %lt3A_290 : i1 to i32
      %cond3A_292 = arith.constant 0 : i32
      %cond3A_293 = arith.cmpi ne, %convert_element_type3A_291, %cond3A_292 : i32
      scf.if %cond3A_293 {
        %dma_start3A_788 = arith.constant 2 : i32
        %dma_start3A_789 = arith.constant 0 : i32
        %dma_start3A_790 = arith.constant 0 : i32
        %dma_start3A_791 = tpu.memref_slice %arg6[%dma_start3A_788, %dma_start3A_789, %dma_start3A_790] : memref<8x100x64xf32, #tpu.memory_space<vmem>> -> memref<1x100x64xf32, #tpu.memory_space<vmem>>
        %dma_start3A_792 = tpu.memref_squeeze %dma_start3A_791 : memref<1x100x64xf32, #tpu.memory_space<vmem>> -> memref<100x64xf32, #tpu.memory_space<vmem>>
        %dma_start3A_793 = arith.constant 0 : i32
        %dma_start3A_794 = tpu.memref_slice %arg5[%add3A_288, %dma_start3A_793] : memref<256x100xi32, #tpu.memory_space<vmem>> -> memref<1x100xi32, #tpu.memory_space<vmem>>
        %dma_start3A_795 = tpu.memref_squeeze %dma_start3A_794 : memref<1x100xi32, #tpu.memory_space<vmem>> -> memref<100xi32, #tpu.memory_space<vmem>>
        %dma_start3A_796 = arith.constant 0 : i32
        %dma_start3A_797 = arith.constant 0 : i32
        %dma_start3A_798 = tpu.memref_slice %arg3[%dma_start3A_796, %dma_start3A_797] : memref<1000000x64xf32, #tpu.memory_space<hbm>> -> memref<1000000x64xf32, #tpu.memory_space<hbm>>
        tpu.enqueue_indirect_dma source(%dma_start3A_798 : memref<1000000x64xf32, #tpu.memory_space<hbm>>) target(%dma_start3A_792 : memref<100x64xf32, #tpu.memory_space<vmem>>) offsets(%dma_start3A_795 : memref<100xi32, #tpu.memory_space<vmem>>) semaphore(%arg10 : memref<!tpu.dma_semaphore, #tpu.memory_space<semaphore_mem>>)
      } else {
      }
      %broadcast_in_dim3A_294 = arith.constant 0.000000e+00 : f32
      %broadcast_in_dim3A_295 = vector.broadcast %broadcast_in_dim3A_294 : f32 to vector<16xf32>
      %scan3A_296 = arith.constant 0 : i32
      %scan3A_297 = arith.constant 10 : i32
      %scan3A_298 = arith.addi %scan3A_296, %scan3A_297 : i32
      %scan3A_299 = arith.constant 1 : i32
      %scan3A_300:4 = scf.for %scan3A_788 = %scan3A_296 to %scan3A_298 step %scan3A_299 iter_args(%scan3A_789 = %broadcast_in_dim3A_295, %scan3A_790 = %broadcast_in_dim3A_295, %scan3A_791 = %broadcast_in_dim3A_295, %scan3A_792 = %broadcast_in_dim3A_295) -> (vector<16xf32>, vector<16xf32>, vector<16xf32>, vector<16xf32>)  : i32 {
        %mul3A_793 = arith.constant 5 : i32
        %mul3A_794 = arith.muli %scan3A_788, %mul3A_793 : i32
        %add3A_795 = arith.constant 0 : i32
        %add3A_796 = arith.addi %add3A_795, %mul3A_794 : i32
        %add3A_797 = arith.constant 0 : i32
        %add3A_798 = arith.addi %add3A_796, %add3A_797 : i32
        %get3A = arith.constant 2 : i32
        %get3A_799 = arith.index_cast %get3A : i32 to index
        %get3A_800 = arith.index_cast %add3A_798 : i32 to index
        %get3A_801 = arith.constant 0 : index
        %get3A_802 = tpu.vector_load %arg6[%get3A_799, %get3A_800, %get3A_801] {strides = array<i32>} : memref<8x100x64xf32, #tpu.memory_space<vmem>>, vector<1x1x16xf32>,
        %get3A_803 = vector.shape_cast %get3A_802 : vector<1x1x16xf32> to vector<16xf32>
        %add3A_804 = arith.addf %scan3A_789, %get3A_803 : vector<16xf32>
        %get3A_805 = arith.constant 2 : i32
        %get3A_806 = arith.index_cast %get3A_805 : i32 to index
        %get3A_807 = arith.index_cast %add3A_798 : i32 to index
        %get3A_808 = arith.constant 16 : index
        %get3A_809 = tpu.vector_load %arg6[%get3A_806, %get3A_807, %get3A_808] {strides = array<i32>} : memref<8x100x64xf32, #tpu.memory_space<vmem>>, vector<1x1x16xf32>,
        %get3A_810 = vector.shape_cast %get3A_809 : vector<1x1x16xf32> to vector<16xf32>
        %add3A_811 = arith.addf %scan3A_790, %get3A_810 : vector<16xf32>
        %get3A_812 = arith.constant 2 : i32
        %get3A_813 = arith.index_cast %get3A_812 : i32 to index
        %get3A_814 = arith.index_cast %add3A_798 : i32 to index
        %get3A_815 = arith.constant 32 : index
        %get3A_816 = tpu.vector_load %arg6[%get3A_813, %get3A_814, %get3A_815] {strides = array<i32>} : memref<8x100x64xf32, #tpu.memory_space<vmem>>, vector<1x1x16xf32>,
        %get3A_817 = vector.shape_cast %get3A_816 : vector<1x1x16xf32> to vector<16xf32>
        %add3A_818 = arith.addf %scan3A_791, %get3A_817 : vector<16xf32>
        %get3A_819 = arith.constant 2 : i32
        %get3A_820 = arith.index_cast %get3A_819 : i32 to index
        %get3A_821 = arith.index_cast %add3A_798 : i32 to index
        %get3A_822 = arith.constant 48 : index
        %get3A_823 = tpu.vector_load %arg6[%get3A_820, %get3A_821, %get3A_822] {strides = array<i32>} : memref<8x100x64xf32, #tpu.memory_space<vmem>>, vector<1x1x16xf32>,
        %get3A_824 = vector.shape_cast %get3A_823 : vector<1x1x16xf32> to vector<16xf32>
        %add3A_825 = arith.addf %scan3A_792, %get3A_824 : vector<16xf32>
        %mul3A_826 = arith.constant 5 : i32
        %mul3A_827 = arith.muli %scan3A_788, %mul3A_826 : i32
        %add3A_828 = arith.constant 0 : i32
        %add3A_829 = arith.addi %add3A_828, %mul3A_827 : i32
        %add3A_830 = arith.constant 1 : i32
        %add3A_831 = arith.addi %add3A_829, %add3A_830 : i32
        %get3A_832 = arith.constant 2 : i32
        %get3A_833 = arith.index_cast %get3A_832 : i32 to index
        %get3A_834 = arith.index_cast %add3A_831 : i32 to index
        %get3A_835 = arith.constant 0 : index
        %get3A_836 = tpu.vector_load %arg6[%get3A_833, %get3A_834, %get3A_835] {strides = array<i32>} : memref<8x100x64xf32, #tpu.memory_space<vmem>>, vector<1x1x16xf32>,
        %get3A_837 = vector.shape_cast %get3A_836 : vector<1x1x16xf32> to vector<16xf32>
        %add3A_838 = arith.addf %add3A_804, %get3A_837 : vector<16xf32>
        %get3A_839 = arith.constant 2 : i32
        %get3A_840 = arith.index_cast %get3A_839 : i32 to index
        %get3A_841 = arith.index_cast %add3A_831 : i32 to index
        %get3A_842 = arith.constant 16 : index
        %get3A_843 = tpu.vector_load %arg6[%get3A_840, %get3A_841, %get3A_842] {strides = array<i32>} : memref<8x100x64xf32, #tpu.memory_space<vmem>>, vector<1x1x16xf32>,
        %get3A_844 = vector.shape_cast %get3A_843 : vector<1x1x16xf32> to vector<16xf32>
        %add3A_845 = arith.addf %add3A_811, %get3A_844 : vector<16xf32>
        %get3A_846 = arith.constant 2 : i32
        %get3A_847 = arith.index_cast %get3A_846 : i32 to index
        %get3A_848 = arith.index_cast %add3A_831 : i32 to index
        %get3A_849 = arith.constant 32 : index
        %get3A_850 = tpu.vector_load %arg6[%get3A_847, %get3A_848, %get3A_849] {strides = array<i32>} : memref<8x100x64xf32, #tpu.memory_space<vmem>>, vector<1x1x16xf32>,
        %get3A_851 = vector.shape_cast %get3A_850 : vector<1x1x16xf32> to vector<16xf32>
        %add3A_852 = arith.addf %add3A_818, %get3A_851 : vector<16xf32>
        %get3A_853 = arith.constant 2 : i32
        %get3A_854 = arith.index_cast %get3A_853 : i32 to index
        %get3A_855 = arith.index_cast %add3A_831 : i32 to index
        %get3A_856 = arith.constant 48 : index
        %get3A_857 = tpu.vector_load %arg6[%get3A_854, %get3A_855, %get3A_856] {strides = array<i32>} : memref<8x100x64xf32, #tpu.memory_space<vmem>>, vector<1x1x16xf32>,
        %get3A_858 = vector.shape_cast %get3A_857 : vector<1x1x16xf32> to vector<16xf32>
        %add3A_859 = arith.addf %add3A_825, %get3A_858 : vector<16xf32>
        %mul3A_860 = arith.constant 5 : i32
        %mul3A_861 = arith.muli %scan3A_788, %mul3A_860 : i32
        %add3A_862 = arith.constant 0 : i32
        %add3A_863 = arith.addi %add3A_862, %mul3A_861 : i32
        %add3A_864 = arith.constant 2 : i32
        %add3A_865 = arith.addi %add3A_863, %add3A_864 : i32
        %get3A_866 = arith.constant 2 : i32
        %get3A_867 = arith.index_cast %get3A_866 : i32 to index
        %get3A_868 = arith.index_cast %add3A_865 : i32 to index
        %get3A_869 = arith.constant 0 : index
        %get3A_870 = tpu.vector_load %arg6[%get3A_867, %get3A_868, %get3A_869] {strides = array<i32>} : memref<8x100x64xf32, #tpu.memory_space<vmem>>, vector<1x1x16xf32>,
        %get3A_871 = vector.shape_cast %get3A_870 : vector<1x1x16xf32> to vector<16xf32>
        %add3A_872 = arith.addf %add3A_838, %get3A_871 : vector<16xf32>
        %get3A_873 = arith.constant 2 : i32
        %get3A_874 = arith.index_cast %get3A_873 : i32 to index
        %get3A_875 = arith.index_cast %add3A_865 : i32 to index
        %get3A_876 = arith.constant 16 : index
        %get3A_877 = tpu.vector_load %arg6[%get3A_874, %get3A_875, %get3A_876] {strides = array<i32>} : memref<8x100x64xf32, #tpu.memory_space<vmem>>, vector<1x1x16xf32>,
        %get3A_878 = vector.shape_cast %get3A_877 : vector<1x1x16xf32> to vector<16xf32>
        %add3A_879 = arith.addf %add3A_845, %get3A_878 : vector<16xf32>
        %get3A_880 = arith.constant 2 : i32
        %get3A_881 = arith.index_cast %get3A_880 : i32 to index
        %get3A_882 = arith.index_cast %add3A_865 : i32 to index
        %get3A_883 = arith.constant 32 : index
        %get3A_884 = tpu.vector_load %arg6[%get3A_881, %get3A_882, %get3A_883] {strides = array<i32>} : memref<8x100x64xf32, #tpu.memory_space<vmem>>, vector<1x1x16xf32>,
        %get3A_885 = vector.shape_cast %get3A_884 : vector<1x1x16xf32> to vector<16xf32>
        %add3A_886 = arith.addf %add3A_852, %get3A_885 : vector<16xf32>
        %get3A_887 = arith.constant 2 : i32
        %get3A_888 = arith.index_cast %get3A_887 : i32 to index
        %get3A_889 = arith.index_cast %add3A_865 : i32 to index
        %get3A_890 = arith.constant 48 : index
        %get3A_891 = tpu.vector_load %arg6[%get3A_888, %get3A_889, %get3A_890] {strides = array<i32>} : memref<8x100x64xf32, #tpu.memory_space<vmem>>, vector<1x1x16xf32>,
        %get3A_892 = vector.shape_cast %get3A_891 : vector<1x1x16xf32> to vector<16xf32>
        %add3A_893 = arith.addf %add3A_859, %get3A_892 : vector<16xf32>
        %mul3A_894 = arith.constant 5 : i32
        %mul3A_895 = arith.muli %scan3A_788, %mul3A_894 : i32
        %add3A_896 = arith.constant 0 : i32
        %add3A_897 = arith.addi %add3A_896, %mul3A_895 : i32
        %add3A_898 = arith.constant 3 : i32
        %add3A_899 = arith.addi %add3A_897, %add3A_898 : i32
        %get3A_900 = arith.constant 2 : i32
        %get3A_901 = arith.index_cast %get3A_900 : i32 to index
        %get3A_902 = arith.index_cast %add3A_899 : i32 to index
        %get3A_903 = arith.constant 0 : index
        %get3A_904 = tpu.vector_load %arg6[%get3A_901, %get3A_902, %get3A_903] {strides = array<i32>} : memref<8x100x64xf32, #tpu.memory_space<vmem>>, vector<1x1x16xf32>,
        %get3A_905 = vector.shape_cast %get3A_904 : vector<1x1x16xf32> to vector<16xf32>
        %add3A_906 = arith.addf %add3A_872, %get3A_905 : vector<16xf32>
        %get3A_907 = arith.constant 2 : i32
        %get3A_908 = arith.index_cast %get3A_907 : i32 to index
        %get3A_909 = arith.index_cast %add3A_899 : i32 to index
        %get3A_910 = arith.constant 16 : index
        %get3A_911 = tpu.vector_load %arg6[%get3A_908, %get3A_909, %get3A_910] {strides = array<i32>} : memref<8x100x64xf32, #tpu.memory_space<vmem>>, vector<1x1x16xf32>,
        %get3A_912 = vector.shape_cast %get3A_911 : vector<1x1x16xf32> to vector<16xf32>
        %add3A_913 = arith.addf %add3A_879, %get3A_912 : vector<16xf32>
        %get3A_914 = arith.constant 2 : i32
        %get3A_915 = arith.index_cast %get3A_914 : i32 to index
        %get3A_916 = arith.index_cast %add3A_899 : i32 to index
        %get3A_917 = arith.constant 32 : index
        %get3A_918 = tpu.vector_load %arg6[%get3A_915, %get3A_916, %get3A_917] {strides = array<i32>} : memref<8x100x64xf32, #tpu.memory_space<vmem>>, vector<1x1x16xf32>,
        %get3A_919 = vector.shape_cast %get3A_918 : vector<1x1x16xf32> to vector<16xf32>
        %add3A_920 = arith.addf %add3A_886, %get3A_919 : vector<16xf32>
        %get3A_921 = arith.constant 2 : i32
        %get3A_922 = arith.index_cast %get3A_921 : i32 to index
        %get3A_923 = arith.index_cast %add3A_899 : i32 to index
        %get3A_924 = arith.constant 48 : index
        %get3A_925 = tpu.vector_load %arg6[%get3A_922, %get3A_923, %get3A_924] {strides = array<i32>} : memref<8x100x64xf32, #tpu.memory_space<vmem>>, vector<1x1x16xf32>,
        %get3A_926 = vector.shape_cast %get3A_925 : vector<1x1x16xf32> to vector<16xf32>
        %add3A_927 = arith.addf %add3A_893, %get3A_926 : vector<16xf32>
        %mul3A_928 = arith.constant 5 : i32
        %mul3A_929 = arith.muli %scan3A_788, %mul3A_928 : i32
        %add3A_930 = arith.constant 0 : i32
        %add3A_931 = arith.addi %add3A_930, %mul3A_929 : i32
        %add3A_932 = arith.constant 4 : i32
        %add3A_933 = arith.addi %add3A_931, %add3A_932 : i32
        %get3A_934 = arith.constant 2 : i32
        %get3A_935 = arith.index_cast %get3A_934 : i32 to index
        %get3A_936 = arith.index_cast %add3A_933 : i32 to index
        %get3A_937 = arith.constant 0 : index
        %get3A_938 = tpu.vector_load %arg6[%get3A_935, %get3A_936, %get3A_937] {strides = array<i32>} : memref<8x100x64xf32, #tpu.memory_space<vmem>>, vector<1x1x16xf32>,
        %get3A_939 = vector.shape_cast %get3A_938 : vector<1x1x16xf32> to vector<16xf32>
        %add3A_940 = arith.addf %add3A_906, %get3A_939 : vector<16xf32>
        %get3A_941 = arith.constant 2 : i32
        %get3A_942 = arith.index_cast %get3A_941 : i32 to index
        %get3A_943 = arith.index_cast %add3A_933 : i32 to index
        %get3A_944 = arith.constant 16 : index
        %get3A_945 = tpu.vector_load %arg6[%get3A_942, %get3A_943, %get3A_944] {strides = array<i32>} : memref<8x100x64xf32, #tpu.memory_space<vmem>>, vector<1x1x16xf32>,
        %get3A_946 = vector.shape_cast %get3A_945 : vector<1x1x16xf32> to vector<16xf32>
        %add3A_947 = arith.addf %add3A_913, %get3A_946 : vector<16xf32>
        %get3A_948 = arith.constant 2 : i32
        %get3A_949 = arith.index_cast %get3A_948 : i32 to index
        %get3A_950 = arith.index_cast %add3A_933 : i32 to index
        %get3A_951 = arith.constant 32 : index
        %get3A_952 = tpu.vector_load %arg6[%get3A_949, %get3A_950, %get3A_951] {strides = array<i32>} : memref<8x100x64xf32, #tpu.memory_space<vmem>>, vector<1x1x16xf32>,
        %get3A_953 = vector.shape_cast %get3A_952 : vector<1x1x16xf32> to vector<16xf32>
        %add3A_954 = arith.addf %add3A_920, %get3A_953 : vector<16xf32>
        %get3A_955 = arith.constant 2 : i32
        %get3A_956 = arith.index_cast %get3A_955 : i32 to index
        %get3A_957 = arith.index_cast %add3A_933 : i32 to index
        %get3A_958 = arith.constant 48 : index
        %get3A_959 = tpu.vector_load %arg6[%get3A_956, %get3A_957, %get3A_958] {strides = array<i32>} : memref<8x100x64xf32, #tpu.memory_space<vmem>>, vector<1x1x16xf32>,
        %get3A_960 = vector.shape_cast %get3A_959 : vector<1x1x16xf32> to vector<16xf32>
        %add3A_961 = arith.addf %add3A_927, %get3A_960 : vector<16xf32>
        scf.yield %add3A_940, %add3A_947, %add3A_954, %add3A_961 : vector<16xf32>, vector<16xf32>, vector<16xf32>, vector<16xf32>
      }
      %scan3A_301 = arith.constant 10 : i32
      %mul3A_302 = arith.constant 2 : i32
      %mul3A_303 = arith.muli %mul3A_302, %add3A_275 : i32
      %add3A_304 = arith.constant 0 : i32
      %add3A_305 = arith.addi %mul3A_303, %add3A_304 : i32
      %swap3A_306 = arith.index_cast %add3A_305 : i32 to index
      %swap3A_307 = arith.constant 0 : index
      %swap3A_308 = tpu.vector_load %arg7[%swap3A_306, %swap3A_307] {strides = array<i32>} : memref<512x64xf32, #tpu.memory_space<vmem>>, vector<1x16xf32>,
      %swap3A_309 = vector.shape_cast %swap3A_308 : vector<1x16xf32> to vector<16xf32>
      %swap3A_310 = vector.shape_cast %scan3A_300#0 : vector<16xf32> to vector<1x16xf32>
      tpu.vector_store %arg7[%swap3A_306, %swap3A_307], %swap3A_310 {strides = array<i32>} : memref<512x64xf32, #tpu.memory_space<vmem>>, vector<1x16xf32>,
      %swap3A_311 = arith.index_cast %add3A_305 : i32 to index
      %swap3A_312 = arith.constant 16 : index
      %swap3A_313 = tpu.vector_load %arg7[%swap3A_311, %swap3A_312] {strides = array<i32>} : memref<512x64xf32, #tpu.memory_space<vmem>>, vector<1x16xf32>,
      %swap3A_314 = vector.shape_cast %swap3A_313 : vector<1x16xf32> to vector<16xf32>
      %swap3A_315 = vector.shape_cast %scan3A_300#1 : vector<16xf32> to vector<1x16xf32>
      tpu.vector_store %arg7[%swap3A_311, %swap3A_312], %swap3A_315 {strides = array<i32>} : memref<512x64xf32, #tpu.memory_space<vmem>>, vector<1x16xf32>,
      %swap3A_316 = arith.index_cast %add3A_305 : i32 to index
      %swap3A_317 = arith.constant 32 : index
      %swap3A_318 = tpu.vector_load %arg7[%swap3A_316, %swap3A_317] {strides = array<i32>} : memref<512x64xf32, #tpu.memory_space<vmem>>, vector<1x16xf32>,
      %swap3A_319 = vector.shape_cast %swap3A_318 : vector<1x16xf32> to vector<16xf32>
      %swap3A_320 = vector.shape_cast %scan3A_300#2 : vector<16xf32> to vector<1x16xf32>
      tpu.vector_store %arg7[%swap3A_316, %swap3A_317], %swap3A_320 {strides = array<i32>} : memref<512x64xf32, #tpu.memory_space<vmem>>, vector<1x16xf32>,
      %swap3A_321 = arith.index_cast %add3A_305 : i32 to index
      %swap3A_322 = arith.constant 48 : index
      %swap3A_323 = tpu.vector_load %arg7[%swap3A_321, %swap3A_322] {strides = array<i32>} : memref<512x64xf32, #tpu.memory_space<vmem>>, vector<1x16xf32>,
      %swap3A_324 = vector.shape_cast %swap3A_323 : vector<1x16xf32> to vector<16xf32>
      %swap3A_325 = vector.shape_cast %scan3A_300#3 : vector<16xf32> to vector<1x16xf32>
      tpu.vector_store %arg7[%swap3A_321, %swap3A_322], %swap3A_325 {strides = array<i32>} : memref<512x64xf32, #tpu.memory_space<vmem>>, vector<1x16xf32>,
      %broadcast_in_dim3A_326 = arith.constant 0.000000e+00 : f32
      %broadcast_in_dim3A_327 = vector.broadcast %broadcast_in_dim3A_326 : f32 to vector<16xf32>
      %scan3A_328 = arith.constant 0 : i32
      %scan3A_329 = arith.constant 10 : i32
      %scan3A_330 = arith.addi %scan3A_328, %scan3A_329 : i32
      %scan3A_331 = arith.constant 1 : i32
      %scan3A_332:4 = scf.for %scan3A_788 = %scan3A_328 to %scan3A_330 step %scan3A_331 iter_args(%scan3A_789 = %broadcast_in_dim3A_327, %scan3A_790 = %broadcast_in_dim3A_327, %scan3A_791 = %broadcast_in_dim3A_327, %scan3A_792 = %broadcast_in_dim3A_327) -> (vector<16xf32>, vector<16xf32>, vector<16xf32>, vector<16xf32>)  : i32 {
        %mul3A_793 = arith.constant 5 : i32
        %mul3A_794 = arith.muli %scan3A_788, %mul3A_793 : i32
        %add3A_795 = arith.constant 50 : i32
        %add3A_796 = arith.addi %add3A_795, %mul3A_794 : i32
        %add3A_797 = arith.constant 0 : i32
        %add3A_798 = arith.addi %add3A_796, %add3A_797 : i32
        %get3A = arith.constant 2 : i32
        %get3A_799 = arith.index_cast %get3A : i32 to index
        %get3A_800 = arith.index_cast %add3A_798 : i32 to index
        %get3A_801 = arith.constant 0 : index
        %get3A_802 = tpu.vector_load %arg6[%get3A_799, %get3A_800, %get3A_801] {strides = array<i32>} : memref<8x100x64xf32, #tpu.memory_space<vmem>>, vector<1x1x16xf32>,
        %get3A_803 = vector.shape_cast %get3A_802 : vector<1x1x16xf32> to vector<16xf32>
        %add3A_804 = arith.addf %scan3A_789, %get3A_803 : vector<16xf32>
        %get3A_805 = arith.constant 2 : i32
        %get3A_806 = arith.index_cast %get3A_805 : i32 to index
        %get3A_807 = arith.index_cast %add3A_798 : i32 to index
        %get3A_808 = arith.constant 16 : index
        %get3A_809 = tpu.vector_load %arg6[%get3A_806, %get3A_807, %get3A_808] {strides = array<i32>} : memref<8x100x64xf32, #tpu.memory_space<vmem>>, vector<1x1x16xf32>,
        %get3A_810 = vector.shape_cast %get3A_809 : vector<1x1x16xf32> to vector<16xf32>
        %add3A_811 = arith.addf %scan3A_790, %get3A_810 : vector<16xf32>
        %get3A_812 = arith.constant 2 : i32
        %get3A_813 = arith.index_cast %get3A_812 : i32 to index
        %get3A_814 = arith.index_cast %add3A_798 : i32 to index
        %get3A_815 = arith.constant 32 : index
        %get3A_816 = tpu.vector_load %arg6[%get3A_813, %get3A_814, %get3A_815] {strides = array<i32>} : memref<8x100x64xf32, #tpu.memory_space<vmem>>, vector<1x1x16xf32>,
        %get3A_817 = vector.shape_cast %get3A_816 : vector<1x1x16xf32> to vector<16xf32>
        %add3A_818 = arith.addf %scan3A_791, %get3A_817 : vector<16xf32>
        %get3A_819 = arith.constant 2 : i32
        %get3A_820 = arith.index_cast %get3A_819 : i32 to index
        %get3A_821 = arith.index_cast %add3A_798 : i32 to index
        %get3A_822 = arith.constant 48 : index
        %get3A_823 = tpu.vector_load %arg6[%get3A_820, %get3A_821, %get3A_822] {strides = array<i32>} : memref<8x100x64xf32, #tpu.memory_space<vmem>>, vector<1x1x16xf32>,
        %get3A_824 = vector.shape_cast %get3A_823 : vector<1x1x16xf32> to vector<16xf32>
        %add3A_825 = arith.addf %scan3A_792, %get3A_824 : vector<16xf32>
        %mul3A_826 = arith.constant 5 : i32
        %mul3A_827 = arith.muli %scan3A_788, %mul3A_826 : i32
        %add3A_828 = arith.constant 50 : i32
        %add3A_829 = arith.addi %add3A_828, %mul3A_827 : i32
        %add3A_830 = arith.constant 1 : i32
        %add3A_831 = arith.addi %add3A_829, %add3A_830 : i32
        %get3A_832 = arith.constant 2 : i32
        %get3A_833 = arith.index_cast %get3A_832 : i32 to index
        %get3A_834 = arith.index_cast %add3A_831 : i32 to index
        %get3A_835 = arith.constant 0 : index
        %get3A_836 = tpu.vector_load %arg6[%get3A_833, %get3A_834, %get3A_835] {strides = array<i32>} : memref<8x100x64xf32, #tpu.memory_space<vmem>>, vector<1x1x16xf32>,
        %get3A_837 = vector.shape_cast %get3A_836 : vector<1x1x16xf32> to vector<16xf32>
        %add3A_838 = arith.addf %add3A_804, %get3A_837 : vector<16xf32>
        %get3A_839 = arith.constant 2 : i32
        %get3A_840 = arith.index_cast %get3A_839 : i32 to index
        %get3A_841 = arith.index_cast %add3A_831 : i32 to index
        %get3A_842 = arith.constant 16 : index
        %get3A_843 = tpu.vector_load %arg6[%get3A_840, %get3A_841, %get3A_842] {strides = array<i32>} : memref<8x100x64xf32, #tpu.memory_space<vmem>>, vector<1x1x16xf32>,
        %get3A_844 = vector.shape_cast %get3A_843 : vector<1x1x16xf32> to vector<16xf32>
        %add3A_845 = arith.addf %add3A_811, %get3A_844 : vector<16xf32>
        %get3A_846 = arith.constant 2 : i32
        %get3A_847 = arith.index_cast %get3A_846 : i32 to index
        %get3A_848 = arith.index_cast %add3A_831 : i32 to index
        %get3A_849 = arith.constant 32 : index
        %get3A_850 = tpu.vector_load %arg6[%get3A_847, %get3A_848, %get3A_849] {strides = array<i32>} : memref<8x100x64xf32, #tpu.memory_space<vmem>>, vector<1x1x16xf32>,
        %get3A_851 = vector.shape_cast %get3A_850 : vector<1x1x16xf32> to vector<16xf32>
        %add3A_852 = arith.addf %add3A_818, %get3A_851 : vector<16xf32>
        %get3A_853 = arith.constant 2 : i32
        %get3A_854 = arith.index_cast %get3A_853 : i32 to index
        %get3A_855 = arith.index_cast %add3A_831 : i32 to index
        %get3A_856 = arith.constant 48 : index
        %get3A_857 = tpu.vector_load %arg6[%get3A_854, %get3A_855, %get3A_856] {strides = array<i32>} : memref<8x100x64xf32, #tpu.memory_space<vmem>>, vector<1x1x16xf32>,
        %get3A_858 = vector.shape_cast %get3A_857 : vector<1x1x16xf32> to vector<16xf32>
        %add3A_859 = arith.addf %add3A_825, %get3A_858 : vector<16xf32>
        %mul3A_860 = arith.constant 5 : i32
        %mul3A_861 = arith.muli %scan3A_788, %mul3A_860 : i32
        %add3A_862 = arith.constant 50 : i32
        %add3A_863 = arith.addi %add3A_862, %mul3A_861 : i32
        %add3A_864 = arith.constant 2 : i32
        %add3A_865 = arith.addi %add3A_863, %add3A_864 : i32
        %get3A_866 = arith.constant 2 : i32
        %get3A_867 = arith.index_cast %get3A_866 : i32 to index
        %get3A_868 = arith.index_cast %add3A_865 : i32 to index
        %get3A_869 = arith.constant 0 : index
        %get3A_870 = tpu.vector_load %arg6[%get3A_867, %get3A_868, %get3A_869] {strides = array<i32>} : memref<8x100x64xf32, #tpu.memory_space<vmem>>, vector<1x1x16xf32>,
        %get3A_871 = vector.shape_cast %get3A_870 : vector<1x1x16xf32> to vector<16xf32>
        %add3A_872 = arith.addf %add3A_838, %get3A_871 : vector<16xf32>
        %get3A_873 = arith.constant 2 : i32
        %get3A_874 = arith.index_cast %get3A_873 : i32 to index
        %get3A_875 = arith.index_cast %add3A_865 : i32 to index
        %get3A_876 = arith.constant 16 : index
        %get3A_877 = tpu.vector_load %arg6[%get3A_874, %get3A_875, %get3A_876] {strides = array<i32>} : memref<8x100x64xf32, #tpu.memory_space<vmem>>, vector<1x1x16xf32>,
        %get3A_878 = vector.shape_cast %get3A_877 : vector<1x1x16xf32> to vector<16xf32>
        %add3A_879 = arith.addf %add3A_845, %get3A_878 : vector<16xf32>
        %get3A_880 = arith.constant 2 : i32
        %get3A_881 = arith.index_cast %get3A_880 : i32 to index
        %get3A_882 = arith.index_cast %add3A_865 : i32 to index
        %get3A_883 = arith.constant 32 : index
        %get3A_884 = tpu.vector_load %arg6[%get3A_881, %get3A_882, %get3A_883] {strides = array<i32>} : memref<8x100x64xf32, #tpu.memory_space<vmem>>, vector<1x1x16xf32>,
        %get3A_885 = vector.shape_cast %get3A_884 : vector<1x1x16xf32> to vector<16xf32>
        %add3A_886 = arith.addf %add3A_852, %get3A_885 : vector<16xf32>
        %get3A_887 = arith.constant 2 : i32
        %get3A_888 = arith.index_cast %get3A_887 : i32 to index
        %get3A_889 = arith.index_cast %add3A_865 : i32 to index
        %get3A_890 = arith.constant 48 : index
        %get3A_891 = tpu.vector_load %arg6[%get3A_888, %get3A_889, %get3A_890] {strides = array<i32>} : memref<8x100x64xf32, #tpu.memory_space<vmem>>, vector<1x1x16xf32>,
        %get3A_892 = vector.shape_cast %get3A_891 : vector<1x1x16xf32> to vector<16xf32>
        %add3A_893 = arith.addf %add3A_859, %get3A_892 : vector<16xf32>
        %mul3A_894 = arith.constant 5 : i32
        %mul3A_895 = arith.muli %scan3A_788, %mul3A_894 : i32
        %add3A_896 = arith.constant 50 : i32
        %add3A_897 = arith.addi %add3A_896, %mul3A_895 : i32
        %add3A_898 = arith.constant 3 : i32
        %add3A_899 = arith.addi %add3A_897, %add3A_898 : i32
        %get3A_900 = arith.constant 2 : i32
        %get3A_901 = arith.index_cast %get3A_900 : i32 to index
        %get3A_902 = arith.index_cast %add3A_899 : i32 to index
        %get3A_903 = arith.constant 0 : index
        %get3A_904 = tpu.vector_load %arg6[%get3A_901, %get3A_902, %get3A_903] {strides = array<i32>} : memref<8x100x64xf32, #tpu.memory_space<vmem>>, vector<1x1x16xf32>,
        %get3A_905 = vector.shape_cast %get3A_904 : vector<1x1x16xf32> to vector<16xf32>
        %add3A_906 = arith.addf %add3A_872, %get3A_905 : vector<16xf32>
        %get3A_907 = arith.constant 2 : i32
        %get3A_908 = arith.index_cast %get3A_907 : i32 to index
        %get3A_909 = arith.index_cast %add3A_899 : i32 to index
        %get3A_910 = arith.constant 16 : index
        %get3A_911 = tpu.vector_load %arg6[%get3A_908, %get3A_909, %get3A_910] {strides = array<i32>} : memref<8x100x64xf32, #tpu.memory_space<vmem>>, vector<1x1x16xf32>,
        %get3A_912 = vector.shape_cast %get3A_911 : vector<1x1x16xf32> to vector<16xf32>
        %add3A_913 = arith.addf %add3A_879, %get3A_912 : vector<16xf32>
        %get3A_914 = arith.constant 2 : i32
        %get3A_915 = arith.index_cast %get3A_914 : i32 to index
        %get3A_916 = arith.index_cast %add3A_899 : i32 to index
        %get3A_917 = arith.constant 32 : index
        %get3A_918 = tpu.vector_load %arg6[%get3A_915, %get3A_916, %get3A_917] {strides = array<i32>} : memref<8x100x64xf32, #tpu.memory_space<vmem>>, vector<1x1x16xf32>,
        %get3A_919 = vector.shape_cast %get3A_918 : vector<1x1x16xf32> to vector<16xf32>
        %add3A_920 = arith.addf %add3A_886, %get3A_919 : vector<16xf32>
        %get3A_921 = arith.constant 2 : i32
        %get3A_922 = arith.index_cast %get3A_921 : i32 to index
        %get3A_923 = arith.index_cast %add3A_899 : i32 to index
        %get3A_924 = arith.constant 48 : index
        %get3A_925 = tpu.vector_load %arg6[%get3A_922, %get3A_923, %get3A_924] {strides = array<i32>} : memref<8x100x64xf32, #tpu.memory_space<vmem>>, vector<1x1x16xf32>,
        %get3A_926 = vector.shape_cast %get3A_925 : vector<1x1x16xf32> to vector<16xf32>
        %add3A_927 = arith.addf %add3A_893, %get3A_926 : vector<16xf32>
        %mul3A_928 = arith.constant 5 : i32
        %mul3A_929 = arith.muli %scan3A_788, %mul3A_928 : i32
        %add3A_930 = arith.constant 50 : i32
        %add3A_931 = arith.addi %add3A_930, %mul3A_929 : i32
        %add3A_932 = arith.constant 4 : i32
        %add3A_933 = arith.addi %add3A_931, %add3A_932 : i32
        %get3A_934 = arith.constant 2 : i32
        %get3A_935 = arith.index_cast %get3A_934 : i32 to index
        %get3A_936 = arith.index_cast %add3A_933 : i32 to index
        %get3A_937 = arith.constant 0 : index
        %get3A_938 = tpu.vector_load %arg6[%get3A_935, %get3A_936, %get3A_937] {strides = array<i32>} : memref<8x100x64xf32, #tpu.memory_space<vmem>>, vector<1x1x16xf32>,
        %get3A_939 = vector.shape_cast %get3A_938 : vector<1x1x16xf32> to vector<16xf32>
        %add3A_940 = arith.addf %add3A_906, %get3A_939 : vector<16xf32>
        %get3A_941 = arith.constant 2 : i32
        %get3A_942 = arith.index_cast %get3A_941 : i32 to index
        %get3A_943 = arith.index_cast %add3A_933 : i32 to index
        %get3A_944 = arith.constant 16 : index
        %get3A_945 = tpu.vector_load %arg6[%get3A_942, %get3A_943, %get3A_944] {strides = array<i32>} : memref<8x100x64xf32, #tpu.memory_space<vmem>>, vector<1x1x16xf32>,
        %get3A_946 = vector.shape_cast %get3A_945 : vector<1x1x16xf32> to vector<16xf32>
        %add3A_947 = arith.addf %add3A_913, %get3A_946 : vector<16xf32>
        %get3A_948 = arith.constant 2 : i32
        %get3A_949 = arith.index_cast %get3A_948 : i32 to index
        %get3A_950 = arith.index_cast %add3A_933 : i32 to index
        %get3A_951 = arith.constant 32 : index
        %get3A_952 = tpu.vector_load %arg6[%get3A_949, %get3A_950, %get3A_951] {strides = array<i32>} : memref<8x100x64xf32, #tpu.memory_space<vmem>>, vector<1x1x16xf32>,
        %get3A_953 = vector.shape_cast %get3A_952 : vector<1x1x16xf32> to vector<16xf32>
        %add3A_954 = arith.addf %add3A_920, %get3A_953 : vector<16xf32>
        %get3A_955 = arith.constant 2 : i32
        %get3A_956 = arith.index_cast %get3A_955 : i32 to index
        %get3A_957 = arith.index_cast %add3A_933 : i32 to index
        %get3A_958 = arith.constant 48 : index
        %get3A_959 = tpu.vector_load %arg6[%get3A_956, %get3A_957, %get3A_958] {strides = array<i32>} : memref<8x100x64xf32, #tpu.memory_space<vmem>>, vector<1x1x16xf32>,
        %get3A_960 = vector.shape_cast %get3A_959 : vector<1x1x16xf32> to vector<16xf32>
        %add3A_961 = arith.addf %add3A_927, %get3A_960 : vector<16xf32>
        scf.yield %add3A_940, %add3A_947, %add3A_954, %add3A_961 : vector<16xf32>, vector<16xf32>, vector<16xf32>, vector<16xf32>
      }
      %scan3A_333 = arith.constant 10 : i32
      %mul3A_334 = arith.constant 2 : i32
      %mul3A_335 = arith.muli %mul3A_334, %add3A_275 : i32
      %add3A_336 = arith.constant 1 : i32
      %add3A_337 = arith.addi %mul3A_335, %add3A_336 : i32
      %swap3A_338 = arith.index_cast %add3A_337 : i32 to index
      %swap3A_339 = arith.constant 0 : index
      %swap3A_340 = tpu.vector_load %arg7[%swap3A_338, %swap3A_339] {strides = array<i32>} : memref<512x64xf32, #tpu.memory_space<vmem>>, vector<1x16xf32>,
      %swap3A_341 = vector.shape_cast %swap3A_340 : vector<1x16xf32> to vector<16xf32>
      %swap3A_342 = vector.shape_cast %scan3A_332#0 : vector<16xf32> to vector<1x16xf32>
      tpu.vector_store %arg7[%swap3A_338, %swap3A_339], %swap3A_342 {strides = array<i32>} : memref<512x64xf32, #tpu.memory_space<vmem>>, vector<1x16xf32>,
      %swap3A_343 = arith.index_cast %add3A_337 : i32 to index
      %swap3A_344 = arith.constant 16 : index
      %swap3A_345 = tpu.vector_load %arg7[%swap3A_343, %swap3A_344] {strides = array<i32>} : memref<512x64xf32, #tpu.memory_space<vmem>>, vector<1x16xf32>,
      %swap3A_346 = vector.shape_cast %swap3A_345 : vector<1x16xf32> to vector<16xf32>
      %swap3A_347 = vector.shape_cast %scan3A_332#1 : vector<16xf32> to vector<1x16xf32>
      tpu.vector_store %arg7[%swap3A_343, %swap3A_344], %swap3A_347 {strides = array<i32>} : memref<512x64xf32, #tpu.memory_space<vmem>>, vector<1x16xf32>,
      %swap3A_348 = arith.index_cast %add3A_337 : i32 to index
      %swap3A_349 = arith.constant 32 : index
      %swap3A_350 = tpu.vector_load %arg7[%swap3A_348, %swap3A_349] {strides = array<i32>} : memref<512x64xf32, #tpu.memory_space<vmem>>, vector<1x16xf32>,
      %swap3A_351 = vector.shape_cast %swap3A_350 : vector<1x16xf32> to vector<16xf32>
      %swap3A_352 = vector.shape_cast %scan3A_332#2 : vector<16xf32> to vector<1x16xf32>
      tpu.vector_store %arg7[%swap3A_348, %swap3A_349], %swap3A_352 {strides = array<i32>} : memref<512x64xf32, #tpu.memory_space<vmem>>, vector<1x16xf32>,
      %swap3A_353 = arith.index_cast %add3A_337 : i32 to index
      %swap3A_354 = arith.constant 48 : index
      %swap3A_355 = tpu.vector_load %arg7[%swap3A_353, %swap3A_354] {strides = array<i32>} : memref<512x64xf32, #tpu.memory_space<vmem>>, vector<1x16xf32>,
      %swap3A_356 = vector.shape_cast %swap3A_355 : vector<1x16xf32> to vector<16xf32>
      %swap3A_357 = vector.shape_cast %scan3A_332#3 : vector<16xf32> to vector<1x16xf32>
      tpu.vector_store %arg7[%swap3A_353, %swap3A_354], %swap3A_357 {strides = array<i32>} : memref<512x64xf32, #tpu.memory_space<vmem>>, vector<1x16xf32>,
      %mul3A_358 = arith.constant 8 : i32
      %mul3A_359 = arith.muli %scan3A_105, %mul3A_358 : i32
      %add3A_360 = arith.constant 3 : i32
      %add3A_361 = arith.addi %mul3A_359, %add3A_360 : i32
      %dma_wait3A_362 = arith.constant 3 : i32
      %dma_wait3A_363 = arith.constant 0 : i32
      %dma_wait3A_364 = arith.constant 0 : i32
      %dma_wait3A_365 = tpu.memref_slice %arg6[%dma_wait3A_362, %dma_wait3A_363, %dma_wait3A_364] : memref<8x100x64xf32, #tpu.memory_space<vmem>> -> memref<1x100x64xf32, #tpu.memory_space<vmem>>
      %dma_wait3A_366 = tpu.memref_squeeze %dma_wait3A_365 : memref<1x100x64xf32, #tpu.memory_space<vmem>> -> memref<100x64xf32, #tpu.memory_space<vmem>>
      %dma_wait3A_367 = arith.constant 0 : i32
      %dma_wait3A_368 = tpu.memref_slice %arg5[%add3A_361, %dma_wait3A_367] : memref<256x100xi32, #tpu.memory_space<vmem>> -> memref<1x100xi32, #tpu.memory_space<vmem>>
      %dma_wait3A_369 = tpu.memref_squeeze %dma_wait3A_368 : memref<1x100xi32, #tpu.memory_space<vmem>> -> memref<100xi32, #tpu.memory_space<vmem>>
      %dma_wait3A_370 = arith.constant 0 : i32
      %dma_wait3A_371 = arith.constant 0 : i32
      %dma_wait3A_372 = tpu.memref_slice %arg3[%dma_wait3A_370, %dma_wait3A_371] : memref<1000000x64xf32, #tpu.memory_space<hbm>> -> memref<1000000x64xf32, #tpu.memory_space<hbm>>
      tpu.wait_indirect_dma semaphore(%arg11 : memref<!tpu.dma_semaphore, #tpu.memory_space<semaphore_mem>>) src(%dma_wait3A_372 : memref<1000000x64xf32, #tpu.memory_space<hbm>>) dst(%dma_wait3A_366 : memref<100x64xf32, #tpu.memory_space<vmem>>)
      %add3A_373 = arith.constant 8 : i32
      %add3A_374 = arith.addi %add3A_361, %add3A_373 : i32
      %lt3A_375 = arith.constant 256 : i32
      %lt3A_376 = arith.cmpi slt, %add3A_374, %lt3A_375 : i32
      %convert_element_type3A_377 = arith.extui %lt3A_376 : i1 to i32
      %cond3A_378 = arith.constant 0 : i32
      %cond3A_379 = arith.cmpi ne, %convert_element_type3A_377, %cond3A_378 : i32
      scf.if %cond3A_379 {
        %dma_start3A_788 = arith.constant 3 : i32
        %dma_start3A_789 = arith.constant 0 : i32
        %dma_start3A_790 = arith.constant 0 : i32
        %dma_start3A_791 = tpu.memref_slice %arg6[%dma_start3A_788, %dma_start3A_789, %dma_start3A_790] : memref<8x100x64xf32, #tpu.memory_space<vmem>> -> memref<1x100x64xf32, #tpu.memory_space<vmem>>
        %dma_start3A_792 = tpu.memref_squeeze %dma_start3A_791 : memref<1x100x64xf32, #tpu.memory_space<vmem>> -> memref<100x64xf32, #tpu.memory_space<vmem>>
        %dma_start3A_793 = arith.constant 0 : i32
        %dma_start3A_794 = tpu.memref_slice %arg5[%add3A_374, %dma_start3A_793] : memref<256x100xi32, #tpu.memory_space<vmem>> -> memref<1x100xi32, #tpu.memory_space<vmem>>
        %dma_start3A_795 = tpu.memref_squeeze %dma_start3A_794 : memref<1x100xi32, #tpu.memory_space<vmem>> -> memref<100xi32, #tpu.memory_space<vmem>>
        %dma_start3A_796 = arith.constant 0 : i32
        %dma_start3A_797 = arith.constant 0 : i32
        %dma_start3A_798 = tpu.memref_slice %arg3[%dma_start3A_796, %dma_start3A_797] : memref<1000000x64xf32, #tpu.memory_space<hbm>> -> memref<1000000x64xf32, #tpu.memory_space<hbm>>
        tpu.enqueue_indirect_dma source(%dma_start3A_798 : memref<1000000x64xf32, #tpu.memory_space<hbm>>) target(%dma_start3A_792 : memref<100x64xf32, #tpu.memory_space<vmem>>) offsets(%dma_start3A_795 : memref<100xi32, #tpu.memory_space<vmem>>) semaphore(%arg11 : memref<!tpu.dma_semaphore, #tpu.memory_space<semaphore_mem>>)
      } else {
      }
      %broadcast_in_dim3A_380 = arith.constant 0.000000e+00 : f32
      %broadcast_in_dim3A_381 = vector.broadcast %broadcast_in_dim3A_380 : f32 to vector<16xf32>
      %scan3A_382 = arith.constant 0 : i32
      %scan3A_383 = arith.constant 10 : i32
      %scan3A_384 = arith.addi %scan3A_382, %scan3A_383 : i32
      %scan3A_385 = arith.constant 1 : i32
      %scan3A_386:4 = scf.for %scan3A_788 = %scan3A_382 to %scan3A_384 step %scan3A_385 iter_args(%scan3A_789 = %broadcast_in_dim3A_381, %scan3A_790 = %broadcast_in_dim3A_381, %scan3A_791 = %broadcast_in_dim3A_381, %scan3A_792 = %broadcast_in_dim3A_381) -> (vector<16xf32>, vector<16xf32>, vector<16xf32>, vector<16xf32>)  : i32 {
        %mul3A_793 = arith.constant 5 : i32
        %mul3A_794 = arith.muli %scan3A_788, %mul3A_793 : i32
        %add3A_795 = arith.constant 0 : i32
        %add3A_796 = arith.addi %add3A_795, %mul3A_794 : i32
        %add3A_797 = arith.constant 0 : i32
        %add3A_798 = arith.addi %add3A_796, %add3A_797 : i32
        %get3A = arith.constant 3 : i32
        %get3A_799 = arith.index_cast %get3A : i32 to index
        %get3A_800 = arith.index_cast %add3A_798 : i32 to index
        %get3A_801 = arith.constant 0 : index
        %get3A_802 = tpu.vector_load %arg6[%get3A_799, %get3A_800, %get3A_801] {strides = array<i32>} : memref<8x100x64xf32, #tpu.memory_space<vmem>>, vector<1x1x16xf32>,
        %get3A_803 = vector.shape_cast %get3A_802 : vector<1x1x16xf32> to vector<16xf32>
        %add3A_804 = arith.addf %scan3A_789, %get3A_803 : vector<16xf32>
        %get3A_805 = arith.constant 3 : i32
        %get3A_806 = arith.index_cast %get3A_805 : i32 to index
        %get3A_807 = arith.index_cast %add3A_798 : i32 to index
        %get3A_808 = arith.constant 16 : index
        %get3A_809 = tpu.vector_load %arg6[%get3A_806, %get3A_807, %get3A_808] {strides = array<i32>} : memref<8x100x64xf32, #tpu.memory_space<vmem>>, vector<1x1x16xf32>,
        %get3A_810 = vector.shape_cast %get3A_809 : vector<1x1x16xf32> to vector<16xf32>
        %add3A_811 = arith.addf %scan3A_790, %get3A_810 : vector<16xf32>
        %get3A_812 = arith.constant 3 : i32
        %get3A_813 = arith.index_cast %get3A_812 : i32 to index
        %get3A_814 = arith.index_cast %add3A_798 : i32 to index
        %get3A_815 = arith.constant 32 : index
        %get3A_816 = tpu.vector_load %arg6[%get3A_813, %get3A_814, %get3A_815] {strides = array<i32>} : memref<8x100x64xf32, #tpu.memory_space<vmem>>, vector<1x1x16xf32>,
        %get3A_817 = vector.shape_cast %get3A_816 : vector<1x1x16xf32> to vector<16xf32>
        %add3A_818 = arith.addf %scan3A_791, %get3A_817 : vector<16xf32>
        %get3A_819 = arith.constant 3 : i32
        %get3A_820 = arith.index_cast %get3A_819 : i32 to index
        %get3A_821 = arith.index_cast %add3A_798 : i32 to index
        %get3A_822 = arith.constant 48 : index
        %get3A_823 = tpu.vector_load %arg6[%get3A_820, %get3A_821, %get3A_822] {strides = array<i32>} : memref<8x100x64xf32, #tpu.memory_space<vmem>>, vector<1x1x16xf32>,
        %get3A_824 = vector.shape_cast %get3A_823 : vector<1x1x16xf32> to vector<16xf32>
        %add3A_825 = arith.addf %scan3A_792, %get3A_824 : vector<16xf32>
        %mul3A_826 = arith.constant 5 : i32
        %mul3A_827 = arith.muli %scan3A_788, %mul3A_826 : i32
        %add3A_828 = arith.constant 0 : i32
        %add3A_829 = arith.addi %add3A_828, %mul3A_827 : i32
        %add3A_830 = arith.constant 1 : i32
        %add3A_831 = arith.addi %add3A_829, %add3A_830 : i32
        %get3A_832 = arith.constant 3 : i32
        %get3A_833 = arith.index_cast %get3A_832 : i32 to index
        %get3A_834 = arith.index_cast %add3A_831 : i32 to index
        %get3A_835 = arith.constant 0 : index
        %get3A_836 = tpu.vector_load %arg6[%get3A_833, %get3A_834, %get3A_835] {strides = array<i32>} : memref<8x100x64xf32, #tpu.memory_space<vmem>>, vector<1x1x16xf32>,
        %get3A_837 = vector.shape_cast %get3A_836 : vector<1x1x16xf32> to vector<16xf32>
        %add3A_838 = arith.addf %add3A_804, %get3A_837 : vector<16xf32>
        %get3A_839 = arith.constant 3 : i32
        %get3A_840 = arith.index_cast %get3A_839 : i32 to index
        %get3A_841 = arith.index_cast %add3A_831 : i32 to index
        %get3A_842 = arith.constant 16 : index
        %get3A_843 = tpu.vector_load %arg6[%get3A_840, %get3A_841, %get3A_842] {strides = array<i32>} : memref<8x100x64xf32, #tpu.memory_space<vmem>>, vector<1x1x16xf32>,
        %get3A_844 = vector.shape_cast %get3A_843 : vector<1x1x16xf32> to vector<16xf32>
        %add3A_845 = arith.addf %add3A_811, %get3A_844 : vector<16xf32>
        %get3A_846 = arith.constant 3 : i32
        %get3A_847 = arith.index_cast %get3A_846 : i32 to index
        %get3A_848 = arith.index_cast %add3A_831 : i32 to index
        %get3A_849 = arith.constant 32 : index
        %get3A_850 = tpu.vector_load %arg6[%get3A_847, %get3A_848, %get3A_849] {strides = array<i32>} : memref<8x100x64xf32, #tpu.memory_space<vmem>>, vector<1x1x16xf32>,
        %get3A_851 = vector.shape_cast %get3A_850 : vector<1x1x16xf32> to vector<16xf32>
        %add3A_852 = arith.addf %add3A_818, %get3A_851 : vector<16xf32>
        %get3A_853 = arith.constant 3 : i32
        %get3A_854 = arith.index_cast %get3A_853 : i32 to index
        %get3A_855 = arith.index_cast %add3A_831 : i32 to index
        %get3A_856 = arith.constant 48 : index
        %get3A_857 = tpu.vector_load %arg6[%get3A_854, %get3A_855, %get3A_856] {strides = array<i32>} : memref<8x100x64xf32, #tpu.memory_space<vmem>>, vector<1x1x16xf32>,
        %get3A_858 = vector.shape_cast %get3A_857 : vector<1x1x16xf32> to vector<16xf32>
        %add3A_859 = arith.addf %add3A_825, %get3A_858 : vector<16xf32>
        %mul3A_860 = arith.constant 5 : i32
        %mul3A_861 = arith.muli %scan3A_788, %mul3A_860 : i32
        %add3A_862 = arith.constant 0 : i32
        %add3A_863 = arith.addi %add3A_862, %mul3A_861 : i32
        %add3A_864 = arith.constant 2 : i32
        %add3A_865 = arith.addi %add3A_863, %add3A_864 : i32
        %get3A_866 = arith.constant 3 : i32
        %get3A_867 = arith.index_cast %get3A_866 : i32 to index
        %get3A_868 = arith.index_cast %add3A_865 : i32 to index
        %get3A_869 = arith.constant 0 : index
        %get3A_870 = tpu.vector_load %arg6[%get3A_867, %get3A_868, %get3A_869] {strides = array<i32>} : memref<8x100x64xf32, #tpu.memory_space<vmem>>, vector<1x1x16xf32>,
        %get3A_871 = vector.shape_cast %get3A_870 : vector<1x1x16xf32> to vector<16xf32>
        %add3A_872 = arith.addf %add3A_838, %get3A_871 : vector<16xf32>
        %get3A_873 = arith.constant 3 : i32
        %get3A_874 = arith.index_cast %get3A_873 : i32 to index
        %get3A_875 = arith.index_cast %add3A_865 : i32 to index
        %get3A_876 = arith.constant 16 : index
        %get3A_877 = tpu.vector_load %arg6[%get3A_874, %get3A_875, %get3A_876] {strides = array<i32>} : memref<8x100x64xf32, #tpu.memory_space<vmem>>, vector<1x1x16xf32>,
        %get3A_878 = vector.shape_cast %get3A_877 : vector<1x1x16xf32> to vector<16xf32>
        %add3A_879 = arith.addf %add3A_845, %get3A_878 : vector<16xf32>
        %get3A_880 = arith.constant 3 : i32
        %get3A_881 = arith.index_cast %get3A_880 : i32 to index
        %get3A_882 = arith.index_cast %add3A_865 : i32 to index
        %get3A_883 = arith.constant 32 : index
        %get3A_884 = tpu.vector_load %arg6[%get3A_881, %get3A_882, %get3A_883] {strides = array<i32>} : memref<8x100x64xf32, #tpu.memory_space<vmem>>, vector<1x1x16xf32>,
        %get3A_885 = vector.shape_cast %get3A_884 : vector<1x1x16xf32> to vector<16xf32>
        %add3A_886 = arith.addf %add3A_852, %get3A_885 : vector<16xf32>
        %get3A_887 = arith.constant 3 : i32
        %get3A_888 = arith.index_cast %get3A_887 : i32 to index
        %get3A_889 = arith.index_cast %add3A_865 : i32 to index
        %get3A_890 = arith.constant 48 : index
        %get3A_891 = tpu.vector_load %arg6[%get3A_888, %get3A_889, %get3A_890] {strides = array<i32>} : memref<8x100x64xf32, #tpu.memory_space<vmem>>, vector<1x1x16xf32>,
        %get3A_892 = vector.shape_cast %get3A_891 : vector<1x1x16xf32> to vector<16xf32>
        %add3A_893 = arith.addf %add3A_859, %get3A_892 : vector<16xf32>
        %mul3A_894 = arith.constant 5 : i32
        %mul3A_895 = arith.muli %scan3A_788, %mul3A_894 : i32
        %add3A_896 = arith.constant 0 : i32
        %add3A_897 = arith.addi %add3A_896, %mul3A_895 : i32
        %add3A_898 = arith.constant 3 : i32
        %add3A_899 = arith.addi %add3A_897, %add3A_898 : i32
        %get3A_900 = arith.constant 3 : i32
        %get3A_901 = arith.index_cast %get3A_900 : i32 to index
        %get3A_902 = arith.index_cast %add3A_899 : i32 to index
        %get3A_903 = arith.constant 0 : index
        %get3A_904 = tpu.vector_load %arg6[%get3A_901, %get3A_902, %get3A_903] {strides = array<i32>} : memref<8x100x64xf32, #tpu.memory_space<vmem>>, vector<1x1x16xf32>,
        %get3A_905 = vector.shape_cast %get3A_904 : vector<1x1x16xf32> to vector<16xf32>
        %add3A_906 = arith.addf %add3A_872, %get3A_905 : vector<16xf32>
        %get3A_907 = arith.constant 3 : i32
        %get3A_908 = arith.index_cast %get3A_907 : i32 to index
        %get3A_909 = arith.index_cast %add3A_899 : i32 to index
        %get3A_910 = arith.constant 16 : index
        %get3A_911 = tpu.vector_load %arg6[%get3A_908, %get3A_909, %get3A_910] {strides = array<i32>} : memref<8x100x64xf32, #tpu.memory_space<vmem>>, vector<1x1x16xf32>,
        %get3A_912 = vector.shape_cast %get3A_911 : vector<1x1x16xf32> to vector<16xf32>
        %add3A_913 = arith.addf %add3A_879, %get3A_912 : vector<16xf32>
        %get3A_914 = arith.constant 3 : i32
        %get3A_915 = arith.index_cast %get3A_914 : i32 to index
        %get3A_916 = arith.index_cast %add3A_899 : i32 to index
        %get3A_917 = arith.constant 32 : index
        %get3A_918 = tpu.vector_load %arg6[%get3A_915, %get3A_916, %get3A_917] {strides = array<i32>} : memref<8x100x64xf32, #tpu.memory_space<vmem>>, vector<1x1x16xf32>,
        %get3A_919 = vector.shape_cast %get3A_918 : vector<1x1x16xf32> to vector<16xf32>
        %add3A_920 = arith.addf %add3A_886, %get3A_919 : vector<16xf32>
        %get3A_921 = arith.constant 3 : i32
        %get3A_922 = arith.index_cast %get3A_921 : i32 to index
        %get3A_923 = arith.index_cast %add3A_899 : i32 to index
        %get3A_924 = arith.constant 48 : index
        %get3A_925 = tpu.vector_load %arg6[%get3A_922, %get3A_923, %get3A_924] {strides = array<i32>} : memref<8x100x64xf32, #tpu.memory_space<vmem>>, vector<1x1x16xf32>,
        %get3A_926 = vector.shape_cast %get3A_925 : vector<1x1x16xf32> to vector<16xf32>
        %add3A_927 = arith.addf %add3A_893, %get3A_926 : vector<16xf32>
        %mul3A_928 = arith.constant 5 : i32
        %mul3A_929 = arith.muli %scan3A_788, %mul3A_928 : i32
        %add3A_930 = arith.constant 0 : i32
        %add3A_931 = arith.addi %add3A_930, %mul3A_929 : i32
        %add3A_932 = arith.constant 4 : i32
        %add3A_933 = arith.addi %add3A_931, %add3A_932 : i32
        %get3A_934 = arith.constant 3 : i32
        %get3A_935 = arith.index_cast %get3A_934 : i32 to index
        %get3A_936 = arith.index_cast %add3A_933 : i32 to index
        %get3A_937 = arith.constant 0 : index
        %get3A_938 = tpu.vector_load %arg6[%get3A_935, %get3A_936, %get3A_937] {strides = array<i32>} : memref<8x100x64xf32, #tpu.memory_space<vmem>>, vector<1x1x16xf32>,
        %get3A_939 = vector.shape_cast %get3A_938 : vector<1x1x16xf32> to vector<16xf32>
        %add3A_940 = arith.addf %add3A_906, %get3A_939 : vector<16xf32>
        %get3A_941 = arith.constant 3 : i32
        %get3A_942 = arith.index_cast %get3A_941 : i32 to index
        %get3A_943 = arith.index_cast %add3A_933 : i32 to index
        %get3A_944 = arith.constant 16 : index
        %get3A_945 = tpu.vector_load %arg6[%get3A_942, %get3A_943, %get3A_944] {strides = array<i32>} : memref<8x100x64xf32, #tpu.memory_space<vmem>>, vector<1x1x16xf32>,
        %get3A_946 = vector.shape_cast %get3A_945 : vector<1x1x16xf32> to vector<16xf32>
        %add3A_947 = arith.addf %add3A_913, %get3A_946 : vector<16xf32>
        %get3A_948 = arith.constant 3 : i32
        %get3A_949 = arith.index_cast %get3A_948 : i32 to index
        %get3A_950 = arith.index_cast %add3A_933 : i32 to index
        %get3A_951 = arith.constant 32 : index
        %get3A_952 = tpu.vector_load %arg6[%get3A_949, %get3A_950, %get3A_951] {strides = array<i32>} : memref<8x100x64xf32, #tpu.memory_space<vmem>>, vector<1x1x16xf32>,
        %get3A_953 = vector.shape_cast %get3A_952 : vector<1x1x16xf32> to vector<16xf32>
        %add3A_954 = arith.addf %add3A_920, %get3A_953 : vector<16xf32>
        %get3A_955 = arith.constant 3 : i32
        %get3A_956 = arith.index_cast %get3A_955 : i32 to index
        %get3A_957 = arith.index_cast %add3A_933 : i32 to index
        %get3A_958 = arith.constant 48 : index
        %get3A_959 = tpu.vector_load %arg6[%get3A_956, %get3A_957, %get3A_958] {strides = array<i32>} : memref<8x100x64xf32, #tpu.memory_space<vmem>>, vector<1x1x16xf32>,
        %get3A_960 = vector.shape_cast %get3A_959 : vector<1x1x16xf32> to vector<16xf32>
        %add3A_961 = arith.addf %add3A_927, %get3A_960 : vector<16xf32>
        scf.yield %add3A_940, %add3A_947, %add3A_954, %add3A_961 : vector<16xf32>, vector<16xf32>, vector<16xf32>, vector<16xf32>
      }
      %scan3A_387 = arith.constant 10 : i32
      %mul3A_388 = arith.constant 2 : i32
      %mul3A_389 = arith.muli %mul3A_388, %add3A_361 : i32
      %add3A_390 = arith.constant 0 : i32
      %add3A_391 = arith.addi %mul3A_389, %add3A_390 : i32
      %swap3A_392 = arith.index_cast %add3A_391 : i32 to index
      %swap3A_393 = arith.constant 0 : index
      %swap3A_394 = tpu.vector_load %arg7[%swap3A_392, %swap3A_393] {strides = array<i32>} : memref<512x64xf32, #tpu.memory_space<vmem>>, vector<1x16xf32>,
      %swap3A_395 = vector.shape_cast %swap3A_394 : vector<1x16xf32> to vector<16xf32>
      %swap3A_396 = vector.shape_cast %scan3A_386#0 : vector<16xf32> to vector<1x16xf32>
      tpu.vector_store %arg7[%swap3A_392, %swap3A_393], %swap3A_396 {strides = array<i32>} : memref<512x64xf32, #tpu.memory_space<vmem>>, vector<1x16xf32>,
      %swap3A_397 = arith.index_cast %add3A_391 : i32 to index
      %swap3A_398 = arith.constant 16 : index
      %swap3A_399 = tpu.vector_load %arg7[%swap3A_397, %swap3A_398] {strides = array<i32>} : memref<512x64xf32, #tpu.memory_space<vmem>>, vector<1x16xf32>,
      %swap3A_400 = vector.shape_cast %swap3A_399 : vector<1x16xf32> to vector<16xf32>
      %swap3A_401 = vector.shape_cast %scan3A_386#1 : vector<16xf32> to vector<1x16xf32>
      tpu.vector_store %arg7[%swap3A_397, %swap3A_398], %swap3A_401 {strides = array<i32>} : memref<512x64xf32, #tpu.memory_space<vmem>>, vector<1x16xf32>,
      %swap3A_402 = arith.index_cast %add3A_391 : i32 to index
      %swap3A_403 = arith.constant 32 : index
      %swap3A_404 = tpu.vector_load %arg7[%swap3A_402, %swap3A_403] {strides = array<i32>} : memref<512x64xf32, #tpu.memory_space<vmem>>, vector<1x16xf32>,
      %swap3A_405 = vector.shape_cast %swap3A_404 : vector<1x16xf32> to vector<16xf32>
      %swap3A_406 = vector.shape_cast %scan3A_386#2 : vector<16xf32> to vector<1x16xf32>
      tpu.vector_store %arg7[%swap3A_402, %swap3A_403], %swap3A_406 {strides = array<i32>} : memref<512x64xf32, #tpu.memory_space<vmem>>, vector<1x16xf32>,
      %swap3A_407 = arith.index_cast %add3A_391 : i32 to index
      %swap3A_408 = arith.constant 48 : index
      %swap3A_409 = tpu.vector_load %arg7[%swap3A_407, %swap3A_408] {strides = array<i32>} : memref<512x64xf32, #tpu.memory_space<vmem>>, vector<1x16xf32>,
      %swap3A_410 = vector.shape_cast %swap3A_409 : vector<1x16xf32> to vector<16xf32>
      %swap3A_411 = vector.shape_cast %scan3A_386#3 : vector<16xf32> to vector<1x16xf32>
      tpu.vector_store %arg7[%swap3A_407, %swap3A_408], %swap3A_411 {strides = array<i32>} : memref<512x64xf32, #tpu.memory_space<vmem>>, vector<1x16xf32>,
      %broadcast_in_dim3A_412 = arith.constant 0.000000e+00 : f32
      %broadcast_in_dim3A_413 = vector.broadcast %broadcast_in_dim3A_412 : f32 to vector<16xf32>
      %scan3A_414 = arith.constant 0 : i32
      %scan3A_415 = arith.constant 10 : i32
      %scan3A_416 = arith.addi %scan3A_414, %scan3A_415 : i32
      %scan3A_417 = arith.constant 1 : i32
      %scan3A_418:4 = scf.for %scan3A_788 = %scan3A_414 to %scan3A_416 step %scan3A_417 iter_args(%scan3A_789 = %broadcast_in_dim3A_413, %scan3A_790 = %broadcast_in_dim3A_413, %scan3A_791 = %broadcast_in_dim3A_413, %scan3A_792 = %broadcast_in_dim3A_413) -> (vector<16xf32>, vector<16xf32>, vector<16xf32>, vector<16xf32>)  : i32 {
        %mul3A_793 = arith.constant 5 : i32
        %mul3A_794 = arith.muli %scan3A_788, %mul3A_793 : i32
        %add3A_795 = arith.constant 50 : i32
        %add3A_796 = arith.addi %add3A_795, %mul3A_794 : i32
        %add3A_797 = arith.constant 0 : i32
        %add3A_798 = arith.addi %add3A_796, %add3A_797 : i32
        %get3A = arith.constant 3 : i32
        %get3A_799 = arith.index_cast %get3A : i32 to index
        %get3A_800 = arith.index_cast %add3A_798 : i32 to index
        %get3A_801 = arith.constant 0 : index
        %get3A_802 = tpu.vector_load %arg6[%get3A_799, %get3A_800, %get3A_801] {strides = array<i32>} : memref<8x100x64xf32, #tpu.memory_space<vmem>>, vector<1x1x16xf32>,
        %get3A_803 = vector.shape_cast %get3A_802 : vector<1x1x16xf32> to vector<16xf32>
        %add3A_804 = arith.addf %scan3A_789, %get3A_803 : vector<16xf32>
        %get3A_805 = arith.constant 3 : i32
        %get3A_806 = arith.index_cast %get3A_805 : i32 to index
        %get3A_807 = arith.index_cast %add3A_798 : i32 to index
        %get3A_808 = arith.constant 16 : index
        %get3A_809 = tpu.vector_load %arg6[%get3A_806, %get3A_807, %get3A_808] {strides = array<i32>} : memref<8x100x64xf32, #tpu.memory_space<vmem>>, vector<1x1x16xf32>,
        %get3A_810 = vector.shape_cast %get3A_809 : vector<1x1x16xf32> to vector<16xf32>
        %add3A_811 = arith.addf %scan3A_790, %get3A_810 : vector<16xf32>
        %get3A_812 = arith.constant 3 : i32
        %get3A_813 = arith.index_cast %get3A_812 : i32 to index
        %get3A_814 = arith.index_cast %add3A_798 : i32 to index
        %get3A_815 = arith.constant 32 : index
        %get3A_816 = tpu.vector_load %arg6[%get3A_813, %get3A_814, %get3A_815] {strides = array<i32>} : memref<8x100x64xf32, #tpu.memory_space<vmem>>, vector<1x1x16xf32>,
        %get3A_817 = vector.shape_cast %get3A_816 : vector<1x1x16xf32> to vector<16xf32>
        %add3A_818 = arith.addf %scan3A_791, %get3A_817 : vector<16xf32>
        %get3A_819 = arith.constant 3 : i32
        %get3A_820 = arith.index_cast %get3A_819 : i32 to index
        %get3A_821 = arith.index_cast %add3A_798 : i32 to index
        %get3A_822 = arith.constant 48 : index
        %get3A_823 = tpu.vector_load %arg6[%get3A_820, %get3A_821, %get3A_822] {strides = array<i32>} : memref<8x100x64xf32, #tpu.memory_space<vmem>>, vector<1x1x16xf32>,
        %get3A_824 = vector.shape_cast %get3A_823 : vector<1x1x16xf32> to vector<16xf32>
        %add3A_825 = arith.addf %scan3A_792, %get3A_824 : vector<16xf32>
        %mul3A_826 = arith.constant 5 : i32
        %mul3A_827 = arith.muli %scan3A_788, %mul3A_826 : i32
        %add3A_828 = arith.constant 50 : i32
        %add3A_829 = arith.addi %add3A_828, %mul3A_827 : i32
        %add3A_830 = arith.constant 1 : i32
        %add3A_831 = arith.addi %add3A_829, %add3A_830 : i32
        %get3A_832 = arith.constant 3 : i32
        %get3A_833 = arith.index_cast %get3A_832 : i32 to index
        %get3A_834 = arith.index_cast %add3A_831 : i32 to index
        %get3A_835 = arith.constant 0 : index
        %get3A_836 = tpu.vector_load %arg6[%get3A_833, %get3A_834, %get3A_835] {strides = array<i32>} : memref<8x100x64xf32, #tpu.memory_space<vmem>>, vector<1x1x16xf32>,
        %get3A_837 = vector.shape_cast %get3A_836 : vector<1x1x16xf32> to vector<16xf32>
        %add3A_838 = arith.addf %add3A_804, %get3A_837 : vector<16xf32>
        %get3A_839 = arith.constant 3 : i32
        %get3A_840 = arith.index_cast %get3A_839 : i32 to index
        %get3A_841 = arith.index_cast %add3A_831 : i32 to index
        %get3A_842 = arith.constant 16 : index
        %get3A_843 = tpu.vector_load %arg6[%get3A_840, %get3A_841, %get3A_842] {strides = array<i32>} : memref<8x100x64xf32, #tpu.memory_space<vmem>>, vector<1x1x16xf32>,
        %get3A_844 = vector.shape_cast %get3A_843 : vector<1x1x16xf32> to vector<16xf32>
        %add3A_845 = arith.addf %add3A_811, %get3A_844 : vector<16xf32>
        %get3A_846 = arith.constant 3 : i32
        %get3A_847 = arith.index_cast %get3A_846 : i32 to index
        %get3A_848 = arith.index_cast %add3A_831 : i32 to index
        %get3A_849 = arith.constant 32 : index
        %get3A_850 = tpu.vector_load %arg6[%get3A_847, %get3A_848, %get3A_849] {strides = array<i32>} : memref<8x100x64xf32, #tpu.memory_space<vmem>>, vector<1x1x16xf32>,
        %get3A_851 = vector.shape_cast %get3A_850 : vector<1x1x16xf32> to vector<16xf32>
        %add3A_852 = arith.addf %add3A_818, %get3A_851 : vector<16xf32>
        %get3A_853 = arith.constant 3 : i32
        %get3A_854 = arith.index_cast %get3A_853 : i32 to index
        %get3A_855 = arith.index_cast %add3A_831 : i32 to index
        %get3A_856 = arith.constant 48 : index
        %get3A_857 = tpu.vector_load %arg6[%get3A_854, %get3A_855, %get3A_856] {strides = array<i32>} : memref<8x100x64xf32, #tpu.memory_space<vmem>>, vector<1x1x16xf32>,
        %get3A_858 = vector.shape_cast %get3A_857 : vector<1x1x16xf32> to vector<16xf32>
        %add3A_859 = arith.addf %add3A_825, %get3A_858 : vector<16xf32>
        %mul3A_860 = arith.constant 5 : i32
        %mul3A_861 = arith.muli %scan3A_788, %mul3A_860 : i32
        %add3A_862 = arith.constant 50 : i32
        %add3A_863 = arith.addi %add3A_862, %mul3A_861 : i32
        %add3A_864 = arith.constant 2 : i32
        %add3A_865 = arith.addi %add3A_863, %add3A_864 : i32
        %get3A_866 = arith.constant 3 : i32
        %get3A_867 = arith.index_cast %get3A_866 : i32 to index
        %get3A_868 = arith.index_cast %add3A_865 : i32 to index
        %get3A_869 = arith.constant 0 : index
        %get3A_870 = tpu.vector_load %arg6[%get3A_867, %get3A_868, %get3A_869] {strides = array<i32>} : memref<8x100x64xf32, #tpu.memory_space<vmem>>, vector<1x1x16xf32>,
        %get3A_871 = vector.shape_cast %get3A_870 : vector<1x1x16xf32> to vector<16xf32>
        %add3A_872 = arith.addf %add3A_838, %get3A_871 : vector<16xf32>
        %get3A_873 = arith.constant 3 : i32
        %get3A_874 = arith.index_cast %get3A_873 : i32 to index
        %get3A_875 = arith.index_cast %add3A_865 : i32 to index
        %get3A_876 = arith.constant 16 : index
        %get3A_877 = tpu.vector_load %arg6[%get3A_874, %get3A_875, %get3A_876] {strides = array<i32>} : memref<8x100x64xf32, #tpu.memory_space<vmem>>, vector<1x1x16xf32>,
        %get3A_878 = vector.shape_cast %get3A_877 : vector<1x1x16xf32> to vector<16xf32>
        %add3A_879 = arith.addf %add3A_845, %get3A_878 : vector<16xf32>
        %get3A_880 = arith.constant 3 : i32
        %get3A_881 = arith.index_cast %get3A_880 : i32 to index
        %get3A_882 = arith.index_cast %add3A_865 : i32 to index
        %get3A_883 = arith.constant 32 : index
        %get3A_884 = tpu.vector_load %arg6[%get3A_881, %get3A_882, %get3A_883] {strides = array<i32>} : memref<8x100x64xf32, #tpu.memory_space<vmem>>, vector<1x1x16xf32>,
        %get3A_885 = vector.shape_cast %get3A_884 : vector<1x1x16xf32> to vector<16xf32>
        %add3A_886 = arith.addf %add3A_852, %get3A_885 : vector<16xf32>
        %get3A_887 = arith.constant 3 : i32
        %get3A_888 = arith.index_cast %get3A_887 : i32 to index
        %get3A_889 = arith.index_cast %add3A_865 : i32 to index
        %get3A_890 = arith.constant 48 : index
        %get3A_891 = tpu.vector_load %arg6[%get3A_888, %get3A_889, %get3A_890] {strides = array<i32>} : memref<8x100x64xf32, #tpu.memory_space<vmem>>, vector<1x1x16xf32>,
        %get3A_892 = vector.shape_cast %get3A_891 : vector<1x1x16xf32> to vector<16xf32>
        %add3A_893 = arith.addf %add3A_859, %get3A_892 : vector<16xf32>
        %mul3A_894 = arith.constant 5 : i32
        %mul3A_895 = arith.muli %scan3A_788, %mul3A_894 : i32
        %add3A_896 = arith.constant 50 : i32
        %add3A_897 = arith.addi %add3A_896, %mul3A_895 : i32
        %add3A_898 = arith.constant 3 : i32
        %add3A_899 = arith.addi %add3A_897, %add3A_898 : i32
        %get3A_900 = arith.constant 3 : i32
        %get3A_901 = arith.index_cast %get3A_900 : i32 to index
        %get3A_902 = arith.index_cast %add3A_899 : i32 to index
        %get3A_903 = arith.constant 0 : index
        %get3A_904 = tpu.vector_load %arg6[%get3A_901, %get3A_902, %get3A_903] {strides = array<i32>} : memref<8x100x64xf32, #tpu.memory_space<vmem>>, vector<1x1x16xf32>,
        %get3A_905 = vector.shape_cast %get3A_904 : vector<1x1x16xf32> to vector<16xf32>
        %add3A_906 = arith.addf %add3A_872, %get3A_905 : vector<16xf32>
        %get3A_907 = arith.constant 3 : i32
        %get3A_908 = arith.index_cast %get3A_907 : i32 to index
        %get3A_909 = arith.index_cast %add3A_899 : i32 to index
        %get3A_910 = arith.constant 16 : index
        %get3A_911 = tpu.vector_load %arg6[%get3A_908, %get3A_909, %get3A_910] {strides = array<i32>} : memref<8x100x64xf32, #tpu.memory_space<vmem>>, vector<1x1x16xf32>,
        %get3A_912 = vector.shape_cast %get3A_911 : vector<1x1x16xf32> to vector<16xf32>
        %add3A_913 = arith.addf %add3A_879, %get3A_912 : vector<16xf32>
        %get3A_914 = arith.constant 3 : i32
        %get3A_915 = arith.index_cast %get3A_914 : i32 to index
        %get3A_916 = arith.index_cast %add3A_899 : i32 to index
        %get3A_917 = arith.constant 32 : index
        %get3A_918 = tpu.vector_load %arg6[%get3A_915, %get3A_916, %get3A_917] {strides = array<i32>} : memref<8x100x64xf32, #tpu.memory_space<vmem>>, vector<1x1x16xf32>,
        %get3A_919 = vector.shape_cast %get3A_918 : vector<1x1x16xf32> to vector<16xf32>
        %add3A_920 = arith.addf %add3A_886, %get3A_919 : vector<16xf32>
        %get3A_921 = arith.constant 3 : i32
        %get3A_922 = arith.index_cast %get3A_921 : i32 to index
        %get3A_923 = arith.index_cast %add3A_899 : i32 to index
        %get3A_924 = arith.constant 48 : index
        %get3A_925 = tpu.vector_load %arg6[%get3A_922, %get3A_923, %get3A_924] {strides = array<i32>} : memref<8x100x64xf32, #tpu.memory_space<vmem>>, vector<1x1x16xf32>,
        %get3A_926 = vector.shape_cast %get3A_925 : vector<1x1x16xf32> to vector<16xf32>
        %add3A_927 = arith.addf %add3A_893, %get3A_926 : vector<16xf32>
        %mul3A_928 = arith.constant 5 : i32
        %mul3A_929 = arith.muli %scan3A_788, %mul3A_928 : i32
        %add3A_930 = arith.constant 50 : i32
        %add3A_931 = arith.addi %add3A_930, %mul3A_929 : i32
        %add3A_932 = arith.constant 4 : i32
        %add3A_933 = arith.addi %add3A_931, %add3A_932 : i32
        %get3A_934 = arith.constant 3 : i32
        %get3A_935 = arith.index_cast %get3A_934 : i32 to index
        %get3A_936 = arith.index_cast %add3A_933 : i32 to index
        %get3A_937 = arith.constant 0 : index
        %get3A_938 = tpu.vector_load %arg6[%get3A_935, %get3A_936, %get3A_937] {strides = array<i32>} : memref<8x100x64xf32, #tpu.memory_space<vmem>>, vector<1x1x16xf32>,
        %get3A_939 = vector.shape_cast %get3A_938 : vector<1x1x16xf32> to vector<16xf32>
        %add3A_940 = arith.addf %add3A_906, %get3A_939 : vector<16xf32>
        %get3A_941 = arith.constant 3 : i32
        %get3A_942 = arith.index_cast %get3A_941 : i32 to index
        %get3A_943 = arith.index_cast %add3A_933 : i32 to index
        %get3A_944 = arith.constant 16 : index
        %get3A_945 = tpu.vector_load %arg6[%get3A_942, %get3A_943, %get3A_944] {strides = array<i32>} : memref<8x100x64xf32, #tpu.memory_space<vmem>>, vector<1x1x16xf32>,
        %get3A_946 = vector.shape_cast %get3A_945 : vector<1x1x16xf32> to vector<16xf32>
        %add3A_947 = arith.addf %add3A_913, %get3A_946 : vector<16xf32>
        %get3A_948 = arith.constant 3 : i32
        %get3A_949 = arith.index_cast %get3A_948 : i32 to index
        %get3A_950 = arith.index_cast %add3A_933 : i32 to index
        %get3A_951 = arith.constant 32 : index
        %get3A_952 = tpu.vector_load %arg6[%get3A_949, %get3A_950, %get3A_951] {strides = array<i32>} : memref<8x100x64xf32, #tpu.memory_space<vmem>>, vector<1x1x16xf32>,
        %get3A_953 = vector.shape_cast %get3A_952 : vector<1x1x16xf32> to vector<16xf32>
        %add3A_954 = arith.addf %add3A_920, %get3A_953 : vector<16xf32>
        %get3A_955 = arith.constant 3 : i32
        %get3A_956 = arith.index_cast %get3A_955 : i32 to index
        %get3A_957 = arith.index_cast %add3A_933 : i32 to index
        %get3A_958 = arith.constant 48 : index
        %get3A_959 = tpu.vector_load %arg6[%get3A_956, %get3A_957, %get3A_958] {strides = array<i32>} : memref<8x100x64xf32, #tpu.memory_space<vmem>>, vector<1x1x16xf32>,
        %get3A_960 = vector.shape_cast %get3A_959 : vector<1x1x16xf32> to vector<16xf32>
        %add3A_961 = arith.addf %add3A_927, %get3A_960 : vector<16xf32>
        scf.yield %add3A_940, %add3A_947, %add3A_954, %add3A_961 : vector<16xf32>, vector<16xf32>, vector<16xf32>, vector<16xf32>
      }
      %scan3A_419 = arith.constant 10 : i32
      %mul3A_420 = arith.constant 2 : i32
      %mul3A_421 = arith.muli %mul3A_420, %add3A_361 : i32
      %add3A_422 = arith.constant 1 : i32
      %add3A_423 = arith.addi %mul3A_421, %add3A_422 : i32
      %swap3A_424 = arith.index_cast %add3A_423 : i32 to index
      %swap3A_425 = arith.constant 0 : index
      %swap3A_426 = tpu.vector_load %arg7[%swap3A_424, %swap3A_425] {strides = array<i32>} : memref<512x64xf32, #tpu.memory_space<vmem>>, vector<1x16xf32>,
      %swap3A_427 = vector.shape_cast %swap3A_426 : vector<1x16xf32> to vector<16xf32>
      %swap3A_428 = vector.shape_cast %scan3A_418#0 : vector<16xf32> to vector<1x16xf32>
      tpu.vector_store %arg7[%swap3A_424, %swap3A_425], %swap3A_428 {strides = array<i32>} : memref<512x64xf32, #tpu.memory_space<vmem>>, vector<1x16xf32>,
      %swap3A_429 = arith.index_cast %add3A_423 : i32 to index
      %swap3A_430 = arith.constant 16 : index
      %swap3A_431 = tpu.vector_load %arg7[%swap3A_429, %swap3A_430] {strides = array<i32>} : memref<512x64xf32, #tpu.memory_space<vmem>>, vector<1x16xf32>,
      %swap3A_432 = vector.shape_cast %swap3A_431 : vector<1x16xf32> to vector<16xf32>
      %swap3A_433 = vector.shape_cast %scan3A_418#1 : vector<16xf32> to vector<1x16xf32>
      tpu.vector_store %arg7[%swap3A_429, %swap3A_430], %swap3A_433 {strides = array<i32>} : memref<512x64xf32, #tpu.memory_space<vmem>>, vector<1x16xf32>,
      %swap3A_434 = arith.index_cast %add3A_423 : i32 to index
      %swap3A_435 = arith.constant 32 : index
      %swap3A_436 = tpu.vector_load %arg7[%swap3A_434, %swap3A_435] {strides = array<i32>} : memref<512x64xf32, #tpu.memory_space<vmem>>, vector<1x16xf32>,
      %swap3A_437 = vector.shape_cast %swap3A_436 : vector<1x16xf32> to vector<16xf32>
      %swap3A_438 = vector.shape_cast %scan3A_418#2 : vector<16xf32> to vector<1x16xf32>
      tpu.vector_store %arg7[%swap3A_434, %swap3A_435], %swap3A_438 {strides = array<i32>} : memref<512x64xf32, #tpu.memory_space<vmem>>, vector<1x16xf32>,
      %swap3A_439 = arith.index_cast %add3A_423 : i32 to index
      %swap3A_440 = arith.constant 48 : index
      %swap3A_441 = tpu.vector_load %arg7[%swap3A_439, %swap3A_440] {strides = array<i32>} : memref<512x64xf32, #tpu.memory_space<vmem>>, vector<1x16xf32>,
      %swap3A_442 = vector.shape_cast %swap3A_441 : vector<1x16xf32> to vector<16xf32>
      %swap3A_443 = vector.shape_cast %scan3A_418#3 : vector<16xf32> to vector<1x16xf32>
      tpu.vector_store %arg7[%swap3A_439, %swap3A_440], %swap3A_443 {strides = array<i32>} : memref<512x64xf32, #tpu.memory_space<vmem>>, vector<1x16xf32>,
      %mul3A_444 = arith.constant 8 : i32
      %mul3A_445 = arith.muli %scan3A_105, %mul3A_444 : i32
      %add3A_446 = arith.constant 4 : i32
      %add3A_447 = arith.addi %mul3A_445, %add3A_446 : i32
      %dma_wait3A_448 = arith.constant 4 : i32
      %dma_wait3A_449 = arith.constant 0 : i32
      %dma_wait3A_450 = arith.constant 0 : i32
      %dma_wait3A_451 = tpu.memref_slice %arg6[%dma_wait3A_448, %dma_wait3A_449, %dma_wait3A_450] : memref<8x100x64xf32, #tpu.memory_space<vmem>> -> memref<1x100x64xf32, #tpu.memory_space<vmem>>
      %dma_wait3A_452 = tpu.memref_squeeze %dma_wait3A_451 : memref<1x100x64xf32, #tpu.memory_space<vmem>> -> memref<100x64xf32, #tpu.memory_space<vmem>>
      %dma_wait3A_453 = arith.constant 0 : i32
      %dma_wait3A_454 = tpu.memref_slice %arg5[%add3A_447, %dma_wait3A_453] : memref<256x100xi32, #tpu.memory_space<vmem>> -> memref<1x100xi32, #tpu.memory_space<vmem>>
      %dma_wait3A_455 = tpu.memref_squeeze %dma_wait3A_454 : memref<1x100xi32, #tpu.memory_space<vmem>> -> memref<100xi32, #tpu.memory_space<vmem>>
      %dma_wait3A_456 = arith.constant 0 : i32
      %dma_wait3A_457 = arith.constant 0 : i32
      %dma_wait3A_458 = tpu.memref_slice %arg3[%dma_wait3A_456, %dma_wait3A_457] : memref<1000000x64xf32, #tpu.memory_space<hbm>> -> memref<1000000x64xf32, #tpu.memory_space<hbm>>
      tpu.wait_indirect_dma semaphore(%arg12 : memref<!tpu.dma_semaphore, #tpu.memory_space<semaphore_mem>>) src(%dma_wait3A_458 : memref<1000000x64xf32, #tpu.memory_space<hbm>>) dst(%dma_wait3A_452 : memref<100x64xf32, #tpu.memory_space<vmem>>)
      %add3A_459 = arith.constant 8 : i32
      %add3A_460 = arith.addi %add3A_447, %add3A_459 : i32
      %lt3A_461 = arith.constant 256 : i32
      %lt3A_462 = arith.cmpi slt, %add3A_460, %lt3A_461 : i32
      %convert_element_type3A_463 = arith.extui %lt3A_462 : i1 to i32
      %cond3A_464 = arith.constant 0 : i32
      %cond3A_465 = arith.cmpi ne, %convert_element_type3A_463, %cond3A_464 : i32
      scf.if %cond3A_465 {
        %dma_start3A_788 = arith.constant 4 : i32
        %dma_start3A_789 = arith.constant 0 : i32
        %dma_start3A_790 = arith.constant 0 : i32
        %dma_start3A_791 = tpu.memref_slice %arg6[%dma_start3A_788, %dma_start3A_789, %dma_start3A_790] : memref<8x100x64xf32, #tpu.memory_space<vmem>> -> memref<1x100x64xf32, #tpu.memory_space<vmem>>
        %dma_start3A_792 = tpu.memref_squeeze %dma_start3A_791 : memref<1x100x64xf32, #tpu.memory_space<vmem>> -> memref<100x64xf32, #tpu.memory_space<vmem>>
        %dma_start3A_793 = arith.constant 0 : i32
        %dma_start3A_794 = tpu.memref_slice %arg5[%add3A_460, %dma_start3A_793] : memref<256x100xi32, #tpu.memory_space<vmem>> -> memref<1x100xi32, #tpu.memory_space<vmem>>
        %dma_start3A_795 = tpu.memref_squeeze %dma_start3A_794 : memref<1x100xi32, #tpu.memory_space<vmem>> -> memref<100xi32, #tpu.memory_space<vmem>>
        %dma_start3A_796 = arith.constant 0 : i32
        %dma_start3A_797 = arith.constant 0 : i32
        %dma_start3A_798 = tpu.memref_slice %arg3[%dma_start3A_796, %dma_start3A_797] : memref<1000000x64xf32, #tpu.memory_space<hbm>> -> memref<1000000x64xf32, #tpu.memory_space<hbm>>
        tpu.enqueue_indirect_dma source(%dma_start3A_798 : memref<1000000x64xf32, #tpu.memory_space<hbm>>) target(%dma_start3A_792 : memref<100x64xf32, #tpu.memory_space<vmem>>) offsets(%dma_start3A_795 : memref<100xi32, #tpu.memory_space<vmem>>) semaphore(%arg12 : memref<!tpu.dma_semaphore, #tpu.memory_space<semaphore_mem>>)
      } else {
      }
      %broadcast_in_dim3A_466 = arith.constant 0.000000e+00 : f32
      %broadcast_in_dim3A_467 = vector.broadcast %broadcast_in_dim3A_466 : f32 to vector<16xf32>
      %scan3A_468 = arith.constant 0 : i32
      %scan3A_469 = arith.constant 10 : i32
      %scan3A_470 = arith.addi %scan3A_468, %scan3A_469 : i32
      %scan3A_471 = arith.constant 1 : i32
      %scan3A_472:4 = scf.for %scan3A_788 = %scan3A_468 to %scan3A_470 step %scan3A_471 iter_args(%scan3A_789 = %broadcast_in_dim3A_467, %scan3A_790 = %broadcast_in_dim3A_467, %scan3A_791 = %broadcast_in_dim3A_467, %scan3A_792 = %broadcast_in_dim3A_467) -> (vector<16xf32>, vector<16xf32>, vector<16xf32>, vector<16xf32>)  : i32 {
        %mul3A_793 = arith.constant 5 : i32
        %mul3A_794 = arith.muli %scan3A_788, %mul3A_793 : i32
        %add3A_795 = arith.constant 0 : i32
        %add3A_796 = arith.addi %add3A_795, %mul3A_794 : i32
        %add3A_797 = arith.constant 0 : i32
        %add3A_798 = arith.addi %add3A_796, %add3A_797 : i32
        %get3A = arith.constant 4 : i32
        %get3A_799 = arith.index_cast %get3A : i32 to index
        %get3A_800 = arith.index_cast %add3A_798 : i32 to index
        %get3A_801 = arith.constant 0 : index
        %get3A_802 = tpu.vector_load %arg6[%get3A_799, %get3A_800, %get3A_801] {strides = array<i32>} : memref<8x100x64xf32, #tpu.memory_space<vmem>>, vector<1x1x16xf32>,
        %get3A_803 = vector.shape_cast %get3A_802 : vector<1x1x16xf32> to vector<16xf32>
        %add3A_804 = arith.addf %scan3A_789, %get3A_803 : vector<16xf32>
        %get3A_805 = arith.constant 4 : i32
        %get3A_806 = arith.index_cast %get3A_805 : i32 to index
        %get3A_807 = arith.index_cast %add3A_798 : i32 to index
        %get3A_808 = arith.constant 16 : index
        %get3A_809 = tpu.vector_load %arg6[%get3A_806, %get3A_807, %get3A_808] {strides = array<i32>} : memref<8x100x64xf32, #tpu.memory_space<vmem>>, vector<1x1x16xf32>,
        %get3A_810 = vector.shape_cast %get3A_809 : vector<1x1x16xf32> to vector<16xf32>
        %add3A_811 = arith.addf %scan3A_790, %get3A_810 : vector<16xf32>
        %get3A_812 = arith.constant 4 : i32
        %get3A_813 = arith.index_cast %get3A_812 : i32 to index
        %get3A_814 = arith.index_cast %add3A_798 : i32 to index
        %get3A_815 = arith.constant 32 : index
        %get3A_816 = tpu.vector_load %arg6[%get3A_813, %get3A_814, %get3A_815] {strides = array<i32>} : memref<8x100x64xf32, #tpu.memory_space<vmem>>, vector<1x1x16xf32>,
        %get3A_817 = vector.shape_cast %get3A_816 : vector<1x1x16xf32> to vector<16xf32>
        %add3A_818 = arith.addf %scan3A_791, %get3A_817 : vector<16xf32>
        %get3A_819 = arith.constant 4 : i32
        %get3A_820 = arith.index_cast %get3A_819 : i32 to index
        %get3A_821 = arith.index_cast %add3A_798 : i32 to index
        %get3A_822 = arith.constant 48 : index
        %get3A_823 = tpu.vector_load %arg6[%get3A_820, %get3A_821, %get3A_822] {strides = array<i32>} : memref<8x100x64xf32, #tpu.memory_space<vmem>>, vector<1x1x16xf32>,
        %get3A_824 = vector.shape_cast %get3A_823 : vector<1x1x16xf32> to vector<16xf32>
        %add3A_825 = arith.addf %scan3A_792, %get3A_824 : vector<16xf32>
        %mul3A_826 = arith.constant 5 : i32
        %mul3A_827 = arith.muli %scan3A_788, %mul3A_826 : i32
        %add3A_828 = arith.constant 0 : i32
        %add3A_829 = arith.addi %add3A_828, %mul3A_827 : i32
        %add3A_830 = arith.constant 1 : i32
        %add3A_831 = arith.addi %add3A_829, %add3A_830 : i32
        %get3A_832 = arith.constant 4 : i32
        %get3A_833 = arith.index_cast %get3A_832 : i32 to index
        %get3A_834 = arith.index_cast %add3A_831 : i32 to index
        %get3A_835 = arith.constant 0 : index
        %get3A_836 = tpu.vector_load %arg6[%get3A_833, %get3A_834, %get3A_835] {strides = array<i32>} : memref<8x100x64xf32, #tpu.memory_space<vmem>>, vector<1x1x16xf32>,
        %get3A_837 = vector.shape_cast %get3A_836 : vector<1x1x16xf32> to vector<16xf32>
        %add3A_838 = arith.addf %add3A_804, %get3A_837 : vector<16xf32>
        %get3A_839 = arith.constant 4 : i32
        %get3A_840 = arith.index_cast %get3A_839 : i32 to index
        %get3A_841 = arith.index_cast %add3A_831 : i32 to index
        %get3A_842 = arith.constant 16 : index
        %get3A_843 = tpu.vector_load %arg6[%get3A_840, %get3A_841, %get3A_842] {strides = array<i32>} : memref<8x100x64xf32, #tpu.memory_space<vmem>>, vector<1x1x16xf32>,
        %get3A_844 = vector.shape_cast %get3A_843 : vector<1x1x16xf32> to vector<16xf32>
        %add3A_845 = arith.addf %add3A_811, %get3A_844 : vector<16xf32>
        %get3A_846 = arith.constant 4 : i32
        %get3A_847 = arith.index_cast %get3A_846 : i32 to index
        %get3A_848 = arith.index_cast %add3A_831 : i32 to index
        %get3A_849 = arith.constant 32 : index
        %get3A_850 = tpu.vector_load %arg6[%get3A_847, %get3A_848, %get3A_849] {strides = array<i32>} : memref<8x100x64xf32, #tpu.memory_space<vmem>>, vector<1x1x16xf32>,
        %get3A_851 = vector.shape_cast %get3A_850 : vector<1x1x16xf32> to vector<16xf32>
        %add3A_852 = arith.addf %add3A_818, %get3A_851 : vector<16xf32>
        %get3A_853 = arith.constant 4 : i32
        %get3A_854 = arith.index_cast %get3A_853 : i32 to index
        %get3A_855 = arith.index_cast %add3A_831 : i32 to index
        %get3A_856 = arith.constant 48 : index
        %get3A_857 = tpu.vector_load %arg6[%get3A_854, %get3A_855, %get3A_856] {strides = array<i32>} : memref<8x100x64xf32, #tpu.memory_space<vmem>>, vector<1x1x16xf32>,
        %get3A_858 = vector.shape_cast %get3A_857 : vector<1x1x16xf32> to vector<16xf32>
        %add3A_859 = arith.addf %add3A_825, %get3A_858 : vector<16xf32>
        %mul3A_860 = arith.constant 5 : i32
        %mul3A_861 = arith.muli %scan3A_788, %mul3A_860 : i32
        %add3A_862 = arith.constant 0 : i32
        %add3A_863 = arith.addi %add3A_862, %mul3A_861 : i32
        %add3A_864 = arith.constant 2 : i32
        %add3A_865 = arith.addi %add3A_863, %add3A_864 : i32
        %get3A_866 = arith.constant 4 : i32
        %get3A_867 = arith.index_cast %get3A_866 : i32 to index
        %get3A_868 = arith.index_cast %add3A_865 : i32 to index
        %get3A_869 = arith.constant 0 : index
        %get3A_870 = tpu.vector_load %arg6[%get3A_867, %get3A_868, %get3A_869] {strides = array<i32>} : memref<8x100x64xf32, #tpu.memory_space<vmem>>, vector<1x1x16xf32>,
        %get3A_871 = vector.shape_cast %get3A_870 : vector<1x1x16xf32> to vector<16xf32>
        %add3A_872 = arith.addf %add3A_838, %get3A_871 : vector<16xf32>
        %get3A_873 = arith.constant 4 : i32
        %get3A_874 = arith.index_cast %get3A_873 : i32 to index
        %get3A_875 = arith.index_cast %add3A_865 : i32 to index
        %get3A_876 = arith.constant 16 : index
        %get3A_877 = tpu.vector_load %arg6[%get3A_874, %get3A_875, %get3A_876] {strides = array<i32>} : memref<8x100x64xf32, #tpu.memory_space<vmem>>, vector<1x1x16xf32>,
        %get3A_878 = vector.shape_cast %get3A_877 : vector<1x1x16xf32> to vector<16xf32>
        %add3A_879 = arith.addf %add3A_845, %get3A_878 : vector<16xf32>
        %get3A_880 = arith.constant 4 : i32
        %get3A_881 = arith.index_cast %get3A_880 : i32 to index
        %get3A_882 = arith.index_cast %add3A_865 : i32 to index
        %get3A_883 = arith.constant 32 : index
        %get3A_884 = tpu.vector_load %arg6[%get3A_881, %get3A_882, %get3A_883] {strides = array<i32>} : memref<8x100x64xf32, #tpu.memory_space<vmem>>, vector<1x1x16xf32>,
        %get3A_885 = vector.shape_cast %get3A_884 : vector<1x1x16xf32> to vector<16xf32>
        %add3A_886 = arith.addf %add3A_852, %get3A_885 : vector<16xf32>
        %get3A_887 = arith.constant 4 : i32
        %get3A_888 = arith.index_cast %get3A_887 : i32 to index
        %get3A_889 = arith.index_cast %add3A_865 : i32 to index
        %get3A_890 = arith.constant 48 : index
        %get3A_891 = tpu.vector_load %arg6[%get3A_888, %get3A_889, %get3A_890] {strides = array<i32>} : memref<8x100x64xf32, #tpu.memory_space<vmem>>, vector<1x1x16xf32>,
        %get3A_892 = vector.shape_cast %get3A_891 : vector<1x1x16xf32> to vector<16xf32>
        %add3A_893 = arith.addf %add3A_859, %get3A_892 : vector<16xf32>
        %mul3A_894 = arith.constant 5 : i32
        %mul3A_895 = arith.muli %scan3A_788, %mul3A_894 : i32
        %add3A_896 = arith.constant 0 : i32
        %add3A_897 = arith.addi %add3A_896, %mul3A_895 : i32
        %add3A_898 = arith.constant 3 : i32
        %add3A_899 = arith.addi %add3A_897, %add3A_898 : i32
        %get3A_900 = arith.constant 4 : i32
        %get3A_901 = arith.index_cast %get3A_900 : i32 to index
        %get3A_902 = arith.index_cast %add3A_899 : i32 to index
        %get3A_903 = arith.constant 0 : index
        %get3A_904 = tpu.vector_load %arg6[%get3A_901, %get3A_902, %get3A_903] {strides = array<i32>} : memref<8x100x64xf32, #tpu.memory_space<vmem>>, vector<1x1x16xf32>,
        %get3A_905 = vector.shape_cast %get3A_904 : vector<1x1x16xf32> to vector<16xf32>
        %add3A_906 = arith.addf %add3A_872, %get3A_905 : vector<16xf32>
        %get3A_907 = arith.constant 4 : i32
        %get3A_908 = arith.index_cast %get3A_907 : i32 to index
        %get3A_909 = arith.index_cast %add3A_899 : i32 to index
        %get3A_910 = arith.constant 16 : index
        %get3A_911 = tpu.vector_load %arg6[%get3A_908, %get3A_909, %get3A_910] {strides = array<i32>} : memref<8x100x64xf32, #tpu.memory_space<vmem>>, vector<1x1x16xf32>,
        %get3A_912 = vector.shape_cast %get3A_911 : vector<1x1x16xf32> to vector<16xf32>
        %add3A_913 = arith.addf %add3A_879, %get3A_912 : vector<16xf32>
        %get3A_914 = arith.constant 4 : i32
        %get3A_915 = arith.index_cast %get3A_914 : i32 to index
        %get3A_916 = arith.index_cast %add3A_899 : i32 to index
        %get3A_917 = arith.constant 32 : index
        %get3A_918 = tpu.vector_load %arg6[%get3A_915, %get3A_916, %get3A_917] {strides = array<i32>} : memref<8x100x64xf32, #tpu.memory_space<vmem>>, vector<1x1x16xf32>,
        %get3A_919 = vector.shape_cast %get3A_918 : vector<1x1x16xf32> to vector<16xf32>
        %add3A_920 = arith.addf %add3A_886, %get3A_919 : vector<16xf32>
        %get3A_921 = arith.constant 4 : i32
        %get3A_922 = arith.index_cast %get3A_921 : i32 to index
        %get3A_923 = arith.index_cast %add3A_899 : i32 to index
        %get3A_924 = arith.constant 48 : index
        %get3A_925 = tpu.vector_load %arg6[%get3A_922, %get3A_923, %get3A_924] {strides = array<i32>} : memref<8x100x64xf32, #tpu.memory_space<vmem>>, vector<1x1x16xf32>,
        %get3A_926 = vector.shape_cast %get3A_925 : vector<1x1x16xf32> to vector<16xf32>
        %add3A_927 = arith.addf %add3A_893, %get3A_926 : vector<16xf32>
        %mul3A_928 = arith.constant 5 : i32
        %mul3A_929 = arith.muli %scan3A_788, %mul3A_928 : i32
        %add3A_930 = arith.constant 0 : i32
        %add3A_931 = arith.addi %add3A_930, %mul3A_929 : i32
        %add3A_932 = arith.constant 4 : i32
        %add3A_933 = arith.addi %add3A_931, %add3A_932 : i32
        %get3A_934 = arith.constant 4 : i32
        %get3A_935 = arith.index_cast %get3A_934 : i32 to index
        %get3A_936 = arith.index_cast %add3A_933 : i32 to index
        %get3A_937 = arith.constant 0 : index
        %get3A_938 = tpu.vector_load %arg6[%get3A_935, %get3A_936, %get3A_937] {strides = array<i32>} : memref<8x100x64xf32, #tpu.memory_space<vmem>>, vector<1x1x16xf32>,
        %get3A_939 = vector.shape_cast %get3A_938 : vector<1x1x16xf32> to vector<16xf32>
        %add3A_940 = arith.addf %add3A_906, %get3A_939 : vector<16xf32>
        %get3A_941 = arith.constant 4 : i32
        %get3A_942 = arith.index_cast %get3A_941 : i32 to index
        %get3A_943 = arith.index_cast %add3A_933 : i32 to index
        %get3A_944 = arith.constant 16 : index
        %get3A_945 = tpu.vector_load %arg6[%get3A_942, %get3A_943, %get3A_944] {strides = array<i32>} : memref<8x100x64xf32, #tpu.memory_space<vmem>>, vector<1x1x16xf32>,
        %get3A_946 = vector.shape_cast %get3A_945 : vector<1x1x16xf32> to vector<16xf32>
        %add3A_947 = arith.addf %add3A_913, %get3A_946 : vector<16xf32>
        %get3A_948 = arith.constant 4 : i32
        %get3A_949 = arith.index_cast %get3A_948 : i32 to index
        %get3A_950 = arith.index_cast %add3A_933 : i32 to index
        %get3A_951 = arith.constant 32 : index
        %get3A_952 = tpu.vector_load %arg6[%get3A_949, %get3A_950, %get3A_951] {strides = array<i32>} : memref<8x100x64xf32, #tpu.memory_space<vmem>>, vector<1x1x16xf32>,
        %get3A_953 = vector.shape_cast %get3A_952 : vector<1x1x16xf32> to vector<16xf32>
        %add3A_954 = arith.addf %add3A_920, %get3A_953 : vector<16xf32>
        %get3A_955 = arith.constant 4 : i32
        %get3A_956 = arith.index_cast %get3A_955 : i32 to index
        %get3A_957 = arith.index_cast %add3A_933 : i32 to index
        %get3A_958 = arith.constant 48 : index
        %get3A_959 = tpu.vector_load %arg6[%get3A_956, %get3A_957, %get3A_958] {strides = array<i32>} : memref<8x100x64xf32, #tpu.memory_space<vmem>>, vector<1x1x16xf32>,
        %get3A_960 = vector.shape_cast %get3A_959 : vector<1x1x16xf32> to vector<16xf32>
        %add3A_961 = arith.addf %add3A_927, %get3A_960 : vector<16xf32>
        scf.yield %add3A_940, %add3A_947, %add3A_954, %add3A_961 : vector<16xf32>, vector<16xf32>, vector<16xf32>, vector<16xf32>
      }
      %scan3A_473 = arith.constant 10 : i32
      %mul3A_474 = arith.constant 2 : i32
      %mul3A_475 = arith.muli %mul3A_474, %add3A_447 : i32
      %add3A_476 = arith.constant 0 : i32
      %add3A_477 = arith.addi %mul3A_475, %add3A_476 : i32
      %swap3A_478 = arith.index_cast %add3A_477 : i32 to index
      %swap3A_479 = arith.constant 0 : index
      %swap3A_480 = tpu.vector_load %arg7[%swap3A_478, %swap3A_479] {strides = array<i32>} : memref<512x64xf32, #tpu.memory_space<vmem>>, vector<1x16xf32>,
      %swap3A_481 = vector.shape_cast %swap3A_480 : vector<1x16xf32> to vector<16xf32>
      %swap3A_482 = vector.shape_cast %scan3A_472#0 : vector<16xf32> to vector<1x16xf32>
      tpu.vector_store %arg7[%swap3A_478, %swap3A_479], %swap3A_482 {strides = array<i32>} : memref<512x64xf32, #tpu.memory_space<vmem>>, vector<1x16xf32>,
      %swap3A_483 = arith.index_cast %add3A_477 : i32 to index
      %swap3A_484 = arith.constant 16 : index
      %swap3A_485 = tpu.vector_load %arg7[%swap3A_483, %swap3A_484] {strides = array<i32>} : memref<512x64xf32, #tpu.memory_space<vmem>>, vector<1x16xf32>,
      %swap3A_486 = vector.shape_cast %swap3A_485 : vector<1x16xf32> to vector<16xf32>
      %swap3A_487 = vector.shape_cast %scan3A_472#1 : vector<16xf32> to vector<1x16xf32>
      tpu.vector_store %arg7[%swap3A_483, %swap3A_484], %swap3A_487 {strides = array<i32>} : memref<512x64xf32, #tpu.memory_space<vmem>>, vector<1x16xf32>,
      %swap3A_488 = arith.index_cast %add3A_477 : i32 to index
      %swap3A_489 = arith.constant 32 : index
      %swap3A_490 = tpu.vector_load %arg7[%swap3A_488, %swap3A_489] {strides = array<i32>} : memref<512x64xf32, #tpu.memory_space<vmem>>, vector<1x16xf32>,
      %swap3A_491 = vector.shape_cast %swap3A_490 : vector<1x16xf32> to vector<16xf32>
      %swap3A_492 = vector.shape_cast %scan3A_472#2 : vector<16xf32> to vector<1x16xf32>
      tpu.vector_store %arg7[%swap3A_488, %swap3A_489], %swap3A_492 {strides = array<i32>} : memref<512x64xf32, #tpu.memory_space<vmem>>, vector<1x16xf32>,
      %swap3A_493 = arith.index_cast %add3A_477 : i32 to index
      %swap3A_494 = arith.constant 48 : index
      %swap3A_495 = tpu.vector_load %arg7[%swap3A_493, %swap3A_494] {strides = array<i32>} : memref<512x64xf32, #tpu.memory_space<vmem>>, vector<1x16xf32>,
      %swap3A_496 = vector.shape_cast %swap3A_495 : vector<1x16xf32> to vector<16xf32>
      %swap3A_497 = vector.shape_cast %scan3A_472#3 : vector<16xf32> to vector<1x16xf32>
      tpu.vector_store %arg7[%swap3A_493, %swap3A_494], %swap3A_497 {strides = array<i32>} : memref<512x64xf32, #tpu.memory_space<vmem>>, vector<1x16xf32>,
      %broadcast_in_dim3A_498 = arith.constant 0.000000e+00 : f32
      %broadcast_in_dim3A_499 = vector.broadcast %broadcast_in_dim3A_498 : f32 to vector<16xf32>
      %scan3A_500 = arith.constant 0 : i32
      %scan3A_501 = arith.constant 10 : i32
      %scan3A_502 = arith.addi %scan3A_500, %scan3A_501 : i32
      %scan3A_503 = arith.constant 1 : i32
      %scan3A_504:4 = scf.for %scan3A_788 = %scan3A_500 to %scan3A_502 step %scan3A_503 iter_args(%scan3A_789 = %broadcast_in_dim3A_499, %scan3A_790 = %broadcast_in_dim3A_499, %scan3A_791 = %broadcast_in_dim3A_499, %scan3A_792 = %broadcast_in_dim3A_499) -> (vector<16xf32>, vector<16xf32>, vector<16xf32>, vector<16xf32>)  : i32 {
        %mul3A_793 = arith.constant 5 : i32
        %mul3A_794 = arith.muli %scan3A_788, %mul3A_793 : i32
        %add3A_795 = arith.constant 50 : i32
        %add3A_796 = arith.addi %add3A_795, %mul3A_794 : i32
        %add3A_797 = arith.constant 0 : i32
        %add3A_798 = arith.addi %add3A_796, %add3A_797 : i32
        %get3A = arith.constant 4 : i32
        %get3A_799 = arith.index_cast %get3A : i32 to index
        %get3A_800 = arith.index_cast %add3A_798 : i32 to index
        %get3A_801 = arith.constant 0 : index
        %get3A_802 = tpu.vector_load %arg6[%get3A_799, %get3A_800, %get3A_801] {strides = array<i32>} : memref<8x100x64xf32, #tpu.memory_space<vmem>>, vector<1x1x16xf32>,
        %get3A_803 = vector.shape_cast %get3A_802 : vector<1x1x16xf32> to vector<16xf32>
        %add3A_804 = arith.addf %scan3A_789, %get3A_803 : vector<16xf32>
        %get3A_805 = arith.constant 4 : i32
        %get3A_806 = arith.index_cast %get3A_805 : i32 to index
        %get3A_807 = arith.index_cast %add3A_798 : i32 to index
        %get3A_808 = arith.constant 16 : index
        %get3A_809 = tpu.vector_load %arg6[%get3A_806, %get3A_807, %get3A_808] {strides = array<i32>} : memref<8x100x64xf32, #tpu.memory_space<vmem>>, vector<1x1x16xf32>,
        %get3A_810 = vector.shape_cast %get3A_809 : vector<1x1x16xf32> to vector<16xf32>
        %add3A_811 = arith.addf %scan3A_790, %get3A_810 : vector<16xf32>
        %get3A_812 = arith.constant 4 : i32
        %get3A_813 = arith.index_cast %get3A_812 : i32 to index
        %get3A_814 = arith.index_cast %add3A_798 : i32 to index
        %get3A_815 = arith.constant 32 : index
        %get3A_816 = tpu.vector_load %arg6[%get3A_813, %get3A_814, %get3A_815] {strides = array<i32>} : memref<8x100x64xf32, #tpu.memory_space<vmem>>, vector<1x1x16xf32>,
        %get3A_817 = vector.shape_cast %get3A_816 : vector<1x1x16xf32> to vector<16xf32>
        %add3A_818 = arith.addf %scan3A_791, %get3A_817 : vector<16xf32>
        %get3A_819 = arith.constant 4 : i32
        %get3A_820 = arith.index_cast %get3A_819 : i32 to index
        %get3A_821 = arith.index_cast %add3A_798 : i32 to index
        %get3A_822 = arith.constant 48 : index
        %get3A_823 = tpu.vector_load %arg6[%get3A_820, %get3A_821, %get3A_822] {strides = array<i32>} : memref<8x100x64xf32, #tpu.memory_space<vmem>>, vector<1x1x16xf32>,
        %get3A_824 = vector.shape_cast %get3A_823 : vector<1x1x16xf32> to vector<16xf32>
        %add3A_825 = arith.addf %scan3A_792, %get3A_824 : vector<16xf32>
        %mul3A_826 = arith.constant 5 : i32
        %mul3A_827 = arith.muli %scan3A_788, %mul3A_826 : i32
        %add3A_828 = arith.constant 50 : i32
        %add3A_829 = arith.addi %add3A_828, %mul3A_827 : i32
        %add3A_830 = arith.constant 1 : i32
        %add3A_831 = arith.addi %add3A_829, %add3A_830 : i32
        %get3A_832 = arith.constant 4 : i32
        %get3A_833 = arith.index_cast %get3A_832 : i32 to index
        %get3A_834 = arith.index_cast %add3A_831 : i32 to index
        %get3A_835 = arith.constant 0 : index
        %get3A_836 = tpu.vector_load %arg6[%get3A_833, %get3A_834, %get3A_835] {strides = array<i32>} : memref<8x100x64xf32, #tpu.memory_space<vmem>>, vector<1x1x16xf32>,
        %get3A_837 = vector.shape_cast %get3A_836 : vector<1x1x16xf32> to vector<16xf32>
        %add3A_838 = arith.addf %add3A_804, %get3A_837 : vector<16xf32>
        %get3A_839 = arith.constant 4 : i32
        %get3A_840 = arith.index_cast %get3A_839 : i32 to index
        %get3A_841 = arith.index_cast %add3A_831 : i32 to index
        %get3A_842 = arith.constant 16 : index
        %get3A_843 = tpu.vector_load %arg6[%get3A_840, %get3A_841, %get3A_842] {strides = array<i32>} : memref<8x100x64xf32, #tpu.memory_space<vmem>>, vector<1x1x16xf32>,
        %get3A_844 = vector.shape_cast %get3A_843 : vector<1x1x16xf32> to vector<16xf32>
        %add3A_845 = arith.addf %add3A_811, %get3A_844 : vector<16xf32>
        %get3A_846 = arith.constant 4 : i32
        %get3A_847 = arith.index_cast %get3A_846 : i32 to index
        %get3A_848 = arith.index_cast %add3A_831 : i32 to index
        %get3A_849 = arith.constant 32 : index
        %get3A_850 = tpu.vector_load %arg6[%get3A_847, %get3A_848, %get3A_849] {strides = array<i32>} : memref<8x100x64xf32, #tpu.memory_space<vmem>>, vector<1x1x16xf32>,
        %get3A_851 = vector.shape_cast %get3A_850 : vector<1x1x16xf32> to vector<16xf32>
        %add3A_852 = arith.addf %add3A_818, %get3A_851 : vector<16xf32>
        %get3A_853 = arith.constant 4 : i32
        %get3A_854 = arith.index_cast %get3A_853 : i32 to index
        %get3A_855 = arith.index_cast %add3A_831 : i32 to index
        %get3A_856 = arith.constant 48 : index
        %get3A_857 = tpu.vector_load %arg6[%get3A_854, %get3A_855, %get3A_856] {strides = array<i32>} : memref<8x100x64xf32, #tpu.memory_space<vmem>>, vector<1x1x16xf32>,
        %get3A_858 = vector.shape_cast %get3A_857 : vector<1x1x16xf32> to vector<16xf32>
        %add3A_859 = arith.addf %add3A_825, %get3A_858 : vector<16xf32>
        %mul3A_860 = arith.constant 5 : i32
        %mul3A_861 = arith.muli %scan3A_788, %mul3A_860 : i32
        %add3A_862 = arith.constant 50 : i32
        %add3A_863 = arith.addi %add3A_862, %mul3A_861 : i32
        %add3A_864 = arith.constant 2 : i32
        %add3A_865 = arith.addi %add3A_863, %add3A_864 : i32
        %get3A_866 = arith.constant 4 : i32
        %get3A_867 = arith.index_cast %get3A_866 : i32 to index
        %get3A_868 = arith.index_cast %add3A_865 : i32 to index
        %get3A_869 = arith.constant 0 : index
        %get3A_870 = tpu.vector_load %arg6[%get3A_867, %get3A_868, %get3A_869] {strides = array<i32>} : memref<8x100x64xf32, #tpu.memory_space<vmem>>, vector<1x1x16xf32>,
        %get3A_871 = vector.shape_cast %get3A_870 : vector<1x1x16xf32> to vector<16xf32>
        %add3A_872 = arith.addf %add3A_838, %get3A_871 : vector<16xf32>
        %get3A_873 = arith.constant 4 : i32
        %get3A_874 = arith.index_cast %get3A_873 : i32 to index
        %get3A_875 = arith.index_cast %add3A_865 : i32 to index
        %get3A_876 = arith.constant 16 : index
        %get3A_877 = tpu.vector_load %arg6[%get3A_874, %get3A_875, %get3A_876] {strides = array<i32>} : memref<8x100x64xf32, #tpu.memory_space<vmem>>, vector<1x1x16xf32>,
        %get3A_878 = vector.shape_cast %get3A_877 : vector<1x1x16xf32> to vector<16xf32>
        %add3A_879 = arith.addf %add3A_845, %get3A_878 : vector<16xf32>
        %get3A_880 = arith.constant 4 : i32
        %get3A_881 = arith.index_cast %get3A_880 : i32 to index
        %get3A_882 = arith.index_cast %add3A_865 : i32 to index
        %get3A_883 = arith.constant 32 : index
        %get3A_884 = tpu.vector_load %arg6[%get3A_881, %get3A_882, %get3A_883] {strides = array<i32>} : memref<8x100x64xf32, #tpu.memory_space<vmem>>, vector<1x1x16xf32>,
        %get3A_885 = vector.shape_cast %get3A_884 : vector<1x1x16xf32> to vector<16xf32>
        %add3A_886 = arith.addf %add3A_852, %get3A_885 : vector<16xf32>
        %get3A_887 = arith.constant 4 : i32
        %get3A_888 = arith.index_cast %get3A_887 : i32 to index
        %get3A_889 = arith.index_cast %add3A_865 : i32 to index
        %get3A_890 = arith.constant 48 : index
        %get3A_891 = tpu.vector_load %arg6[%get3A_888, %get3A_889, %get3A_890] {strides = array<i32>} : memref<8x100x64xf32, #tpu.memory_space<vmem>>, vector<1x1x16xf32>,
        %get3A_892 = vector.shape_cast %get3A_891 : vector<1x1x16xf32> to vector<16xf32>
        %add3A_893 = arith.addf %add3A_859, %get3A_892 : vector<16xf32>
        %mul3A_894 = arith.constant 5 : i32
        %mul3A_895 = arith.muli %scan3A_788, %mul3A_894 : i32
        %add3A_896 = arith.constant 50 : i32
        %add3A_897 = arith.addi %add3A_896, %mul3A_895 : i32
        %add3A_898 = arith.constant 3 : i32
        %add3A_899 = arith.addi %add3A_897, %add3A_898 : i32
        %get3A_900 = arith.constant 4 : i32
        %get3A_901 = arith.index_cast %get3A_900 : i32 to index
        %get3A_902 = arith.index_cast %add3A_899 : i32 to index
        %get3A_903 = arith.constant 0 : index
        %get3A_904 = tpu.vector_load %arg6[%get3A_901, %get3A_902, %get3A_903] {strides = array<i32>} : memref<8x100x64xf32, #tpu.memory_space<vmem>>, vector<1x1x16xf32>,
        %get3A_905 = vector.shape_cast %get3A_904 : vector<1x1x16xf32> to vector<16xf32>
        %add3A_906 = arith.addf %add3A_872, %get3A_905 : vector<16xf32>
        %get3A_907 = arith.constant 4 : i32
        %get3A_908 = arith.index_cast %get3A_907 : i32 to index
        %get3A_909 = arith.index_cast %add3A_899 : i32 to index
        %get3A_910 = arith.constant 16 : index
        %get3A_911 = tpu.vector_load %arg6[%get3A_908, %get3A_909, %get3A_910] {strides = array<i32>} : memref<8x100x64xf32, #tpu.memory_space<vmem>>, vector<1x1x16xf32>,
        %get3A_912 = vector.shape_cast %get3A_911 : vector<1x1x16xf32> to vector<16xf32>
        %add3A_913 = arith.addf %add3A_879, %get3A_912 : vector<16xf32>
        %get3A_914 = arith.constant 4 : i32
        %get3A_915 = arith.index_cast %get3A_914 : i32 to index
        %get3A_916 = arith.index_cast %add3A_899 : i32 to index
        %get3A_917 = arith.constant 32 : index
        %get3A_918 = tpu.vector_load %arg6[%get3A_915, %get3A_916, %get3A_917] {strides = array<i32>} : memref<8x100x64xf32, #tpu.memory_space<vmem>>, vector<1x1x16xf32>,
        %get3A_919 = vector.shape_cast %get3A_918 : vector<1x1x16xf32> to vector<16xf32>
        %add3A_920 = arith.addf %add3A_886, %get3A_919 : vector<16xf32>
        %get3A_921 = arith.constant 4 : i32
        %get3A_922 = arith.index_cast %get3A_921 : i32 to index
        %get3A_923 = arith.index_cast %add3A_899 : i32 to index
        %get3A_924 = arith.constant 48 : index
        %get3A_925 = tpu.vector_load %arg6[%get3A_922, %get3A_923, %get3A_924] {strides = array<i32>} : memref<8x100x64xf32, #tpu.memory_space<vmem>>, vector<1x1x16xf32>,
        %get3A_926 = vector.shape_cast %get3A_925 : vector<1x1x16xf32> to vector<16xf32>
        %add3A_927 = arith.addf %add3A_893, %get3A_926 : vector<16xf32>
        %mul3A_928 = arith.constant 5 : i32
        %mul3A_929 = arith.muli %scan3A_788, %mul3A_928 : i32
        %add3A_930 = arith.constant 50 : i32
        %add3A_931 = arith.addi %add3A_930, %mul3A_929 : i32
        %add3A_932 = arith.constant 4 : i32
        %add3A_933 = arith.addi %add3A_931, %add3A_932 : i32
        %get3A_934 = arith.constant 4 : i32
        %get3A_935 = arith.index_cast %get3A_934 : i32 to index
        %get3A_936 = arith.index_cast %add3A_933 : i32 to index
        %get3A_937 = arith.constant 0 : index
        %get3A_938 = tpu.vector_load %arg6[%get3A_935, %get3A_936, %get3A_937] {strides = array<i32>} : memref<8x100x64xf32, #tpu.memory_space<vmem>>, vector<1x1x16xf32>,
        %get3A_939 = vector.shape_cast %get3A_938 : vector<1x1x16xf32> to vector<16xf32>
        %add3A_940 = arith.addf %add3A_906, %get3A_939 : vector<16xf32>
        %get3A_941 = arith.constant 4 : i32
        %get3A_942 = arith.index_cast %get3A_941 : i32 to index
        %get3A_943 = arith.index_cast %add3A_933 : i32 to index
        %get3A_944 = arith.constant 16 : index
        %get3A_945 = tpu.vector_load %arg6[%get3A_942, %get3A_943, %get3A_944] {strides = array<i32>} : memref<8x100x64xf32, #tpu.memory_space<vmem>>, vector<1x1x16xf32>,
        %get3A_946 = vector.shape_cast %get3A_945 : vector<1x1x16xf32> to vector<16xf32>
        %add3A_947 = arith.addf %add3A_913, %get3A_946 : vector<16xf32>
        %get3A_948 = arith.constant 4 : i32
        %get3A_949 = arith.index_cast %get3A_948 : i32 to index
        %get3A_950 = arith.index_cast %add3A_933 : i32 to index
        %get3A_951 = arith.constant 32 : index
        %get3A_952 = tpu.vector_load %arg6[%get3A_949, %get3A_950, %get3A_951] {strides = array<i32>} : memref<8x100x64xf32, #tpu.memory_space<vmem>>, vector<1x1x16xf32>,
        %get3A_953 = vector.shape_cast %get3A_952 : vector<1x1x16xf32> to vector<16xf32>
        %add3A_954 = arith.addf %add3A_920, %get3A_953 : vector<16xf32>
        %get3A_955 = arith.constant 4 : i32
        %get3A_956 = arith.index_cast %get3A_955 : i32 to index
        %get3A_957 = arith.index_cast %add3A_933 : i32 to index
        %get3A_958 = arith.constant 48 : index
        %get3A_959 = tpu.vector_load %arg6[%get3A_956, %get3A_957, %get3A_958] {strides = array<i32>} : memref<8x100x64xf32, #tpu.memory_space<vmem>>, vector<1x1x16xf32>,
        %get3A_960 = vector.shape_cast %get3A_959 : vector<1x1x16xf32> to vector<16xf32>
        %add3A_961 = arith.addf %add3A_927, %get3A_960 : vector<16xf32>
        scf.yield %add3A_940, %add3A_947, %add3A_954, %add3A_961 : vector<16xf32>, vector<16xf32>, vector<16xf32>, vector<16xf32>
      }
      %scan3A_505 = arith.constant 10 : i32
      %mul3A_506 = arith.constant 2 : i32
      %mul3A_507 = arith.muli %mul3A_506, %add3A_447 : i32
      %add3A_508 = arith.constant 1 : i32
      %add3A_509 = arith.addi %mul3A_507, %add3A_508 : i32
      %swap3A_510 = arith.index_cast %add3A_509 : i32 to index
      %swap3A_511 = arith.constant 0 : index
      %swap3A_512 = tpu.vector_load %arg7[%swap3A_510, %swap3A_511] {strides = array<i32>} : memref<512x64xf32, #tpu.memory_space<vmem>>, vector<1x16xf32>,
      %swap3A_513 = vector.shape_cast %swap3A_512 : vector<1x16xf32> to vector<16xf32>
      %swap3A_514 = vector.shape_cast %scan3A_504#0 : vector<16xf32> to vector<1x16xf32>
      tpu.vector_store %arg7[%swap3A_510, %swap3A_511], %swap3A_514 {strides = array<i32>} : memref<512x64xf32, #tpu.memory_space<vmem>>, vector<1x16xf32>,
      %swap3A_515 = arith.index_cast %add3A_509 : i32 to index
      %swap3A_516 = arith.constant 16 : index
      %swap3A_517 = tpu.vector_load %arg7[%swap3A_515, %swap3A_516] {strides = array<i32>} : memref<512x64xf32, #tpu.memory_space<vmem>>, vector<1x16xf32>,
      %swap3A_518 = vector.shape_cast %swap3A_517 : vector<1x16xf32> to vector<16xf32>
      %swap3A_519 = vector.shape_cast %scan3A_504#1 : vector<16xf32> to vector<1x16xf32>
      tpu.vector_store %arg7[%swap3A_515, %swap3A_516], %swap3A_519 {strides = array<i32>} : memref<512x64xf32, #tpu.memory_space<vmem>>, vector<1x16xf32>,
      %swap3A_520 = arith.index_cast %add3A_509 : i32 to index
      %swap3A_521 = arith.constant 32 : index
      %swap3A_522 = tpu.vector_load %arg7[%swap3A_520, %swap3A_521] {strides = array<i32>} : memref<512x64xf32, #tpu.memory_space<vmem>>, vector<1x16xf32>,
      %swap3A_523 = vector.shape_cast %swap3A_522 : vector<1x16xf32> to vector<16xf32>
      %swap3A_524 = vector.shape_cast %scan3A_504#2 : vector<16xf32> to vector<1x16xf32>
      tpu.vector_store %arg7[%swap3A_520, %swap3A_521], %swap3A_524 {strides = array<i32>} : memref<512x64xf32, #tpu.memory_space<vmem>>, vector<1x16xf32>,
      %swap3A_525 = arith.index_cast %add3A_509 : i32 to index
      %swap3A_526 = arith.constant 48 : index
      %swap3A_527 = tpu.vector_load %arg7[%swap3A_525, %swap3A_526] {strides = array<i32>} : memref<512x64xf32, #tpu.memory_space<vmem>>, vector<1x16xf32>,
      %swap3A_528 = vector.shape_cast %swap3A_527 : vector<1x16xf32> to vector<16xf32>
      %swap3A_529 = vector.shape_cast %scan3A_504#3 : vector<16xf32> to vector<1x16xf32>
      tpu.vector_store %arg7[%swap3A_525, %swap3A_526], %swap3A_529 {strides = array<i32>} : memref<512x64xf32, #tpu.memory_space<vmem>>, vector<1x16xf32>,
      %mul3A_530 = arith.constant 8 : i32
      %mul3A_531 = arith.muli %scan3A_105, %mul3A_530 : i32
      %add3A_532 = arith.constant 5 : i32
      %add3A_533 = arith.addi %mul3A_531, %add3A_532 : i32
      %dma_wait3A_534 = arith.constant 5 : i32
      %dma_wait3A_535 = arith.constant 0 : i32
      %dma_wait3A_536 = arith.constant 0 : i32
      %dma_wait3A_537 = tpu.memref_slice %arg6[%dma_wait3A_534, %dma_wait3A_535, %dma_wait3A_536] : memref<8x100x64xf32, #tpu.memory_space<vmem>> -> memref<1x100x64xf32, #tpu.memory_space<vmem>>
      %dma_wait3A_538 = tpu.memref_squeeze %dma_wait3A_537 : memref<1x100x64xf32, #tpu.memory_space<vmem>> -> memref<100x64xf32, #tpu.memory_space<vmem>>
      %dma_wait3A_539 = arith.constant 0 : i32
      %dma_wait3A_540 = tpu.memref_slice %arg5[%add3A_533, %dma_wait3A_539] : memref<256x100xi32, #tpu.memory_space<vmem>> -> memref<1x100xi32, #tpu.memory_space<vmem>>
      %dma_wait3A_541 = tpu.memref_squeeze %dma_wait3A_540 : memref<1x100xi32, #tpu.memory_space<vmem>> -> memref<100xi32, #tpu.memory_space<vmem>>
      %dma_wait3A_542 = arith.constant 0 : i32
      %dma_wait3A_543 = arith.constant 0 : i32
      %dma_wait3A_544 = tpu.memref_slice %arg3[%dma_wait3A_542, %dma_wait3A_543] : memref<1000000x64xf32, #tpu.memory_space<hbm>> -> memref<1000000x64xf32, #tpu.memory_space<hbm>>
      tpu.wait_indirect_dma semaphore(%arg13 : memref<!tpu.dma_semaphore, #tpu.memory_space<semaphore_mem>>) src(%dma_wait3A_544 : memref<1000000x64xf32, #tpu.memory_space<hbm>>) dst(%dma_wait3A_538 : memref<100x64xf32, #tpu.memory_space<vmem>>)
      %add3A_545 = arith.constant 8 : i32
      %add3A_546 = arith.addi %add3A_533, %add3A_545 : i32
      %lt3A_547 = arith.constant 256 : i32
      %lt3A_548 = arith.cmpi slt, %add3A_546, %lt3A_547 : i32
      %convert_element_type3A_549 = arith.extui %lt3A_548 : i1 to i32
      %cond3A_550 = arith.constant 0 : i32
      %cond3A_551 = arith.cmpi ne, %convert_element_type3A_549, %cond3A_550 : i32
      scf.if %cond3A_551 {
        %dma_start3A_788 = arith.constant 5 : i32
        %dma_start3A_789 = arith.constant 0 : i32
        %dma_start3A_790 = arith.constant 0 : i32
        %dma_start3A_791 = tpu.memref_slice %arg6[%dma_start3A_788, %dma_start3A_789, %dma_start3A_790] : memref<8x100x64xf32, #tpu.memory_space<vmem>> -> memref<1x100x64xf32, #tpu.memory_space<vmem>>
        %dma_start3A_792 = tpu.memref_squeeze %dma_start3A_791 : memref<1x100x64xf32, #tpu.memory_space<vmem>> -> memref<100x64xf32, #tpu.memory_space<vmem>>
        %dma_start3A_793 = arith.constant 0 : i32
        %dma_start3A_794 = tpu.memref_slice %arg5[%add3A_546, %dma_start3A_793] : memref<256x100xi32, #tpu.memory_space<vmem>> -> memref<1x100xi32, #tpu.memory_space<vmem>>
        %dma_start3A_795 = tpu.memref_squeeze %dma_start3A_794 : memref<1x100xi32, #tpu.memory_space<vmem>> -> memref<100xi32, #tpu.memory_space<vmem>>
        %dma_start3A_796 = arith.constant 0 : i32
        %dma_start3A_797 = arith.constant 0 : i32
        %dma_start3A_798 = tpu.memref_slice %arg3[%dma_start3A_796, %dma_start3A_797] : memref<1000000x64xf32, #tpu.memory_space<hbm>> -> memref<1000000x64xf32, #tpu.memory_space<hbm>>
        tpu.enqueue_indirect_dma source(%dma_start3A_798 : memref<1000000x64xf32, #tpu.memory_space<hbm>>) target(%dma_start3A_792 : memref<100x64xf32, #tpu.memory_space<vmem>>) offsets(%dma_start3A_795 : memref<100xi32, #tpu.memory_space<vmem>>) semaphore(%arg13 : memref<!tpu.dma_semaphore, #tpu.memory_space<semaphore_mem>>)
      } else {
      }
      %broadcast_in_dim3A_552 = arith.constant 0.000000e+00 : f32
      %broadcast_in_dim3A_553 = vector.broadcast %broadcast_in_dim3A_552 : f32 to vector<16xf32>
      %scan3A_554 = arith.constant 0 : i32
      %scan3A_555 = arith.constant 10 : i32
      %scan3A_556 = arith.addi %scan3A_554, %scan3A_555 : i32
      %scan3A_557 = arith.constant 1 : i32
      %scan3A_558:4 = scf.for %scan3A_788 = %scan3A_554 to %scan3A_556 step %scan3A_557 iter_args(%scan3A_789 = %broadcast_in_dim3A_553, %scan3A_790 = %broadcast_in_dim3A_553, %scan3A_791 = %broadcast_in_dim3A_553, %scan3A_792 = %broadcast_in_dim3A_553) -> (vector<16xf32>, vector<16xf32>, vector<16xf32>, vector<16xf32>)  : i32 {
        %mul3A_793 = arith.constant 5 : i32
        %mul3A_794 = arith.muli %scan3A_788, %mul3A_793 : i32
        %add3A_795 = arith.constant 0 : i32
        %add3A_796 = arith.addi %add3A_795, %mul3A_794 : i32
        %add3A_797 = arith.constant 0 : i32
        %add3A_798 = arith.addi %add3A_796, %add3A_797 : i32
        %get3A = arith.constant 5 : i32
        %get3A_799 = arith.index_cast %get3A : i32 to index
        %get3A_800 = arith.index_cast %add3A_798 : i32 to index
        %get3A_801 = arith.constant 0 : index
        %get3A_802 = tpu.vector_load %arg6[%get3A_799, %get3A_800, %get3A_801] {strides = array<i32>} : memref<8x100x64xf32, #tpu.memory_space<vmem>>, vector<1x1x16xf32>,
        %get3A_803 = vector.shape_cast %get3A_802 : vector<1x1x16xf32> to vector<16xf32>
        %add3A_804 = arith.addf %scan3A_789, %get3A_803 : vector<16xf32>
        %get3A_805 = arith.constant 5 : i32
        %get3A_806 = arith.index_cast %get3A_805 : i32 to index
        %get3A_807 = arith.index_cast %add3A_798 : i32 to index
        %get3A_808 = arith.constant 16 : index
        %get3A_809 = tpu.vector_load %arg6[%get3A_806, %get3A_807, %get3A_808] {strides = array<i32>} : memref<8x100x64xf32, #tpu.memory_space<vmem>>, vector<1x1x16xf32>,
        %get3A_810 = vector.shape_cast %get3A_809 : vector<1x1x16xf32> to vector<16xf32>
        %add3A_811 = arith.addf %scan3A_790, %get3A_810 : vector<16xf32>
        %get3A_812 = arith.constant 5 : i32
        %get3A_813 = arith.index_cast %get3A_812 : i32 to index
        %get3A_814 = arith.index_cast %add3A_798 : i32 to index
        %get3A_815 = arith.constant 32 : index
        %get3A_816 = tpu.vector_load %arg6[%get3A_813, %get3A_814, %get3A_815] {strides = array<i32>} : memref<8x100x64xf32, #tpu.memory_space<vmem>>, vector<1x1x16xf32>,
        %get3A_817 = vector.shape_cast %get3A_816 : vector<1x1x16xf32> to vector<16xf32>
        %add3A_818 = arith.addf %scan3A_791, %get3A_817 : vector<16xf32>
        %get3A_819 = arith.constant 5 : i32
        %get3A_820 = arith.index_cast %get3A_819 : i32 to index
        %get3A_821 = arith.index_cast %add3A_798 : i32 to index
        %get3A_822 = arith.constant 48 : index
        %get3A_823 = tpu.vector_load %arg6[%get3A_820, %get3A_821, %get3A_822] {strides = array<i32>} : memref<8x100x64xf32, #tpu.memory_space<vmem>>, vector<1x1x16xf32>,
        %get3A_824 = vector.shape_cast %get3A_823 : vector<1x1x16xf32> to vector<16xf32>
        %add3A_825 = arith.addf %scan3A_792, %get3A_824 : vector<16xf32>
        %mul3A_826 = arith.constant 5 : i32
        %mul3A_827 = arith.muli %scan3A_788, %mul3A_826 : i32
        %add3A_828 = arith.constant 0 : i32
        %add3A_829 = arith.addi %add3A_828, %mul3A_827 : i32
        %add3A_830 = arith.constant 1 : i32
        %add3A_831 = arith.addi %add3A_829, %add3A_830 : i32
        %get3A_832 = arith.constant 5 : i32
        %get3A_833 = arith.index_cast %get3A_832 : i32 to index
        %get3A_834 = arith.index_cast %add3A_831 : i32 to index
        %get3A_835 = arith.constant 0 : index
        %get3A_836 = tpu.vector_load %arg6[%get3A_833, %get3A_834, %get3A_835] {strides = array<i32>} : memref<8x100x64xf32, #tpu.memory_space<vmem>>, vector<1x1x16xf32>,
        %get3A_837 = vector.shape_cast %get3A_836 : vector<1x1x16xf32> to vector<16xf32>
        %add3A_838 = arith.addf %add3A_804, %get3A_837 : vector<16xf32>
        %get3A_839 = arith.constant 5 : i32
        %get3A_840 = arith.index_cast %get3A_839 : i32 to index
        %get3A_841 = arith.index_cast %add3A_831 : i32 to index
        %get3A_842 = arith.constant 16 : index
        %get3A_843 = tpu.vector_load %arg6[%get3A_840, %get3A_841, %get3A_842] {strides = array<i32>} : memref<8x100x64xf32, #tpu.memory_space<vmem>>, vector<1x1x16xf32>,
        %get3A_844 = vector.shape_cast %get3A_843 : vector<1x1x16xf32> to vector<16xf32>
        %add3A_845 = arith.addf %add3A_811, %get3A_844 : vector<16xf32>
        %get3A_846 = arith.constant 5 : i32
        %get3A_847 = arith.index_cast %get3A_846 : i32 to index
        %get3A_848 = arith.index_cast %add3A_831 : i32 to index
        %get3A_849 = arith.constant 32 : index
        %get3A_850 = tpu.vector_load %arg6[%get3A_847, %get3A_848, %get3A_849] {strides = array<i32>} : memref<8x100x64xf32, #tpu.memory_space<vmem>>, vector<1x1x16xf32>,
        %get3A_851 = vector.shape_cast %get3A_850 : vector<1x1x16xf32> to vector<16xf32>
        %add3A_852 = arith.addf %add3A_818, %get3A_851 : vector<16xf32>
        %get3A_853 = arith.constant 5 : i32
        %get3A_854 = arith.index_cast %get3A_853 : i32 to index
        %get3A_855 = arith.index_cast %add3A_831 : i32 to index
        %get3A_856 = arith.constant 48 : index
        %get3A_857 = tpu.vector_load %arg6[%get3A_854, %get3A_855, %get3A_856] {strides = array<i32>} : memref<8x100x64xf32, #tpu.memory_space<vmem>>, vector<1x1x16xf32>,
        %get3A_858 = vector.shape_cast %get3A_857 : vector<1x1x16xf32> to vector<16xf32>
        %add3A_859 = arith.addf %add3A_825, %get3A_858 : vector<16xf32>
        %mul3A_860 = arith.constant 5 : i32
        %mul3A_861 = arith.muli %scan3A_788, %mul3A_860 : i32
        %add3A_862 = arith.constant 0 : i32
        %add3A_863 = arith.addi %add3A_862, %mul3A_861 : i32
        %add3A_864 = arith.constant 2 : i32
        %add3A_865 = arith.addi %add3A_863, %add3A_864 : i32
        %get3A_866 = arith.constant 5 : i32
        %get3A_867 = arith.index_cast %get3A_866 : i32 to index
        %get3A_868 = arith.index_cast %add3A_865 : i32 to index
        %get3A_869 = arith.constant 0 : index
        %get3A_870 = tpu.vector_load %arg6[%get3A_867, %get3A_868, %get3A_869] {strides = array<i32>} : memref<8x100x64xf32, #tpu.memory_space<vmem>>, vector<1x1x16xf32>,
        %get3A_871 = vector.shape_cast %get3A_870 : vector<1x1x16xf32> to vector<16xf32>
        %add3A_872 = arith.addf %add3A_838, %get3A_871 : vector<16xf32>
        %get3A_873 = arith.constant 5 : i32
        %get3A_874 = arith.index_cast %get3A_873 : i32 to index
        %get3A_875 = arith.index_cast %add3A_865 : i32 to index
        %get3A_876 = arith.constant 16 : index
        %get3A_877 = tpu.vector_load %arg6[%get3A_874, %get3A_875, %get3A_876] {strides = array<i32>} : memref<8x100x64xf32, #tpu.memory_space<vmem>>, vector<1x1x16xf32>,
        %get3A_878 = vector.shape_cast %get3A_877 : vector<1x1x16xf32> to vector<16xf32>
        %add3A_879 = arith.addf %add3A_845, %get3A_878 : vector<16xf32>
        %get3A_880 = arith.constant 5 : i32
        %get3A_881 = arith.index_cast %get3A_880 : i32 to index
        %get3A_882 = arith.index_cast %add3A_865 : i32 to index
        %get3A_883 = arith.constant 32 : index
        %get3A_884 = tpu.vector_load %arg6[%get3A_881, %get3A_882, %get3A_883] {strides = array<i32>} : memref<8x100x64xf32, #tpu.memory_space<vmem>>, vector<1x1x16xf32>,
        %get3A_885 = vector.shape_cast %get3A_884 : vector<1x1x16xf32> to vector<16xf32>
        %add3A_886 = arith.addf %add3A_852, %get3A_885 : vector<16xf32>
        %get3A_887 = arith.constant 5 : i32
        %get3A_888 = arith.index_cast %get3A_887 : i32 to index
        %get3A_889 = arith.index_cast %add3A_865 : i32 to index
        %get3A_890 = arith.constant 48 : index
        %get3A_891 = tpu.vector_load %arg6[%get3A_888, %get3A_889, %get3A_890] {strides = array<i32>} : memref<8x100x64xf32, #tpu.memory_space<vmem>>, vector<1x1x16xf32>,
        %get3A_892 = vector.shape_cast %get3A_891 : vector<1x1x16xf32> to vector<16xf32>
        %add3A_893 = arith.addf %add3A_859, %get3A_892 : vector<16xf32>
        %mul3A_894 = arith.constant 5 : i32
        %mul3A_895 = arith.muli %scan3A_788, %mul3A_894 : i32
        %add3A_896 = arith.constant 0 : i32
        %add3A_897 = arith.addi %add3A_896, %mul3A_895 : i32
        %add3A_898 = arith.constant 3 : i32
        %add3A_899 = arith.addi %add3A_897, %add3A_898 : i32
        %get3A_900 = arith.constant 5 : i32
        %get3A_901 = arith.index_cast %get3A_900 : i32 to index
        %get3A_902 = arith.index_cast %add3A_899 : i32 to index
        %get3A_903 = arith.constant 0 : index
        %get3A_904 = tpu.vector_load %arg6[%get3A_901, %get3A_902, %get3A_903] {strides = array<i32>} : memref<8x100x64xf32, #tpu.memory_space<vmem>>, vector<1x1x16xf32>,
        %get3A_905 = vector.shape_cast %get3A_904 : vector<1x1x16xf32> to vector<16xf32>
        %add3A_906 = arith.addf %add3A_872, %get3A_905 : vector<16xf32>
        %get3A_907 = arith.constant 5 : i32
        %get3A_908 = arith.index_cast %get3A_907 : i32 to index
        %get3A_909 = arith.index_cast %add3A_899 : i32 to index
        %get3A_910 = arith.constant 16 : index
        %get3A_911 = tpu.vector_load %arg6[%get3A_908, %get3A_909, %get3A_910] {strides = array<i32>} : memref<8x100x64xf32, #tpu.memory_space<vmem>>, vector<1x1x16xf32>,
        %get3A_912 = vector.shape_cast %get3A_911 : vector<1x1x16xf32> to vector<16xf32>
        %add3A_913 = arith.addf %add3A_879, %get3A_912 : vector<16xf32>
        %get3A_914 = arith.constant 5 : i32
        %get3A_915 = arith.index_cast %get3A_914 : i32 to index
        %get3A_916 = arith.index_cast %add3A_899 : i32 to index
        %get3A_917 = arith.constant 32 : index
        %get3A_918 = tpu.vector_load %arg6[%get3A_915, %get3A_916, %get3A_917] {strides = array<i32>} : memref<8x100x64xf32, #tpu.memory_space<vmem>>, vector<1x1x16xf32>,
        %get3A_919 = vector.shape_cast %get3A_918 : vector<1x1x16xf32> to vector<16xf32>
        %add3A_920 = arith.addf %add3A_886, %get3A_919 : vector<16xf32>
        %get3A_921 = arith.constant 5 : i32
        %get3A_922 = arith.index_cast %get3A_921 : i32 to index
        %get3A_923 = arith.index_cast %add3A_899 : i32 to index
        %get3A_924 = arith.constant 48 : index
        %get3A_925 = tpu.vector_load %arg6[%get3A_922, %get3A_923, %get3A_924] {strides = array<i32>} : memref<8x100x64xf32, #tpu.memory_space<vmem>>, vector<1x1x16xf32>,
        %get3A_926 = vector.shape_cast %get3A_925 : vector<1x1x16xf32> to vector<16xf32>
        %add3A_927 = arith.addf %add3A_893, %get3A_926 : vector<16xf32>
        %mul3A_928 = arith.constant 5 : i32
        %mul3A_929 = arith.muli %scan3A_788, %mul3A_928 : i32
        %add3A_930 = arith.constant 0 : i32
        %add3A_931 = arith.addi %add3A_930, %mul3A_929 : i32
        %add3A_932 = arith.constant 4 : i32
        %add3A_933 = arith.addi %add3A_931, %add3A_932 : i32
        %get3A_934 = arith.constant 5 : i32
        %get3A_935 = arith.index_cast %get3A_934 : i32 to index
        %get3A_936 = arith.index_cast %add3A_933 : i32 to index
        %get3A_937 = arith.constant 0 : index
        %get3A_938 = tpu.vector_load %arg6[%get3A_935, %get3A_936, %get3A_937] {strides = array<i32>} : memref<8x100x64xf32, #tpu.memory_space<vmem>>, vector<1x1x16xf32>,
        %get3A_939 = vector.shape_cast %get3A_938 : vector<1x1x16xf32> to vector<16xf32>
        %add3A_940 = arith.addf %add3A_906, %get3A_939 : vector<16xf32>
        %get3A_941 = arith.constant 5 : i32
        %get3A_942 = arith.index_cast %get3A_941 : i32 to index
        %get3A_943 = arith.index_cast %add3A_933 : i32 to index
        %get3A_944 = arith.constant 16 : index
        %get3A_945 = tpu.vector_load %arg6[%get3A_942, %get3A_943, %get3A_944] {strides = array<i32>} : memref<8x100x64xf32, #tpu.memory_space<vmem>>, vector<1x1x16xf32>,
        %get3A_946 = vector.shape_cast %get3A_945 : vector<1x1x16xf32> to vector<16xf32>
        %add3A_947 = arith.addf %add3A_913, %get3A_946 : vector<16xf32>
        %get3A_948 = arith.constant 5 : i32
        %get3A_949 = arith.index_cast %get3A_948 : i32 to index
        %get3A_950 = arith.index_cast %add3A_933 : i32 to index
        %get3A_951 = arith.constant 32 : index
        %get3A_952 = tpu.vector_load %arg6[%get3A_949, %get3A_950, %get3A_951] {strides = array<i32>} : memref<8x100x64xf32, #tpu.memory_space<vmem>>, vector<1x1x16xf32>,
        %get3A_953 = vector.shape_cast %get3A_952 : vector<1x1x16xf32> to vector<16xf32>
        %add3A_954 = arith.addf %add3A_920, %get3A_953 : vector<16xf32>
        %get3A_955 = arith.constant 5 : i32
        %get3A_956 = arith.index_cast %get3A_955 : i32 to index
        %get3A_957 = arith.index_cast %add3A_933 : i32 to index
        %get3A_958 = arith.constant 48 : index
        %get3A_959 = tpu.vector_load %arg6[%get3A_956, %get3A_957, %get3A_958] {strides = array<i32>} : memref<8x100x64xf32, #tpu.memory_space<vmem>>, vector<1x1x16xf32>,
        %get3A_960 = vector.shape_cast %get3A_959 : vector<1x1x16xf32> to vector<16xf32>
        %add3A_961 = arith.addf %add3A_927, %get3A_960 : vector<16xf32>
        scf.yield %add3A_940, %add3A_947, %add3A_954, %add3A_961 : vector<16xf32>, vector<16xf32>, vector<16xf32>, vector<16xf32>
      }
      %scan3A_559 = arith.constant 10 : i32
      %mul3A_560 = arith.constant 2 : i32
      %mul3A_561 = arith.muli %mul3A_560, %add3A_533 : i32
      %add3A_562 = arith.constant 0 : i32
      %add3A_563 = arith.addi %mul3A_561, %add3A_562 : i32
      %swap3A_564 = arith.index_cast %add3A_563 : i32 to index
      %swap3A_565 = arith.constant 0 : index
      %swap3A_566 = tpu.vector_load %arg7[%swap3A_564, %swap3A_565] {strides = array<i32>} : memref<512x64xf32, #tpu.memory_space<vmem>>, vector<1x16xf32>,
      %swap3A_567 = vector.shape_cast %swap3A_566 : vector<1x16xf32> to vector<16xf32>
      %swap3A_568 = vector.shape_cast %scan3A_558#0 : vector<16xf32> to vector<1x16xf32>
      tpu.vector_store %arg7[%swap3A_564, %swap3A_565], %swap3A_568 {strides = array<i32>} : memref<512x64xf32, #tpu.memory_space<vmem>>, vector<1x16xf32>,
      %swap3A_569 = arith.index_cast %add3A_563 : i32 to index
      %swap3A_570 = arith.constant 16 : index
      %swap3A_571 = tpu.vector_load %arg7[%swap3A_569, %swap3A_570] {strides = array<i32>} : memref<512x64xf32, #tpu.memory_space<vmem>>, vector<1x16xf32>,
      %swap3A_572 = vector.shape_cast %swap3A_571 : vector<1x16xf32> to vector<16xf32>
      %swap3A_573 = vector.shape_cast %scan3A_558#1 : vector<16xf32> to vector<1x16xf32>
      tpu.vector_store %arg7[%swap3A_569, %swap3A_570], %swap3A_573 {strides = array<i32>} : memref<512x64xf32, #tpu.memory_space<vmem>>, vector<1x16xf32>,
      %swap3A_574 = arith.index_cast %add3A_563 : i32 to index
      %swap3A_575 = arith.constant 32 : index
      %swap3A_576 = tpu.vector_load %arg7[%swap3A_574, %swap3A_575] {strides = array<i32>} : memref<512x64xf32, #tpu.memory_space<vmem>>, vector<1x16xf32>,
      %swap3A_577 = vector.shape_cast %swap3A_576 : vector<1x16xf32> to vector<16xf32>
      %swap3A_578 = vector.shape_cast %scan3A_558#2 : vector<16xf32> to vector<1x16xf32>
      tpu.vector_store %arg7[%swap3A_574, %swap3A_575], %swap3A_578 {strides = array<i32>} : memref<512x64xf32, #tpu.memory_space<vmem>>, vector<1x16xf32>,
      %swap3A_579 = arith.index_cast %add3A_563 : i32 to index
      %swap3A_580 = arith.constant 48 : index
      %swap3A_581 = tpu.vector_load %arg7[%swap3A_579, %swap3A_580] {strides = array<i32>} : memref<512x64xf32, #tpu.memory_space<vmem>>, vector<1x16xf32>,
      %swap3A_582 = vector.shape_cast %swap3A_581 : vector<1x16xf32> to vector<16xf32>
      %swap3A_583 = vector.shape_cast %scan3A_558#3 : vector<16xf32> to vector<1x16xf32>
      tpu.vector_store %arg7[%swap3A_579, %swap3A_580], %swap3A_583 {strides = array<i32>} : memref<512x64xf32, #tpu.memory_space<vmem>>, vector<1x16xf32>,
      %broadcast_in_dim3A_584 = arith.constant 0.000000e+00 : f32
      %broadcast_in_dim3A_585 = vector.broadcast %broadcast_in_dim3A_584 : f32 to vector<16xf32>
      %scan3A_586 = arith.constant 0 : i32
      %scan3A_587 = arith.constant 10 : i32
      %scan3A_588 = arith.addi %scan3A_586, %scan3A_587 : i32
      %scan3A_589 = arith.constant 1 : i32
      %scan3A_590:4 = scf.for %scan3A_788 = %scan3A_586 to %scan3A_588 step %scan3A_589 iter_args(%scan3A_789 = %broadcast_in_dim3A_585, %scan3A_790 = %broadcast_in_dim3A_585, %scan3A_791 = %broadcast_in_dim3A_585, %scan3A_792 = %broadcast_in_dim3A_585) -> (vector<16xf32>, vector<16xf32>, vector<16xf32>, vector<16xf32>)  : i32 {
        %mul3A_793 = arith.constant 5 : i32
        %mul3A_794 = arith.muli %scan3A_788, %mul3A_793 : i32
        %add3A_795 = arith.constant 50 : i32
        %add3A_796 = arith.addi %add3A_795, %mul3A_794 : i32
        %add3A_797 = arith.constant 0 : i32
        %add3A_798 = arith.addi %add3A_796, %add3A_797 : i32
        %get3A = arith.constant 5 : i32
        %get3A_799 = arith.index_cast %get3A : i32 to index
        %get3A_800 = arith.index_cast %add3A_798 : i32 to index
        %get3A_801 = arith.constant 0 : index
        %get3A_802 = tpu.vector_load %arg6[%get3A_799, %get3A_800, %get3A_801] {strides = array<i32>} : memref<8x100x64xf32, #tpu.memory_space<vmem>>, vector<1x1x16xf32>,
        %get3A_803 = vector.shape_cast %get3A_802 : vector<1x1x16xf32> to vector<16xf32>
        %add3A_804 = arith.addf %scan3A_789, %get3A_803 : vector<16xf32>
        %get3A_805 = arith.constant 5 : i32
        %get3A_806 = arith.index_cast %get3A_805 : i32 to index
        %get3A_807 = arith.index_cast %add3A_798 : i32 to index
        %get3A_808 = arith.constant 16 : index
        %get3A_809 = tpu.vector_load %arg6[%get3A_806, %get3A_807, %get3A_808] {strides = array<i32>} : memref<8x100x64xf32, #tpu.memory_space<vmem>>, vector<1x1x16xf32>,
        %get3A_810 = vector.shape_cast %get3A_809 : vector<1x1x16xf32> to vector<16xf32>
        %add3A_811 = arith.addf %scan3A_790, %get3A_810 : vector<16xf32>
        %get3A_812 = arith.constant 5 : i32
        %get3A_813 = arith.index_cast %get3A_812 : i32 to index
        %get3A_814 = arith.index_cast %add3A_798 : i32 to index
        %get3A_815 = arith.constant 32 : index
        %get3A_816 = tpu.vector_load %arg6[%get3A_813, %get3A_814, %get3A_815] {strides = array<i32>} : memref<8x100x64xf32, #tpu.memory_space<vmem>>, vector<1x1x16xf32>,
        %get3A_817 = vector.shape_cast %get3A_816 : vector<1x1x16xf32> to vector<16xf32>
        %add3A_818 = arith.addf %scan3A_791, %get3A_817 : vector<16xf32>
        %get3A_819 = arith.constant 5 : i32
        %get3A_820 = arith.index_cast %get3A_819 : i32 to index
        %get3A_821 = arith.index_cast %add3A_798 : i32 to index
        %get3A_822 = arith.constant 48 : index
        %get3A_823 = tpu.vector_load %arg6[%get3A_820, %get3A_821, %get3A_822] {strides = array<i32>} : memref<8x100x64xf32, #tpu.memory_space<vmem>>, vector<1x1x16xf32>,
        %get3A_824 = vector.shape_cast %get3A_823 : vector<1x1x16xf32> to vector<16xf32>
        %add3A_825 = arith.addf %scan3A_792, %get3A_824 : vector<16xf32>
        %mul3A_826 = arith.constant 5 : i32
        %mul3A_827 = arith.muli %scan3A_788, %mul3A_826 : i32
        %add3A_828 = arith.constant 50 : i32
        %add3A_829 = arith.addi %add3A_828, %mul3A_827 : i32
        %add3A_830 = arith.constant 1 : i32
        %add3A_831 = arith.addi %add3A_829, %add3A_830 : i32
        %get3A_832 = arith.constant 5 : i32
        %get3A_833 = arith.index_cast %get3A_832 : i32 to index
        %get3A_834 = arith.index_cast %add3A_831 : i32 to index
        %get3A_835 = arith.constant 0 : index
        %get3A_836 = tpu.vector_load %arg6[%get3A_833, %get3A_834, %get3A_835] {strides = array<i32>} : memref<8x100x64xf32, #tpu.memory_space<vmem>>, vector<1x1x16xf32>,
        %get3A_837 = vector.shape_cast %get3A_836 : vector<1x1x16xf32> to vector<16xf32>
        %add3A_838 = arith.addf %add3A_804, %get3A_837 : vector<16xf32>
        %get3A_839 = arith.constant 5 : i32
        %get3A_840 = arith.index_cast %get3A_839 : i32 to index
        %get3A_841 = arith.index_cast %add3A_831 : i32 to index
        %get3A_842 = arith.constant 16 : index
        %get3A_843 = tpu.vector_load %arg6[%get3A_840, %get3A_841, %get3A_842] {strides = array<i32>} : memref<8x100x64xf32, #tpu.memory_space<vmem>>, vector<1x1x16xf32>,
        %get3A_844 = vector.shape_cast %get3A_843 : vector<1x1x16xf32> to vector<16xf32>
        %add3A_845 = arith.addf %add3A_811, %get3A_844 : vector<16xf32>
        %get3A_846 = arith.constant 5 : i32
        %get3A_847 = arith.index_cast %get3A_846 : i32 to index
        %get3A_848 = arith.index_cast %add3A_831 : i32 to index
        %get3A_849 = arith.constant 32 : index
        %get3A_850 = tpu.vector_load %arg6[%get3A_847, %get3A_848, %get3A_849] {strides = array<i32>} : memref<8x100x64xf32, #tpu.memory_space<vmem>>, vector<1x1x16xf32>,
        %get3A_851 = vector.shape_cast %get3A_850 : vector<1x1x16xf32> to vector<16xf32>
        %add3A_852 = arith.addf %add3A_818, %get3A_851 : vector<16xf32>
        %get3A_853 = arith.constant 5 : i32
        %get3A_854 = arith.index_cast %get3A_853 : i32 to index
        %get3A_855 = arith.index_cast %add3A_831 : i32 to index
        %get3A_856 = arith.constant 48 : index
        %get3A_857 = tpu.vector_load %arg6[%get3A_854, %get3A_855, %get3A_856] {strides = array<i32>} : memref<8x100x64xf32, #tpu.memory_space<vmem>>, vector<1x1x16xf32>,
        %get3A_858 = vector.shape_cast %get3A_857 : vector<1x1x16xf32> to vector<16xf32>
        %add3A_859 = arith.addf %add3A_825, %get3A_858 : vector<16xf32>
        %mul3A_860 = arith.constant 5 : i32
        %mul3A_861 = arith.muli %scan3A_788, %mul3A_860 : i32
        %add3A_862 = arith.constant 50 : i32
        %add3A_863 = arith.addi %add3A_862, %mul3A_861 : i32
        %add3A_864 = arith.constant 2 : i32
        %add3A_865 = arith.addi %add3A_863, %add3A_864 : i32
        %get3A_866 = arith.constant 5 : i32
        %get3A_867 = arith.index_cast %get3A_866 : i32 to index
        %get3A_868 = arith.index_cast %add3A_865 : i32 to index
        %get3A_869 = arith.constant 0 : index
        %get3A_870 = tpu.vector_load %arg6[%get3A_867, %get3A_868, %get3A_869] {strides = array<i32>} : memref<8x100x64xf32, #tpu.memory_space<vmem>>, vector<1x1x16xf32>,
        %get3A_871 = vector.shape_cast %get3A_870 : vector<1x1x16xf32> to vector<16xf32>
        %add3A_872 = arith.addf %add3A_838, %get3A_871 : vector<16xf32>
        %get3A_873 = arith.constant 5 : i32
        %get3A_874 = arith.index_cast %get3A_873 : i32 to index
        %get3A_875 = arith.index_cast %add3A_865 : i32 to index
        %get3A_876 = arith.constant 16 : index
        %get3A_877 = tpu.vector_load %arg6[%get3A_874, %get3A_875, %get3A_876] {strides = array<i32>} : memref<8x100x64xf32, #tpu.memory_space<vmem>>, vector<1x1x16xf32>,
        %get3A_878 = vector.shape_cast %get3A_877 : vector<1x1x16xf32> to vector<16xf32>
        %add3A_879 = arith.addf %add3A_845, %get3A_878 : vector<16xf32>
        %get3A_880 = arith.constant 5 : i32
        %get3A_881 = arith.index_cast %get3A_880 : i32 to index
        %get3A_882 = arith.index_cast %add3A_865 : i32 to index
        %get3A_883 = arith.constant 32 : index
        %get3A_884 = tpu.vector_load %arg6[%get3A_881, %get3A_882, %get3A_883] {strides = array<i32>} : memref<8x100x64xf32, #tpu.memory_space<vmem>>, vector<1x1x16xf32>,
        %get3A_885 = vector.shape_cast %get3A_884 : vector<1x1x16xf32> to vector<16xf32>
        %add3A_886 = arith.addf %add3A_852, %get3A_885 : vector<16xf32>
        %get3A_887 = arith.constant 5 : i32
        %get3A_888 = arith.index_cast %get3A_887 : i32 to index
        %get3A_889 = arith.index_cast %add3A_865 : i32 to index
        %get3A_890 = arith.constant 48 : index
        %get3A_891 = tpu.vector_load %arg6[%get3A_888, %get3A_889, %get3A_890] {strides = array<i32>} : memref<8x100x64xf32, #tpu.memory_space<vmem>>, vector<1x1x16xf32>,
        %get3A_892 = vector.shape_cast %get3A_891 : vector<1x1x16xf32> to vector<16xf32>
        %add3A_893 = arith.addf %add3A_859, %get3A_892 : vector<16xf32>
        %mul3A_894 = arith.constant 5 : i32
        %mul3A_895 = arith.muli %scan3A_788, %mul3A_894 : i32
        %add3A_896 = arith.constant 50 : i32
        %add3A_897 = arith.addi %add3A_896, %mul3A_895 : i32
        %add3A_898 = arith.constant 3 : i32
        %add3A_899 = arith.addi %add3A_897, %add3A_898 : i32
        %get3A_900 = arith.constant 5 : i32
        %get3A_901 = arith.index_cast %get3A_900 : i32 to index
        %get3A_902 = arith.index_cast %add3A_899 : i32 to index
        %get3A_903 = arith.constant 0 : index
        %get3A_904 = tpu.vector_load %arg6[%get3A_901, %get3A_902, %get3A_903] {strides = array<i32>} : memref<8x100x64xf32, #tpu.memory_space<vmem>>, vector<1x1x16xf32>,
        %get3A_905 = vector.shape_cast %get3A_904 : vector<1x1x16xf32> to vector<16xf32>
        %add3A_906 = arith.addf %add3A_872, %get3A_905 : vector<16xf32>
        %get3A_907 = arith.constant 5 : i32
        %get3A_908 = arith.index_cast %get3A_907 : i32 to index
        %get3A_909 = arith.index_cast %add3A_899 : i32 to index
        %get3A_910 = arith.constant 16 : index
        %get3A_911 = tpu.vector_load %arg6[%get3A_908, %get3A_909, %get3A_910] {strides = array<i32>} : memref<8x100x64xf32, #tpu.memory_space<vmem>>, vector<1x1x16xf32>,
        %get3A_912 = vector.shape_cast %get3A_911 : vector<1x1x16xf32> to vector<16xf32>
        %add3A_913 = arith.addf %add3A_879, %get3A_912 : vector<16xf32>
        %get3A_914 = arith.constant 5 : i32
        %get3A_915 = arith.index_cast %get3A_914 : i32 to index
        %get3A_916 = arith.index_cast %add3A_899 : i32 to index
        %get3A_917 = arith.constant 32 : index
        %get3A_918 = tpu.vector_load %arg6[%get3A_915, %get3A_916, %get3A_917] {strides = array<i32>} : memref<8x100x64xf32, #tpu.memory_space<vmem>>, vector<1x1x16xf32>,
        %get3A_919 = vector.shape_cast %get3A_918 : vector<1x1x16xf32> to vector<16xf32>
        %add3A_920 = arith.addf %add3A_886, %get3A_919 : vector<16xf32>
        %get3A_921 = arith.constant 5 : i32
        %get3A_922 = arith.index_cast %get3A_921 : i32 to index
        %get3A_923 = arith.index_cast %add3A_899 : i32 to index
        %get3A_924 = arith.constant 48 : index
        %get3A_925 = tpu.vector_load %arg6[%get3A_922, %get3A_923, %get3A_924] {strides = array<i32>} : memref<8x100x64xf32, #tpu.memory_space<vmem>>, vector<1x1x16xf32>,
        %get3A_926 = vector.shape_cast %get3A_925 : vector<1x1x16xf32> to vector<16xf32>
        %add3A_927 = arith.addf %add3A_893, %get3A_926 : vector<16xf32>
        %mul3A_928 = arith.constant 5 : i32
        %mul3A_929 = arith.muli %scan3A_788, %mul3A_928 : i32
        %add3A_930 = arith.constant 50 : i32
        %add3A_931 = arith.addi %add3A_930, %mul3A_929 : i32
        %add3A_932 = arith.constant 4 : i32
        %add3A_933 = arith.addi %add3A_931, %add3A_932 : i32
        %get3A_934 = arith.constant 5 : i32
        %get3A_935 = arith.index_cast %get3A_934 : i32 to index
        %get3A_936 = arith.index_cast %add3A_933 : i32 to index
        %get3A_937 = arith.constant 0 : index
        %get3A_938 = tpu.vector_load %arg6[%get3A_935, %get3A_936, %get3A_937] {strides = array<i32>} : memref<8x100x64xf32, #tpu.memory_space<vmem>>, vector<1x1x16xf32>,
        %get3A_939 = vector.shape_cast %get3A_938 : vector<1x1x16xf32> to vector<16xf32>
        %add3A_940 = arith.addf %add3A_906, %get3A_939 : vector<16xf32>
        %get3A_941 = arith.constant 5 : i32
        %get3A_942 = arith.index_cast %get3A_941 : i32 to index
        %get3A_943 = arith.index_cast %add3A_933 : i32 to index
        %get3A_944 = arith.constant 16 : index
        %get3A_945 = tpu.vector_load %arg6[%get3A_942, %get3A_943, %get3A_944] {strides = array<i32>} : memref<8x100x64xf32, #tpu.memory_space<vmem>>, vector<1x1x16xf32>,
        %get3A_946 = vector.shape_cast %get3A_945 : vector<1x1x16xf32> to vector<16xf32>
        %add3A_947 = arith.addf %add3A_913, %get3A_946 : vector<16xf32>
        %get3A_948 = arith.constant 5 : i32
        %get3A_949 = arith.index_cast %get3A_948 : i32 to index
        %get3A_950 = arith.index_cast %add3A_933 : i32 to index
        %get3A_951 = arith.constant 32 : index
        %get3A_952 = tpu.vector_load %arg6[%get3A_949, %get3A_950, %get3A_951] {strides = array<i32>} : memref<8x100x64xf32, #tpu.memory_space<vmem>>, vector<1x1x16xf32>,
        %get3A_953 = vector.shape_cast %get3A_952 : vector<1x1x16xf32> to vector<16xf32>
        %add3A_954 = arith.addf %add3A_920, %get3A_953 : vector<16xf32>
        %get3A_955 = arith.constant 5 : i32
        %get3A_956 = arith.index_cast %get3A_955 : i32 to index
        %get3A_957 = arith.index_cast %add3A_933 : i32 to index
        %get3A_958 = arith.constant 48 : index
        %get3A_959 = tpu.vector_load %arg6[%get3A_956, %get3A_957, %get3A_958] {strides = array<i32>} : memref<8x100x64xf32, #tpu.memory_space<vmem>>, vector<1x1x16xf32>,
        %get3A_960 = vector.shape_cast %get3A_959 : vector<1x1x16xf32> to vector<16xf32>
        %add3A_961 = arith.addf %add3A_927, %get3A_960 : vector<16xf32>
        scf.yield %add3A_940, %add3A_947, %add3A_954, %add3A_961 : vector<16xf32>, vector<16xf32>, vector<16xf32>, vector<16xf32>
      }
      %scan3A_591 = arith.constant 10 : i32
      %mul3A_592 = arith.constant 2 : i32
      %mul3A_593 = arith.muli %mul3A_592, %add3A_533 : i32
      %add3A_594 = arith.constant 1 : i32
      %add3A_595 = arith.addi %mul3A_593, %add3A_594 : i32
      %swap3A_596 = arith.index_cast %add3A_595 : i32 to index
      %swap3A_597 = arith.constant 0 : index
      %swap3A_598 = tpu.vector_load %arg7[%swap3A_596, %swap3A_597] {strides = array<i32>} : memref<512x64xf32, #tpu.memory_space<vmem>>, vector<1x16xf32>,
      %swap3A_599 = vector.shape_cast %swap3A_598 : vector<1x16xf32> to vector<16xf32>
      %swap3A_600 = vector.shape_cast %scan3A_590#0 : vector<16xf32> to vector<1x16xf32>
      tpu.vector_store %arg7[%swap3A_596, %swap3A_597], %swap3A_600 {strides = array<i32>} : memref<512x64xf32, #tpu.memory_space<vmem>>, vector<1x16xf32>,
      %swap3A_601 = arith.index_cast %add3A_595 : i32 to index
      %swap3A_602 = arith.constant 16 : index
      %swap3A_603 = tpu.vector_load %arg7[%swap3A_601, %swap3A_602] {strides = array<i32>} : memref<512x64xf32, #tpu.memory_space<vmem>>, vector<1x16xf32>,
      %swap3A_604 = vector.shape_cast %swap3A_603 : vector<1x16xf32> to vector<16xf32>
      %swap3A_605 = vector.shape_cast %scan3A_590#1 : vector<16xf32> to vector<1x16xf32>
      tpu.vector_store %arg7[%swap3A_601, %swap3A_602], %swap3A_605 {strides = array<i32>} : memref<512x64xf32, #tpu.memory_space<vmem>>, vector<1x16xf32>,
      %swap3A_606 = arith.index_cast %add3A_595 : i32 to index
      %swap3A_607 = arith.constant 32 : index
      %swap3A_608 = tpu.vector_load %arg7[%swap3A_606, %swap3A_607] {strides = array<i32>} : memref<512x64xf32, #tpu.memory_space<vmem>>, vector<1x16xf32>,
      %swap3A_609 = vector.shape_cast %swap3A_608 : vector<1x16xf32> to vector<16xf32>
      %swap3A_610 = vector.shape_cast %scan3A_590#2 : vector<16xf32> to vector<1x16xf32>
      tpu.vector_store %arg7[%swap3A_606, %swap3A_607], %swap3A_610 {strides = array<i32>} : memref<512x64xf32, #tpu.memory_space<vmem>>, vector<1x16xf32>,
      %swap3A_611 = arith.index_cast %add3A_595 : i32 to index
      %swap3A_612 = arith.constant 48 : index
      %swap3A_613 = tpu.vector_load %arg7[%swap3A_611, %swap3A_612] {strides = array<i32>} : memref<512x64xf32, #tpu.memory_space<vmem>>, vector<1x16xf32>,
      %swap3A_614 = vector.shape_cast %swap3A_613 : vector<1x16xf32> to vector<16xf32>
      %swap3A_615 = vector.shape_cast %scan3A_590#3 : vector<16xf32> to vector<1x16xf32>
      tpu.vector_store %arg7[%swap3A_611, %swap3A_612], %swap3A_615 {strides = array<i32>} : memref<512x64xf32, #tpu.memory_space<vmem>>, vector<1x16xf32>,
      %mul3A_616 = arith.constant 8 : i32
      %mul3A_617 = arith.muli %scan3A_105, %mul3A_616 : i32
      %add3A_618 = arith.constant 6 : i32
      %add3A_619 = arith.addi %mul3A_617, %add3A_618 : i32
      %dma_wait3A_620 = arith.constant 6 : i32
      %dma_wait3A_621 = arith.constant 0 : i32
      %dma_wait3A_622 = arith.constant 0 : i32
      %dma_wait3A_623 = tpu.memref_slice %arg6[%dma_wait3A_620, %dma_wait3A_621, %dma_wait3A_622] : memref<8x100x64xf32, #tpu.memory_space<vmem>> -> memref<1x100x64xf32, #tpu.memory_space<vmem>>
      %dma_wait3A_624 = tpu.memref_squeeze %dma_wait3A_623 : memref<1x100x64xf32, #tpu.memory_space<vmem>> -> memref<100x64xf32, #tpu.memory_space<vmem>>
      %dma_wait3A_625 = arith.constant 0 : i32
      %dma_wait3A_626 = tpu.memref_slice %arg5[%add3A_619, %dma_wait3A_625] : memref<256x100xi32, #tpu.memory_space<vmem>> -> memref<1x100xi32, #tpu.memory_space<vmem>>
      %dma_wait3A_627 = tpu.memref_squeeze %dma_wait3A_626 : memref<1x100xi32, #tpu.memory_space<vmem>> -> memref<100xi32, #tpu.memory_space<vmem>>
      %dma_wait3A_628 = arith.constant 0 : i32
      %dma_wait3A_629 = arith.constant 0 : i32
      %dma_wait3A_630 = tpu.memref_slice %arg3[%dma_wait3A_628, %dma_wait3A_629] : memref<1000000x64xf32, #tpu.memory_space<hbm>> -> memref<1000000x64xf32, #tpu.memory_space<hbm>>
      tpu.wait_indirect_dma semaphore(%arg14 : memref<!tpu.dma_semaphore, #tpu.memory_space<semaphore_mem>>) src(%dma_wait3A_630 : memref<1000000x64xf32, #tpu.memory_space<hbm>>) dst(%dma_wait3A_624 : memref<100x64xf32, #tpu.memory_space<vmem>>)
      %add3A_631 = arith.constant 8 : i32
      %add3A_632 = arith.addi %add3A_619, %add3A_631 : i32
      %lt3A_633 = arith.constant 256 : i32
      %lt3A_634 = arith.cmpi slt, %add3A_632, %lt3A_633 : i32
      %convert_element_type3A_635 = arith.extui %lt3A_634 : i1 to i32
      %cond3A_636 = arith.constant 0 : i32
      %cond3A_637 = arith.cmpi ne, %convert_element_type3A_635, %cond3A_636 : i32
      scf.if %cond3A_637 {
        %dma_start3A_788 = arith.constant 6 : i32
        %dma_start3A_789 = arith.constant 0 : i32
        %dma_start3A_790 = arith.constant 0 : i32
        %dma_start3A_791 = tpu.memref_slice %arg6[%dma_start3A_788, %dma_start3A_789, %dma_start3A_790] : memref<8x100x64xf32, #tpu.memory_space<vmem>> -> memref<1x100x64xf32, #tpu.memory_space<vmem>>
        %dma_start3A_792 = tpu.memref_squeeze %dma_start3A_791 : memref<1x100x64xf32, #tpu.memory_space<vmem>> -> memref<100x64xf32, #tpu.memory_space<vmem>>
        %dma_start3A_793 = arith.constant 0 : i32
        %dma_start3A_794 = tpu.memref_slice %arg5[%add3A_632, %dma_start3A_793] : memref<256x100xi32, #tpu.memory_space<vmem>> -> memref<1x100xi32, #tpu.memory_space<vmem>>
        %dma_start3A_795 = tpu.memref_squeeze %dma_start3A_794 : memref<1x100xi32, #tpu.memory_space<vmem>> -> memref<100xi32, #tpu.memory_space<vmem>>
        %dma_start3A_796 = arith.constant 0 : i32
        %dma_start3A_797 = arith.constant 0 : i32
        %dma_start3A_798 = tpu.memref_slice %arg3[%dma_start3A_796, %dma_start3A_797] : memref<1000000x64xf32, #tpu.memory_space<hbm>> -> memref<1000000x64xf32, #tpu.memory_space<hbm>>
        tpu.enqueue_indirect_dma source(%dma_start3A_798 : memref<1000000x64xf32, #tpu.memory_space<hbm>>) target(%dma_start3A_792 : memref<100x64xf32, #tpu.memory_space<vmem>>) offsets(%dma_start3A_795 : memref<100xi32, #tpu.memory_space<vmem>>) semaphore(%arg14 : memref<!tpu.dma_semaphore, #tpu.memory_space<semaphore_mem>>)
      } else {
      }
      %broadcast_in_dim3A_638 = arith.constant 0.000000e+00 : f32
      %broadcast_in_dim3A_639 = vector.broadcast %broadcast_in_dim3A_638 : f32 to vector<16xf32>
      %scan3A_640 = arith.constant 0 : i32
      %scan3A_641 = arith.constant 10 : i32
      %scan3A_642 = arith.addi %scan3A_640, %scan3A_641 : i32
      %scan3A_643 = arith.constant 1 : i32
      %scan3A_644:4 = scf.for %scan3A_788 = %scan3A_640 to %scan3A_642 step %scan3A_643 iter_args(%scan3A_789 = %broadcast_in_dim3A_639, %scan3A_790 = %broadcast_in_dim3A_639, %scan3A_791 = %broadcast_in_dim3A_639, %scan3A_792 = %broadcast_in_dim3A_639) -> (vector<16xf32>, vector<16xf32>, vector<16xf32>, vector<16xf32>)  : i32 {
        %mul3A_793 = arith.constant 5 : i32
        %mul3A_794 = arith.muli %scan3A_788, %mul3A_793 : i32
        %add3A_795 = arith.constant 0 : i32
        %add3A_796 = arith.addi %add3A_795, %mul3A_794 : i32
        %add3A_797 = arith.constant 0 : i32
        %add3A_798 = arith.addi %add3A_796, %add3A_797 : i32
        %get3A = arith.constant 6 : i32
        %get3A_799 = arith.index_cast %get3A : i32 to index
        %get3A_800 = arith.index_cast %add3A_798 : i32 to index
        %get3A_801 = arith.constant 0 : index
        %get3A_802 = tpu.vector_load %arg6[%get3A_799, %get3A_800, %get3A_801] {strides = array<i32>} : memref<8x100x64xf32, #tpu.memory_space<vmem>>, vector<1x1x16xf32>,
        %get3A_803 = vector.shape_cast %get3A_802 : vector<1x1x16xf32> to vector<16xf32>
        %add3A_804 = arith.addf %scan3A_789, %get3A_803 : vector<16xf32>
        %get3A_805 = arith.constant 6 : i32
        %get3A_806 = arith.index_cast %get3A_805 : i32 to index
        %get3A_807 = arith.index_cast %add3A_798 : i32 to index
        %get3A_808 = arith.constant 16 : index
        %get3A_809 = tpu.vector_load %arg6[%get3A_806, %get3A_807, %get3A_808] {strides = array<i32>} : memref<8x100x64xf32, #tpu.memory_space<vmem>>, vector<1x1x16xf32>,
        %get3A_810 = vector.shape_cast %get3A_809 : vector<1x1x16xf32> to vector<16xf32>
        %add3A_811 = arith.addf %scan3A_790, %get3A_810 : vector<16xf32>
        %get3A_812 = arith.constant 6 : i32
        %get3A_813 = arith.index_cast %get3A_812 : i32 to index
        %get3A_814 = arith.index_cast %add3A_798 : i32 to index
        %get3A_815 = arith.constant 32 : index
        %get3A_816 = tpu.vector_load %arg6[%get3A_813, %get3A_814, %get3A_815] {strides = array<i32>} : memref<8x100x64xf32, #tpu.memory_space<vmem>>, vector<1x1x16xf32>,
        %get3A_817 = vector.shape_cast %get3A_816 : vector<1x1x16xf32> to vector<16xf32>
        %add3A_818 = arith.addf %scan3A_791, %get3A_817 : vector<16xf32>
        %get3A_819 = arith.constant 6 : i32
        %get3A_820 = arith.index_cast %get3A_819 : i32 to index
        %get3A_821 = arith.index_cast %add3A_798 : i32 to index
        %get3A_822 = arith.constant 48 : index
        %get3A_823 = tpu.vector_load %arg6[%get3A_820, %get3A_821, %get3A_822] {strides = array<i32>} : memref<8x100x64xf32, #tpu.memory_space<vmem>>, vector<1x1x16xf32>,
        %get3A_824 = vector.shape_cast %get3A_823 : vector<1x1x16xf32> to vector<16xf32>
        %add3A_825 = arith.addf %scan3A_792, %get3A_824 : vector<16xf32>
        %mul3A_826 = arith.constant 5 : i32
        %mul3A_827 = arith.muli %scan3A_788, %mul3A_826 : i32
        %add3A_828 = arith.constant 0 : i32
        %add3A_829 = arith.addi %add3A_828, %mul3A_827 : i32
        %add3A_830 = arith.constant 1 : i32
        %add3A_831 = arith.addi %add3A_829, %add3A_830 : i32
        %get3A_832 = arith.constant 6 : i32
        %get3A_833 = arith.index_cast %get3A_832 : i32 to index
        %get3A_834 = arith.index_cast %add3A_831 : i32 to index
        %get3A_835 = arith.constant 0 : index
        %get3A_836 = tpu.vector_load %arg6[%get3A_833, %get3A_834, %get3A_835] {strides = array<i32>} : memref<8x100x64xf32, #tpu.memory_space<vmem>>, vector<1x1x16xf32>,
        %get3A_837 = vector.shape_cast %get3A_836 : vector<1x1x16xf32> to vector<16xf32>
        %add3A_838 = arith.addf %add3A_804, %get3A_837 : vector<16xf32>
        %get3A_839 = arith.constant 6 : i32
        %get3A_840 = arith.index_cast %get3A_839 : i32 to index
        %get3A_841 = arith.index_cast %add3A_831 : i32 to index
        %get3A_842 = arith.constant 16 : index
        %get3A_843 = tpu.vector_load %arg6[%get3A_840, %get3A_841, %get3A_842] {strides = array<i32>} : memref<8x100x64xf32, #tpu.memory_space<vmem>>, vector<1x1x16xf32>,
        %get3A_844 = vector.shape_cast %get3A_843 : vector<1x1x16xf32> to vector<16xf32>
        %add3A_845 = arith.addf %add3A_811, %get3A_844 : vector<16xf32>
        %get3A_846 = arith.constant 6 : i32
        %get3A_847 = arith.index_cast %get3A_846 : i32 to index
        %get3A_848 = arith.index_cast %add3A_831 : i32 to index
        %get3A_849 = arith.constant 32 : index
        %get3A_850 = tpu.vector_load %arg6[%get3A_847, %get3A_848, %get3A_849] {strides = array<i32>} : memref<8x100x64xf32, #tpu.memory_space<vmem>>, vector<1x1x16xf32>,
        %get3A_851 = vector.shape_cast %get3A_850 : vector<1x1x16xf32> to vector<16xf32>
        %add3A_852 = arith.addf %add3A_818, %get3A_851 : vector<16xf32>
        %get3A_853 = arith.constant 6 : i32
        %get3A_854 = arith.index_cast %get3A_853 : i32 to index
        %get3A_855 = arith.index_cast %add3A_831 : i32 to index
        %get3A_856 = arith.constant 48 : index
        %get3A_857 = tpu.vector_load %arg6[%get3A_854, %get3A_855, %get3A_856] {strides = array<i32>} : memref<8x100x64xf32, #tpu.memory_space<vmem>>, vector<1x1x16xf32>,
        %get3A_858 = vector.shape_cast %get3A_857 : vector<1x1x16xf32> to vector<16xf32>
        %add3A_859 = arith.addf %add3A_825, %get3A_858 : vector<16xf32>
        %mul3A_860 = arith.constant 5 : i32
        %mul3A_861 = arith.muli %scan3A_788, %mul3A_860 : i32
        %add3A_862 = arith.constant 0 : i32
        %add3A_863 = arith.addi %add3A_862, %mul3A_861 : i32
        %add3A_864 = arith.constant 2 : i32
        %add3A_865 = arith.addi %add3A_863, %add3A_864 : i32
        %get3A_866 = arith.constant 6 : i32
        %get3A_867 = arith.index_cast %get3A_866 : i32 to index
        %get3A_868 = arith.index_cast %add3A_865 : i32 to index
        %get3A_869 = arith.constant 0 : index
        %get3A_870 = tpu.vector_load %arg6[%get3A_867, %get3A_868, %get3A_869] {strides = array<i32>} : memref<8x100x64xf32, #tpu.memory_space<vmem>>, vector<1x1x16xf32>,
        %get3A_871 = vector.shape_cast %get3A_870 : vector<1x1x16xf32> to vector<16xf32>
        %add3A_872 = arith.addf %add3A_838, %get3A_871 : vector<16xf32>
        %get3A_873 = arith.constant 6 : i32
        %get3A_874 = arith.index_cast %get3A_873 : i32 to index
        %get3A_875 = arith.index_cast %add3A_865 : i32 to index
        %get3A_876 = arith.constant 16 : index
        %get3A_877 = tpu.vector_load %arg6[%get3A_874, %get3A_875, %get3A_876] {strides = array<i32>} : memref<8x100x64xf32, #tpu.memory_space<vmem>>, vector<1x1x16xf32>,
        %get3A_878 = vector.shape_cast %get3A_877 : vector<1x1x16xf32> to vector<16xf32>
        %add3A_879 = arith.addf %add3A_845, %get3A_878 : vector<16xf32>
        %get3A_880 = arith.constant 6 : i32
        %get3A_881 = arith.index_cast %get3A_880 : i32 to index
        %get3A_882 = arith.index_cast %add3A_865 : i32 to index
        %get3A_883 = arith.constant 32 : index
        %get3A_884 = tpu.vector_load %arg6[%get3A_881, %get3A_882, %get3A_883] {strides = array<i32>} : memref<8x100x64xf32, #tpu.memory_space<vmem>>, vector<1x1x16xf32>,
        %get3A_885 = vector.shape_cast %get3A_884 : vector<1x1x16xf32> to vector<16xf32>
        %add3A_886 = arith.addf %add3A_852, %get3A_885 : vector<16xf32>
        %get3A_887 = arith.constant 6 : i32
        %get3A_888 = arith.index_cast %get3A_887 : i32 to index
        %get3A_889 = arith.index_cast %add3A_865 : i32 to index
        %get3A_890 = arith.constant 48 : index
        %get3A_891 = tpu.vector_load %arg6[%get3A_888, %get3A_889, %get3A_890] {strides = array<i32>} : memref<8x100x64xf32, #tpu.memory_space<vmem>>, vector<1x1x16xf32>,
        %get3A_892 = vector.shape_cast %get3A_891 : vector<1x1x16xf32> to vector<16xf32>
        %add3A_893 = arith.addf %add3A_859, %get3A_892 : vector<16xf32>
        %mul3A_894 = arith.constant 5 : i32
        %mul3A_895 = arith.muli %scan3A_788, %mul3A_894 : i32
        %add3A_896 = arith.constant 0 : i32
        %add3A_897 = arith.addi %add3A_896, %mul3A_895 : i32
        %add3A_898 = arith.constant 3 : i32
        %add3A_899 = arith.addi %add3A_897, %add3A_898 : i32
        %get3A_900 = arith.constant 6 : i32
        %get3A_901 = arith.index_cast %get3A_900 : i32 to index
        %get3A_902 = arith.index_cast %add3A_899 : i32 to index
        %get3A_903 = arith.constant 0 : index
        %get3A_904 = tpu.vector_load %arg6[%get3A_901, %get3A_902, %get3A_903] {strides = array<i32>} : memref<8x100x64xf32, #tpu.memory_space<vmem>>, vector<1x1x16xf32>,
        %get3A_905 = vector.shape_cast %get3A_904 : vector<1x1x16xf32> to vector<16xf32>
        %add3A_906 = arith.addf %add3A_872, %get3A_905 : vector<16xf32>
        %get3A_907 = arith.constant 6 : i32
        %get3A_908 = arith.index_cast %get3A_907 : i32 to index
        %get3A_909 = arith.index_cast %add3A_899 : i32 to index
        %get3A_910 = arith.constant 16 : index
        %get3A_911 = tpu.vector_load %arg6[%get3A_908, %get3A_909, %get3A_910] {strides = array<i32>} : memref<8x100x64xf32, #tpu.memory_space<vmem>>, vector<1x1x16xf32>,
        %get3A_912 = vector.shape_cast %get3A_911 : vector<1x1x16xf32> to vector<16xf32>
        %add3A_913 = arith.addf %add3A_879, %get3A_912 : vector<16xf32>
        %get3A_914 = arith.constant 6 : i32
        %get3A_915 = arith.index_cast %get3A_914 : i32 to index
        %get3A_916 = arith.index_cast %add3A_899 : i32 to index
        %get3A_917 = arith.constant 32 : index
        %get3A_918 = tpu.vector_load %arg6[%get3A_915, %get3A_916, %get3A_917] {strides = array<i32>} : memref<8x100x64xf32, #tpu.memory_space<vmem>>, vector<1x1x16xf32>,
        %get3A_919 = vector.shape_cast %get3A_918 : vector<1x1x16xf32> to vector<16xf32>
        %add3A_920 = arith.addf %add3A_886, %get3A_919 : vector<16xf32>
        %get3A_921 = arith.constant 6 : i32
        %get3A_922 = arith.index_cast %get3A_921 : i32 to index
        %get3A_923 = arith.index_cast %add3A_899 : i32 to index
        %get3A_924 = arith.constant 48 : index
        %get3A_925 = tpu.vector_load %arg6[%get3A_922, %get3A_923, %get3A_924] {strides = array<i32>} : memref<8x100x64xf32, #tpu.memory_space<vmem>>, vector<1x1x16xf32>,
        %get3A_926 = vector.shape_cast %get3A_925 : vector<1x1x16xf32> to vector<16xf32>
        %add3A_927 = arith.addf %add3A_893, %get3A_926 : vector<16xf32>
        %mul3A_928 = arith.constant 5 : i32
        %mul3A_929 = arith.muli %scan3A_788, %mul3A_928 : i32
        %add3A_930 = arith.constant 0 : i32
        %add3A_931 = arith.addi %add3A_930, %mul3A_929 : i32
        %add3A_932 = arith.constant 4 : i32
        %add3A_933 = arith.addi %add3A_931, %add3A_932 : i32
        %get3A_934 = arith.constant 6 : i32
        %get3A_935 = arith.index_cast %get3A_934 : i32 to index
        %get3A_936 = arith.index_cast %add3A_933 : i32 to index
        %get3A_937 = arith.constant 0 : index
        %get3A_938 = tpu.vector_load %arg6[%get3A_935, %get3A_936, %get3A_937] {strides = array<i32>} : memref<8x100x64xf32, #tpu.memory_space<vmem>>, vector<1x1x16xf32>,
        %get3A_939 = vector.shape_cast %get3A_938 : vector<1x1x16xf32> to vector<16xf32>
        %add3A_940 = arith.addf %add3A_906, %get3A_939 : vector<16xf32>
        %get3A_941 = arith.constant 6 : i32
        %get3A_942 = arith.index_cast %get3A_941 : i32 to index
        %get3A_943 = arith.index_cast %add3A_933 : i32 to index
        %get3A_944 = arith.constant 16 : index
        %get3A_945 = tpu.vector_load %arg6[%get3A_942, %get3A_943, %get3A_944] {strides = array<i32>} : memref<8x100x64xf32, #tpu.memory_space<vmem>>, vector<1x1x16xf32>,
        %get3A_946 = vector.shape_cast %get3A_945 : vector<1x1x16xf32> to vector<16xf32>
        %add3A_947 = arith.addf %add3A_913, %get3A_946 : vector<16xf32>
        %get3A_948 = arith.constant 6 : i32
        %get3A_949 = arith.index_cast %get3A_948 : i32 to index
        %get3A_950 = arith.index_cast %add3A_933 : i32 to index
        %get3A_951 = arith.constant 32 : index
        %get3A_952 = tpu.vector_load %arg6[%get3A_949, %get3A_950, %get3A_951] {strides = array<i32>} : memref<8x100x64xf32, #tpu.memory_space<vmem>>, vector<1x1x16xf32>,
        %get3A_953 = vector.shape_cast %get3A_952 : vector<1x1x16xf32> to vector<16xf32>
        %add3A_954 = arith.addf %add3A_920, %get3A_953 : vector<16xf32>
        %get3A_955 = arith.constant 6 : i32
        %get3A_956 = arith.index_cast %get3A_955 : i32 to index
        %get3A_957 = arith.index_cast %add3A_933 : i32 to index
        %get3A_958 = arith.constant 48 : index
        %get3A_959 = tpu.vector_load %arg6[%get3A_956, %get3A_957, %get3A_958] {strides = array<i32>} : memref<8x100x64xf32, #tpu.memory_space<vmem>>, vector<1x1x16xf32>,
        %get3A_960 = vector.shape_cast %get3A_959 : vector<1x1x16xf32> to vector<16xf32>
        %add3A_961 = arith.addf %add3A_927, %get3A_960 : vector<16xf32>
        scf.yield %add3A_940, %add3A_947, %add3A_954, %add3A_961 : vector<16xf32>, vector<16xf32>, vector<16xf32>, vector<16xf32>
      }
      %scan3A_645 = arith.constant 10 : i32
      %mul3A_646 = arith.constant 2 : i32
      %mul3A_647 = arith.muli %mul3A_646, %add3A_619 : i32
      %add3A_648 = arith.constant 0 : i32
      %add3A_649 = arith.addi %mul3A_647, %add3A_648 : i32
      %swap3A_650 = arith.index_cast %add3A_649 : i32 to index
      %swap3A_651 = arith.constant 0 : index
      %swap3A_652 = tpu.vector_load %arg7[%swap3A_650, %swap3A_651] {strides = array<i32>} : memref<512x64xf32, #tpu.memory_space<vmem>>, vector<1x16xf32>,
      %swap3A_653 = vector.shape_cast %swap3A_652 : vector<1x16xf32> to vector<16xf32>
      %swap3A_654 = vector.shape_cast %scan3A_644#0 : vector<16xf32> to vector<1x16xf32>
      tpu.vector_store %arg7[%swap3A_650, %swap3A_651], %swap3A_654 {strides = array<i32>} : memref<512x64xf32, #tpu.memory_space<vmem>>, vector<1x16xf32>,
      %swap3A_655 = arith.index_cast %add3A_649 : i32 to index
      %swap3A_656 = arith.constant 16 : index
      %swap3A_657 = tpu.vector_load %arg7[%swap3A_655, %swap3A_656] {strides = array<i32>} : memref<512x64xf32, #tpu.memory_space<vmem>>, vector<1x16xf32>,
      %swap3A_658 = vector.shape_cast %swap3A_657 : vector<1x16xf32> to vector<16xf32>
      %swap3A_659 = vector.shape_cast %scan3A_644#1 : vector<16xf32> to vector<1x16xf32>
      tpu.vector_store %arg7[%swap3A_655, %swap3A_656], %swap3A_659 {strides = array<i32>} : memref<512x64xf32, #tpu.memory_space<vmem>>, vector<1x16xf32>,
      %swap3A_660 = arith.index_cast %add3A_649 : i32 to index
      %swap3A_661 = arith.constant 32 : index
      %swap3A_662 = tpu.vector_load %arg7[%swap3A_660, %swap3A_661] {strides = array<i32>} : memref<512x64xf32, #tpu.memory_space<vmem>>, vector<1x16xf32>,
      %swap3A_663 = vector.shape_cast %swap3A_662 : vector<1x16xf32> to vector<16xf32>
      %swap3A_664 = vector.shape_cast %scan3A_644#2 : vector<16xf32> to vector<1x16xf32>
      tpu.vector_store %arg7[%swap3A_660, %swap3A_661], %swap3A_664 {strides = array<i32>} : memref<512x64xf32, #tpu.memory_space<vmem>>, vector<1x16xf32>,
      %swap3A_665 = arith.index_cast %add3A_649 : i32 to index
      %swap3A_666 = arith.constant 48 : index
      %swap3A_667 = tpu.vector_load %arg7[%swap3A_665, %swap3A_666] {strides = array<i32>} : memref<512x64xf32, #tpu.memory_space<vmem>>, vector<1x16xf32>,
      %swap3A_668 = vector.shape_cast %swap3A_667 : vector<1x16xf32> to vector<16xf32>
      %swap3A_669 = vector.shape_cast %scan3A_644#3 : vector<16xf32> to vector<1x16xf32>
      tpu.vector_store %arg7[%swap3A_665, %swap3A_666], %swap3A_669 {strides = array<i32>} : memref<512x64xf32, #tpu.memory_space<vmem>>, vector<1x16xf32>,
      %broadcast_in_dim3A_670 = arith.constant 0.000000e+00 : f32
      %broadcast_in_dim3A_671 = vector.broadcast %broadcast_in_dim3A_670 : f32 to vector<16xf32>
      %scan3A_672 = arith.constant 0 : i32
      %scan3A_673 = arith.constant 10 : i32
      %scan3A_674 = arith.addi %scan3A_672, %scan3A_673 : i32
      %scan3A_675 = arith.constant 1 : i32
      %scan3A_676:4 = scf.for %scan3A_788 = %scan3A_672 to %scan3A_674 step %scan3A_675 iter_args(%scan3A_789 = %broadcast_in_dim3A_671, %scan3A_790 = %broadcast_in_dim3A_671, %scan3A_791 = %broadcast_in_dim3A_671, %scan3A_792 = %broadcast_in_dim3A_671) -> (vector<16xf32>, vector<16xf32>, vector<16xf32>, vector<16xf32>)  : i32 {
        %mul3A_793 = arith.constant 5 : i32
        %mul3A_794 = arith.muli %scan3A_788, %mul3A_793 : i32
        %add3A_795 = arith.constant 50 : i32
        %add3A_796 = arith.addi %add3A_795, %mul3A_794 : i32
        %add3A_797 = arith.constant 0 : i32
        %add3A_798 = arith.addi %add3A_796, %add3A_797 : i32
        %get3A = arith.constant 6 : i32
        %get3A_799 = arith.index_cast %get3A : i32 to index
        %get3A_800 = arith.index_cast %add3A_798 : i32 to index
        %get3A_801 = arith.constant 0 : index
        %get3A_802 = tpu.vector_load %arg6[%get3A_799, %get3A_800, %get3A_801] {strides = array<i32>} : memref<8x100x64xf32, #tpu.memory_space<vmem>>, vector<1x1x16xf32>,
        %get3A_803 = vector.shape_cast %get3A_802 : vector<1x1x16xf32> to vector<16xf32>
        %add3A_804 = arith.addf %scan3A_789, %get3A_803 : vector<16xf32>
        %get3A_805 = arith.constant 6 : i32
        %get3A_806 = arith.index_cast %get3A_805 : i32 to index
        %get3A_807 = arith.index_cast %add3A_798 : i32 to index
        %get3A_808 = arith.constant 16 : index
        %get3A_809 = tpu.vector_load %arg6[%get3A_806, %get3A_807, %get3A_808] {strides = array<i32>} : memref<8x100x64xf32, #tpu.memory_space<vmem>>, vector<1x1x16xf32>,
        %get3A_810 = vector.shape_cast %get3A_809 : vector<1x1x16xf32> to vector<16xf32>
        %add3A_811 = arith.addf %scan3A_790, %get3A_810 : vector<16xf32>
        %get3A_812 = arith.constant 6 : i32
        %get3A_813 = arith.index_cast %get3A_812 : i32 to index
        %get3A_814 = arith.index_cast %add3A_798 : i32 to index
        %get3A_815 = arith.constant 32 : index
        %get3A_816 = tpu.vector_load %arg6[%get3A_813, %get3A_814, %get3A_815] {strides = array<i32>} : memref<8x100x64xf32, #tpu.memory_space<vmem>>, vector<1x1x16xf32>,
        %get3A_817 = vector.shape_cast %get3A_816 : vector<1x1x16xf32> to vector<16xf32>
        %add3A_818 = arith.addf %scan3A_791, %get3A_817 : vector<16xf32>
        %get3A_819 = arith.constant 6 : i32
        %get3A_820 = arith.index_cast %get3A_819 : i32 to index
        %get3A_821 = arith.index_cast %add3A_798 : i32 to index
        %get3A_822 = arith.constant 48 : index
        %get3A_823 = tpu.vector_load %arg6[%get3A_820, %get3A_821, %get3A_822] {strides = array<i32>} : memref<8x100x64xf32, #tpu.memory_space<vmem>>, vector<1x1x16xf32>,
        %get3A_824 = vector.shape_cast %get3A_823 : vector<1x1x16xf32> to vector<16xf32>
        %add3A_825 = arith.addf %scan3A_792, %get3A_824 : vector<16xf32>
        %mul3A_826 = arith.constant 5 : i32
        %mul3A_827 = arith.muli %scan3A_788, %mul3A_826 : i32
        %add3A_828 = arith.constant 50 : i32
        %add3A_829 = arith.addi %add3A_828, %mul3A_827 : i32
        %add3A_830 = arith.constant 1 : i32
        %add3A_831 = arith.addi %add3A_829, %add3A_830 : i32
        %get3A_832 = arith.constant 6 : i32
        %get3A_833 = arith.index_cast %get3A_832 : i32 to index
        %get3A_834 = arith.index_cast %add3A_831 : i32 to index
        %get3A_835 = arith.constant 0 : index
        %get3A_836 = tpu.vector_load %arg6[%get3A_833, %get3A_834, %get3A_835] {strides = array<i32>} : memref<8x100x64xf32, #tpu.memory_space<vmem>>, vector<1x1x16xf32>,
        %get3A_837 = vector.shape_cast %get3A_836 : vector<1x1x16xf32> to vector<16xf32>
        %add3A_838 = arith.addf %add3A_804, %get3A_837 : vector<16xf32>
        %get3A_839 = arith.constant 6 : i32
        %get3A_840 = arith.index_cast %get3A_839 : i32 to index
        %get3A_841 = arith.index_cast %add3A_831 : i32 to index
        %get3A_842 = arith.constant 16 : index
        %get3A_843 = tpu.vector_load %arg6[%get3A_840, %get3A_841, %get3A_842] {strides = array<i32>} : memref<8x100x64xf32, #tpu.memory_space<vmem>>, vector<1x1x16xf32>,
        %get3A_844 = vector.shape_cast %get3A_843 : vector<1x1x16xf32> to vector<16xf32>
        %add3A_845 = arith.addf %add3A_811, %get3A_844 : vector<16xf32>
        %get3A_846 = arith.constant 6 : i32
        %get3A_847 = arith.index_cast %get3A_846 : i32 to index
        %get3A_848 = arith.index_cast %add3A_831 : i32 to index
        %get3A_849 = arith.constant 32 : index
        %get3A_850 = tpu.vector_load %arg6[%get3A_847, %get3A_848, %get3A_849] {strides = array<i32>} : memref<8x100x64xf32, #tpu.memory_space<vmem>>, vector<1x1x16xf32>,
        %get3A_851 = vector.shape_cast %get3A_850 : vector<1x1x16xf32> to vector<16xf32>
        %add3A_852 = arith.addf %add3A_818, %get3A_851 : vector<16xf32>
        %get3A_853 = arith.constant 6 : i32
        %get3A_854 = arith.index_cast %get3A_853 : i32 to index
        %get3A_855 = arith.index_cast %add3A_831 : i32 to index
        %get3A_856 = arith.constant 48 : index
        %get3A_857 = tpu.vector_load %arg6[%get3A_854, %get3A_855, %get3A_856] {strides = array<i32>} : memref<8x100x64xf32, #tpu.memory_space<vmem>>, vector<1x1x16xf32>,
        %get3A_858 = vector.shape_cast %get3A_857 : vector<1x1x16xf32> to vector<16xf32>
        %add3A_859 = arith.addf %add3A_825, %get3A_858 : vector<16xf32>
        %mul3A_860 = arith.constant 5 : i32
        %mul3A_861 = arith.muli %scan3A_788, %mul3A_860 : i32
        %add3A_862 = arith.constant 50 : i32
        %add3A_863 = arith.addi %add3A_862, %mul3A_861 : i32
        %add3A_864 = arith.constant 2 : i32
        %add3A_865 = arith.addi %add3A_863, %add3A_864 : i32
        %get3A_866 = arith.constant 6 : i32
        %get3A_867 = arith.index_cast %get3A_866 : i32 to index
        %get3A_868 = arith.index_cast %add3A_865 : i32 to index
        %get3A_869 = arith.constant 0 : index
        %get3A_870 = tpu.vector_load %arg6[%get3A_867, %get3A_868, %get3A_869] {strides = array<i32>} : memref<8x100x64xf32, #tpu.memory_space<vmem>>, vector<1x1x16xf32>,
        %get3A_871 = vector.shape_cast %get3A_870 : vector<1x1x16xf32> to vector<16xf32>
        %add3A_872 = arith.addf %add3A_838, %get3A_871 : vector<16xf32>
        %get3A_873 = arith.constant 6 : i32
        %get3A_874 = arith.index_cast %get3A_873 : i32 to index
        %get3A_875 = arith.index_cast %add3A_865 : i32 to index
        %get3A_876 = arith.constant 16 : index
        %get3A_877 = tpu.vector_load %arg6[%get3A_874, %get3A_875, %get3A_876] {strides = array<i32>} : memref<8x100x64xf32, #tpu.memory_space<vmem>>, vector<1x1x16xf32>,
        %get3A_878 = vector.shape_cast %get3A_877 : vector<1x1x16xf32> to vector<16xf32>
        %add3A_879 = arith.addf %add3A_845, %get3A_878 : vector<16xf32>
        %get3A_880 = arith.constant 6 : i32
        %get3A_881 = arith.index_cast %get3A_880 : i32 to index
        %get3A_882 = arith.index_cast %add3A_865 : i32 to index
        %get3A_883 = arith.constant 32 : index
        %get3A_884 = tpu.vector_load %arg6[%get3A_881, %get3A_882, %get3A_883] {strides = array<i32>} : memref<8x100x64xf32, #tpu.memory_space<vmem>>, vector<1x1x16xf32>,
        %get3A_885 = vector.shape_cast %get3A_884 : vector<1x1x16xf32> to vector<16xf32>
        %add3A_886 = arith.addf %add3A_852, %get3A_885 : vector<16xf32>
        %get3A_887 = arith.constant 6 : i32
        %get3A_888 = arith.index_cast %get3A_887 : i32 to index
        %get3A_889 = arith.index_cast %add3A_865 : i32 to index
        %get3A_890 = arith.constant 48 : index
        %get3A_891 = tpu.vector_load %arg6[%get3A_888, %get3A_889, %get3A_890] {strides = array<i32>} : memref<8x100x64xf32, #tpu.memory_space<vmem>>, vector<1x1x16xf32>,
        %get3A_892 = vector.shape_cast %get3A_891 : vector<1x1x16xf32> to vector<16xf32>
        %add3A_893 = arith.addf %add3A_859, %get3A_892 : vector<16xf32>
        %mul3A_894 = arith.constant 5 : i32
        %mul3A_895 = arith.muli %scan3A_788, %mul3A_894 : i32
        %add3A_896 = arith.constant 50 : i32
        %add3A_897 = arith.addi %add3A_896, %mul3A_895 : i32
        %add3A_898 = arith.constant 3 : i32
        %add3A_899 = arith.addi %add3A_897, %add3A_898 : i32
        %get3A_900 = arith.constant 6 : i32
        %get3A_901 = arith.index_cast %get3A_900 : i32 to index
        %get3A_902 = arith.index_cast %add3A_899 : i32 to index
        %get3A_903 = arith.constant 0 : index
        %get3A_904 = tpu.vector_load %arg6[%get3A_901, %get3A_902, %get3A_903] {strides = array<i32>} : memref<8x100x64xf32, #tpu.memory_space<vmem>>, vector<1x1x16xf32>,
        %get3A_905 = vector.shape_cast %get3A_904 : vector<1x1x16xf32> to vector<16xf32>
        %add3A_906 = arith.addf %add3A_872, %get3A_905 : vector<16xf32>
        %get3A_907 = arith.constant 6 : i32
        %get3A_908 = arith.index_cast %get3A_907 : i32 to index
        %get3A_909 = arith.index_cast %add3A_899 : i32 to index
        %get3A_910 = arith.constant 16 : index
        %get3A_911 = tpu.vector_load %arg6[%get3A_908, %get3A_909, %get3A_910] {strides = array<i32>} : memref<8x100x64xf32, #tpu.memory_space<vmem>>, vector<1x1x16xf32>,
        %get3A_912 = vector.shape_cast %get3A_911 : vector<1x1x16xf32> to vector<16xf32>
        %add3A_913 = arith.addf %add3A_879, %get3A_912 : vector<16xf32>
        %get3A_914 = arith.constant 6 : i32
        %get3A_915 = arith.index_cast %get3A_914 : i32 to index
        %get3A_916 = arith.index_cast %add3A_899 : i32 to index
        %get3A_917 = arith.constant 32 : index
        %get3A_918 = tpu.vector_load %arg6[%get3A_915, %get3A_916, %get3A_917] {strides = array<i32>} : memref<8x100x64xf32, #tpu.memory_space<vmem>>, vector<1x1x16xf32>,
        %get3A_919 = vector.shape_cast %get3A_918 : vector<1x1x16xf32> to vector<16xf32>
        %add3A_920 = arith.addf %add3A_886, %get3A_919 : vector<16xf32>
        %get3A_921 = arith.constant 6 : i32
        %get3A_922 = arith.index_cast %get3A_921 : i32 to index
        %get3A_923 = arith.index_cast %add3A_899 : i32 to index
        %get3A_924 = arith.constant 48 : index
        %get3A_925 = tpu.vector_load %arg6[%get3A_922, %get3A_923, %get3A_924] {strides = array<i32>} : memref<8x100x64xf32, #tpu.memory_space<vmem>>, vector<1x1x16xf32>,
        %get3A_926 = vector.shape_cast %get3A_925 : vector<1x1x16xf32> to vector<16xf32>
        %add3A_927 = arith.addf %add3A_893, %get3A_926 : vector<16xf32>
        %mul3A_928 = arith.constant 5 : i32
        %mul3A_929 = arith.muli %scan3A_788, %mul3A_928 : i32
        %add3A_930 = arith.constant 50 : i32
        %add3A_931 = arith.addi %add3A_930, %mul3A_929 : i32
        %add3A_932 = arith.constant 4 : i32
        %add3A_933 = arith.addi %add3A_931, %add3A_932 : i32
        %get3A_934 = arith.constant 6 : i32
        %get3A_935 = arith.index_cast %get3A_934 : i32 to index
        %get3A_936 = arith.index_cast %add3A_933 : i32 to index
        %get3A_937 = arith.constant 0 : index
        %get3A_938 = tpu.vector_load %arg6[%get3A_935, %get3A_936, %get3A_937] {strides = array<i32>} : memref<8x100x64xf32, #tpu.memory_space<vmem>>, vector<1x1x16xf32>,
        %get3A_939 = vector.shape_cast %get3A_938 : vector<1x1x16xf32> to vector<16xf32>
        %add3A_940 = arith.addf %add3A_906, %get3A_939 : vector<16xf32>
        %get3A_941 = arith.constant 6 : i32
        %get3A_942 = arith.index_cast %get3A_941 : i32 to index
        %get3A_943 = arith.index_cast %add3A_933 : i32 to index
        %get3A_944 = arith.constant 16 : index
        %get3A_945 = tpu.vector_load %arg6[%get3A_942, %get3A_943, %get3A_944] {strides = array<i32>} : memref<8x100x64xf32, #tpu.memory_space<vmem>>, vector<1x1x16xf32>,
        %get3A_946 = vector.shape_cast %get3A_945 : vector<1x1x16xf32> to vector<16xf32>
        %add3A_947 = arith.addf %add3A_913, %get3A_946 : vector<16xf32>
        %get3A_948 = arith.constant 6 : i32
        %get3A_949 = arith.index_cast %get3A_948 : i32 to index
        %get3A_950 = arith.index_cast %add3A_933 : i32 to index
        %get3A_951 = arith.constant 32 : index
        %get3A_952 = tpu.vector_load %arg6[%get3A_949, %get3A_950, %get3A_951] {strides = array<i32>} : memref<8x100x64xf32, #tpu.memory_space<vmem>>, vector<1x1x16xf32>,
        %get3A_953 = vector.shape_cast %get3A_952 : vector<1x1x16xf32> to vector<16xf32>
        %add3A_954 = arith.addf %add3A_920, %get3A_953 : vector<16xf32>
        %get3A_955 = arith.constant 6 : i32
        %get3A_956 = arith.index_cast %get3A_955 : i32 to index
        %get3A_957 = arith.index_cast %add3A_933 : i32 to index
        %get3A_958 = arith.constant 48 : index
        %get3A_959 = tpu.vector_load %arg6[%get3A_956, %get3A_957, %get3A_958] {strides = array<i32>} : memref<8x100x64xf32, #tpu.memory_space<vmem>>, vector<1x1x16xf32>,
        %get3A_960 = vector.shape_cast %get3A_959 : vector<1x1x16xf32> to vector<16xf32>
        %add3A_961 = arith.addf %add3A_927, %get3A_960 : vector<16xf32>
        scf.yield %add3A_940, %add3A_947, %add3A_954, %add3A_961 : vector<16xf32>, vector<16xf32>, vector<16xf32>, vector<16xf32>
      }
      %scan3A_677 = arith.constant 10 : i32
      %mul3A_678 = arith.constant 2 : i32
      %mul3A_679 = arith.muli %mul3A_678, %add3A_619 : i32
      %add3A_680 = arith.constant 1 : i32
      %add3A_681 = arith.addi %mul3A_679, %add3A_680 : i32
      %swap3A_682 = arith.index_cast %add3A_681 : i32 to index
      %swap3A_683 = arith.constant 0 : index
      %swap3A_684 = tpu.vector_load %arg7[%swap3A_682, %swap3A_683] {strides = array<i32>} : memref<512x64xf32, #tpu.memory_space<vmem>>, vector<1x16xf32>,
      %swap3A_685 = vector.shape_cast %swap3A_684 : vector<1x16xf32> to vector<16xf32>
      %swap3A_686 = vector.shape_cast %scan3A_676#0 : vector<16xf32> to vector<1x16xf32>
      tpu.vector_store %arg7[%swap3A_682, %swap3A_683], %swap3A_686 {strides = array<i32>} : memref<512x64xf32, #tpu.memory_space<vmem>>, vector<1x16xf32>,
      %swap3A_687 = arith.index_cast %add3A_681 : i32 to index
      %swap3A_688 = arith.constant 16 : index
      %swap3A_689 = tpu.vector_load %arg7[%swap3A_687, %swap3A_688] {strides = array<i32>} : memref<512x64xf32, #tpu.memory_space<vmem>>, vector<1x16xf32>,
      %swap3A_690 = vector.shape_cast %swap3A_689 : vector<1x16xf32> to vector<16xf32>
      %swap3A_691 = vector.shape_cast %scan3A_676#1 : vector<16xf32> to vector<1x16xf32>
      tpu.vector_store %arg7[%swap3A_687, %swap3A_688], %swap3A_691 {strides = array<i32>} : memref<512x64xf32, #tpu.memory_space<vmem>>, vector<1x16xf32>,
      %swap3A_692 = arith.index_cast %add3A_681 : i32 to index
      %swap3A_693 = arith.constant 32 : index
      %swap3A_694 = tpu.vector_load %arg7[%swap3A_692, %swap3A_693] {strides = array<i32>} : memref<512x64xf32, #tpu.memory_space<vmem>>, vector<1x16xf32>,
      %swap3A_695 = vector.shape_cast %swap3A_694 : vector<1x16xf32> to vector<16xf32>
      %swap3A_696 = vector.shape_cast %scan3A_676#2 : vector<16xf32> to vector<1x16xf32>
      tpu.vector_store %arg7[%swap3A_692, %swap3A_693], %swap3A_696 {strides = array<i32>} : memref<512x64xf32, #tpu.memory_space<vmem>>, vector<1x16xf32>,
      %swap3A_697 = arith.index_cast %add3A_681 : i32 to index
      %swap3A_698 = arith.constant 48 : index
      %swap3A_699 = tpu.vector_load %arg7[%swap3A_697, %swap3A_698] {strides = array<i32>} : memref<512x64xf32, #tpu.memory_space<vmem>>, vector<1x16xf32>,
      %swap3A_700 = vector.shape_cast %swap3A_699 : vector<1x16xf32> to vector<16xf32>
      %swap3A_701 = vector.shape_cast %scan3A_676#3 : vector<16xf32> to vector<1x16xf32>
      tpu.vector_store %arg7[%swap3A_697, %swap3A_698], %swap3A_701 {strides = array<i32>} : memref<512x64xf32, #tpu.memory_space<vmem>>, vector<1x16xf32>,
      %mul3A_702 = arith.constant 8 : i32
      %mul3A_703 = arith.muli %scan3A_105, %mul3A_702 : i32
      %add3A_704 = arith.constant 7 : i32
      %add3A_705 = arith.addi %mul3A_703, %add3A_704 : i32
      %dma_wait3A_706 = arith.constant 7 : i32
      %dma_wait3A_707 = arith.constant 0 : i32
      %dma_wait3A_708 = arith.constant 0 : i32
      %dma_wait3A_709 = tpu.memref_slice %arg6[%dma_wait3A_706, %dma_wait3A_707, %dma_wait3A_708] : memref<8x100x64xf32, #tpu.memory_space<vmem>> -> memref<1x100x64xf32, #tpu.memory_space<vmem>>
      %dma_wait3A_710 = tpu.memref_squeeze %dma_wait3A_709 : memref<1x100x64xf32, #tpu.memory_space<vmem>> -> memref<100x64xf32, #tpu.memory_space<vmem>>
      %dma_wait3A_711 = arith.constant 0 : i32
      %dma_wait3A_712 = tpu.memref_slice %arg5[%add3A_705, %dma_wait3A_711] : memref<256x100xi32, #tpu.memory_space<vmem>> -> memref<1x100xi32, #tpu.memory_space<vmem>>
      %dma_wait3A_713 = tpu.memref_squeeze %dma_wait3A_712 : memref<1x100xi32, #tpu.memory_space<vmem>> -> memref<100xi32, #tpu.memory_space<vmem>>
      %dma_wait3A_714 = arith.constant 0 : i32
      %dma_wait3A_715 = arith.constant 0 : i32
      %dma_wait3A_716 = tpu.memref_slice %arg3[%dma_wait3A_714, %dma_wait3A_715] : memref<1000000x64xf32, #tpu.memory_space<hbm>> -> memref<1000000x64xf32, #tpu.memory_space<hbm>>
      tpu.wait_indirect_dma semaphore(%arg15 : memref<!tpu.dma_semaphore, #tpu.memory_space<semaphore_mem>>) src(%dma_wait3A_716 : memref<1000000x64xf32, #tpu.memory_space<hbm>>) dst(%dma_wait3A_710 : memref<100x64xf32, #tpu.memory_space<vmem>>)
      %add3A_717 = arith.constant 8 : i32
      %add3A_718 = arith.addi %add3A_705, %add3A_717 : i32
      %lt3A_719 = arith.constant 256 : i32
      %lt3A_720 = arith.cmpi slt, %add3A_718, %lt3A_719 : i32
      %convert_element_type3A_721 = arith.extui %lt3A_720 : i1 to i32
      %cond3A_722 = arith.constant 0 : i32
      %cond3A_723 = arith.cmpi ne, %convert_element_type3A_721, %cond3A_722 : i32
      scf.if %cond3A_723 {
        %dma_start3A_788 = arith.constant 7 : i32
        %dma_start3A_789 = arith.constant 0 : i32
        %dma_start3A_790 = arith.constant 0 : i32
        %dma_start3A_791 = tpu.memref_slice %arg6[%dma_start3A_788, %dma_start3A_789, %dma_start3A_790] : memref<8x100x64xf32, #tpu.memory_space<vmem>> -> memref<1x100x64xf32, #tpu.memory_space<vmem>>
        %dma_start3A_792 = tpu.memref_squeeze %dma_start3A_791 : memref<1x100x64xf32, #tpu.memory_space<vmem>> -> memref<100x64xf32, #tpu.memory_space<vmem>>
        %dma_start3A_793 = arith.constant 0 : i32
        %dma_start3A_794 = tpu.memref_slice %arg5[%add3A_718, %dma_start3A_793] : memref<256x100xi32, #tpu.memory_space<vmem>> -> memref<1x100xi32, #tpu.memory_space<vmem>>
        %dma_start3A_795 = tpu.memref_squeeze %dma_start3A_794 : memref<1x100xi32, #tpu.memory_space<vmem>> -> memref<100xi32, #tpu.memory_space<vmem>>
        %dma_start3A_796 = arith.constant 0 : i32
        %dma_start3A_797 = arith.constant 0 : i32
        %dma_start3A_798 = tpu.memref_slice %arg3[%dma_start3A_796, %dma_start3A_797] : memref<1000000x64xf32, #tpu.memory_space<hbm>> -> memref<1000000x64xf32, #tpu.memory_space<hbm>>
        tpu.enqueue_indirect_dma source(%dma_start3A_798 : memref<1000000x64xf32, #tpu.memory_space<hbm>>) target(%dma_start3A_792 : memref<100x64xf32, #tpu.memory_space<vmem>>) offsets(%dma_start3A_795 : memref<100xi32, #tpu.memory_space<vmem>>) semaphore(%arg15 : memref<!tpu.dma_semaphore, #tpu.memory_space<semaphore_mem>>)
      } else {
      }
      %broadcast_in_dim3A_724 = arith.constant 0.000000e+00 : f32
      %broadcast_in_dim3A_725 = vector.broadcast %broadcast_in_dim3A_724 : f32 to vector<16xf32>
      %scan3A_726 = arith.constant 0 : i32
      %scan3A_727 = arith.constant 10 : i32
      %scan3A_728 = arith.addi %scan3A_726, %scan3A_727 : i32
      %scan3A_729 = arith.constant 1 : i32
      %scan3A_730:4 = scf.for %scan3A_788 = %scan3A_726 to %scan3A_728 step %scan3A_729 iter_args(%scan3A_789 = %broadcast_in_dim3A_725, %scan3A_790 = %broadcast_in_dim3A_725, %scan3A_791 = %broadcast_in_dim3A_725, %scan3A_792 = %broadcast_in_dim3A_725) -> (vector<16xf32>, vector<16xf32>, vector<16xf32>, vector<16xf32>)  : i32 {
        %mul3A_793 = arith.constant 5 : i32
        %mul3A_794 = arith.muli %scan3A_788, %mul3A_793 : i32
        %add3A_795 = arith.constant 0 : i32
        %add3A_796 = arith.addi %add3A_795, %mul3A_794 : i32
        %add3A_797 = arith.constant 0 : i32
        %add3A_798 = arith.addi %add3A_796, %add3A_797 : i32
        %get3A = arith.constant 7 : i32
        %get3A_799 = arith.index_cast %get3A : i32 to index
        %get3A_800 = arith.index_cast %add3A_798 : i32 to index
        %get3A_801 = arith.constant 0 : index
        %get3A_802 = tpu.vector_load %arg6[%get3A_799, %get3A_800, %get3A_801] {strides = array<i32>} : memref<8x100x64xf32, #tpu.memory_space<vmem>>, vector<1x1x16xf32>,
        %get3A_803 = vector.shape_cast %get3A_802 : vector<1x1x16xf32> to vector<16xf32>
        %add3A_804 = arith.addf %scan3A_789, %get3A_803 : vector<16xf32>
        %get3A_805 = arith.constant 7 : i32
        %get3A_806 = arith.index_cast %get3A_805 : i32 to index
        %get3A_807 = arith.index_cast %add3A_798 : i32 to index
        %get3A_808 = arith.constant 16 : index
        %get3A_809 = tpu.vector_load %arg6[%get3A_806, %get3A_807, %get3A_808] {strides = array<i32>} : memref<8x100x64xf32, #tpu.memory_space<vmem>>, vector<1x1x16xf32>,
        %get3A_810 = vector.shape_cast %get3A_809 : vector<1x1x16xf32> to vector<16xf32>
        %add3A_811 = arith.addf %scan3A_790, %get3A_810 : vector<16xf32>
        %get3A_812 = arith.constant 7 : i32
        %get3A_813 = arith.index_cast %get3A_812 : i32 to index
        %get3A_814 = arith.index_cast %add3A_798 : i32 to index
        %get3A_815 = arith.constant 32 : index
        %get3A_816 = tpu.vector_load %arg6[%get3A_813, %get3A_814, %get3A_815] {strides = array<i32>} : memref<8x100x64xf32, #tpu.memory_space<vmem>>, vector<1x1x16xf32>,
        %get3A_817 = vector.shape_cast %get3A_816 : vector<1x1x16xf32> to vector<16xf32>
        %add3A_818 = arith.addf %scan3A_791, %get3A_817 : vector<16xf32>
        %get3A_819 = arith.constant 7 : i32
        %get3A_820 = arith.index_cast %get3A_819 : i32 to index
        %get3A_821 = arith.index_cast %add3A_798 : i32 to index
        %get3A_822 = arith.constant 48 : index
        %get3A_823 = tpu.vector_load %arg6[%get3A_820, %get3A_821, %get3A_822] {strides = array<i32>} : memref<8x100x64xf32, #tpu.memory_space<vmem>>, vector<1x1x16xf32>,
        %get3A_824 = vector.shape_cast %get3A_823 : vector<1x1x16xf32> to vector<16xf32>
        %add3A_825 = arith.addf %scan3A_792, %get3A_824 : vector<16xf32>
        %mul3A_826 = arith.constant 5 : i32
        %mul3A_827 = arith.muli %scan3A_788, %mul3A_826 : i32
        %add3A_828 = arith.constant 0 : i32
        %add3A_829 = arith.addi %add3A_828, %mul3A_827 : i32
        %add3A_830 = arith.constant 1 : i32
        %add3A_831 = arith.addi %add3A_829, %add3A_830 : i32
        %get3A_832 = arith.constant 7 : i32
        %get3A_833 = arith.index_cast %get3A_832 : i32 to index
        %get3A_834 = arith.index_cast %add3A_831 : i32 to index
        %get3A_835 = arith.constant 0 : index
        %get3A_836 = tpu.vector_load %arg6[%get3A_833, %get3A_834, %get3A_835] {strides = array<i32>} : memref<8x100x64xf32, #tpu.memory_space<vmem>>, vector<1x1x16xf32>,
        %get3A_837 = vector.shape_cast %get3A_836 : vector<1x1x16xf32> to vector<16xf32>
        %add3A_838 = arith.addf %add3A_804, %get3A_837 : vector<16xf32>
        %get3A_839 = arith.constant 7 : i32
        %get3A_840 = arith.index_cast %get3A_839 : i32 to index
        %get3A_841 = arith.index_cast %add3A_831 : i32 to index
        %get3A_842 = arith.constant 16 : index
        %get3A_843 = tpu.vector_load %arg6[%get3A_840, %get3A_841, %get3A_842] {strides = array<i32>} : memref<8x100x64xf32, #tpu.memory_space<vmem>>, vector<1x1x16xf32>,
        %get3A_844 = vector.shape_cast %get3A_843 : vector<1x1x16xf32> to vector<16xf32>
        %add3A_845 = arith.addf %add3A_811, %get3A_844 : vector<16xf32>
        %get3A_846 = arith.constant 7 : i32
        %get3A_847 = arith.index_cast %get3A_846 : i32 to index
        %get3A_848 = arith.index_cast %add3A_831 : i32 to index
        %get3A_849 = arith.constant 32 : index
        %get3A_850 = tpu.vector_load %arg6[%get3A_847, %get3A_848, %get3A_849] {strides = array<i32>} : memref<8x100x64xf32, #tpu.memory_space<vmem>>, vector<1x1x16xf32>,
        %get3A_851 = vector.shape_cast %get3A_850 : vector<1x1x16xf32> to vector<16xf32>
        %add3A_852 = arith.addf %add3A_818, %get3A_851 : vector<16xf32>
        %get3A_853 = arith.constant 7 : i32
        %get3A_854 = arith.index_cast %get3A_853 : i32 to index
        %get3A_855 = arith.index_cast %add3A_831 : i32 to index
        %get3A_856 = arith.constant 48 : index
        %get3A_857 = tpu.vector_load %arg6[%get3A_854, %get3A_855, %get3A_856] {strides = array<i32>} : memref<8x100x64xf32, #tpu.memory_space<vmem>>, vector<1x1x16xf32>,
        %get3A_858 = vector.shape_cast %get3A_857 : vector<1x1x16xf32> to vector<16xf32>
        %add3A_859 = arith.addf %add3A_825, %get3A_858 : vector<16xf32>
        %mul3A_860 = arith.constant 5 : i32
        %mul3A_861 = arith.muli %scan3A_788, %mul3A_860 : i32
        %add3A_862 = arith.constant 0 : i32
        %add3A_863 = arith.addi %add3A_862, %mul3A_861 : i32
        %add3A_864 = arith.constant 2 : i32
        %add3A_865 = arith.addi %add3A_863, %add3A_864 : i32
        %get3A_866 = arith.constant 7 : i32
        %get3A_867 = arith.index_cast %get3A_866 : i32 to index
        %get3A_868 = arith.index_cast %add3A_865 : i32 to index
        %get3A_869 = arith.constant 0 : index
        %get3A_870 = tpu.vector_load %arg6[%get3A_867, %get3A_868, %get3A_869] {strides = array<i32>} : memref<8x100x64xf32, #tpu.memory_space<vmem>>, vector<1x1x16xf32>,
        %get3A_871 = vector.shape_cast %get3A_870 : vector<1x1x16xf32> to vector<16xf32>
        %add3A_872 = arith.addf %add3A_838, %get3A_871 : vector<16xf32>
        %get3A_873 = arith.constant 7 : i32
        %get3A_874 = arith.index_cast %get3A_873 : i32 to index
        %get3A_875 = arith.index_cast %add3A_865 : i32 to index
        %get3A_876 = arith.constant 16 : index
        %get3A_877 = tpu.vector_load %arg6[%get3A_874, %get3A_875, %get3A_876] {strides = array<i32>} : memref<8x100x64xf32, #tpu.memory_space<vmem>>, vector<1x1x16xf32>,
        %get3A_878 = vector.shape_cast %get3A_877 : vector<1x1x16xf32> to vector<16xf32>
        %add3A_879 = arith.addf %add3A_845, %get3A_878 : vector<16xf32>
        %get3A_880 = arith.constant 7 : i32
        %get3A_881 = arith.index_cast %get3A_880 : i32 to index
        %get3A_882 = arith.index_cast %add3A_865 : i32 to index
        %get3A_883 = arith.constant 32 : index
        %get3A_884 = tpu.vector_load %arg6[%get3A_881, %get3A_882, %get3A_883] {strides = array<i32>} : memref<8x100x64xf32, #tpu.memory_space<vmem>>, vector<1x1x16xf32>,
        %get3A_885 = vector.shape_cast %get3A_884 : vector<1x1x16xf32> to vector<16xf32>
        %add3A_886 = arith.addf %add3A_852, %get3A_885 : vector<16xf32>
        %get3A_887 = arith.constant 7 : i32
        %get3A_888 = arith.index_cast %get3A_887 : i32 to index
        %get3A_889 = arith.index_cast %add3A_865 : i32 to index
        %get3A_890 = arith.constant 48 : index
        %get3A_891 = tpu.vector_load %arg6[%get3A_888, %get3A_889, %get3A_890] {strides = array<i32>} : memref<8x100x64xf32, #tpu.memory_space<vmem>>, vector<1x1x16xf32>,
        %get3A_892 = vector.shape_cast %get3A_891 : vector<1x1x16xf32> to vector<16xf32>
        %add3A_893 = arith.addf %add3A_859, %get3A_892 : vector<16xf32>
        %mul3A_894 = arith.constant 5 : i32
        %mul3A_895 = arith.muli %scan3A_788, %mul3A_894 : i32
        %add3A_896 = arith.constant 0 : i32
        %add3A_897 = arith.addi %add3A_896, %mul3A_895 : i32
        %add3A_898 = arith.constant 3 : i32
        %add3A_899 = arith.addi %add3A_897, %add3A_898 : i32
        %get3A_900 = arith.constant 7 : i32
        %get3A_901 = arith.index_cast %get3A_900 : i32 to index
        %get3A_902 = arith.index_cast %add3A_899 : i32 to index
        %get3A_903 = arith.constant 0 : index
        %get3A_904 = tpu.vector_load %arg6[%get3A_901, %get3A_902, %get3A_903] {strides = array<i32>} : memref<8x100x64xf32, #tpu.memory_space<vmem>>, vector<1x1x16xf32>,
        %get3A_905 = vector.shape_cast %get3A_904 : vector<1x1x16xf32> to vector<16xf32>
        %add3A_906 = arith.addf %add3A_872, %get3A_905 : vector<16xf32>
        %get3A_907 = arith.constant 7 : i32
        %get3A_908 = arith.index_cast %get3A_907 : i32 to index
        %get3A_909 = arith.index_cast %add3A_899 : i32 to index
        %get3A_910 = arith.constant 16 : index
        %get3A_911 = tpu.vector_load %arg6[%get3A_908, %get3A_909, %get3A_910] {strides = array<i32>} : memref<8x100x64xf32, #tpu.memory_space<vmem>>, vector<1x1x16xf32>,
        %get3A_912 = vector.shape_cast %get3A_911 : vector<1x1x16xf32> to vector<16xf32>
        %add3A_913 = arith.addf %add3A_879, %get3A_912 : vector<16xf32>
        %get3A_914 = arith.constant 7 : i32
        %get3A_915 = arith.index_cast %get3A_914 : i32 to index
        %get3A_916 = arith.index_cast %add3A_899 : i32 to index
        %get3A_917 = arith.constant 32 : index
        %get3A_918 = tpu.vector_load %arg6[%get3A_915, %get3A_916, %get3A_917] {strides = array<i32>} : memref<8x100x64xf32, #tpu.memory_space<vmem>>, vector<1x1x16xf32>,
        %get3A_919 = vector.shape_cast %get3A_918 : vector<1x1x16xf32> to vector<16xf32>
        %add3A_920 = arith.addf %add3A_886, %get3A_919 : vector<16xf32>
        %get3A_921 = arith.constant 7 : i32
        %get3A_922 = arith.index_cast %get3A_921 : i32 to index
        %get3A_923 = arith.index_cast %add3A_899 : i32 to index
        %get3A_924 = arith.constant 48 : index
        %get3A_925 = tpu.vector_load %arg6[%get3A_922, %get3A_923, %get3A_924] {strides = array<i32>} : memref<8x100x64xf32, #tpu.memory_space<vmem>>, vector<1x1x16xf32>,
        %get3A_926 = vector.shape_cast %get3A_925 : vector<1x1x16xf32> to vector<16xf32>
        %add3A_927 = arith.addf %add3A_893, %get3A_926 : vector<16xf32>
        %mul3A_928 = arith.constant 5 : i32
        %mul3A_929 = arith.muli %scan3A_788, %mul3A_928 : i32
        %add3A_930 = arith.constant 0 : i32
        %add3A_931 = arith.addi %add3A_930, %mul3A_929 : i32
        %add3A_932 = arith.constant 4 : i32
        %add3A_933 = arith.addi %add3A_931, %add3A_932 : i32
        %get3A_934 = arith.constant 7 : i32
        %get3A_935 = arith.index_cast %get3A_934 : i32 to index
        %get3A_936 = arith.index_cast %add3A_933 : i32 to index
        %get3A_937 = arith.constant 0 : index
        %get3A_938 = tpu.vector_load %arg6[%get3A_935, %get3A_936, %get3A_937] {strides = array<i32>} : memref<8x100x64xf32, #tpu.memory_space<vmem>>, vector<1x1x16xf32>,
        %get3A_939 = vector.shape_cast %get3A_938 : vector<1x1x16xf32> to vector<16xf32>
        %add3A_940 = arith.addf %add3A_906, %get3A_939 : vector<16xf32>
        %get3A_941 = arith.constant 7 : i32
        %get3A_942 = arith.index_cast %get3A_941 : i32 to index
        %get3A_943 = arith.index_cast %add3A_933 : i32 to index
        %get3A_944 = arith.constant 16 : index
        %get3A_945 = tpu.vector_load %arg6[%get3A_942, %get3A_943, %get3A_944] {strides = array<i32>} : memref<8x100x64xf32, #tpu.memory_space<vmem>>, vector<1x1x16xf32>,
        %get3A_946 = vector.shape_cast %get3A_945 : vector<1x1x16xf32> to vector<16xf32>
        %add3A_947 = arith.addf %add3A_913, %get3A_946 : vector<16xf32>
        %get3A_948 = arith.constant 7 : i32
        %get3A_949 = arith.index_cast %get3A_948 : i32 to index
        %get3A_950 = arith.index_cast %add3A_933 : i32 to index
        %get3A_951 = arith.constant 32 : index
        %get3A_952 = tpu.vector_load %arg6[%get3A_949, %get3A_950, %get3A_951] {strides = array<i32>} : memref<8x100x64xf32, #tpu.memory_space<vmem>>, vector<1x1x16xf32>,
        %get3A_953 = vector.shape_cast %get3A_952 : vector<1x1x16xf32> to vector<16xf32>
        %add3A_954 = arith.addf %add3A_920, %get3A_953 : vector<16xf32>
        %get3A_955 = arith.constant 7 : i32
        %get3A_956 = arith.index_cast %get3A_955 : i32 to index
        %get3A_957 = arith.index_cast %add3A_933 : i32 to index
        %get3A_958 = arith.constant 48 : index
        %get3A_959 = tpu.vector_load %arg6[%get3A_956, %get3A_957, %get3A_958] {strides = array<i32>} : memref<8x100x64xf32, #tpu.memory_space<vmem>>, vector<1x1x16xf32>,
        %get3A_960 = vector.shape_cast %get3A_959 : vector<1x1x16xf32> to vector<16xf32>
        %add3A_961 = arith.addf %add3A_927, %get3A_960 : vector<16xf32>
        scf.yield %add3A_940, %add3A_947, %add3A_954, %add3A_961 : vector<16xf32>, vector<16xf32>, vector<16xf32>, vector<16xf32>
      }
      %scan3A_731 = arith.constant 10 : i32
      %mul3A_732 = arith.constant 2 : i32
      %mul3A_733 = arith.muli %mul3A_732, %add3A_705 : i32
      %add3A_734 = arith.constant 0 : i32
      %add3A_735 = arith.addi %mul3A_733, %add3A_734 : i32
      %swap3A_736 = arith.index_cast %add3A_735 : i32 to index
      %swap3A_737 = arith.constant 0 : index
      %swap3A_738 = tpu.vector_load %arg7[%swap3A_736, %swap3A_737] {strides = array<i32>} : memref<512x64xf32, #tpu.memory_space<vmem>>, vector<1x16xf32>,
      %swap3A_739 = vector.shape_cast %swap3A_738 : vector<1x16xf32> to vector<16xf32>
      %swap3A_740 = vector.shape_cast %scan3A_730#0 : vector<16xf32> to vector<1x16xf32>
      tpu.vector_store %arg7[%swap3A_736, %swap3A_737], %swap3A_740 {strides = array<i32>} : memref<512x64xf32, #tpu.memory_space<vmem>>, vector<1x16xf32>,
      %swap3A_741 = arith.index_cast %add3A_735 : i32 to index
      %swap3A_742 = arith.constant 16 : index
      %swap3A_743 = tpu.vector_load %arg7[%swap3A_741, %swap3A_742] {strides = array<i32>} : memref<512x64xf32, #tpu.memory_space<vmem>>, vector<1x16xf32>,
      %swap3A_744 = vector.shape_cast %swap3A_743 : vector<1x16xf32> to vector<16xf32>
      %swap3A_745 = vector.shape_cast %scan3A_730#1 : vector<16xf32> to vector<1x16xf32>
      tpu.vector_store %arg7[%swap3A_741, %swap3A_742], %swap3A_745 {strides = array<i32>} : memref<512x64xf32, #tpu.memory_space<vmem>>, vector<1x16xf32>,
      %swap3A_746 = arith.index_cast %add3A_735 : i32 to index
      %swap3A_747 = arith.constant 32 : index
      %swap3A_748 = tpu.vector_load %arg7[%swap3A_746, %swap3A_747] {strides = array<i32>} : memref<512x64xf32, #tpu.memory_space<vmem>>, vector<1x16xf32>,
      %swap3A_749 = vector.shape_cast %swap3A_748 : vector<1x16xf32> to vector<16xf32>
      %swap3A_750 = vector.shape_cast %scan3A_730#2 : vector<16xf32> to vector<1x16xf32>
      tpu.vector_store %arg7[%swap3A_746, %swap3A_747], %swap3A_750 {strides = array<i32>} : memref<512x64xf32, #tpu.memory_space<vmem>>, vector<1x16xf32>,
      %swap3A_751 = arith.index_cast %add3A_735 : i32 to index
      %swap3A_752 = arith.constant 48 : index
      %swap3A_753 = tpu.vector_load %arg7[%swap3A_751, %swap3A_752] {strides = array<i32>} : memref<512x64xf32, #tpu.memory_space<vmem>>, vector<1x16xf32>,
      %swap3A_754 = vector.shape_cast %swap3A_753 : vector<1x16xf32> to vector<16xf32>
      %swap3A_755 = vector.shape_cast %scan3A_730#3 : vector<16xf32> to vector<1x16xf32>
      tpu.vector_store %arg7[%swap3A_751, %swap3A_752], %swap3A_755 {strides = array<i32>} : memref<512x64xf32, #tpu.memory_space<vmem>>, vector<1x16xf32>,
      %broadcast_in_dim3A_756 = arith.constant 0.000000e+00 : f32
      %broadcast_in_dim3A_757 = vector.broadcast %broadcast_in_dim3A_756 : f32 to vector<16xf32>
      %scan3A_758 = arith.constant 0 : i32
      %scan3A_759 = arith.constant 10 : i32
      %scan3A_760 = arith.addi %scan3A_758, %scan3A_759 : i32
      %scan3A_761 = arith.constant 1 : i32
      %scan3A_762:4 = scf.for %scan3A_788 = %scan3A_758 to %scan3A_760 step %scan3A_761 iter_args(%scan3A_789 = %broadcast_in_dim3A_757, %scan3A_790 = %broadcast_in_dim3A_757, %scan3A_791 = %broadcast_in_dim3A_757, %scan3A_792 = %broadcast_in_dim3A_757) -> (vector<16xf32>, vector<16xf32>, vector<16xf32>, vector<16xf32>)  : i32 {
        %mul3A_793 = arith.constant 5 : i32
        %mul3A_794 = arith.muli %scan3A_788, %mul3A_793 : i32
        %add3A_795 = arith.constant 50 : i32
        %add3A_796 = arith.addi %add3A_795, %mul3A_794 : i32
        %add3A_797 = arith.constant 0 : i32
        %add3A_798 = arith.addi %add3A_796, %add3A_797 : i32
        %get3A = arith.constant 7 : i32
        %get3A_799 = arith.index_cast %get3A : i32 to index
        %get3A_800 = arith.index_cast %add3A_798 : i32 to index
        %get3A_801 = arith.constant 0 : index
        %get3A_802 = tpu.vector_load %arg6[%get3A_799, %get3A_800, %get3A_801] {strides = array<i32>} : memref<8x100x64xf32, #tpu.memory_space<vmem>>, vector<1x1x16xf32>,
        %get3A_803 = vector.shape_cast %get3A_802 : vector<1x1x16xf32> to vector<16xf32>
        %add3A_804 = arith.addf %scan3A_789, %get3A_803 : vector<16xf32>
        %get3A_805 = arith.constant 7 : i32
        %get3A_806 = arith.index_cast %get3A_805 : i32 to index
        %get3A_807 = arith.index_cast %add3A_798 : i32 to index
        %get3A_808 = arith.constant 16 : index
        %get3A_809 = tpu.vector_load %arg6[%get3A_806, %get3A_807, %get3A_808] {strides = array<i32>} : memref<8x100x64xf32, #tpu.memory_space<vmem>>, vector<1x1x16xf32>,
        %get3A_810 = vector.shape_cast %get3A_809 : vector<1x1x16xf32> to vector<16xf32>
        %add3A_811 = arith.addf %scan3A_790, %get3A_810 : vector<16xf32>
        %get3A_812 = arith.constant 7 : i32
        %get3A_813 = arith.index_cast %get3A_812 : i32 to index
        %get3A_814 = arith.index_cast %add3A_798 : i32 to index
        %get3A_815 = arith.constant 32 : index
        %get3A_816 = tpu.vector_load %arg6[%get3A_813, %get3A_814, %get3A_815] {strides = array<i32>} : memref<8x100x64xf32, #tpu.memory_space<vmem>>, vector<1x1x16xf32>,
        %get3A_817 = vector.shape_cast %get3A_816 : vector<1x1x16xf32> to vector<16xf32>
        %add3A_818 = arith.addf %scan3A_791, %get3A_817 : vector<16xf32>
        %get3A_819 = arith.constant 7 : i32
        %get3A_820 = arith.index_cast %get3A_819 : i32 to index
        %get3A_821 = arith.index_cast %add3A_798 : i32 to index
        %get3A_822 = arith.constant 48 : index
        %get3A_823 = tpu.vector_load %arg6[%get3A_820, %get3A_821, %get3A_822] {strides = array<i32>} : memref<8x100x64xf32, #tpu.memory_space<vmem>>, vector<1x1x16xf32>,
        %get3A_824 = vector.shape_cast %get3A_823 : vector<1x1x16xf32> to vector<16xf32>
        %add3A_825 = arith.addf %scan3A_792, %get3A_824 : vector<16xf32>
        %mul3A_826 = arith.constant 5 : i32
        %mul3A_827 = arith.muli %scan3A_788, %mul3A_826 : i32
        %add3A_828 = arith.constant 50 : i32
        %add3A_829 = arith.addi %add3A_828, %mul3A_827 : i32
        %add3A_830 = arith.constant 1 : i32
        %add3A_831 = arith.addi %add3A_829, %add3A_830 : i32
        %get3A_832 = arith.constant 7 : i32
        %get3A_833 = arith.index_cast %get3A_832 : i32 to index
        %get3A_834 = arith.index_cast %add3A_831 : i32 to index
        %get3A_835 = arith.constant 0 : index
        %get3A_836 = tpu.vector_load %arg6[%get3A_833, %get3A_834, %get3A_835] {strides = array<i32>} : memref<8x100x64xf32, #tpu.memory_space<vmem>>, vector<1x1x16xf32>,
        %get3A_837 = vector.shape_cast %get3A_836 : vector<1x1x16xf32> to vector<16xf32>
        %add3A_838 = arith.addf %add3A_804, %get3A_837 : vector<16xf32>
        %get3A_839 = arith.constant 7 : i32
        %get3A_840 = arith.index_cast %get3A_839 : i32 to index
        %get3A_841 = arith.index_cast %add3A_831 : i32 to index
        %get3A_842 = arith.constant 16 : index
        %get3A_843 = tpu.vector_load %arg6[%get3A_840, %get3A_841, %get3A_842] {strides = array<i32>} : memref<8x100x64xf32, #tpu.memory_space<vmem>>, vector<1x1x16xf32>,
        %get3A_844 = vector.shape_cast %get3A_843 : vector<1x1x16xf32> to vector<16xf32>
        %add3A_845 = arith.addf %add3A_811, %get3A_844 : vector<16xf32>
        %get3A_846 = arith.constant 7 : i32
        %get3A_847 = arith.index_cast %get3A_846 : i32 to index
        %get3A_848 = arith.index_cast %add3A_831 : i32 to index
        %get3A_849 = arith.constant 32 : index
        %get3A_850 = tpu.vector_load %arg6[%get3A_847, %get3A_848, %get3A_849] {strides = array<i32>} : memref<8x100x64xf32, #tpu.memory_space<vmem>>, vector<1x1x16xf32>,
        %get3A_851 = vector.shape_cast %get3A_850 : vector<1x1x16xf32> to vector<16xf32>
        %add3A_852 = arith.addf %add3A_818, %get3A_851 : vector<16xf32>
        %get3A_853 = arith.constant 7 : i32
        %get3A_854 = arith.index_cast %get3A_853 : i32 to index
        %get3A_855 = arith.index_cast %add3A_831 : i32 to index
        %get3A_856 = arith.constant 48 : index
        %get3A_857 = tpu.vector_load %arg6[%get3A_854, %get3A_855, %get3A_856] {strides = array<i32>} : memref<8x100x64xf32, #tpu.memory_space<vmem>>, vector<1x1x16xf32>,
        %get3A_858 = vector.shape_cast %get3A_857 : vector<1x1x16xf32> to vector<16xf32>
        %add3A_859 = arith.addf %add3A_825, %get3A_858 : vector<16xf32>
        %mul3A_860 = arith.constant 5 : i32
        %mul3A_861 = arith.muli %scan3A_788, %mul3A_860 : i32
        %add3A_862 = arith.constant 50 : i32
        %add3A_863 = arith.addi %add3A_862, %mul3A_861 : i32
        %add3A_864 = arith.constant 2 : i32
        %add3A_865 = arith.addi %add3A_863, %add3A_864 : i32
        %get3A_866 = arith.constant 7 : i32
        %get3A_867 = arith.index_cast %get3A_866 : i32 to index
        %get3A_868 = arith.index_cast %add3A_865 : i32 to index
        %get3A_869 = arith.constant 0 : index
        %get3A_870 = tpu.vector_load %arg6[%get3A_867, %get3A_868, %get3A_869] {strides = array<i32>} : memref<8x100x64xf32, #tpu.memory_space<vmem>>, vector<1x1x16xf32>,
        %get3A_871 = vector.shape_cast %get3A_870 : vector<1x1x16xf32> to vector<16xf32>
        %add3A_872 = arith.addf %add3A_838, %get3A_871 : vector<16xf32>
        %get3A_873 = arith.constant 7 : i32
        %get3A_874 = arith.index_cast %get3A_873 : i32 to index
        %get3A_875 = arith.index_cast %add3A_865 : i32 to index
        %get3A_876 = arith.constant 16 : index
        %get3A_877 = tpu.vector_load %arg6[%get3A_874, %get3A_875, %get3A_876] {strides = array<i32>} : memref<8x100x64xf32, #tpu.memory_space<vmem>>, vector<1x1x16xf32>,
        %get3A_878 = vector.shape_cast %get3A_877 : vector<1x1x16xf32> to vector<16xf32>
        %add3A_879 = arith.addf %add3A_845, %get3A_878 : vector<16xf32>
        %get3A_880 = arith.constant 7 : i32
        %get3A_881 = arith.index_cast %get3A_880 : i32 to index
        %get3A_882 = arith.index_cast %add3A_865 : i32 to index
        %get3A_883 = arith.constant 32 : index
        %get3A_884 = tpu.vector_load %arg6[%get3A_881, %get3A_882, %get3A_883] {strides = array<i32>} : memref<8x100x64xf32, #tpu.memory_space<vmem>>, vector<1x1x16xf32>,
        %get3A_885 = vector.shape_cast %get3A_884 : vector<1x1x16xf32> to vector<16xf32>
        %add3A_886 = arith.addf %add3A_852, %get3A_885 : vector<16xf32>
        %get3A_887 = arith.constant 7 : i32
        %get3A_888 = arith.index_cast %get3A_887 : i32 to index
        %get3A_889 = arith.index_cast %add3A_865 : i32 to index
        %get3A_890 = arith.constant 48 : index
        %get3A_891 = tpu.vector_load %arg6[%get3A_888, %get3A_889, %get3A_890] {strides = array<i32>} : memref<8x100x64xf32, #tpu.memory_space<vmem>>, vector<1x1x16xf32>,
        %get3A_892 = vector.shape_cast %get3A_891 : vector<1x1x16xf32> to vector<16xf32>
        %add3A_893 = arith.addf %add3A_859, %get3A_892 : vector<16xf32>
        %mul3A_894 = arith.constant 5 : i32
        %mul3A_895 = arith.muli %scan3A_788, %mul3A_894 : i32
        %add3A_896 = arith.constant 50 : i32
        %add3A_897 = arith.addi %add3A_896, %mul3A_895 : i32
        %add3A_898 = arith.constant 3 : i32
        %add3A_899 = arith.addi %add3A_897, %add3A_898 : i32
        %get3A_900 = arith.constant 7 : i32
        %get3A_901 = arith.index_cast %get3A_900 : i32 to index
        %get3A_902 = arith.index_cast %add3A_899 : i32 to index
        %get3A_903 = arith.constant 0 : index
        %get3A_904 = tpu.vector_load %arg6[%get3A_901, %get3A_902, %get3A_903] {strides = array<i32>} : memref<8x100x64xf32, #tpu.memory_space<vmem>>, vector<1x1x16xf32>,
        %get3A_905 = vector.shape_cast %get3A_904 : vector<1x1x16xf32> to vector<16xf32>
        %add3A_906 = arith.addf %add3A_872, %get3A_905 : vector<16xf32>
        %get3A_907 = arith.constant 7 : i32
        %get3A_908 = arith.index_cast %get3A_907 : i32 to index
        %get3A_909 = arith.index_cast %add3A_899 : i32 to index
        %get3A_910 = arith.constant 16 : index
        %get3A_911 = tpu.vector_load %arg6[%get3A_908, %get3A_909, %get3A_910] {strides = array<i32>} : memref<8x100x64xf32, #tpu.memory_space<vmem>>, vector<1x1x16xf32>,
        %get3A_912 = vector.shape_cast %get3A_911 : vector<1x1x16xf32> to vector<16xf32>
        %add3A_913 = arith.addf %add3A_879, %get3A_912 : vector<16xf32>
        %get3A_914 = arith.constant 7 : i32
        %get3A_915 = arith.index_cast %get3A_914 : i32 to index
        %get3A_916 = arith.index_cast %add3A_899 : i32 to index
        %get3A_917 = arith.constant 32 : index
        %get3A_918 = tpu.vector_load %arg6[%get3A_915, %get3A_916, %get3A_917] {strides = array<i32>} : memref<8x100x64xf32, #tpu.memory_space<vmem>>, vector<1x1x16xf32>,
        %get3A_919 = vector.shape_cast %get3A_918 : vector<1x1x16xf32> to vector<16xf32>
        %add3A_920 = arith.addf %add3A_886, %get3A_919 : vector<16xf32>
        %get3A_921 = arith.constant 7 : i32
        %get3A_922 = arith.index_cast %get3A_921 : i32 to index
        %get3A_923 = arith.index_cast %add3A_899 : i32 to index
        %get3A_924 = arith.constant 48 : index
        %get3A_925 = tpu.vector_load %arg6[%get3A_922, %get3A_923, %get3A_924] {strides = array<i32>} : memref<8x100x64xf32, #tpu.memory_space<vmem>>, vector<1x1x16xf32>,
        %get3A_926 = vector.shape_cast %get3A_925 : vector<1x1x16xf32> to vector<16xf32>
        %add3A_927 = arith.addf %add3A_893, %get3A_926 : vector<16xf32>
        %mul3A_928 = arith.constant 5 : i32
        %mul3A_929 = arith.muli %scan3A_788, %mul3A_928 : i32
        %add3A_930 = arith.constant 50 : i32
        %add3A_931 = arith.addi %add3A_930, %mul3A_929 : i32
        %add3A_932 = arith.constant 4 : i32
        %add3A_933 = arith.addi %add3A_931, %add3A_932 : i32
        %get3A_934 = arith.constant 7 : i32
        %get3A_935 = arith.index_cast %get3A_934 : i32 to index
        %get3A_936 = arith.index_cast %add3A_933 : i32 to index
        %get3A_937 = arith.constant 0 : index
        %get3A_938 = tpu.vector_load %arg6[%get3A_935, %get3A_936, %get3A_937] {strides = array<i32>} : memref<8x100x64xf32, #tpu.memory_space<vmem>>, vector<1x1x16xf32>,
        %get3A_939 = vector.shape_cast %get3A_938 : vector<1x1x16xf32> to vector<16xf32>
        %add3A_940 = arith.addf %add3A_906, %get3A_939 : vector<16xf32>
        %get3A_941 = arith.constant 7 : i32
        %get3A_942 = arith.index_cast %get3A_941 : i32 to index
        %get3A_943 = arith.index_cast %add3A_933 : i32 to index
        %get3A_944 = arith.constant 16 : index
        %get3A_945 = tpu.vector_load %arg6[%get3A_942, %get3A_943, %get3A_944] {strides = array<i32>} : memref<8x100x64xf32, #tpu.memory_space<vmem>>, vector<1x1x16xf32>,
        %get3A_946 = vector.shape_cast %get3A_945 : vector<1x1x16xf32> to vector<16xf32>
        %add3A_947 = arith.addf %add3A_913, %get3A_946 : vector<16xf32>
        %get3A_948 = arith.constant 7 : i32
        %get3A_949 = arith.index_cast %get3A_948 : i32 to index
        %get3A_950 = arith.index_cast %add3A_933 : i32 to index
        %get3A_951 = arith.constant 32 : index
        %get3A_952 = tpu.vector_load %arg6[%get3A_949, %get3A_950, %get3A_951] {strides = array<i32>} : memref<8x100x64xf32, #tpu.memory_space<vmem>>, vector<1x1x16xf32>,
        %get3A_953 = vector.shape_cast %get3A_952 : vector<1x1x16xf32> to vector<16xf32>
        %add3A_954 = arith.addf %add3A_920, %get3A_953 : vector<16xf32>
        %get3A_955 = arith.constant 7 : i32
        %get3A_956 = arith.index_cast %get3A_955 : i32 to index
        %get3A_957 = arith.index_cast %add3A_933 : i32 to index
        %get3A_958 = arith.constant 48 : index
        %get3A_959 = tpu.vector_load %arg6[%get3A_956, %get3A_957, %get3A_958] {strides = array<i32>} : memref<8x100x64xf32, #tpu.memory_space<vmem>>, vector<1x1x16xf32>,
        %get3A_960 = vector.shape_cast %get3A_959 : vector<1x1x16xf32> to vector<16xf32>
        %add3A_961 = arith.addf %add3A_927, %get3A_960 : vector<16xf32>
        scf.yield %add3A_940, %add3A_947, %add3A_954, %add3A_961 : vector<16xf32>, vector<16xf32>, vector<16xf32>, vector<16xf32>
      }
      %scan3A_763 = arith.constant 10 : i32
      %mul3A_764 = arith.constant 2 : i32
      %mul3A_765 = arith.muli %mul3A_764, %add3A_705 : i32
      %add3A_766 = arith.constant 1 : i32
      %add3A_767 = arith.addi %mul3A_765, %add3A_766 : i32
      %swap3A_768 = arith.index_cast %add3A_767 : i32 to index
      %swap3A_769 = arith.constant 0 : index
      %swap3A_770 = tpu.vector_load %arg7[%swap3A_768, %swap3A_769] {strides = array<i32>} : memref<512x64xf32, #tpu.memory_space<vmem>>, vector<1x16xf32>,
      %swap3A_771 = vector.shape_cast %swap3A_770 : vector<1x16xf32> to vector<16xf32>
      %swap3A_772 = vector.shape_cast %scan3A_762#0 : vector<16xf32> to vector<1x16xf32>
      tpu.vector_store %arg7[%swap3A_768, %swap3A_769], %swap3A_772 {strides = array<i32>} : memref<512x64xf32, #tpu.memory_space<vmem>>, vector<1x16xf32>,
      %swap3A_773 = arith.index_cast %add3A_767 : i32 to index
      %swap3A_774 = arith.constant 16 : index
      %swap3A_775 = tpu.vector_load %arg7[%swap3A_773, %swap3A_774] {strides = array<i32>} : memref<512x64xf32, #tpu.memory_space<vmem>>, vector<1x16xf32>,
      %swap3A_776 = vector.shape_cast %swap3A_775 : vector<1x16xf32> to vector<16xf32>
      %swap3A_777 = vector.shape_cast %scan3A_762#1 : vector<16xf32> to vector<1x16xf32>
      tpu.vector_store %arg7[%swap3A_773, %swap3A_774], %swap3A_777 {strides = array<i32>} : memref<512x64xf32, #tpu.memory_space<vmem>>, vector<1x16xf32>,
      %swap3A_778 = arith.index_cast %add3A_767 : i32 to index
      %swap3A_779 = arith.constant 32 : index
      %swap3A_780 = tpu.vector_load %arg7[%swap3A_778, %swap3A_779] {strides = array<i32>} : memref<512x64xf32, #tpu.memory_space<vmem>>, vector<1x16xf32>,
      %swap3A_781 = vector.shape_cast %swap3A_780 : vector<1x16xf32> to vector<16xf32>
      %swap3A_782 = vector.shape_cast %scan3A_762#2 : vector<16xf32> to vector<1x16xf32>
      tpu.vector_store %arg7[%swap3A_778, %swap3A_779], %swap3A_782 {strides = array<i32>} : memref<512x64xf32, #tpu.memory_space<vmem>>, vector<1x16xf32>,
      %swap3A_783 = arith.index_cast %add3A_767 : i32 to index
      %swap3A_784 = arith.constant 48 : index
      %swap3A_785 = tpu.vector_load %arg7[%swap3A_783, %swap3A_784] {strides = array<i32>} : memref<512x64xf32, #tpu.memory_space<vmem>>, vector<1x16xf32>,
      %swap3A_786 = vector.shape_cast %swap3A_785 : vector<1x16xf32> to vector<16xf32>
      %swap3A_787 = vector.shape_cast %scan3A_762#3 : vector<16xf32> to vector<1x16xf32>
      tpu.vector_store %arg7[%swap3A_783, %swap3A_784], %swap3A_787 {strides = array<i32>} : memref<512x64xf32, #tpu.memory_space<vmem>>, vector<1x16xf32>,
    }
    %scan3A_102 = arith.constant 32 : i32
    %mul3A_103 = arith.constant 512 : i32
    %mul3A_104 = arith.muli %add3A, %mul3A_103 : i32
    "tpu.region"() ({
      %run_scoped3A = tpu.sem_alloc : memref<!tpu.dma_semaphore, #tpu.memory_space<semaphore_mem>>
      %dma_start3A_105 = arith.constant 0 : i32
      %dma_start3A_106 = tpu.memref_slice %arg4[%mul3A_104, %dma_start3A_105] : memref<16384x64xf32, #tpu.memory_space<hbm>> -> memref<512x64xf32, #tpu.memory_space<hbm>>
      %dma_start3A_107 = arith.constant 0 : i32
      %dma_start3A_108 = tpu.memref_slice %arg4[%mul3A_104, %dma_start3A_107] : memref<16384x64xf32, #tpu.memory_space<hbm>> -> memref<512x64xf32, #tpu.memory_space<hbm>>
      tpu.enqueue_dma source(%arg7 : memref<512x64xf32, #tpu.memory_space<vmem>>) target(%dma_start3A_108 : memref<512x64xf32, #tpu.memory_space<hbm>>) target_semaphore(%run_scoped3A : memref<!tpu.dma_semaphore, #tpu.memory_space<semaphore_mem>>)
      %dma_wait3A = arith.constant 0 : i32
      %dma_wait3A_109 = tpu.memref_slice %arg4[%mul3A_104, %dma_wait3A] : memref<16384x64xf32, #tpu.memory_space<hbm>> -> memref<512x64xf32, #tpu.memory_space<hbm>>
      %dma_wait3A_110 = arith.constant 0 : i32
      %dma_wait3A_111 = tpu.memref_slice %arg4[%mul3A_104, %dma_wait3A_110] : memref<16384x64xf32, #tpu.memory_space<hbm>> -> memref<512x64xf32, #tpu.memory_space<hbm>>
      tpu.wait_dma2 semaphore(%run_scoped3A : memref<!tpu.dma_semaphore, #tpu.memory_space<semaphore_mem>>) src(%arg7 : memref<512x64xf32, #tpu.memory_space<vmem>>) dst(%dma_wait3A_111 : memref<512x64xf32, #tpu.memory_space<hbm>>)
      tpu.yield
    }) : () -> ()
    return
  }
}

module attributes {stable_mosaic.version = 14 : i64} {
  func.func @body(%arg0: i32, %arg1: memref<512x50xi32, #tpu.memory_space<vmem>>, %arg2: memref<512x64xf32, #tpu.memory_space<vmem>>, %arg3: memref<64x128xf32, #tpu.memory_space<vmem>>, %arg4: memref<1x128xf32, #tpu.memory_space<vmem>>, %arg5: memref<1000x128xf32, #tpu.memory_space<vmem>>, %arg6: memref<1000x1xf32, #tpu.memory_space<vmem>>, %arg7: memref<1000x512xf32, #tpu.memory_space<vmem>>) attributes {dimension_semantics = [#tpu.dimension_semantics<arbitrary>], iteration_bounds = array<i64: 32>, scalar_prefetch = 0 : i64, scratch_operands = 0 : i64, tpu.core_type = #tpu.core_type<tc>, window_params = [{transform_indices = @transform_0, window_bounds = array<i64: 512, 50>}, {transform_indices = @transform_1, window_bounds = array<i64: 512, 64>}, {pipeline_mode = #tpu.pipeline_mode<synchronous>, transform_indices = @transform_2, window_bounds = array<i64: 64, 128>}, {pipeline_mode = #tpu.pipeline_mode<synchronous>, transform_indices = @transform_3, window_bounds = array<i64: 1, 128>}, {pipeline_mode = #tpu.pipeline_mode<synchronous>, transform_indices = @transform_4, window_bounds = array<i64: 1000, 128>}, {pipeline_mode = #tpu.pipeline_mode<synchronous>, transform_indices = @transform_5, window_bounds = array<i64: 1000, 1>}, {transform_indices = @transform_6, window_bounds = array<i64: 1000, 512>}]} {
    %get3A = arith.constant 0 : index
    %get3A_0 = arith.constant 0 : index
    %get3A_1 = vector.load %arg1[%get3A, %get3A_0] : memref<512x50xi32, #tpu.memory_space<vmem>>, vector<512x50xi32>
    %ne3A = arith.constant 0 : i32
    %ne3A_2 = vector.broadcast %ne3A : i32 to vector<512x50xi32>
    %ne3A_3 = arith.cmpi ne, %get3A_1, %ne3A_2 : vector<512x50xi32>
    %convert_element_type3A = arith.extui %ne3A_3 : vector<512x50xi1> to vector<512x50xi32>
    %convert_element_type3A_4 = arith.sitofp %convert_element_type3A : vector<512x50xi32> to vector<512x50xf32>
    %reduce_sum3A = arith.constant dense<0.000000e+00> : vector<512xf32>
    %reduce_sum3A_5 = vector.multi_reduction <add>, %convert_element_type3A_4, %reduce_sum3A [1] : vector<512x50xf32> to vector<512xf32>
    %broadcast_in_dim3A = vector.shape_cast %reduce_sum3A_5 : vector<512xf32> to vector<512x1xf32>
    %get3A_6 = arith.constant 0 : index
    %get3A_7 = arith.constant 0 : index
    %get3A_8 = vector.load %arg2[%get3A_6, %get3A_7] : memref<512x64xf32, #tpu.memory_space<vmem>>, vector<512x64xf32>
    %max3A = arith.constant 9.99999997E-7 : f32
    %max3A_9 = vector.broadcast %max3A : f32 to vector<512x1xf32>
    %max3A_10 = arith.maximumf %broadcast_in_dim3A, %max3A_9 : vector<512x1xf32>
    %div3A = vector.broadcast %max3A_10 : vector<512x1xf32> to vector<512x64xf32>
    %div3A_11 = arith.divf %get3A_8, %div3A : vector<512x64xf32>
    %get3A_12 = arith.constant 0 : index
    %get3A_13 = arith.constant 0 : index
    %get3A_14 = vector.load %arg3[%get3A_12, %get3A_13] : memref<64x128xf32, #tpu.memory_space<vmem>>, vector<64x128xf32>
    %dot_general3A = arith.constant dense<0.000000e+00> : vector<512x128xf32>
    %dot_general3A_15 = tpu.matmul %div3A_11, %get3A_14, %dot_general3A {dimension_numbers = #tpu.dot_dimension_numbers<[1], [0], [0], [1], [0, 0, 1, 1], [], []>, transpose_lhs_hint = false} : vector<512x64xf32>, vector<64x128xf32>, vector<512x128xf32> -> vector<512x128xf32>
    %get3A_16 = arith.constant 0 : index
    %get3A_17 = arith.constant 0 : index
    %get3A_18 = vector.load %arg4[%get3A_16, %get3A_17] : memref<1x128xf32, #tpu.memory_space<vmem>>, vector<1x128xf32>
    %add3A = vector.broadcast %get3A_18 : vector<1x128xf32> to vector<512x128xf32>
    %add3A_19 = arith.addf %dot_general3A_15, %add3A : vector<512x128xf32>
    %max3A_20 = arith.constant 0.000000e+00 : f32
    %max3A_21 = vector.broadcast %max3A_20 : f32 to vector<512x128xf32>
    %max3A_22 = arith.maximumf %add3A_19, %max3A_21 : vector<512x128xf32>
    %get3A_23 = arith.constant 0 : index
    %get3A_24 = arith.constant 0 : index
    %get3A_25 = vector.load %arg5[%get3A_23, %get3A_24] : memref<1000x128xf32, #tpu.memory_space<vmem>>, vector<1000x128xf32>
    %dot_general3A_26 = arith.constant dense<0.000000e+00> : vector<1000x512xf32>
    %dot_general3A_27 = tpu.matmul %get3A_25, %max3A_22, %dot_general3A_26 {dimension_numbers = #tpu.dot_dimension_numbers<[1], [1], [0], [0], [0, 0, 1, 0], [], []>, transpose_lhs_hint = false} : vector<1000x128xf32>, vector<512x128xf32>, vector<1000x512xf32> -> vector<1000x512xf32>
    %get3A_28 = arith.constant 0 : index
    %get3A_29 = arith.constant 0 : index
    %get3A_30 = vector.load %arg6[%get3A_28, %get3A_29] : memref<1000x1xf32, #tpu.memory_space<vmem>>, vector<1000x1xf32>
    %add3A_31 = vector.broadcast %get3A_30 : vector<1000x1xf32> to vector<1000x512xf32>
    %add3A_32 = arith.addf %dot_general3A_27, %add3A_31 : vector<1000x512xf32>
    %swap3A = arith.constant 0 : index
    %swap3A_33 = arith.constant 0 : index
    %swap3A_34 = vector.load %arg7[%swap3A, %swap3A_33] : memref<1000x512xf32, #tpu.memory_space<vmem>>, vector<1000x512xf32>
    tpu.vector_store %arg7[%swap3A, %swap3A_33], %add3A_32 {strides = array<i32>} : memref<1000x512xf32, #tpu.memory_space<vmem>>, vector<1000x512xf32>,
    return
  }
  func.func @transform_0(%arg0: i32) -> (i32, i32) {
    %c0_i32 = arith.constant 0 : i32
    %c0_i32_0 = arith.constant 0 : i32
    return %arg0, %c0_i32 : i32, i32
  }
  func.func @transform_1(%arg0: i32) -> (i32, i32) {
    %c0_i32 = arith.constant 0 : i32
    %c0_i32_0 = arith.constant 0 : i32
    return %arg0, %c0_i32 : i32, i32
  }
  func.func @transform_2(%arg0: i32) -> (i32, i32) {
    %c0_i32 = arith.constant 0 : i32
    %c0_i32_0 = arith.constant 0 : i32
    %c0_i32_1 = arith.constant 0 : i32
    return %c0_i32, %c0_i32_0 : i32, i32
  }
  func.func @transform_3(%arg0: i32) -> (i32, i32) {
    %c0_i32 = arith.constant 0 : i32
    %c0_i32_0 = arith.constant 0 : i32
    %c0_i32_1 = arith.constant 0 : i32
    return %c0_i32, %c0_i32_0 : i32, i32
  }
  func.func @transform_4(%arg0: i32) -> (i32, i32) {
    %c0_i32 = arith.constant 0 : i32
    %c0_i32_0 = arith.constant 0 : i32
    %c0_i32_1 = arith.constant 0 : i32
    return %c0_i32, %c0_i32_0 : i32, i32
  }
  func.func @transform_5(%arg0: i32) -> (i32, i32) {
    %c0_i32 = arith.constant 0 : i32
    %c0_i32_0 = arith.constant 0 : i32
    %c0_i32_1 = arith.constant 0 : i32
    return %c0_i32, %c0_i32_0 : i32, i32
  }
  func.func @transform_6(%arg0: i32) -> (i32, i32) {
    %c0_i32 = arith.constant 0 : i32
    %c0_i32_0 = arith.constant 0 : i32
    return %c0_i32, %arg0 : i32, i32
  }
}

</mosaic_0001>

<sc_bundles>
// kernel: kernel.4.cloned.1.call-start
scs
__scs_entry_jumppad:
0x0: {  	(pc) =	sbr.rel $0x88, $3  }
0x1: {  	(tag) =	ssettag $0x0;
	lr =	simm.s32 $0x1  }
0x2: {  	[smem:$0x3F9B] =	sst lr;
	_ =	strace $0xD0000000  }
0x3: {  	_ = 	snop  }
0x4: {  	_ = 	snop  }
0x5: {  	_ = 	snop  }
0x6: {  	_ = 	snop  }
0x7: {  	_ = 	snop  }
__scs_overlays_trampoline_lowered:
0x8: {  	[smem:$0x3FAA] =	sst s0  }
0x9: {  	[smem:$0x3FAB] =	sst s1  }
0xa: {  	[smem:$0x3FAC] =	sst s2  }
0xb: {  	[smem:$0x3FAD] =	sst s3  }
0xc: {  	[smem:$0x3FAE] =	sst s4  }
0xd: {  	[smem:$0x3FAF] =	sst s5  }
0xe: {  	[smem:$0x3FB0] =	sst s6  }
0xf: {  	[smem:$0x3FB1] =	sst s7  }
0x10: {  	[smem:$0x3FB2] =	sst s8  }
0x11: {  	[smem:$0x3FB3] =	sst s9;
	s0 =	simm.s32 @!p0 $0x0  }
0x12: {  	s1 =	sld [smem:$0x3F99];
	s0 =	simm.s32 @p0 $0x1  }
0x13: {  	[smem:$0x3FB4] =	sst s0;
	s0 =	simm.s32 @!p1 $0x0  }
0x14: {  	s2 =	sld [smem:$0x3F98];
	s0 =	simm.s32 @p1 $0x1  }
0x15: {  	[smem:$0x3FB5] =	sst s0;
	s0 =	simm.s32 @!p2 $0x0  }
0x16: {  	s3 =	sld [smem:$0x3FDB];
	s0 =	simm.s32 @p2 $0x1  }
0x17: {  	s4 =	simm.s32 $0x1BF5;
	[smem:$0x3FB7] =	sst s0  }
0x18: {  	s0 =	sld [smem:$0x3F9A];
	_ =	swait.ge [sflag:s4], $0x0  }
0x19: {  	s7 =	sld [smem:$0x3F9B]  }
0x1a: {  	s8 =	sadd.s32 $0xFFFFE003, lr  }
0x1b: {  	s9 =	sadd.s32 $0xFFFFFEF7, lr;
	s5 =	simm.s32 $0xFFFFFFFF;
	p2 =	slt.u32 s8, $0xFFFFF086  }
0x1c: {  	p1 =	slt.u32 s9, $0xF7A;
	s5 =	simm.s32 @!p2 $0x0  }
0x1d: {  	s5 =	simm.s32 @p1 $0x1;
	p0 =	seq.s32 s7, s2  }
0x1e: {  	s7 =	smul.u32 @!p0 $0xF7A, s2;
	p2 =	seq.s32 @!p0 s5, $0x0  }
0x1f: {  	s9 =	smul.u32 $0xF7A, s1;
	s8 =	simm.s32 @!p0 $0x1BF5;
	p2 =	por !p2, p0  }
0x20: {  	[sflag:s8] =	ssyncset.s32 @!p0 $0xFFFFF086;
	s6 =	sadd.s32 @!p0 s3, s7;
	s7 =	simm.s32 @!p0 $0x108  }
0x21: {  	s3 =	sadd.s32 s3, s9;
	s6 =	sadd.s32 @!p0 $0x88, s6;
	s7 =	simm.s32 @p2 $0x1082  }
0x22: {  	[simem:s7], [sflag:s8] =	dma.local @!p0 [hbm:s6], $0xF7A  }
0x23: {  	s9 =	sor.u32 $0xD0000000, s2;
	s6 =	simm.s32 $0x108;
	_ =	swait.ge @!p0 [sflag:s8], $0x0  }
0x24: {  	s3 =	sadd.s32 $0x88, s3;
	s6 =	simm.s32 @!p1 $0x1082;
	[sflag:s4] =	ssyncset.s32 $0xFFFFF086  }
0x25: {  	[simem:s6], [sflag:s4] =	dma.local [hbm:s3], $0xF7A  }
0x26: {  	[smem:$0x3F9B] =	sst s1;
	(tag) =	ssettag s2;
	_ =	strace s9  }
0x27: {  	s1 =	sld [smem:$0x3FAB]  }
0x28: {  	s2 =	sld [smem:$0x3FAC]  }
0x29: {  	s4 =	sld [smem:$0x3FAE]  }
0x2a: {  	p0 =	seq.s32 s5, $0x0;
	s5 =	sld [smem:$0x3FAF]  }
0x2b: {  	s6 =	sld [smem:$0x3FB0]  }
0x2c: {  	s7 =	sld [smem:$0x3FB1]  }
0x2d: {  	s3 =	simm.s32 $0x108;
	s8 =	sld [smem:$0x3FB2]  }
0x2e: {  	s3 =	simm.s32 @!p0 $0x1082;
	s9 =	sld [smem:$0x3FB3]  }
0x2f: {  	lr =	sadd.s32 s0, s3;
	s0 =	sld [smem:$0x3FAA]  }
0x30: {  	s3 =	sld [smem:$0x3FAD]  }
0x31: {  	[smem:$0x3FB6] =	sst s10  }
0x32: {  	s10 =	sld [smem:$0x3FB4];
	_ =	sdelay $0x3  }
0x33: {  	p0 =	seq.s32 s10, $0x1;
	s10 =	sld [smem:$0x3FB6];
	_ =	sdelay $0x3  }
0x34: {  	[smem:$0x3FB6] =	sst s10  }
0x35: {  	s10 =	sld [smem:$0x3FB5];
	_ =	sdelay $0x3  }
0x36: {  	p1 =	seq.s32 s10, $0x1;
	s10 =	sld [smem:$0x3FB6];
	_ =	sdelay $0x3  }
0x37: {  	[smem:$0x3FB6] =	sst s10  }
0x38: {  	s10 =	sld [smem:$0x3FB7]  }
0x39: {  	_ = 	snop;
	(pc) =	sbr.ind lr, $3  }
0x3a: {  	_ = 	snop  }
0x3b: {  	_ = 	snop  }
0x3c: {  	p2 =	seq.s32 s10, $0x1;
	s10 =	sld [smem:$0x3FB6]  }
0x3d: {  	_ =	shalt  }
0x3e: {  	_ =	shalt  }
0x3f: {  	_ =	shalt  }
0x40: {  	_ =	shalt  }
0x41: {  	_ =	shalt  }
0x42: {  	_ =	shalt  }
0x43: {  	_ =	shalt  }
0x44: {  	_ =	shalt  }
0x45: {  	_ =	shalt  }
0x46: {  	_ =	shalt  }
0x47: {  	_ =	shalt  }
0x48: {  	_ =	shalt  }
0x49: {  	_ =	shalt  }
0x4a: {  	_ =	shalt  }
0x4b: {  	_ =	shalt  }
0x4c: {  	_ =	shalt  }
0x4d: {  	_ =	shalt  }
0x4e: {  	_ =	shalt  }
0x4f: {  	_ =	shalt  }
0x50: {  	_ =	shalt  }
0x51: {  	_ =	shalt  }
0x52: {  	_ =	shalt  }
0x53: {  	_ =	shalt  }
0x54: {  	_ =	shalt  }
0x55: {  	_ =	shalt  }
0x56: {  	_ =	shalt  }
0x57: {  	_ =	shalt  }
0x58: {  	_ =	shalt  }
0x59: {  	_ =	shalt  }
0x5a: {  	_ =	shalt  }
0x5b: {  	_ =	shalt  }
0x5c: {  	_ =	shalt  }
0x5d: {  	_ =	shalt  }
0x5e: {  	_ =	shalt  }
0x5f: {  	_ =	shalt  }
0x60: {  	_ =	shalt  }
0x61: {  	_ =	shalt  }
0x62: {  	_ =	shalt  }
0x63: {  	_ =	shalt  }
0x64: {  	_ =	shalt  }
0x65: {  	_ =	shalt  }
0x66: {  	_ =	shalt  }
0x67: {  	_ =	shalt  }
0x68: {  	_ =	shalt  }
0x69: {  	_ =	shalt  }
0x6a: {  	_ =	shalt  }
0x6b: {  	_ =	shalt  }
0x6c: {  	_ =	shalt  }
0x6d: {  	_ =	shalt  }
0x6e: {  	_ =	shalt  }
0x6f: {  	_ =	shalt  }
0x70: {  	_ =	shalt  }
0x71: {  	_ =	shalt  }
0x72: {  	_ =	shalt  }
0x73: {  	_ =	shalt  }
0x74: {  	_ =	shalt  }
0x75: {  	_ =	shalt  }
0x76: {  	_ =	shalt  }
0x77: {  	_ =	shalt  }
0x78: {  	_ =	shalt  }
0x79: {  	_ =	shalt  }
0x7a: {  	_ =	shalt  }
0x7b: {  	_ =	shalt  }
0x7c: {  	_ =	shalt  }
0x7d: {  	_ =	shalt  }
0x7e: {  	_ =	shalt  }
0x7f: {  	_ =	shalt  }
0x80: {  	_ =	shalt  }
0x81: {  	_ =	shalt  }
0x82: {  	_ =	shalt  }
0x83: {  	_ =	shalt  }
0x84: {  	_ =	shalt  }
0x85: {  	_ =	shalt  }
0x86: {  	_ =	shalt  }
0x87: {  	_ =	shalt  }
.Lfunc_end0:
.L_simem_size_0:
called_computation_lowered:
.L_overlay_start_0:
0x88: {  	s2 =	sld [smem:$0x3FD9]  }
0x89: {  	s3 =	sld [smem:$0x3FFE];
	_ =	sdelay $0x1  }
0x8a: {  	s1 =	srdreg.scid  }
0x8b: {  	s0 =	sand.u32 $0x1, s1  }
0x8c: {  	s16 =	sshll.u32 s0, $0xA;
	s2 =	sadd.s32 s3, s2  }
0x8d: {  	s2 =	sadd.s32 s2, s16  }
0x8e: {  	[smem:$0x3FC2] =	sst s2  }
0x8f: {  	_ = 	snop  }
0x90: {  	(tm) =	ssettm $0x1  }
0x91: {  	s17 =	sld [smem:$0x3FFB];
	_ =	sdelay $0x3  }
0x92: {  	_ =	strace s17  }
0x93: {  	s2 =	sld [smem:$0x3FFC];
	_ =	sdelay $0x3  }
0x94: {  	_ =	strace s2  }
0x95: {  	s2 =	sld [smem:$0x3FFD];
	_ =	sdelay $0x3  }
0x96: {  	_ =	strace s2  }
0x97: {  	_ =	strace $0x8FFFFFFF  }
0x98: {  	s18 =	sld [smem:$0x3FDB];
	_ =	sdelay $0x1  }
0x99: {  	s19 =	simm.s32 $_scs_section_size  }
0x9a: {  	s4 =	simm.s32 $_size__tile_overlayer_lowered;
	s5 =	simm.s32 $_tile_overlayer_lowered  }
0x9b: {  	s22 =	simm.s32 $0x1BFF;
	s21 =	sshll.u32 s5, $0x1;
	s2 =	sadd.s32 s19, s18  }
0x9c: {  	s6 =	simm.s32 $0x0;
	s20 =	sshll.u32 s4, $0x1;
	s4 =	sadd.s32 s21, s2  }
0x9d: {  	[timem:s6], [sflag:s22] =	dma.local [hbm:s4], s20  }
0x9e: {  	_ =	swait.ge [sflag:s22], s20  }
0x9f: {  	s3 =	ssub.s32 $0x0, s20;
	[sflag:s22] =	ssyncset.done $0x0  }
0xa0: {  	[sflag:s22] =	ssyncadd.s32 s3;
	_ =	sdelay $0x1  }
0xa1: {  	s23 =	simm.s32 $0x1B8B  }
0xa2: {  	_ =	swait.ge [sflag:s23], $0x1  }
0xa3: {  	[sflag:s23] =	ssyncset.done $0x0  }
0xa4: {  	s25 =	simm.s32 $0x1B8E;
	s24 =	sld [smem:$0x3FFE];
	[sflag:s23] =	ssyncadd.s32 $0xFFFFFFFF  }
0xa5: {  	s26 =	simm.s32 $execute0_lowered;
	[smem:$0x3FD2] =	sst s25  }
0xa6: {  	s4 =	sshll.u32 s26, $0x1;
	_ =	strace $0x80000046;
	[dreg:$0x1] =	wrdreg $0xFFFFFFFF  }
0xa7: {  	s28 =	simm.s32 $_size_execute0_lowered;
	s2 =	sadd.s32 s2, s4;
	[dreg:$0x0] =	wrdreg $0x0  }
0xa8: {  	s4 =	sshll.u32 s28, $0x1;
	[dreg:$0x2] =	wrdreg s2  }
0xa9: {  	[dreg:$0x3] =	wrdreg s4  }
0xaa: {  	[dreg:$0x4] =	wrdreg $0xC0  }
0xab: {  	_ =	task [dreg:s6], $0x5FFFF  }
0xac: {  	[dreg:$0x1] =	wrdreg $0xFFFFFFFF  }
0xad: {  	[dreg:$0x0] =	wrdreg $0x60  }
0xae: {  	[dreg:$0x2] =	wrdreg s24  }
0xaf: {  	[dreg:$0x3] =	wrdreg $0x9  }
0xb0: {  	_ =	task.clear_ibuf [dreg:s6], $0x4FFFF;
	_ =	strace $0x90000046  }
0xb1: {  	s29 =	simm.s32 $0x9;
	_ =	strace $0x80000048  }
0xb2: {  	_ =	swait.ge [sflag:s29], $0x1  }
0xb3: {  	[sflag:s29] =	ssyncadd.s32 $0xFFFFFFFF  }
0xb4: {  	_ =	strace $0x90000048  }
0xb5: {  	_ =	sfence  }
0xb6: {  	s30 =	sld [smem:$0x0];
	_ =	sdelay $0x2  }
0xb7: {  	s31 =	sshll.u32 s1, $0xD;
	s1 =	sshrl.u32 s1, $0x2  }
0xb8: {  	s3 =	sand.u32 $0x4000, s31;
	s1 =	sadd.s32 s1, s30  }
0xb9: {  	s0 =	sor.u32 s3, s0;
	s1 =	sshll.u32 s1, $0x11  }
0xba: {  	s0 =	sor.u32 s1, s0  }
0xbb: {  	s0 =	sadd.s32 $0x8F2B, s0  }
0xbc: {  	[sflag:s0] =	ssyncadd.remote.s32 $0x1  }
0xbd: {  	_ =	sfence.sel $0xFFFF  }
0xbe: {  	[dreg:$0x0] =	wrdreg $0xFFFFFFFF;
	(pc) =	sbr.abs _section_cstart, $3  }
0xbf: {  	[dreg:$0x1] =	wrdreg $0xFFFFFFFF  }
0xc0: {  	_ =	task.clear_ibuf [dreg:s6], $0x2FFFF;
	_ =	strace $0x9FFFFFFF  }
0xc1: {  	(tm) =	ssettm $0x7FFFFFFF  }
tec
execute0_lowered:
.L_overlay_start_1:
0x0: {  	(tag) =	ssettag $0x1  }
0x1: {  	s0 =	srdreg.scid  }
0x2: {  	s2 =	stileid.u32;
	s1 =	rddreg [dreg:$0x0];
	s7 =	simm.s32 $0x9  }
0x3: {  	s8 =	simm.s32 $0x64;
	s16 =	simm.s32 $0x1A0;
	s17 =	simm.s32 $0xCC00  }
0x4: {  	s18 =	simm.s32 $0x208;
	s19 =	simm.s32 $0xE500;
	s20 =	simm.s32 $0x270  }
0x5: {  	s21 =	simm.s32 $0xFE00;
	s22 =	simm.s32 $0x2D8;
	s23 =	simm.s32 $0x11700  }
0x6: {  	s24 =	simm.s32 $0x1;
	s25 =	simm.s32 $0x2;
	s26 =	simm.s32 $0x3  }
0x7: {  	s28 =	simm.s32 $0x4;
	s29 =	simm.s32 $0x5;
	s30 =	simm.s32 $0x6  }
0x8: {  	s31 =	simm.s32 $0x7;
	s0 =	sand.u32 $0x1, s0;
	s3 =	sshll.u32 s2, $0x1  }
0x9: {  	s9 =	simm.s32 $0x0;
	s2 =	simm.s32 $0x0;
	s3 =	sor.u32 s0, s3  }
0xa: {  	[smem:$0x7FF] =	sst s2;
	s0 =	ssub.s32 $0x2, s0;
	s4 =	smul.u32 $0xD00, s3  }
0xb: {  	_ =	strace $0x80000047;
	s5 =	sshll.u32 s3, $0xC;
	s6 =	sshrl.u32 s0, $0x1  }
0xc: {  	s3 =	sadd.s32 $0xF5D400, s1;
	s0 =	ssub.s32 s0, s6;
	s4 =	sadd.s32 s4, s1  }
0xd: {  	s1 =	sadd.s32 s5, s1;
	s6 =	smax.u32 s0, $0x1;
	s0 =	simm.s32 $0x13000  }
0xe: {  	s4 =	sadd.s32 $0x1000, s4;
	s5 =	sadd.s32 $0x1B000, s1;
	s1 =	simm.s32 $0x8  }
.LBB2_1:
0xf: {  	[tilespmem:s2], [sflag:$0x9] =	stream.linear.gather [hbm4b:s4+s2], $0x6800, $0x38;
	[tilespmem:$0x1B000] =	vst v63  }
0x10: {  	_ =	swait.ge [sflag:s7], $0x6800  }
0x11: {  	[sflag:s7] =	ssyncset.done $0x0  }
0x12: {  	s10 =	simm.s32 $0x6800;
	[sflag:s7] =	ssyncadd.s32 $0xFFFF9800  }
0x13: {  	[tilespmem:s10], [sflag:$0x1] =	stream.indirect.gather [hbm4b:s3+s8], $0x40, s2, s8, $0xb8;
	[tilespmem:$0x1B000] =	vst v63  }
0x14: {  	s15 =	simm.s32 $0x68;
	s11 =	simm.s32 $0x8100  }
0x15: {  	[tilespmem:s11], [sflag:$0x2] =	stream.indirect.gather [hbm4b:s3+s8], $0x40, s15, s8, $0xb8;
	[tilespmem:$0x1B000] =	vst v63  }
0x16: {  	s12 =	simm.s32 $0xD0;
	s13 =	simm.s32 $0x9A00  }
0x17: {  	[tilespmem:s13], [sflag:$0x3] =	stream.indirect.gather [hbm4b:s3+s8], $0x40, s12, s8, $0xb8;
	[tilespmem:$0x1B000] =	vst v63  }
0x18: {  	s14 =	simm.s32 $0x138;
	s15 =	simm.s32 $0xB300  }
0x19: {  	[tilespmem:s15], [sflag:$0x4] =	stream.indirect.gather [hbm4b:s3+s8], $0x40, s14, s8, $0xb8;
	[tilespmem:$0x1B000] =	vst v63  }
0x1a: {  	_ = 	snop  }
0x1b: {  	[tilespmem:s17], [sflag:$0x5] =	stream.indirect.gather [hbm4b:s3+s8], $0x40, s16, s8, $0xb8;
	[tilespmem:$0x1B000] =	vst v63  }
0x1c: {  	_ = 	snop  }
0x1d: {  	[tilespmem:s19], [sflag:$0x6] =	stream.indirect.gather [hbm4b:s3+s8], $0x40, s18, s8, $0xb8;
	[tilespmem:$0x1B000] =	vst v63  }
0x1e: {  	_ = 	snop  }
0x1f: {  	[tilespmem:s21], [sflag:$0x7] =	stream.indirect.gather [hbm4b:s3+s8], $0x40, s20, s8, $0xb8;
	[tilespmem:$0x1B000] =	vst v63  }
0x20: {  	s10 =	simm.s32 $0x0  }
0x21: {  	[tilespmem:s23], [sflag:$0x8] =	stream.indirect.gather [hbm4b:s3+s8], $0x40, s22, s8, $0xb8;
	[tilespmem:$0x1B000] =	vst v63  }
.LBB2_2:
0x22: {  	p0 =	seq.s32 s10, $0x1F  }
0x23: {  	s11 =	smul.u32 @!p0 $0xD00, s10  }
0x24: {  	_ =	swait.ge [sflag:s24], $0x1900  }
0x25: {  	[sflag:s24] =	ssyncset.done $0x0;
	s13 =	simm.s32 @!p0 $0x64;
	s12 =	sshra.s32 @!p0 s11, $0x2  }
0x26: {  	s14 =	simm.s32 @!p0 $0x6800;
	[sflag:s24] =	ssyncadd.s32 $0xFFFFE700;
	s11 =	sadd.s32 @!p0 $0x340, s12  }
0x27: {  	[tilespmem:s14], [sflag:$0x1] =	stream.indirect.gather @!p0 [hbm4b:s3+s13], $0x40, s11, s13, $0xb8;
	[tilespmem:$0x1B000] =	vst v63  }
0x28: {  	s11 =	simm.s32 $0x0  }
0x29: {  	v0 =	vld [tilespmem:s11+$0x6900]  }
0x2a: {  	v1 =	vld [tilespmem:s11+$0x6910]  }
0x2b: {  	v2 =	vld [tilespmem:s11+$0x68C0]  }
0x2c: {  	v3 =	vld [tilespmem:s11+$0x68D0]  }
0x2d: {  	v4 =	vld [tilespmem:s11+$0x6880]  }
0x2e: {  	v5 =	vld [tilespmem:s11+$0x6890]  }
0x2f: {  	v6 =	vld [tilespmem:s11+$0x6840]  }
0x30: {  	v7 =	vld [tilespmem:s11+$0x6850]  }
0x31: {  	v13 =	vld [tilespmem:s11+$0x6800]  }
0x32: {  	v8 =	vimm.f32 $0.0e+00;
	v14 =	vld [tilespmem:s11+$0x6810]  }
0x33: {  	v11 =	vimm.f32 $0.0e+00;
	v10 =	vimm.f32 $0.0e+00;
	v9 =	vimm.f32 $0.0e+00;
	s13 =	simm.s32 $0x500;
	v12 =	vld [tilespmem:s11+$0x6820]  }
.LBB2_3:
0x34: {  	p1 =	sne.s32 s13, $0x2D00;
	v15 =	vld [tilespmem:s11+$0x6830]  }
0x35: {  	v16 =	vld [tilespmem:s11+$0x6860]  }
0x36: {  	v17 =	vld [tilespmem:s11+$0x6870]  }
0x37: {  	v18 =	vld [tilespmem:s11+$0x68A0]  }
0x38: {  	v8 =	vadd.f32 v13, v8;
	v11 =	vadd.f32 v14, v11;
	v13 =	vld [tilespmem:s11+$0x68B0]  }
0x39: {  	v10 =	vadd.f32 v12, v10;
	v9 =	vadd.f32 v15, v9;
	v12 =	vld [tilespmem:s11+$0x68E0]  }
0x3a: {  	v6 =	vadd.f32 v6, v8;
	v7 =	vadd.f32 v7, v11;
	v8 =	vld [tilespmem:s11+$0x68F0]  }
0x3b: {  	v10 =	vadd.f32 v16, v10;
	v9 =	vadd.f32 v17, v9;
	v14 =	vld [tilespmem:s11+$0x6920]  }
0x3c: {  	v4 =	vadd.f32 v4, v6;
	v5 =	vadd.f32 v5, v7;
	v6 =	vld [tilespmem:s11+$0x6930];
	s11 =	sshra.s32 s13, $0x2  }
0x3d: {  	v10 =	vadd.f32 v18, v10;
	v7 =	vld [tilespmem:s11+$0x6900];
	v9 =	vadd.f32 v13, v9  }
0x3e: {  	v4 =	vadd.f32 v2, v4;
	v5 =	vadd.f32 v3, v5;
	v13 =	vld [tilespmem:s11+$0x6910]  }
0x3f: {  	v10 =	vadd.f32 v12, v10;
	v2 =	vld [tilespmem:s11+$0x68C0];
	v9 =	vadd.f32 v8, v9  }
0x40: {  	v8 =	vadd.f32 v0, v4;
	v11 =	vadd.f32 v1, v5;
	v3 =	vld [tilespmem:s11+$0x68D0]  }
0x41: {  	v10 =	vadd.f32 v14, v10;
	v4 =	vld [tilespmem:s11+$0x6880];
	v9 =	vadd.f32 v6, v9  }
0x42: {  	v5 =	vld [tilespmem:s11+$0x6890];
	v0 =	vmov v7  }
.Ltmp0:
0x43: {  	v6 =	vld [tilespmem:s11+$0x6840];
	v1 =	vmov v13;
	(pc) =	sbr.rel @p1 .LBB2_3-.Ltmp0, $4  }
0x44: {  	v7 =	vld [tilespmem:s11+$0x6850]  }
0x45: {  	v13 =	vld [tilespmem:s11+$0x6800]  }
0x46: {  	v14 =	vld [tilespmem:s11+$0x6810]  }
0x47: {  	s13 =	sadd.s32 $0x500, s13;
	v12 =	vld [tilespmem:s11+$0x6820]  }
0x48: {  	v15 =	vld [tilespmem:s11+$0x6830]  }
0x49: {  	v16 =	vld [tilespmem:s11+$0x6860]  }
0x4a: {  	v17 =	vld [tilespmem:s11+$0x6870];
	v8 =	vadd.f32 v13, v8  }
0x4b: {  	v13 =	vld [tilespmem:s11+$0x68A0];
	v11 =	vadd.f32 v14, v11  }
0x4c: {  	v14 =	vld [tilespmem:s11+$0x68B0];
	v10 =	vadd.f32 v12, v10;
	v6 =	vadd.f32 v6, v8  }
0x4d: {  	v8 =	vadd.f32 v15, v9;
	v9 =	vld [tilespmem:s11+$0x68E0];
	v7 =	vadd.f32 v7, v11  }
0x4e: {  	v11 =	vld [tilespmem:s11+$0x68F0];
	v10 =	vadd.f32 v16, v10;
	v4 =	vadd.f32 v4, v6  }
0x4f: {  	v6 =	vadd.f32 v17, v8;
	v8 =	vld [tilespmem:s11+$0x6920];
	v5 =	vadd.f32 v5, v7  }
0x50: {  	v7 =	vld [tilespmem:s11+$0x6930];
	v10 =	vadd.f32 v13, v10;
	v2 =	vadd.f32 v2, v4  }
0x51: {  	v4 =	vadd.f32 v14, v6;
	v3 =	vadd.f32 v3, v5  }
0x52: {  	s15 =	sshll.u32 s10, $0xC;
	v5 =	vadd.f32 v9, v10;
	v0 =	vadd.f32 v0, v2  }
0x53: {  	s11 =	sshra.s32 s15, $0x2;
	v2 =	vadd.f32 v11, v4;
	v1 =	vadd.f32 v1, v3  }
0x54: {  	v3 =	vadd.f32 v8, v5;
	[tilespmem:s11+$0x13000] =	vst v0  }
0x55: {  	v0 =	vadd.f32 v7, v2;
	[tilespmem:s11+$0x13010] =	vst v1  }
0x56: {  	[tilespmem:s11+$0x13020] =	vst v3  }
0x57: {  	s13 =	simm.s32 $0x0;
	[tilespmem:s11+$0x13030] =	vst v0  }
0x58: {  	v0 =	vld [tilespmem:s13+$0x7580]  }
0x59: {  	v1 =	vld [tilespmem:s13+$0x7590]  }
0x5a: {  	v2 =	vld [tilespmem:s13+$0x7540]  }
0x5b: {  	v3 =	vld [tilespmem:s13+$0x7550]  }
0x5c: {  	v4 =	vld [tilespmem:s13+$0x7500]  }
0x5d: {  	v5 =	vld [tilespmem:s13+$0x7510]  }
0x5e: {  	v6 =	vld [tilespmem:s13+$0x74C0]  }
0x5f: {  	v7 =	vld [tilespmem:s13+$0x74D0]  }
0x60: {  	v13 =	vld [tilespmem:s13+$0x7480]  }
0x61: {  	v10 =	vimm.f32 $0.0e+00;
	v14 =	vld [tilespmem:s13+$0x7490]  }
0x62: {  	s14 =	simm.s32 $0x500;
	v9 =	vimm.f32 $0.0e+00;
	v11 =	vimm.f32 $0.0e+00;
	v8 =	vimm.f32 $0.0e+00;
	v12 =	vld [tilespmem:s13+$0x74A0]  }
.LBB2_5:
0x63: {  	p1 =	sne.s32 s14, $0x2D00;
	v15 =	vld [tilespmem:s13+$0x74B0]  }
0x64: {  	v16 =	vld [tilespmem:s13+$0x74E0]  }
0x65: {  	v17 =	vld [tilespmem:s13+$0x74F0]  }
0x66: {  	v18 =	vld [tilespmem:s13+$0x7520]  }
0x67: {  	v8 =	vadd.f32 v13, v8;
	v11 =	vadd.f32 v14, v11;
	v13 =	vld [tilespmem:s13+$0x7530]  }
0x68: {  	v10 =	vadd.f32 v12, v10;
	v9 =	vadd.f32 v15, v9;
	v12 =	vld [tilespmem:s13+$0x7560]  }
0x69: {  	v6 =	vadd.f32 v6, v8;
	v7 =	vadd.f32 v7, v11;
	v8 =	vld [tilespmem:s13+$0x7570]  }
0x6a: {  	v10 =	vadd.f32 v16, v10;
	v9 =	vadd.f32 v17, v9;
	v14 =	vld [tilespmem:s13+$0x75A0]  }
0x6b: {  	v4 =	vadd.f32 v4, v6;
	v5 =	vadd.f32 v5, v7;
	v6 =	vld [tilespmem:s13+$0x75B0];
	s13 =	sshra.s32 s14, $0x2  }
0x6c: {  	v10 =	vadd.f32 v18, v10;
	v7 =	vld [tilespmem:s13+$0x7580];
	v9 =	vadd.f32 v13, v9  }
0x6d: {  	v4 =	vadd.f32 v2, v4;
	v5 =	vadd.f32 v3, v5;
	v13 =	vld [tilespmem:s13+$0x7590]  }
0x6e: {  	v10 =	vadd.f32 v12, v10;
	v2 =	vld [tilespmem:s13+$0x7540];
	v9 =	vadd.f32 v8, v9  }
0x6f: {  	v8 =	vadd.f32 v0, v4;
	v11 =	vadd.f32 v1, v5;
	v3 =	vld [tilespmem:s13+$0x7550]  }
0x70: {  	v10 =	vadd.f32 v14, v10;
	v4 =	vld [tilespmem:s13+$0x7500];
	v9 =	vadd.f32 v6, v9  }
0x71: {  	v5 =	vld [tilespmem:s13+$0x7510];
	v0 =	vmov v7  }
.Ltmp1:
0x72: {  	v6 =	vld [tilespmem:s13+$0x74C0];
	v1 =	vmov v13;
	(pc) =	sbr.rel @p1 .LBB2_5-.Ltmp1, $4  }
0x73: {  	v7 =	vld [tilespmem:s13+$0x74D0]  }
0x74: {  	v13 =	vld [tilespmem:s13+$0x7480]  }
0x75: {  	v14 =	vld [tilespmem:s13+$0x7490]  }
0x76: {  	s14 =	sadd.s32 $0x500, s14;
	v12 =	vld [tilespmem:s13+$0x74A0]  }
0x77: {  	v15 =	vld [tilespmem:s13+$0x74B0]  }
0x78: {  	v16 =	vld [tilespmem:s13+$0x74E0]  }
0x79: {  	v17 =	vld [tilespmem:s13+$0x74F0];
	v8 =	vadd.f32 v13, v8  }
0x7a: {  	v13 =	vld [tilespmem:s13+$0x7520];
	v11 =	vadd.f32 v14, v11  }
0x7b: {  	v14 =	vld [tilespmem:s13+$0x7530];
	v10 =	vadd.f32 v12, v10;
	v6 =	vadd.f32 v6, v8  }
0x7c: {  	v8 =	vadd.f32 v15, v9;
	v9 =	vld [tilespmem:s13+$0x7560];
	v7 =	vadd.f32 v7, v11  }
0x7d: {  	v11 =	vld [tilespmem:s13+$0x7570];
	v10 =	vadd.f32 v16, v10;
	v4 =	vadd.f32 v4, v6  }
0x7e: {  	v6 =	vadd.f32 v17, v8;
	v8 =	vld [tilespmem:s13+$0x75A0];
	v5 =	vadd.f32 v5, v7  }
0x7f: {  	v7 =	vld [tilespmem:s13+$0x75B0];
	v10 =	vadd.f32 v13, v10;
	v2 =	vadd.f32 v2, v4  }
0x80: {  	v4 =	vadd.f32 v14, v6;
	v3 =	vadd.f32 v3, v5  }
0x81: {  	v5 =	vadd.f32 v9, v10;
	v0 =	vadd.f32 v0, v2  }
0x82: {  	v2 =	vadd.f32 v11, v4;
	v1 =	vadd.f32 v1, v3  }
0x83: {  	v3 =	vadd.f32 v8, v5;
	[tilespmem:s11+$0x13040] =	vst v0  }
0x84: {  	v0 =	vadd.f32 v7, v2;
	[tilespmem:s11+$0x13050] =	vst v1  }
0x85: {  	[tilespmem:s11+$0x13060] =	vst v3  }
0x86: {  	[tilespmem:s11+$0x13070] =	vst v0  }
0x87: {  	_ =	swait.ge [sflag:s25], $0x1900  }
0x88: {  	s14 =	simm.s32 @!p0 $0x64;
	[sflag:s25] =	ssyncset.done $0x0  }
0x89: {  	s15 =	simm.s32 @!p0 $0x8100;
	s13 =	sadd.s32 @!p0 $0x3A8, s12;
	[sflag:s25] =	ssyncadd.s32 $0xFFFFE700  }
0x8a: {  	[tilespmem:s15], [sflag:$0x2] =	stream.indirect.gather @!p0 [hbm4b:s3+s14], $0x40, s13, s14, $0xb8;
	[tilespmem:$0x1B000] =	vst v63  }
0x8b: {  	s13 =	simm.s32 $0x0  }
0x8c: {  	v0 =	vld [tilespmem:s13+$0x8200]  }
0x8d: {  	v1 =	vld [tilespmem:s13+$0x8210]  }
0x8e: {  	v2 =	vld [tilespmem:s13+$0x81C0]  }
0x8f: {  	v3 =	vld [tilespmem:s13+$0x81D0]  }
0x90: {  	v4 =	vld [tilespmem:s13+$0x8180]  }
0x91: {  	v5 =	vld [tilespmem:s13+$0x8190]  }
0x92: {  	v6 =	vld [tilespmem:s13+$0x8140]  }
0x93: {  	v7 =	vld [tilespmem:s13+$0x8150]  }
0x94: {  	v13 =	vld [tilespmem:s13+$0x8100]  }
0x95: {  	v10 =	vimm.f32 $0.0e+00;
	v14 =	vld [tilespmem:s13+$0x8110]  }
0x96: {  	v9 =	vimm.f32 $0.0e+00;
	v11 =	vimm.f32 $0.0e+00;
	v8 =	vimm.f32 $0.0e+00;
	s14 =	simm.s32 $0x500;
	v12 =	vld [tilespmem:s13+$0x8120]  }
.LBB2_7:
0x97: {  	p1 =	sne.s32 s14, $0x2D00;
	v15 =	vld [tilespmem:s13+$0x8130]  }
0x98: {  	v16 =	vld [tilespmem:s13+$0x8160]  }
0x99: {  	v17 =	vld [tilespmem:s13+$0x8170]  }
0x9a: {  	v18 =	vld [tilespmem:s13+$0x81A0]  }
0x9b: {  	v8 =	vadd.f32 v13, v8;
	v11 =	vadd.f32 v14, v11;
	v13 =	vld [tilespmem:s13+$0x81B0]  }
0x9c: {  	v10 =	vadd.f32 v12, v10;
	v9 =	vadd.f32 v15, v9;
	v12 =	vld [tilespmem:s13+$0x81E0]  }
0x9d: {  	v6 =	vadd.f32 v6, v8;
	v7 =	vadd.f32 v7, v11;
	v8 =	vld [tilespmem:s13+$0x81F0]  }
0x9e: {  	v10 =	vadd.f32 v16, v10;
	v9 =	vadd.f32 v17, v9;
	v14 =	vld [tilespmem:s13+$0x8220]  }
0x9f: {  	v4 =	vadd.f32 v4, v6;
	v5 =	vadd.f32 v5, v7;
	v6 =	vld [tilespmem:s13+$0x8230];
	s13 =	sshra.s32 s14, $0x2  }
0xa0: {  	v10 =	vadd.f32 v18, v10;
	v7 =	vld [tilespmem:s13+$0x8200];
	v9 =	vadd.f32 v13, v9  }
0xa1: {  	v4 =	vadd.f32 v2, v4;
	v5 =	vadd.f32 v3, v5;
	v13 =	vld [tilespmem:s13+$0x8210]  }
0xa2: {  	v10 =	vadd.f32 v12, v10;
	v2 =	vld [tilespmem:s13+$0x81C0];
	v9 =	vadd.f32 v8, v9  }
0xa3: {  	v8 =	vadd.f32 v0, v4;
	v11 =	vadd.f32 v1, v5;
	v3 =	vld [tilespmem:s13+$0x81D0]  }
0xa4: {  	v10 =	vadd.f32 v14, v10;
	v4 =	vld [tilespmem:s13+$0x8180];
	v9 =	vadd.f32 v6, v9  }
0xa5: {  	v5 =	vld [tilespmem:s13+$0x8190];
	v0 =	vmov v7  }
.Ltmp2:
0xa6: {  	v6 =	vld [tilespmem:s13+$0x8140];
	v1 =	vmov v13;
	(pc) =	sbr.rel @p1 .LBB2_7-.Ltmp2, $4  }
0xa7: {  	v7 =	vld [tilespmem:s13+$0x8150]  }
0xa8: {  	v13 =	vld [tilespmem:s13+$0x8100]  }
0xa9: {  	v14 =	vld [tilespmem:s13+$0x8110]  }
0xaa: {  	s14 =	sadd.s32 $0x500, s14;
	v12 =	vld [tilespmem:s13+$0x8120]  }
0xab: {  	v15 =	vld [tilespmem:s13+$0x8130]  }
0xac: {  	v16 =	vld [tilespmem:s13+$0x8160]  }
0xad: {  	v17 =	vld [tilespmem:s13+$0x8170];
	v8 =	vadd.f32 v13, v8  }
0xae: {  	v13 =	vld [tilespmem:s13+$0x81A0];
	v11 =	vadd.f32 v14, v11  }
0xaf: {  	v14 =	vld [tilespmem:s13+$0x81B0];
	v10 =	vadd.f32 v12, v10;
	v6 =	vadd.f32 v6, v8  }
0xb0: {  	v8 =	vadd.f32 v15, v9;
	v9 =	vld [tilespmem:s13+$0x81E0];
	v7 =	vadd.f32 v7, v11  }
0xb1: {  	v11 =	vld [tilespmem:s13+$0x81F0];
	v10 =	vadd.f32 v16, v10;
	v4 =	vadd.f32 v4, v6  }
0xb2: {  	v6 =	vadd.f32 v17, v8;
	v8 =	vld [tilespmem:s13+$0x8220];
	v5 =	vadd.f32 v5, v7  }
0xb3: {  	v7 =	vld [tilespmem:s13+$0x8230];
	v10 =	vadd.f32 v13, v10;
	v2 =	vadd.f32 v2, v4  }
0xb4: {  	v4 =	vadd.f32 v14, v6;
	v3 =	vadd.f32 v3, v5  }
0xb5: {  	v5 =	vadd.f32 v9, v10;
	v0 =	vadd.f32 v0, v2  }
0xb6: {  	v2 =	vadd.f32 v11, v4;
	v1 =	vadd.f32 v1, v3  }
0xb7: {  	v3 =	vadd.f32 v8, v5;
	[tilespmem:s11+$0x13080] =	vst v0  }
0xb8: {  	v0 =	vadd.f32 v7, v2;
	[tilespmem:s11+$0x13090] =	vst v1  }
0xb9: {  	[tilespmem:s11+$0x130A0] =	vst v3  }
0xba: {  	s13 =	simm.s32 $0x0;
	[tilespmem:s11+$0x130B0] =	vst v0  }
0xbb: {  	v0 =	vld [tilespmem:s13+$0x8E80]  }
0xbc: {  	v1 =	vld [tilespmem:s13+$0x8E90]  }
0xbd: {  	v2 =	vld [tilespmem:s13+$0x8E40]  }
0xbe: {  	v3 =	vld [tilespmem:s13+$0x8E50]  }
0xbf: {  	v4 =	vld [tilespmem:s13+$0x8E00]  }
0xc0: {  	v5 =	vld [tilespmem:s13+$0x8E10]  }
0xc1: {  	v6 =	vld [tilespmem:s13+$0x8DC0]  }
0xc2: {  	v7 =	vld [tilespmem:s13+$0x8DD0]  }
0xc3: {  	v13 =	vld [tilespmem:s13+$0x8D80]  }
0xc4: {  	v10 =	vimm.f32 $0.0e+00;
	v14 =	vld [tilespmem:s13+$0x8D90]  }
0xc5: {  	s14 =	simm.s32 $0x500;
	v9 =	vimm.f32 $0.0e+00;
	v11 =	vimm.f32 $0.0e+00;
	v8 =	vimm.f32 $0.0e+00;
	v12 =	vld [tilespmem:s13+$0x8DA0]  }
.LBB2_9:
0xc6: {  	p1 =	sne.s32 s14, $0x2D00;
	v15 =	vld [tilespmem:s13+$0x8DB0]  }
0xc7: {  	v16 =	vld [tilespmem:s13+$0x8DE0]  }
0xc8: {  	v17 =	vld [tilespmem:s13+$0x8DF0]  }
0xc9: {  	v18 =	vld [tilespmem:s13+$0x8E20]  }
0xca: {  	v8 =	vadd.f32 v13, v8;
	v11 =	vadd.f32 v14, v11;
	v13 =	vld [tilespmem:s13+$0x8E30]  }
0xcb: {  	v10 =	vadd.f32 v12, v10;
	v9 =	vadd.f32 v15, v9;
	v12 =	vld [tilespmem:s13+$0x8E60]  }
0xcc: {  	v6 =	vadd.f32 v6, v8;
	v7 =	vadd.f32 v7, v11;
	v8 =	vld [tilespmem:s13+$0x8E70]  }
0xcd: {  	v10 =	vadd.f32 v16, v10;
	v9 =	vadd.f32 v17, v9;
	v14 =	vld [tilespmem:s13+$0x8EA0]  }
0xce: {  	v4 =	vadd.f32 v4, v6;
	v5 =	vadd.f32 v5, v7;
	v6 =	vld [tilespmem:s13+$0x8EB0];
	s13 =	sshra.s32 s14, $0x2  }
0xcf: {  	v10 =	vadd.f32 v18, v10;
	v7 =	vld [tilespmem:s13+$0x8E80];
	v9 =	vadd.f32 v13, v9  }
0xd0: {  	v4 =	vadd.f32 v2, v4;
	v5 =	vadd.f32 v3, v5;
	v13 =	vld [tilespmem:s13+$0x8E90]  }
0xd1: {  	v10 =	vadd.f32 v12, v10;
	v2 =	vld [tilespmem:s13+$0x8E40];
	v9 =	vadd.f32 v8, v9  }
0xd2: {  	v8 =	vadd.f32 v0, v4;
	v11 =	vadd.f32 v1, v5;
	v3 =	vld [tilespmem:s13+$0x8E50]  }
0xd3: {  	v10 =	vadd.f32 v14, v10;
	v4 =	vld [tilespmem:s13+$0x8E00];
	v9 =	vadd.f32 v6, v9  }
0xd4: {  	v5 =	vld [tilespmem:s13+$0x8E10];
	v0 =	vmov v7  }
.Ltmp3:
0xd5: {  	v6 =	vld [tilespmem:s13+$0x8DC0];
	v1 =	vmov v13;
	(pc) =	sbr.rel @p1 .LBB2_9-.Ltmp3, $4  }
0xd6: {  	v7 =	vld [tilespmem:s13+$0x8DD0]  }
0xd7: {  	v13 =	vld [tilespmem:s13+$0x8D80]  }
0xd8: {  	v14 =	vld [tilespmem:s13+$0x8D90]  }
0xd9: {  	s14 =	sadd.s32 $0x500, s14;
	v12 =	vld [tilespmem:s13+$0x8DA0]  }
0xda: {  	v15 =	vld [tilespmem:s13+$0x8DB0]  }
0xdb: {  	v16 =	vld [tilespmem:s13+$0x8DE0]  }
0xdc: {  	v17 =	vld [tilespmem:s13+$0x8DF0];
	v8 =	vadd.f32 v13, v8  }
0xdd: {  	v13 =	vld [tilespmem:s13+$0x8E20];
	v11 =	vadd.f32 v14, v11  }
0xde: {  	v14 =	vld [tilespmem:s13+$0x8E30];
	v10 =	vadd.f32 v12, v10;
	v6 =	vadd.f32 v6, v8  }
0xdf: {  	v8 =	vadd.f32 v15, v9;
	v9 =	vld [tilespmem:s13+$0x8E60];
	v7 =	vadd.f32 v7, v11  }
0xe0: {  	v11 =	vld [tilespmem:s13+$0x8E70];
	v10 =	vadd.f32 v16, v10;
	v4 =	vadd.f32 v4, v6  }
0xe1: {  	v6 =	vadd.f32 v17, v8;
	v8 =	vld [tilespmem:s13+$0x8EA0];
	v5 =	vadd.f32 v5, v7  }
0xe2: {  	v7 =	vld [tilespmem:s13+$0x8EB0];
	v10 =	vadd.f32 v13, v10;
	v2 =	vadd.f32 v2, v4  }
0xe3: {  	v4 =	vadd.f32 v14, v6;
	v3 =	vadd.f32 v3, v5  }
0xe4: {  	v5 =	vadd.f32 v9, v10;
	v0 =	vadd.f32 v0, v2  }
0xe5: {  	v2 =	vadd.f32 v11, v4;
	v1 =	vadd.f32 v1, v3  }
0xe6: {  	v3 =	vadd.f32 v8, v5;
	[tilespmem:s11+$0x130C0] =	vst v0  }
0xe7: {  	v0 =	vadd.f32 v7, v2;
	[tilespmem:s11+$0x130D0] =	vst v1  }
0xe8: {  	[tilespmem:s11+$0x130E0] =	vst v3  }
0xe9: {  	[tilespmem:s11+$0x130F0] =	vst v0  }
0xea: {  	_ =	swait.ge [sflag:s26], $0x1900  }
0xeb: {  	s14 =	simm.s32 @!p0 $0x64;
	[sflag:s26] =	ssyncset.done $0x0  }
0xec: {  	s15 =	simm.s32 @!p0 $0x9A00;
	s13 =	sadd.s32 @!p0 $0x410, s12;
	[sflag:s26] =	ssyncadd.s32 $0xFFFFE700  }
0xed: {  	[tilespmem:s15], [sflag:$0x3] =	stream.indirect.gather @!p0 [hbm4b:s3+s14], $0x40, s13, s14, $0xb8;
	[tilespmem:$0x1B000] =	vst v63  }
0xee: {  	s13 =	simm.s32 $0x0  }
0xef: {  	v0 =	vld [tilespmem:s13+$0x9B00]  }
0xf0: {  	v1 =	vld [tilespmem:s13+$0x9B10]  }
0xf1: {  	v2 =	vld [tilespmem:s13+$0x9AC0]  }
0xf2: {  	v3 =	vld [tilespmem:s13+$0x9AD0]  }
0xf3: {  	v4 =	vld [tilespmem:s13+$0x9A80]  }
0xf4: {  	v5 =	vld [tilespmem:s13+$0x9A90]  }
0xf5: {  	v6 =	vld [tilespmem:s13+$0x9A40]  }
0xf6: {  	v7 =	vld [tilespmem:s13+$0x9A50]  }
0xf7: {  	v13 =	vld [tilespmem:s13+$0x9A00]  }
0xf8: {  	v10 =	vimm.f32 $0.0e+00;
	v14 =	vld [tilespmem:s13+$0x9A10]  }
0xf9: {  	v9 =	vimm.f32 $0.0e+00;
	v11 =	vimm.f32 $0.0e+00;
	v8 =	vimm.f32 $0.0e+00;
	s14 =	simm.s32 $0x500;
	v12 =	vld [tilespmem:s13+$0x9A20]  }
.LBB2_11:
0xfa: {  	p1 =	sne.s32 s14, $0x2D00;
	v15 =	vld [tilespmem:s13+$0x9A30]  }
0xfb: {  	v16 =	vld [tilespmem:s13+$0x9A60]  }
0xfc: {  	v17 =	vld [tilespmem:s13+$0x9A70]  }
0xfd: {  	v18 =	vld [tilespmem:s13+$0x9AA0]  }
0xfe: {  	v8 =	vadd.f32 v13, v8;
	v11 =	vadd.f32 v14, v11;
	v13 =	vld [tilespmem:s13+$0x9AB0]  }
0xff: {  	v10 =	vadd.f32 v12, v10;
	v9 =	vadd.f32 v15, v9;
	v12 =	vld [tilespmem:s13+$0x9AE0]  }
0x100: {  	v6 =	vadd.f32 v6, v8;
	v7 =	vadd.f32 v7, v11;
	v8 =	vld [tilespmem:s13+$0x9AF0]  }
0x101: {  	v10 =	vadd.f32 v16, v10;
	v9 =	vadd.f32 v17, v9;
	v14 =	vld [tilespmem:s13+$0x9B20]  }
0x102: {  	v4 =	vadd.f32 v4, v6;
	v5 =	vadd.f32 v5, v7;
	v6 =	vld [tilespmem:s13+$0x9B30];
	s13 =	sshra.s32 s14, $0x2  }
0x103: {  	v10 =	vadd.f32 v18, v10;
	v7 =	vld [tilespmem:s13+$0x9B00];
	v9 =	vadd.f32 v13, v9  }
0x104: {  	v4 =	vadd.f32 v2, v4;
	v5 =	vadd.f32 v3, v5;
	v13 =	vld [tilespmem:s13+$0x9B10]  }
0x105: {  	v10 =	vadd.f32 v12, v10;
	v2 =	vld [tilespmem:s13+$0x9AC0];
	v9 =	vadd.f32 v8, v9  }
0x106: {  	v8 =	vadd.f32 v0, v4;
	v11 =	vadd.f32 v1, v5;
	v3 =	vld [tilespmem:s13+$0x9AD0]  }
0x107: {  	v10 =	vadd.f32 v14, v10;
	v4 =	vld [tilespmem:s13+$0x9A80];
	v9 =	vadd.f32 v6, v9  }
0x108: {  	v5 =	vld [tilespmem:s13+$0x9A90];
	v0 =	vmov v7  }
.Ltmp4:
0x109: {  	v6 =	vld [tilespmem:s13+$0x9A40];
	v1 =	vmov v13;
	(pc) =	sbr.rel @p1 .LBB2_11-.Ltmp4, $4  }
0x10a: {  	v7 =	vld [tilespmem:s13+$0x9A50]  }
0x10b: {  	v13 =	vld [tilespmem:s13+$0x9A00]  }
0x10c: {  	v14 =	vld [tilespmem:s13+$0x9A10]  }
0x10d: {  	s14 =	sadd.s32 $0x500, s14;
	v12 =	vld [tilespmem:s13+$0x9A20]  }
0x10e: {  	v15 =	vld [tilespmem:s13+$0x9A30]  }
0x10f: {  	v16 =	vld [tilespmem:s13+$0x9A60]  }
0x110: {  	v17 =	vld [tilespmem:s13+$0x9A70];
	v8 =	vadd.f32 v13, v8  }
0x111: {  	v13 =	vld [tilespmem:s13+$0x9AA0];
	v11 =	vadd.f32 v14, v11  }
0x112: {  	v14 =	vld [tilespmem:s13+$0x9AB0];
	v10 =	vadd.f32 v12, v10;
	v6 =	vadd.f32 v6, v8  }
0x113: {  	v8 =	vadd.f32 v15, v9;
	v9 =	vld [tilespmem:s13+$0x9AE0];
	v7 =	vadd.f32 v7, v11  }
0x114: {  	v11 =	vld [tilespmem:s13+$0x9AF0];
	v10 =	vadd.f32 v16, v10;
	v4 =	vadd.f32 v4, v6  }
0x115: {  	v6 =	vadd.f32 v17, v8;
	v8 =	vld [tilespmem:s13+$0x9B20];
	v5 =	vadd.f32 v5, v7  }
0x116: {  	v7 =	vld [tilespmem:s13+$0x9B30];
	v10 =	vadd.f32 v13, v10;
	v2 =	vadd.f32 v2, v4  }
0x117: {  	v4 =	vadd.f32 v14, v6;
	v3 =	vadd.f32 v3, v5  }
0x118: {  	v5 =	vadd.f32 v9, v10;
	v0 =	vadd.f32 v0, v2  }
0x119: {  	v2 =	vadd.f32 v11, v4;
	v1 =	vadd.f32 v1, v3  }
0x11a: {  	v3 =	vadd.f32 v8, v5;
	[tilespmem:s11+$0x13100] =	vst v0  }
0x11b: {  	v0 =	vadd.f32 v7, v2;
	[tilespmem:s11+$0x13110] =	vst v1  }
0x11c: {  	[tilespmem:s11+$0x13120] =	vst v3  }
0x11d: {  	s13 =	simm.s32 $0x0;
	[tilespmem:s11+$0x13130] =	vst v0  }
0x11e: {  	v0 =	vld [tilespmem:s13+$0xA780]  }
0x11f: {  	v1 =	vld [tilespmem:s13+$0xA790]  }
0x120: {  	v2 =	vld [tilespmem:s13+$0xA740]  }
0x121: {  	v3 =	vld [tilespmem:s13+$0xA750]  }
0x122: {  	v4 =	vld [tilespmem:s13+$0xA700]  }
0x123: {  	v5 =	vld [tilespmem:s13+$0xA710]  }
0x124: {  	v6 =	vld [tilespmem:s13+$0xA6C0]  }
0x125: {  	v7 =	vld [tilespmem:s13+$0xA6D0]  }
0x126: {  	v13 =	vld [tilespmem:s13+$0xA680]  }
0x127: {  	v10 =	vimm.f32 $0.0e+00;
	v14 =	vld [tilespmem:s13+$0xA690]  }
0x128: {  	s14 =	simm.s32 $0x500;
	v9 =	vimm.f32 $0.0e+00;
	v11 =	vimm.f32 $0.0e+00;
	v8 =	vimm.f32 $0.0e+00;
	v12 =	vld [tilespmem:s13+$0xA6A0]  }
.LBB2_13:
0x129: {  	p1 =	sne.s32 s14, $0x2D00;
	v15 =	vld [tilespmem:s13+$0xA6B0]  }
0x12a: {  	v16 =	vld [tilespmem:s13+$0xA6E0]  }
0x12b: {  	v17 =	vld [tilespmem:s13+$0xA6F0]  }
0x12c: {  	v18 =	vld [tilespmem:s13+$0xA720]  }
0x12d: {  	v8 =	vadd.f32 v13, v8;
	v11 =	vadd.f32 v14, v11;
	v13 =	vld [tilespmem:s13+$0xA730]  }
0x12e: {  	v10 =	vadd.f32 v12, v10;
	v9 =	vadd.f32 v15, v9;
	v12 =	vld [tilespmem:s13+$0xA760]  }
0x12f: {  	v6 =	vadd.f32 v6, v8;
	v7 =	vadd.f32 v7, v11;
	v8 =	vld [tilespmem:s13+$0xA770]  }
0x130: {  	v10 =	vadd.f32 v16, v10;
	v9 =	vadd.f32 v17, v9;
	v14 =	vld [tilespmem:s13+$0xA7A0]  }
0x131: {  	v4 =	vadd.f32 v4, v6;
	v5 =	vadd.f32 v5, v7;
	v6 =	vld [tilespmem:s13+$0xA7B0];
	s13 =	sshra.s32 s14, $0x2  }
0x132: {  	v10 =	vadd.f32 v18, v10;
	v7 =	vld [tilespmem:s13+$0xA780];
	v9 =	vadd.f32 v13, v9  }
0x133: {  	v4 =	vadd.f32 v2, v4;
	v5 =	vadd.f32 v3, v5;
	v13 =	vld [tilespmem:s13+$0xA790]  }
0x134: {  	v10 =	vadd.f32 v12, v10;
	v2 =	vld [tilespmem:s13+$0xA740];
	v9 =	vadd.f32 v8, v9  }
0x135: {  	v8 =	vadd.f32 v0, v4;
	v11 =	vadd.f32 v1, v5;
	v3 =	vld [tilespmem:s13+$0xA750]  }
0x136: {  	v10 =	vadd.f32 v14, v10;
	v4 =	vld [tilespmem:s13+$0xA700];
	v9 =	vadd.f32 v6, v9  }
0x137: {  	v5 =	vld [tilespmem:s13+$0xA710];
	v0 =	vmov v7  }
.Ltmp5:
0x138: {  	v6 =	vld [tilespmem:s13+$0xA6C0];
	v1 =	vmov v13;
	(pc) =	sbr.rel @p1 .LBB2_13-.Ltmp5, $4  }
0x139: {  	v7 =	vld [tilespmem:s13+$0xA6D0]  }
0x13a: {  	v13 =	vld [tilespmem:s13+$0xA680]  }
0x13b: {  	v14 =	vld [tilespmem:s13+$0xA690]  }
0x13c: {  	s14 =	sadd.s32 $0x500, s14;
	v12 =	vld [tilespmem:s13+$0xA6A0]  }
0x13d: {  	v15 =	vld [tilespmem:s13+$0xA6B0]  }
0x13e: {  	v16 =	vld [tilespmem:s13+$0xA6E0]  }
0x13f: {  	v17 =	vld [tilespmem:s13+$0xA6F0];
	v8 =	vadd.f32 v13, v8  }
0x140: {  	v13 =	vld [tilespmem:s13+$0xA720];
	v11 =	vadd.f32 v14, v11  }
0x141: {  	v14 =	vld [tilespmem:s13+$0xA730];
	v10 =	vadd.f32 v12, v10;
	v6 =	vadd.f32 v6, v8  }
0x142: {  	v8 =	vadd.f32 v15, v9;
	v9 =	vld [tilespmem:s13+$0xA760];
	v7 =	vadd.f32 v7, v11  }
0x143: {  	v11 =	vld [tilespmem:s13+$0xA770];
	v10 =	vadd.f32 v16, v10;
	v4 =	vadd.f32 v4, v6  }
0x144: {  	v6 =	vadd.f32 v17, v8;
	v8 =	vld [tilespmem:s13+$0xA7A0];
	v5 =	vadd.f32 v5, v7  }
0x145: {  	v7 =	vld [tilespmem:s13+$0xA7B0];
	v10 =	vadd.f32 v13, v10;
	v2 =	vadd.f32 v2, v4  }
0x146: {  	v4 =	vadd.f32 v14, v6;
	v3 =	vadd.f32 v3, v5  }
0x147: {  	v5 =	vadd.f32 v9, v10;
	v0 =	vadd.f32 v0, v2  }
0x148: {  	v2 =	vadd.f32 v11, v4;
	v1 =	vadd.f32 v1, v3  }
0x149: {  	v3 =	vadd.f32 v8, v5;
	[tilespmem:s11+$0x13140] =	vst v0  }
0x14a: {  	v0 =	vadd.f32 v7, v2;
	[tilespmem:s11+$0x13150] =	vst v1  }
0x14b: {  	[tilespmem:s11+$0x13160] =	vst v3  }
0x14c: {  	[tilespmem:s11+$0x13170] =	vst v0  }
0x14d: {  	_ =	swait.ge [sflag:s28], $0x1900  }
0x14e: {  	s14 =	simm.s32 @!p0 $0x64;
	[sflag:s28] =	ssyncset.done $0x0  }
0x14f: {  	s15 =	simm.s32 @!p0 $0xB300;
	s13 =	sadd.s32 @!p0 $0x478, s12;
	[sflag:s28] =	ssyncadd.s32 $0xFFFFE700  }
0x150: {  	[tilespmem:s15], [sflag:$0x4] =	stream.indirect.gather @!p0 [hbm4b:s3+s14], $0x40, s13, s14, $0xb8;
	[tilespmem:$0x1B000] =	vst v63  }
0x151: {  	s13 =	simm.s32 $0x0  }
0x152: {  	v0 =	vld [tilespmem:s13+$0xB400]  }
0x153: {  	v1 =	vld [tilespmem:s13+$0xB410]  }
0x154: {  	v2 =	vld [tilespmem:s13+$0xB3C0]  }
0x155: {  	v3 =	vld [tilespmem:s13+$0xB3D0]  }
0x156: {  	v4 =	vld [tilespmem:s13+$0xB380]  }
0x157: {  	v5 =	vld [tilespmem:s13+$0xB390]  }
0x158: {  	v6 =	vld [tilespmem:s13+$0xB340]  }
0x159: {  	v7 =	vld [tilespmem:s13+$0xB350]  }
0x15a: {  	v13 =	vld [tilespmem:s13+$0xB300]  }
0x15b: {  	v10 =	vimm.f32 $0.0e+00;
	v14 =	vld [tilespmem:s13+$0xB310]  }
0x15c: {  	v9 =	vimm.f32 $0.0e+00;
	v11 =	vimm.f32 $0.0e+00;
	v8 =	vimm.f32 $0.0e+00;
	s14 =	simm.s32 $0x500;
	v12 =	vld [tilespmem:s13+$0xB320]  }
.LBB2_15:
0x15d: {  	p1 =	sne.s32 s14, $0x2D00;
	v15 =	vld [tilespmem:s13+$0xB330]  }
0x15e: {  	v16 =	vld [tilespmem:s13+$0xB360]  }
0x15f: {  	v17 =	vld [tilespmem:s13+$0xB370]  }
0x160: {  	v18 =	vld [tilespmem:s13+$0xB3A0]  }
0x161: {  	v8 =	vadd.f32 v13, v8;
	v11 =	vadd.f32 v14, v11;
	v13 =	vld [tilespmem:s13+$0xB3B0]  }
0x162: {  	v10 =	vadd.f32 v12, v10;
	v9 =	vadd.f32 v15, v9;
	v12 =	vld [tilespmem:s13+$0xB3E0]  }
0x163: {  	v6 =	vadd.f32 v6, v8;
	v7 =	vadd.f32 v7, v11;
	v8 =	vld [tilespmem:s13+$0xB3F0]  }
0x164: {  	v10 =	vadd.f32 v16, v10;
	v9 =	vadd.f32 v17, v9;
	v14 =	vld [tilespmem:s13+$0xB420]  }
0x165: {  	v4 =	vadd.f32 v4, v6;
	v5 =	vadd.f32 v5, v7;
	v6 =	vld [tilespmem:s13+$0xB430];
	s13 =	sshra.s32 s14, $0x2  }
0x166: {  	v10 =	vadd.f32 v18, v10;
	v7 =	vld [tilespmem:s13+$0xB400];
	v9 =	vadd.f32 v13, v9  }
0x167: {  	v4 =	vadd.f32 v2, v4;
	v5 =	vadd.f32 v3, v5;
	v13 =	vld [tilespmem:s13+$0xB410]  }
0x168: {  	v10 =	vadd.f32 v12, v10;
	v2 =	vld [tilespmem:s13+$0xB3C0];
	v9 =	vadd.f32 v8, v9  }
0x169: {  	v8 =	vadd.f32 v0, v4;
	v11 =	vadd.f32 v1, v5;
	v3 =	vld [tilespmem:s13+$0xB3D0]  }
0x16a: {  	v10 =	vadd.f32 v14, v10;
	v4 =	vld [tilespmem:s13+$0xB380];
	v9 =	vadd.f32 v6, v9  }
0x16b: {  	v5 =	vld [tilespmem:s13+$0xB390];
	v0 =	vmov v7  }
.Ltmp6:
0x16c: {  	v6 =	vld [tilespmem:s13+$0xB340];
	v1 =	vmov v13;
	(pc) =	sbr.rel @p1 .LBB2_15-.Ltmp6, $4  }
0x16d: {  	v7 =	vld [tilespmem:s13+$0xB350]  }
0x16e: {  	v13 =	vld [tilespmem:s13+$0xB300]  }
0x16f: {  	v14 =	vld [tilespmem:s13+$0xB310]  }
0x170: {  	s14 =	sadd.s32 $0x500, s14;
	v12 =	vld [tilespmem:s13+$0xB320]  }
0x171: {  	v15 =	vld [tilespmem:s13+$0xB330]  }
0x172: {  	v16 =	vld [tilespmem:s13+$0xB360]  }
0x173: {  	v17 =	vld [tilespmem:s13+$0xB370];
	v8 =	vadd.f32 v13, v8  }
0x174: {  	v13 =	vld [tilespmem:s13+$0xB3A0];
	v11 =	vadd.f32 v14, v11  }
0x175: {  	v14 =	vld [tilespmem:s13+$0xB3B0];
	v10 =	vadd.f32 v12, v10;
	v6 =	vadd.f32 v6, v8  }
0x176: {  	v8 =	vadd.f32 v15, v9;
	v9 =	vld [tilespmem:s13+$0xB3E0];
	v7 =	vadd.f32 v7, v11  }
0x177: {  	v11 =	vld [tilespmem:s13+$0xB3F0];
	v10 =	vadd.f32 v16, v10;
	v4 =	vadd.f32 v4, v6  }
0x178: {  	v6 =	vadd.f32 v17, v8;
	v8 =	vld [tilespmem:s13+$0xB420];
	v5 =	vadd.f32 v5, v7  }
0x179: {  	v7 =	vld [tilespmem:s13+$0xB430];
	v10 =	vadd.f32 v13, v10;
	v2 =	vadd.f32 v2, v4  }
0x17a: {  	v4 =	vadd.f32 v14, v6;
	v3 =	vadd.f32 v3, v5  }
0x17b: {  	v5 =	vadd.f32 v9, v10;
	v0 =	vadd.f32 v0, v2  }
0x17c: {  	v2 =	vadd.f32 v11, v4;
	v1 =	vadd.f32 v1, v3  }
0x17d: {  	v3 =	vadd.f32 v8, v5;
	[tilespmem:s11+$0x13180] =	vst v0  }
0x17e: {  	v0 =	vadd.f32 v7, v2;
	[tilespmem:s11+$0x13190] =	vst v1  }
0x17f: {  	[tilespmem:s11+$0x131A0] =	vst v3  }
0x180: {  	s13 =	simm.s32 $0x0;
	[tilespmem:s11+$0x131B0] =	vst v0  }
0x181: {  	v0 =	vld [tilespmem:s13+$0xC080]  }
0x182: {  	v1 =	vld [tilespmem:s13+$0xC090]  }
0x183: {  	v2 =	vld [tilespmem:s13+$0xC040]  }
0x184: {  	v3 =	vld [tilespmem:s13+$0xC050]  }
0x185: {  	v4 =	vld [tilespmem:s13+$0xC000]  }
0x186: {  	v5 =	vld [tilespmem:s13+$0xC010]  }
0x187: {  	v6 =	vld [tilespmem:s13+$0xBFC0]  }
0x188: {  	v7 =	vld [tilespmem:s13+$0xBFD0]  }
0x189: {  	v13 =	vld [tilespmem:s13+$0xBF80]  }
0x18a: {  	v10 =	vimm.f32 $0.0e+00;
	v14 =	vld [tilespmem:s13+$0xBF90]  }
0x18b: {  	s14 =	simm.s32 $0x500;
	v9 =	vimm.f32 $0.0e+00;
	v11 =	vimm.f32 $0.0e+00;
	v8 =	vimm.f32 $0.0e+00;
	v12 =	vld [tilespmem:s13+$0xBFA0]  }
.LBB2_17:
0x18c: {  	p1 =	sne.s32 s14, $0x2D00;
	v15 =	vld [tilespmem:s13+$0xBFB0]  }
0x18d: {  	v16 =	vld [tilespmem:s13+$0xBFE0]  }
0x18e: {  	v17 =	vld [tilespmem:s13+$0xBFF0]  }
0x18f: {  	v18 =	vld [tilespmem:s13+$0xC020]  }
0x190: {  	v8 =	vadd.f32 v13, v8;
	v11 =	vadd.f32 v14, v11;
	v13 =	vld [tilespmem:s13+$0xC030]  }
0x191: {  	v10 =	vadd.f32 v12, v10;
	v9 =	vadd.f32 v15, v9;
	v12 =	vld [tilespmem:s13+$0xC060]  }
0x192: {  	v6 =	vadd.f32 v6, v8;
	v7 =	vadd.f32 v7, v11;
	v8 =	vld [tilespmem:s13+$0xC070]  }
0x193: {  	v10 =	vadd.f32 v16, v10;
	v9 =	vadd.f32 v17, v9;
	v14 =	vld [tilespmem:s13+$0xC0A0]  }
0x194: {  	v4 =	vadd.f32 v4, v6;
	v5 =	vadd.f32 v5, v7;
	v6 =	vld [tilespmem:s13+$0xC0B0];
	s13 =	sshra.s32 s14, $0x2  }
0x195: {  	v10 =	vadd.f32 v18, v10;
	v7 =	vld [tilespmem:s13+$0xC080];
	v9 =	vadd.f32 v13, v9  }
0x196: {  	v4 =	vadd.f32 v2, v4;
	v5 =	vadd.f32 v3, v5;
	v13 =	vld [tilespmem:s13+$0xC090]  }
0x197: {  	v10 =	vadd.f32 v12, v10;
	v2 =	vld [tilespmem:s13+$0xC040];
	v9 =	vadd.f32 v8, v9  }
0x198: {  	v8 =	vadd.f32 v0, v4;
	v11 =	vadd.f32 v1, v5;
	v3 =	vld [tilespmem:s13+$0xC050]  }
0x199: {  	v10 =	vadd.f32 v14, v10;
	v4 =	vld [tilespmem:s13+$0xC000];
	v9 =	vadd.f32 v6, v9  }
0x19a: {  	v5 =	vld [tilespmem:s13+$0xC010];
	v0 =	vmov v7  }
.Ltmp7:
0x19b: {  	v6 =	vld [tilespmem:s13+$0xBFC0];
	v1 =	vmov v13;
	(pc) =	sbr.rel @p1 .LBB2_17-.Ltmp7, $4  }
0x19c: {  	v7 =	vld [tilespmem:s13+$0xBFD0]  }
0x19d: {  	v13 =	vld [tilespmem:s13+$0xBF80]  }
0x19e: {  	v14 =	vld [tilespmem:s13+$0xBF90]  }
0x19f: {  	s14 =	sadd.s32 $0x500, s14;
	v12 =	vld [tilespmem:s13+$0xBFA0]  }
0x1a0: {  	v15 =	vld [tilespmem:s13+$0xBFB0]  }
0x1a1: {  	v16 =	vld [tilespmem:s13+$0xBFE0]  }
0x1a2: {  	v17 =	vld [tilespmem:s13+$0xBFF0];
	v8 =	vadd.f32 v13, v8  }
0x1a3: {  	v13 =	vld [tilespmem:s13+$0xC020];
	v11 =	vadd.f32 v14, v11  }
0x1a4: {  	v14 =	vld [tilespmem:s13+$0xC030];
	v10 =	vadd.f32 v12, v10;
	v6 =	vadd.f32 v6, v8  }
0x1a5: {  	v8 =	vadd.f32 v15, v9;
	v9 =	vld [tilespmem:s13+$0xC060];
	v7 =	vadd.f32 v7, v11  }
0x1a6: {  	v11 =	vld [tilespmem:s13+$0xC070];
	v10 =	vadd.f32 v16, v10;
	v4 =	vadd.f32 v4, v6  }
0x1a7: {  	v6 =	vadd.f32 v17, v8;
	v8 =	vld [tilespmem:s13+$0xC0A0];
	v5 =	vadd.f32 v5, v7  }
0x1a8: {  	v7 =	vld [tilespmem:s13+$0xC0B0];
	v10 =	vadd.f32 v13, v10;
	v2 =	vadd.f32 v2, v4  }
0x1a9: {  	v4 =	vadd.f32 v14, v6;
	v3 =	vadd.f32 v3, v5  }
0x1aa: {  	v5 =	vadd.f32 v9, v10;
	v0 =	vadd.f32 v0, v2  }
0x1ab: {  	v2 =	vadd.f32 v11, v4;
	v1 =	vadd.f32 v1, v3  }
0x1ac: {  	v3 =	vadd.f32 v8, v5;
	[tilespmem:s11+$0x131C0] =	vst v0  }
0x1ad: {  	v0 =	vadd.f32 v7, v2;
	[tilespmem:s11+$0x131D0] =	vst v1  }
0x1ae: {  	[tilespmem:s11+$0x131E0] =	vst v3  }
0x1af: {  	[tilespmem:s11+$0x131F0] =	vst v0  }
0x1b0: {  	_ =	swait.ge [sflag:s29], $0x1900  }
0x1b1: {  	s14 =	simm.s32 @!p0 $0x64;
	[sflag:s29] =	ssyncset.done $0x0  }
0x1b2: {  	s15 =	simm.s32 @!p0 $0xCC00;
	s13 =	sadd.s32 @!p0 $0x4E0, s12;
	[sflag:s29] =	ssyncadd.s32 $0xFFFFE700  }
0x1b3: {  	[tilespmem:s15], [sflag:$0x5] =	stream.indirect.gather @!p0 [hbm4b:s3+s14], $0x40, s13, s14, $0xb8;
	[tilespmem:$0x1B000] =	vst v63  }
0x1b4: {  	s13 =	simm.s32 $0x0  }
0x1b5: {  	v0 =	vld [tilespmem:s13+$0xCD00]  }
0x1b6: {  	v1 =	vld [tilespmem:s13+$0xCD10]  }
0x1b7: {  	v2 =	vld [tilespmem:s13+$0xCCC0]  }
0x1b8: {  	v3 =	vld [tilespmem:s13+$0xCCD0]  }
0x1b9: {  	v4 =	vld [tilespmem:s13+$0xCC80]  }
0x1ba: {  	v5 =	vld [tilespmem:s13+$0xCC90]  }
0x1bb: {  	v6 =	vld [tilespmem:s13+$0xCC40]  }
0x1bc: {  	v7 =	vld [tilespmem:s13+$0xCC50]  }
0x1bd: {  	v13 =	vld [tilespmem:s13+$0xCC00]  }
0x1be: {  	v10 =	vimm.f32 $0.0e+00;
	v14 =	vld [tilespmem:s13+$0xCC10]  }
0x1bf: {  	v9 =	vimm.f32 $0.0e+00;
	v11 =	vimm.f32 $0.0e+00;
	v8 =	vimm.f32 $0.0e+00;
	s14 =	simm.s32 $0x500;
	v12 =	vld [tilespmem:s13+$0xCC20]  }
.LBB2_19:
0x1c0: {  	p1 =	sne.s32 s14, $0x2D00;
	v15 =	vld [tilespmem:s13+$0xCC30]  }
0x1c1: {  	v16 =	vld [tilespmem:s13+$0xCC60]  }
0x1c2: {  	v17 =	vld [tilespmem:s13+$0xCC70]  }
0x1c3: {  	v18 =	vld [tilespmem:s13+$0xCCA0]  }
0x1c4: {  	v8 =	vadd.f32 v13, v8;
	v11 =	vadd.f32 v14, v11;
	v13 =	vld [tilespmem:s13+$0xCCB0]  }
0x1c5: {  	v10 =	vadd.f32 v12, v10;
	v9 =	vadd.f32 v15, v9;
	v12 =	vld [tilespmem:s13+$0xCCE0]  }
0x1c6: {  	v6 =	vadd.f32 v6, v8;
	v7 =	vadd.f32 v7, v11;
	v8 =	vld [tilespmem:s13+$0xCCF0]  }
0x1c7: {  	v10 =	vadd.f32 v16, v10;
	v9 =	vadd.f32 v17, v9;
	v14 =	vld [tilespmem:s13+$0xCD20]  }
0x1c8: {  	v4 =	vadd.f32 v4, v6;
	v5 =	vadd.f32 v5, v7;
	v6 =	vld [tilespmem:s13+$0xCD30];
	s13 =	sshra.s32 s14, $0x2  }
0x1c9: {  	v10 =	vadd.f32 v18, v10;
	v7 =	vld [tilespmem:s13+$0xCD00];
	v9 =	vadd.f32 v13, v9  }
0x1ca: {  	v4 =	vadd.f32 v2, v4;
	v5 =	vadd.f32 v3, v5;
	v13 =	vld [tilespmem:s13+$0xCD10]  }
0x1cb: {  	v10 =	vadd.f32 v12, v10;
	v2 =	vld [tilespmem:s13+$0xCCC0];
	v9 =	vadd.f32 v8, v9  }
0x1cc: {  	v8 =	vadd.f32 v0, v4;
	v11 =	vadd.f32 v1, v5;
	v3 =	vld [tilespmem:s13+$0xCCD0]  }
0x1cd: {  	v10 =	vadd.f32 v14, v10;
	v4 =	vld [tilespmem:s13+$0xCC80];
	v9 =	vadd.f32 v6, v9  }
0x1ce: {  	v5 =	vld [tilespmem:s13+$0xCC90];
	v0 =	vmov v7  }
.Ltmp8:
0x1cf: {  	v6 =	vld [tilespmem:s13+$0xCC40];
	v1 =	vmov v13;
	(pc) =	sbr.rel @p1 .LBB2_19-.Ltmp8, $4  }
0x1d0: {  	v7 =	vld [tilespmem:s13+$0xCC50]  }
0x1d1: {  	v13 =	vld [tilespmem:s13+$0xCC00]  }
0x1d2: {  	v14 =	vld [tilespmem:s13+$0xCC10]  }
0x1d3: {  	s14 =	sadd.s32 $0x500, s14;
	v12 =	vld [tilespmem:s13+$0xCC20]  }
0x1d4: {  	v15 =	vld [tilespmem:s13+$0xCC30]  }
0x1d5: {  	v16 =	vld [tilespmem:s13+$0xCC60]  }
0x1d6: {  	v17 =	vld [tilespmem:s13+$0xCC70];
	v8 =	vadd.f32 v13, v8  }
0x1d7: {  	v13 =	vld [tilespmem:s13+$0xCCA0];
	v11 =	vadd.f32 v14, v11  }
0x1d8: {  	v14 =	vld [tilespmem:s13+$0xCCB0];
	v10 =	vadd.f32 v12, v10;
	v6 =	vadd.f32 v6, v8  }
0x1d9: {  	v8 =	vadd.f32 v15, v9;
	v9 =	vld [tilespmem:s13+$0xCCE0];
	v7 =	vadd.f32 v7, v11  }
0x1da: {  	v11 =	vld [tilespmem:s13+$0xCCF0];
	v10 =	vadd.f32 v16, v10;
	v4 =	vadd.f32 v4, v6  }
0x1db: {  	v6 =	vadd.f32 v17, v8;
	v8 =	vld [tilespmem:s13+$0xCD20];
	v5 =	vadd.f32 v5, v7  }
0x1dc: {  	v7 =	vld [tilespmem:s13+$0xCD30];
	v10 =	vadd.f32 v13, v10;
	v2 =	vadd.f32 v2, v4  }
0x1dd: {  	v4 =	vadd.f32 v14, v6;
	v3 =	vadd.f32 v3, v5  }
0x1de: {  	v5 =	vadd.f32 v9, v10;
	v0 =	vadd.f32 v0, v2  }
0x1df: {  	v2 =	vadd.f32 v11, v4;
	v1 =	vadd.f32 v1, v3  }
0x1e0: {  	v3 =	vadd.f32 v8, v5;
	[tilespmem:s11+$0x13200] =	vst v0  }
0x1e1: {  	v0 =	vadd.f32 v7, v2;
	[tilespmem:s11+$0x13210] =	vst v1  }
0x1e2: {  	[tilespmem:s11+$0x13220] =	vst v3  }
0x1e3: {  	s13 =	simm.s32 $0x0;
	[tilespmem:s11+$0x13230] =	vst v0  }
0x1e4: {  	v0 =	vld [tilespmem:s13+$0xD980]  }
0x1e5: {  	v1 =	vld [tilespmem:s13+$0xD990]  }
0x1e6: {  	v2 =	vld [tilespmem:s13+$0xD940]  }
0x1e7: {  	v3 =	vld [tilespmem:s13+$0xD950]  }
0x1e8: {  	v4 =	vld [tilespmem:s13+$0xD900]  }
0x1e9: {  	v5 =	vld [tilespmem:s13+$0xD910]  }
0x1ea: {  	v6 =	vld [tilespmem:s13+$0xD8C0]  }
0x1eb: {  	v7 =	vld [tilespmem:s13+$0xD8D0]  }
0x1ec: {  	v13 =	vld [tilespmem:s13+$0xD880]  }
0x1ed: {  	v10 =	vimm.f32 $0.0e+00;
	v14 =	vld [tilespmem:s13+$0xD890]  }
0x1ee: {  	s14 =	simm.s32 $0x500;
	v9 =	vimm.f32 $0.0e+00;
	v11 =	vimm.f32 $0.0e+00;
	v8 =	vimm.f32 $0.0e+00;
	v12 =	vld [tilespmem:s13+$0xD8A0]  }
.LBB2_21:
0x1ef: {  	p1 =	sne.s32 s14, $0x2D00;
	v15 =	vld [tilespmem:s13+$0xD8B0]  }
0x1f0: {  	v16 =	vld [tilespmem:s13+$0xD8E0]  }
0x1f1: {  	v17 =	vld [tilespmem:s13+$0xD8F0]  }
0x1f2: {  	v18 =	vld [tilespmem:s13+$0xD920]  }
0x1f3: {  	v8 =	vadd.f32 v13, v8;
	v11 =	vadd.f32 v14, v11;
	v13 =	vld [tilespmem:s13+$0xD930]  }
0x1f4: {  	v10 =	vadd.f32 v12, v10;
	v9 =	vadd.f32 v15, v9;
	v12 =	vld [tilespmem:s13+$0xD960]  }
0x1f5: {  	v6 =	vadd.f32 v6, v8;
	v7 =	vadd.f32 v7, v11;
	v8 =	vld [tilespmem:s13+$0xD970]  }
0x1f6: {  	v10 =	vadd.f32 v16, v10;
	v9 =	vadd.f32 v17, v9;
	v14 =	vld [tilespmem:s13+$0xD9A0]  }
0x1f7: {  	v4 =	vadd.f32 v4, v6;
	v5 =	vadd.f32 v5, v7;
	v6 =	vld [tilespmem:s13+$0xD9B0];
	s13 =	sshra.s32 s14, $0x2  }
0x1f8: {  	v10 =	vadd.f32 v18, v10;
	v7 =	vld [tilespmem:s13+$0xD980];
	v9 =	vadd.f32 v13, v9  }
0x1f9: {  	v4 =	vadd.f32 v2, v4;
	v5 =	vadd.f32 v3, v5;
	v13 =	vld [tilespmem:s13+$0xD990]  }
0x1fa: {  	v10 =	vadd.f32 v12, v10;
	v2 =	vld [tilespmem:s13+$0xD940];
	v9 =	vadd.f32 v8, v9  }
0x1fb: {  	v8 =	vadd.f32 v0, v4;
	v11 =	vadd.f32 v1, v5;
	v3 =	vld [tilespmem:s13+$0xD950]  }
0x1fc: {  	v10 =	vadd.f32 v14, v10;
	v4 =	vld [tilespmem:s13+$0xD900];
	v9 =	vadd.f32 v6, v9  }
0x1fd: {  	v5 =	vld [tilespmem:s13+$0xD910];
	v0 =	vmov v7  }
.Ltmp9:
0x1fe: {  	v6 =	vld [tilespmem:s13+$0xD8C0];
	v1 =	vmov v13;
	(pc) =	sbr.rel @p1 .LBB2_21-.Ltmp9, $4  }
0x1ff: {  	v7 =	vld [tilespmem:s13+$0xD8D0]  }
0x200: {  	v13 =	vld [tilespmem:s13+$0xD880]  }
0x201: {  	v14 =	vld [tilespmem:s13+$0xD890]  }
0x202: {  	s14 =	sadd.s32 $0x500, s14;
	v12 =	vld [tilespmem:s13+$0xD8A0]  }
0x203: {  	v15 =	vld [tilespmem:s13+$0xD8B0]  }
0x204: {  	v16 =	vld [tilespmem:s13+$0xD8E0]  }
0x205: {  	v17 =	vld [tilespmem:s13+$0xD8F0];
	v8 =	vadd.f32 v13, v8  }
0x206: {  	v13 =	vld [tilespmem:s13+$0xD920];
	v11 =	vadd.f32 v14, v11  }
0x207: {  	v14 =	vld [tilespmem:s13+$0xD930];
	v10 =	vadd.f32 v12, v10;
	v6 =	vadd.f32 v6, v8  }
0x208: {  	v8 =	vadd.f32 v15, v9;
	v9 =	vld [tilespmem:s13+$0xD960];
	v7 =	vadd.f32 v7, v11  }
0x209: {  	v11 =	vld [tilespmem:s13+$0xD970];
	v10 =	vadd.f32 v16, v10;
	v4 =	vadd.f32 v4, v6  }
0x20a: {  	v6 =	vadd.f32 v17, v8;
	v8 =	vld [tilespmem:s13+$0xD9A0];
	v5 =	vadd.f32 v5, v7  }
0x20b: {  	v7 =	vld [tilespmem:s13+$0xD9B0];
	v10 =	vadd.f32 v13, v10;
	v2 =	vadd.f32 v2, v4  }
0x20c: {  	v4 =	vadd.f32 v14, v6;
	v3 =	vadd.f32 v3, v5  }
0x20d: {  	v5 =	vadd.f32 v9, v10;
	v0 =	vadd.f32 v0, v2  }
0x20e: {  	v2 =	vadd.f32 v11, v4;
	v1 =	vadd.f32 v1, v3  }
0x20f: {  	v3 =	vadd.f32 v8, v5;
	[tilespmem:s11+$0x13240] =	vst v0  }
0x210: {  	v0 =	vadd.f32 v7, v2;
	[tilespmem:s11+$0x13250] =	vst v1  }
0x211: {  	[tilespmem:s11+$0x13260] =	vst v3  }
0x212: {  	[tilespmem:s11+$0x13270] =	vst v0  }
0x213: {  	_ =	swait.ge [sflag:s30], $0x1900  }
0x214: {  	s14 =	simm.s32 @!p0 $0x64;
	[sflag:s30] =	ssyncset.done $0x0  }
0x215: {  	s15 =	simm.s32 @!p0 $0xE500;
	s13 =	sadd.s32 @!p0 $0x548, s12;
	[sflag:s30] =	ssyncadd.s32 $0xFFFFE700  }
0x216: {  	[tilespmem:s15], [sflag:$0x6] =	stream.indirect.gather @!p0 [hbm4b:s3+s14], $0x40, s13, s14, $0xb8;
	[tilespmem:$0x1B000] =	vst v63  }
0x217: {  	s13 =	simm.s32 $0x0  }
0x218: {  	v0 =	vld [tilespmem:s13+$0xE600]  }
0x219: {  	v1 =	vld [tilespmem:s13+$0xE610]  }
0x21a: {  	v2 =	vld [tilespmem:s13+$0xE5C0]  }
0x21b: {  	v3 =	vld [tilespmem:s13+$0xE5D0]  }
0x21c: {  	v4 =	vld [tilespmem:s13+$0xE580]  }
0x21d: {  	v5 =	vld [tilespmem:s13+$0xE590]  }
0x21e: {  	v6 =	vld [tilespmem:s13+$0xE540]  }
0x21f: {  	v7 =	vld [tilespmem:s13+$0xE550]  }
0x220: {  	v13 =	vld [tilespmem:s13+$0xE500]  }
0x221: {  	v10 =	vimm.f32 $0.0e+00;
	v14 =	vld [tilespmem:s13+$0xE510]  }
0x222: {  	v9 =	vimm.f32 $0.0e+00;
	v11 =	vimm.f32 $0.0e+00;
	v8 =	vimm.f32 $0.0e+00;
	s14 =	simm.s32 $0x500;
	v12 =	vld [tilespmem:s13+$0xE520]  }
.LBB2_23:
0x223: {  	p1 =	sne.s32 s14, $0x2D00;
	v15 =	vld [tilespmem:s13+$0xE530]  }
0x224: {  	v16 =	vld [tilespmem:s13+$0xE560]  }
0x225: {  	v17 =	vld [tilespmem:s13+$0xE570]  }
0x226: {  	v18 =	vld [tilespmem:s13+$0xE5A0]  }
0x227: {  	v8 =	vadd.f32 v13, v8;
	v11 =	vadd.f32 v14, v11;
	v13 =	vld [tilespmem:s13+$0xE5B0]  }
0x228: {  	v10 =	vadd.f32 v12, v10;
	v9 =	vadd.f32 v15, v9;
	v12 =	vld [tilespmem:s13+$0xE5E0]  }
0x229: {  	v6 =	vadd.f32 v6, v8;
	v7 =	vadd.f32 v7, v11;
	v8 =	vld [tilespmem:s13+$0xE5F0]  }
0x22a: {  	v10 =	vadd.f32 v16, v10;
	v9 =	vadd.f32 v17, v9;
	v14 =	vld [tilespmem:s13+$0xE620]  }
0x22b: {  	v4 =	vadd.f32 v4, v6;
	v5 =	vadd.f32 v5, v7;
	v6 =	vld [tilespmem:s13+$0xE630];
	s13 =	sshra.s32 s14, $0x2  }
0x22c: {  	v10 =	vadd.f32 v18, v10;
	v7 =	vld [tilespmem:s13+$0xE600];
	v9 =	vadd.f32 v13, v9  }
0x22d: {  	v4 =	vadd.f32 v2, v4;
	v5 =	vadd.f32 v3, v5;
	v13 =	vld [tilespmem:s13+$0xE610]  }
0x22e: {  	v10 =	vadd.f32 v12, v10;
	v2 =	vld [tilespmem:s13+$0xE5C0];
	v9 =	vadd.f32 v8, v9  }
0x22f: {  	v8 =	vadd.f32 v0, v4;
	v11 =	vadd.f32 v1, v5;
	v3 =	vld [tilespmem:s13+$0xE5D0]  }
0x230: {  	v10 =	vadd.f32 v14, v10;
	v4 =	vld [tilespmem:s13+$0xE580];
	v9 =	vadd.f32 v6, v9  }
0x231: {  	v5 =	vld [tilespmem:s13+$0xE590];
	v0 =	vmov v7  }
.Ltmp10:
0x232: {  	v6 =	vld [tilespmem:s13+$0xE540];
	v1 =	vmov v13;
	(pc) =	sbr.rel @p1 .LBB2_23-.Ltmp10, $4  }
0x233: {  	v7 =	vld [tilespmem:s13+$0xE550]  }
0x234: {  	v13 =	vld [tilespmem:s13+$0xE500]  }
0x235: {  	v14 =	vld [tilespmem:s13+$0xE510]  }
0x236: {  	s14 =	sadd.s32 $0x500, s14;
	v12 =	vld [tilespmem:s13+$0xE520]  }
0x237: {  	v15 =	vld [tilespmem:s13+$0xE530]  }
0x238: {  	v16 =	vld [tilespmem:s13+$0xE560]  }
0x239: {  	v17 =	vld [tilespmem:s13+$0xE570];
	v8 =	vadd.f32 v13, v8  }
0x23a: {  	v13 =	vld [tilespmem:s13+$0xE5A0];
	v11 =	vadd.f32 v14, v11  }
0x23b: {  	v14 =	vld [tilespmem:s13+$0xE5B0];
	v10 =	vadd.f32 v12, v10;
	v6 =	vadd.f32 v6, v8  }
0x23c: {  	v8 =	vadd.f32 v15, v9;
	v9 =	vld [tilespmem:s13+$0xE5E0];
	v7 =	vadd.f32 v7, v11  }
0x23d: {  	v11 =	vld [tilespmem:s13+$0xE5F0];
	v10 =	vadd.f32 v16, v10;
	v4 =	vadd.f32 v4, v6  }
0x23e: {  	v6 =	vadd.f32 v17, v8;
	v8 =	vld [tilespmem:s13+$0xE620];
	v5 =	vadd.f32 v5, v7  }
0x23f: {  	v7 =	vld [tilespmem:s13+$0xE630];
	v10 =	vadd.f32 v13, v10;
	v2 =	vadd.f32 v2, v4  }
0x240: {  	v4 =	vadd.f32 v14, v6;
	v3 =	vadd.f32 v3, v5  }
0x241: {  	v5 =	vadd.f32 v9, v10;
	v0 =	vadd.f32 v0, v2  }
0x242: {  	v2 =	vadd.f32 v11, v4;
	v1 =	vadd.f32 v1, v3  }
0x243: {  	v3 =	vadd.f32 v8, v5;
	[tilespmem:s11+$0x13280] =	vst v0  }
0x244: {  	v0 =	vadd.f32 v7, v2;
	[tilespmem:s11+$0x13290] =	vst v1  }
0x245: {  	[tilespmem:s11+$0x132A0] =	vst v3  }
0x246: {  	s13 =	simm.s32 $0x0;
	[tilespmem:s11+$0x132B0] =	vst v0  }
0x247: {  	v0 =	vld [tilespmem:s13+$0xF280]  }
0x248: {  	v1 =	vld [tilespmem:s13+$0xF290]  }
0x249: {  	v2 =	vld [tilespmem:s13+$0xF240]  }
0x24a: {  	v3 =	vld [tilespmem:s13+$0xF250]  }
0x24b: {  	v4 =	vld [tilespmem:s13+$0xF200]  }
0x24c: {  	v5 =	vld [tilespmem:s13+$0xF210]  }
0x24d: {  	v6 =	vld [tilespmem:s13+$0xF1C0]  }
0x24e: {  	v7 =	vld [tilespmem:s13+$0xF1D0]  }
0x24f: {  	v13 =	vld [tilespmem:s13+$0xF180]  }
0x250: {  	v10 =	vimm.f32 $0.0e+00;
	v14 =	vld [tilespmem:s13+$0xF190]  }
0x251: {  	s14 =	simm.s32 $0x500;
	v9 =	vimm.f32 $0.0e+00;
	v11 =	vimm.f32 $0.0e+00;
	v8 =	vimm.f32 $0.0e+00;
	v12 =	vld [tilespmem:s13+$0xF1A0]  }
.LBB2_25:
0x252: {  	p1 =	sne.s32 s14, $0x2D00;
	v15 =	vld [tilespmem:s13+$0xF1B0]  }
0x253: {  	v16 =	vld [tilespmem:s13+$0xF1E0]  }
0x254: {  	v17 =	vld [tilespmem:s13+$0xF1F0]  }
0x255: {  	v18 =	vld [tilespmem:s13+$0xF220]  }
0x256: {  	v8 =	vadd.f32 v13, v8;
	v11 =	vadd.f32 v14, v11;
	v13 =	vld [tilespmem:s13+$0xF230]  }
0x257: {  	v10 =	vadd.f32 v12, v10;
	v9 =	vadd.f32 v15, v9;
	v12 =	vld [tilespmem:s13+$0xF260]  }
0x258: {  	v6 =	vadd.f32 v6, v8;
	v7 =	vadd.f32 v7, v11;
	v8 =	vld [tilespmem:s13+$0xF270]  }
0x259: {  	v10 =	vadd.f32 v16, v10;
	v9 =	vadd.f32 v17, v9;
	v14 =	vld [tilespmem:s13+$0xF2A0]  }
0x25a: {  	v4 =	vadd.f32 v4, v6;
	v5 =	vadd.f32 v5, v7;
	v6 =	vld [tilespmem:s13+$0xF2B0];
	s13 =	sshra.s32 s14, $0x2  }
0x25b: {  	v10 =	vadd.f32 v18, v10;
	v7 =	vld [tilespmem:s13+$0xF280];
	v9 =	vadd.f32 v13, v9  }
0x25c: {  	v4 =	vadd.f32 v2, v4;
	v5 =	vadd.f32 v3, v5;
	v13 =	vld [tilespmem:s13+$0xF290]  }
0x25d: {  	v10 =	vadd.f32 v12, v10;
	v2 =	vld [tilespmem:s13+$0xF240];
	v9 =	vadd.f32 v8, v9  }
0x25e: {  	v8 =	vadd.f32 v0, v4;
	v11 =	vadd.f32 v1, v5;
	v3 =	vld [tilespmem:s13+$0xF250]  }
0x25f: {  	v10 =	vadd.f32 v14, v10;
	v4 =	vld [tilespmem:s13+$0xF200];
	v9 =	vadd.f32 v6, v9  }
0x260: {  	v5 =	vld [tilespmem:s13+$0xF210];
	v0 =	vmov v7  }
.Ltmp11:
0x261: {  	v6 =	vld [tilespmem:s13+$0xF1C0];
	v1 =	vmov v13;
	(pc) =	sbr.rel @p1 .LBB2_25-.Ltmp11, $4  }
0x262: {  	v7 =	vld [tilespmem:s13+$0xF1D0]  }
0x263: {  	v13 =	vld [tilespmem:s13+$0xF180]  }
0x264: {  	v14 =	vld [tilespmem:s13+$0xF190]  }
0x265: {  	s14 =	sadd.s32 $0x500, s14;
	v12 =	vld [tilespmem:s13+$0xF1A0]  }
0x266: {  	v15 =	vld [tilespmem:s13+$0xF1B0]  }
0x267: {  	v16 =	vld [tilespmem:s13+$0xF1E0]  }
0x268: {  	v17 =	vld [tilespmem:s13+$0xF1F0];
	v8 =	vadd.f32 v13, v8  }
0x269: {  	v13 =	vld [tilespmem:s13+$0xF220];
	v11 =	vadd.f32 v14, v11  }
0x26a: {  	v14 =	vld [tilespmem:s13+$0xF230];
	v10 =	vadd.f32 v12, v10;
	v6 =	vadd.f32 v6, v8  }
0x26b: {  	v8 =	vadd.f32 v15, v9;
	v9 =	vld [tilespmem:s13+$0xF260];
	v7 =	vadd.f32 v7, v11  }
0x26c: {  	v11 =	vld [tilespmem:s13+$0xF270];
	v10 =	vadd.f32 v16, v10;
	v4 =	vadd.f32 v4, v6  }
0x26d: {  	v6 =	vadd.f32 v17, v8;
	v8 =	vld [tilespmem:s13+$0xF2A0];
	v5 =	vadd.f32 v5, v7  }
0x26e: {  	v7 =	vld [tilespmem:s13+$0xF2B0];
	v10 =	vadd.f32 v13, v10;
	v2 =	vadd.f32 v2, v4  }
0x26f: {  	v4 =	vadd.f32 v14, v6;
	v3 =	vadd.f32 v3, v5  }
0x270: {  	v5 =	vadd.f32 v9, v10;
	v0 =	vadd.f32 v0, v2  }
0x271: {  	v2 =	vadd.f32 v11, v4;
	v1 =	vadd.f32 v1, v3  }
0x272: {  	v3 =	vadd.f32 v8, v5;
	[tilespmem:s11+$0x132C0] =	vst v0  }
0x273: {  	v0 =	vadd.f32 v7, v2;
	[tilespmem:s11+$0x132D0] =	vst v1  }
0x274: {  	[tilespmem:s11+$0x132E0] =	vst v3  }
0x275: {  	[tilespmem:s11+$0x132F0] =	vst v0  }
0x276: {  	_ =	swait.ge [sflag:s31], $0x1900  }
0x277: {  	s14 =	simm.s32 @!p0 $0x64;
	[sflag:s31] =	ssyncset.done $0x0  }
0x278: {  	s15 =	simm.s32 @!p0 $0xFE00;
	s13 =	sadd.s32 @!p0 $0x5B0, s12;
	[sflag:s31] =	ssyncadd.s32 $0xFFFFE700  }
0x279: {  	[tilespmem:s15], [sflag:$0x7] =	stream.indirect.gather @!p0 [hbm4b:s3+s14], $0x40, s13, s14, $0xb8;
	[tilespmem:$0x1B000] =	vst v63  }
0x27a: {  	s13 =	simm.s32 $0x0  }
0x27b: {  	v0 =	vld [tilespmem:s13+$0xFF00]  }
0x27c: {  	v1 =	vld [tilespmem:s13+$0xFF10]  }
0x27d: {  	v2 =	vld [tilespmem:s13+$0xFEC0]  }
0x27e: {  	v3 =	vld [tilespmem:s13+$0xFED0]  }
0x27f: {  	v4 =	vld [tilespmem:s13+$0xFE80]  }
0x280: {  	v5 =	vld [tilespmem:s13+$0xFE90]  }
0x281: {  	v6 =	vld [tilespmem:s13+$0xFE40]  }
0x282: {  	v7 =	vld [tilespmem:s13+$0xFE50]  }
0x283: {  	v13 =	vld [tilespmem:s13+$0xFE00]  }
0x284: {  	v10 =	vimm.f32 $0.0e+00;
	v14 =	vld [tilespmem:s13+$0xFE10]  }
0x285: {  	v9 =	vimm.f32 $0.0e+00;
	v11 =	vimm.f32 $0.0e+00;
	v8 =	vimm.f32 $0.0e+00;
	s14 =	simm.s32 $0x500;
	v12 =	vld [tilespmem:s13+$0xFE20]  }
.LBB2_27:
0x286: {  	p1 =	sne.s32 s14, $0x2D00;
	v15 =	vld [tilespmem:s13+$0xFE30]  }
0x287: {  	v16 =	vld [tilespmem:s13+$0xFE60]  }
0x288: {  	v17 =	vld [tilespmem:s13+$0xFE70]  }
0x289: {  	v18 =	vld [tilespmem:s13+$0xFEA0]  }
0x28a: {  	v8 =	vadd.f32 v13, v8;
	v11 =	vadd.f32 v14, v11;
	v13 =	vld [tilespmem:s13+$0xFEB0]  }
0x28b: {  	v10 =	vadd.f32 v12, v10;
	v9 =	vadd.f32 v15, v9;
	v12 =	vld [tilespmem:s13+$0xFEE0]  }
0x28c: {  	v6 =	vadd.f32 v6, v8;
	v7 =	vadd.f32 v7, v11;
	v8 =	vld [tilespmem:s13+$0xFEF0]  }
0x28d: {  	v10 =	vadd.f32 v16, v10;
	v9 =	vadd.f32 v17, v9;
	v14 =	vld [tilespmem:s13+$0xFF20]  }
0x28e: {  	v4 =	vadd.f32 v4, v6;
	v5 =	vadd.f32 v5, v7;
	v6 =	vld [tilespmem:s13+$0xFF30];
	s13 =	sshra.s32 s14, $0x2  }
0x28f: {  	v10 =	vadd.f32 v18, v10;
	v7 =	vld [tilespmem:s13+$0xFF00];
	v9 =	vadd.f32 v13, v9  }
0x290: {  	v4 =	vadd.f32 v2, v4;
	v5 =	vadd.f32 v3, v5;
	v13 =	vld [tilespmem:s13+$0xFF10]  }
0x291: {  	v10 =	vadd.f32 v12, v10;
	v2 =	vld [tilespmem:s13+$0xFEC0];
	v9 =	vadd.f32 v8, v9  }
0x292: {  	v8 =	vadd.f32 v0, v4;
	v11 =	vadd.f32 v1, v5;
	v3 =	vld [tilespmem:s13+$0xFED0]  }
0x293: {  	v10 =	vadd.f32 v14, v10;
	v4 =	vld [tilespmem:s13+$0xFE80];
	v9 =	vadd.f32 v6, v9  }
0x294: {  	v5 =	vld [tilespmem:s13+$0xFE90];
	v0 =	vmov v7  }
.Ltmp12:
0x295: {  	v6 =	vld [tilespmem:s13+$0xFE40];
	v1 =	vmov v13;
	(pc) =	sbr.rel @p1 .LBB2_27-.Ltmp12, $4  }
0x296: {  	v7 =	vld [tilespmem:s13+$0xFE50]  }
0x297: {  	v13 =	vld [tilespmem:s13+$0xFE00]  }
0x298: {  	v14 =	vld [tilespmem:s13+$0xFE10]  }
0x299: {  	s14 =	sadd.s32 $0x500, s14;
	v12 =	vld [tilespmem:s13+$0xFE20]  }
0x29a: {  	v15 =	vld [tilespmem:s13+$0xFE30]  }
0x29b: {  	v16 =	vld [tilespmem:s13+$0xFE60]  }
0x29c: {  	v17 =	vld [tilespmem:s13+$0xFE70];
	v8 =	vadd.f32 v13, v8  }
0x29d: {  	v13 =	vld [tilespmem:s13+$0xFEA0];
	v11 =	vadd.f32 v14, v11  }
0x29e: {  	v14 =	vld [tilespmem:s13+$0xFEB0];
	v10 =	vadd.f32 v12, v10;
	v6 =	vadd.f32 v6, v8  }
0x29f: {  	v8 =	vadd.f32 v15, v9;
	v9 =	vld [tilespmem:s13+$0xFEE0];
	v7 =	vadd.f32 v7, v11  }
0x2a0: {  	v11 =	vld [tilespmem:s13+$0xFEF0];
	v10 =	vadd.f32 v16, v10;
	v4 =	vadd.f32 v4, v6  }
0x2a1: {  	v6 =	vadd.f32 v17, v8;
	v8 =	vld [tilespmem:s13+$0xFF20];
	v5 =	vadd.f32 v5, v7  }
0x2a2: {  	v7 =	vld [tilespmem:s13+$0xFF30];
	v10 =	vadd.f32 v13, v10;
	v2 =	vadd.f32 v2, v4  }
0x2a3: {  	v4 =	vadd.f32 v14, v6;
	v3 =	vadd.f32 v3, v5  }
0x2a4: {  	v5 =	vadd.f32 v9, v10;
	v0 =	vadd.f32 v0, v2  }
0x2a5: {  	v2 =	vadd.f32 v11, v4;
	v1 =	vadd.f32 v1, v3  }
0x2a6: {  	v3 =	vadd.f32 v8, v5;
	[tilespmem:s11+$0x13300] =	vst v0  }
0x2a7: {  	v0 =	vadd.f32 v7, v2;
	[tilespmem:s11+$0x13310] =	vst v1  }
0x2a8: {  	[tilespmem:s11+$0x13320] =	vst v3  }
0x2a9: {  	s13 =	simm.s32 $0x0;
	[tilespmem:s11+$0x13330] =	vst v0  }
0x2aa: {  	v0 =	vld [tilespmem:s13+$0x10B80]  }
0x2ab: {  	v1 =	vld [tilespmem:s13+$0x10B90]  }
0x2ac: {  	v2 =	vld [tilespmem:s13+$0x10B40]  }
0x2ad: {  	v3 =	vld [tilespmem:s13+$0x10B50]  }
0x2ae: {  	v4 =	vld [tilespmem:s13+$0x10B00]  }
0x2af: {  	v5 =	vld [tilespmem:s13+$0x10B10]  }
0x2b0: {  	v6 =	vld [tilespmem:s13+$0x10AC0]  }
0x2b1: {  	v7 =	vld [tilespmem:s13+$0x10AD0]  }
0x2b2: {  	v13 =	vld [tilespmem:s13+$0x10A80]  }
0x2b3: {  	v10 =	vimm.f32 $0.0e+00;
	v14 =	vld [tilespmem:s13+$0x10A90]  }
0x2b4: {  	s14 =	simm.s32 $0x500;
	v9 =	vimm.f32 $0.0e+00;
	v11 =	vimm.f32 $0.0e+00;
	v8 =	vimm.f32 $0.0e+00;
	v12 =	vld [tilespmem:s13+$0x10AA0]  }
.LBB2_29:
0x2b5: {  	p1 =	sne.s32 s14, $0x2D00;
	v15 =	vld [tilespmem:s13+$0x10AB0]  }
0x2b6: {  	v16 =	vld [tilespmem:s13+$0x10AE0]  }
0x2b7: {  	v17 =	vld [tilespmem:s13+$0x10AF0]  }
0x2b8: {  	v18 =	vld [tilespmem:s13+$0x10B20]  }
0x2b9: {  	v8 =	vadd.f32 v13, v8;
	v11 =	vadd.f32 v14, v11;
	v13 =	vld [tilespmem:s13+$0x10B30]  }
0x2ba: {  	v10 =	vadd.f32 v12, v10;
	v9 =	vadd.f32 v15, v9;
	v12 =	vld [tilespmem:s13+$0x10B60]  }
0x2bb: {  	v6 =	vadd.f32 v6, v8;
	v7 =	vadd.f32 v7, v11;
	v8 =	vld [tilespmem:s13+$0x10B70]  }
0x2bc: {  	v10 =	vadd.f32 v16, v10;
	v9 =	vadd.f32 v17, v9;
	v14 =	vld [tilespmem:s13+$0x10BA0]  }
0x2bd: {  	v4 =	vadd.f32 v4, v6;
	v5 =	vadd.f32 v5, v7;
	v6 =	vld [tilespmem:s13+$0x10BB0];
	s13 =	sshra.s32 s14, $0x2  }
0x2be: {  	v10 =	vadd.f32 v18, v10;
	v7 =	vld [tilespmem:s13+$0x10B80];
	v9 =	vadd.f32 v13, v9  }
0x2bf: {  	v4 =	vadd.f32 v2, v4;
	v5 =	vadd.f32 v3, v5;
	v13 =	vld [tilespmem:s13+$0x10B90]  }
0x2c0: {  	v10 =	vadd.f32 v12, v10;
	v2 =	vld [tilespmem:s13+$0x10B40];
	v9 =	vadd.f32 v8, v9  }
0x2c1: {  	v8 =	vadd.f32 v0, v4;
	v11 =	vadd.f32 v1, v5;
	v3 =	vld [tilespmem:s13+$0x10B50]  }
0x2c2: {  	v10 =	vadd.f32 v14, v10;
	v4 =	vld [tilespmem:s13+$0x10B00];
	v9 =	vadd.f32 v6, v9  }
0x2c3: {  	v5 =	vld [tilespmem:s13+$0x10B10];
	v0 =	vmov v7  }
.Ltmp13:
0x2c4: {  	v6 =	vld [tilespmem:s13+$0x10AC0];
	v1 =	vmov v13;
	(pc) =	sbr.rel @p1 .LBB2_29-.Ltmp13, $4  }
0x2c5: {  	v7 =	vld [tilespmem:s13+$0x10AD0]  }
0x2c6: {  	v13 =	vld [tilespmem:s13+$0x10A80]  }
0x2c7: {  	v14 =	vld [tilespmem:s13+$0x10A90]  }
0x2c8: {  	s14 =	sadd.s32 $0x500, s14;
	v12 =	vld [tilespmem:s13+$0x10AA0]  }
0x2c9: {  	v15 =	vld [tilespmem:s13+$0x10AB0]  }
0x2ca: {  	v16 =	vld [tilespmem:s13+$0x10AE0]  }
0x2cb: {  	v17 =	vld [tilespmem:s13+$0x10AF0];
	v8 =	vadd.f32 v13, v8  }
0x2cc: {  	v13 =	vld [tilespmem:s13+$0x10B20];
	v11 =	vadd.f32 v14, v11  }
0x2cd: {  	v14 =	vld [tilespmem:s13+$0x10B30];
	v10 =	vadd.f32 v12, v10;
	v6 =	vadd.f32 v6, v8  }
0x2ce: {  	v8 =	vadd.f32 v15, v9;
	v9 =	vld [tilespmem:s13+$0x10B60];
	v7 =	vadd.f32 v7, v11  }
0x2cf: {  	v11 =	vld [tilespmem:s13+$0x10B70];
	v10 =	vadd.f32 v16, v10;
	v4 =	vadd.f32 v4, v6  }
0x2d0: {  	v6 =	vadd.f32 v17, v8;
	v8 =	vld [tilespmem:s13+$0x10BA0];
	v5 =	vadd.f32 v5, v7  }
0x2d1: {  	v7 =	vld [tilespmem:s13+$0x10BB0];
	v10 =	vadd.f32 v13, v10;
	v2 =	vadd.f32 v2, v4  }
0x2d2: {  	v4 =	vadd.f32 v14, v6;
	v3 =	vadd.f32 v3, v5  }
0x2d3: {  	v5 =	vadd.f32 v9, v10;
	v0 =	vadd.f32 v0, v2  }
0x2d4: {  	v2 =	vadd.f32 v11, v4;
	v1 =	vadd.f32 v1, v3  }
0x2d5: {  	v3 =	vadd.f32 v8, v5;
	[tilespmem:s11+$0x13340] =	vst v0  }
0x2d6: {  	v0 =	vadd.f32 v7, v2;
	[tilespmem:s11+$0x13350] =	vst v1  }
0x2d7: {  	[tilespmem:s11+$0x13360] =	vst v3  }
0x2d8: {  	[tilespmem:s11+$0x13370] =	vst v0  }
0x2d9: {  	_ =	swait.ge [sflag:s1], $0x1900  }
0x2da: {  	s12 =	sadd.s32 @!p0 $0x618, s12;
	[sflag:s1] =	ssyncset.done $0x0  }
0x2db: {  	s14 =	simm.s32 @!p0 $0x11700;
	s13 =	simm.s32 @!p0 $0x64;
	[sflag:s1] =	ssyncadd.s32 $0xFFFFE700  }
0x2dc: {  	[tilespmem:s14], [sflag:$0x8] =	stream.indirect.gather @!p0 [hbm4b:s3+s13], $0x40, s12, s13, $0xb8;
	[tilespmem:$0x1B000] =	vst v63  }
0x2dd: {  	s12 =	simm.s32 $0x0  }
0x2de: {  	v0 =	vld [tilespmem:s12+$0x11800]  }
0x2df: {  	v1 =	vld [tilespmem:s12+$0x11810]  }
0x2e0: {  	v2 =	vld [tilespmem:s12+$0x117C0]  }
0x2e1: {  	v3 =	vld [tilespmem:s12+$0x117D0]  }
0x2e2: {  	v4 =	vld [tilespmem:s12+$0x11780]  }
0x2e3: {  	v5 =	vld [tilespmem:s12+$0x11790]  }
0x2e4: {  	v6 =	vld [tilespmem:s12+$0x11740]  }
0x2e5: {  	v7 =	vld [tilespmem:s12+$0x11750]  }
0x2e6: {  	v13 =	vld [tilespmem:s12+$0x11700]  }
0x2e7: {  	v10 =	vimm.f32 $0.0e+00;
	v14 =	vld [tilespmem:s12+$0x11710]  }
0x2e8: {  	v9 =	vimm.f32 $0.0e+00;
	v11 =	vimm.f32 $0.0e+00;
	v8 =	vimm.f32 $0.0e+00;
	s13 =	simm.s32 $0x500;
	v12 =	vld [tilespmem:s12+$0x11720]  }
.LBB2_31:
0x2e9: {  	p0 =	sne.s32 s13, $0x2D00;
	v15 =	vld [tilespmem:s12+$0x11730]  }
0x2ea: {  	v16 =	vld [tilespmem:s12+$0x11760]  }
0x2eb: {  	v17 =	vld [tilespmem:s12+$0x11770]  }
0x2ec: {  	v18 =	vld [tilespmem:s12+$0x117A0]  }
0x2ed: {  	v8 =	vadd.f32 v13, v8;
	v11 =	vadd.f32 v14, v11;
	v13 =	vld [tilespmem:s12+$0x117B0]  }
0x2ee: {  	v10 =	vadd.f32 v12, v10;
	v9 =	vadd.f32 v15, v9;
	v12 =	vld [tilespmem:s12+$0x117E0]  }
0x2ef: {  	v6 =	vadd.f32 v6, v8;
	v7 =	vadd.f32 v7, v11;
	v8 =	vld [tilespmem:s12+$0x117F0]  }
0x2f0: {  	v10 =	vadd.f32 v16, v10;
	v9 =	vadd.f32 v17, v9;
	v14 =	vld [tilespmem:s12+$0x11820]  }
0x2f1: {  	v4 =	vadd.f32 v4, v6;
	v5 =	vadd.f32 v5, v7;
	v6 =	vld [tilespmem:s12+$0x11830];
	s12 =	sshra.s32 s13, $0x2  }
0x2f2: {  	v10 =	vadd.f32 v18, v10;
	v7 =	vld [tilespmem:s12+$0x11800];
	v9 =	vadd.f32 v13, v9  }
0x2f3: {  	v4 =	vadd.f32 v2, v4;
	v5 =	vadd.f32 v3, v5;
	v13 =	vld [tilespmem:s12+$0x11810]  }
0x2f4: {  	v10 =	vadd.f32 v12, v10;
	v2 =	vld [tilespmem:s12+$0x117C0];
	v9 =	vadd.f32 v8, v9  }
0x2f5: {  	v8 =	vadd.f32 v0, v4;
	v11 =	vadd.f32 v1, v5;
	v3 =	vld [tilespmem:s12+$0x117D0]  }
0x2f6: {  	v10 =	vadd.f32 v14, v10;
	v4 =	vld [tilespmem:s12+$0x11780];
	v9 =	vadd.f32 v6, v9  }
0x2f7: {  	v5 =	vld [tilespmem:s12+$0x11790];
	v0 =	vmov v7  }
.Ltmp14:
0x2f8: {  	v6 =	vld [tilespmem:s12+$0x11740];
	v1 =	vmov v13;
	(pc) =	sbr.rel @p0 .LBB2_31-.Ltmp14, $4  }
0x2f9: {  	v7 =	vld [tilespmem:s12+$0x11750]  }
0x2fa: {  	v13 =	vld [tilespmem:s12+$0x11700]  }
0x2fb: {  	v14 =	vld [tilespmem:s12+$0x11710]  }
0x2fc: {  	s13 =	sadd.s32 $0x500, s13;
	v12 =	vld [tilespmem:s12+$0x11720]  }
0x2fd: {  	v15 =	vld [tilespmem:s12+$0x11730]  }
0x2fe: {  	v16 =	vld [tilespmem:s12+$0x11760]  }
0x2ff: {  	v17 =	vld [tilespmem:s12+$0x11770];
	v8 =	vadd.f32 v13, v8  }
0x300: {  	v13 =	vld [tilespmem:s12+$0x117A0];
	v11 =	vadd.f32 v14, v11  }
0x301: {  	v14 =	vld [tilespmem:s12+$0x117B0];
	v10 =	vadd.f32 v12, v10;
	v6 =	vadd.f32 v6, v8  }
0x302: {  	v8 =	vadd.f32 v15, v9;
	v9 =	vld [tilespmem:s12+$0x117E0];
	v7 =	vadd.f32 v7, v11  }
0x303: {  	v11 =	vld [tilespmem:s12+$0x117F0];
	v10 =	vadd.f32 v16, v10;
	v4 =	vadd.f32 v4, v6  }
0x304: {  	v6 =	vadd.f32 v17, v8;
	v8 =	vld [tilespmem:s12+$0x11820];
	v5 =	vadd.f32 v5, v7  }
0x305: {  	v7 =	vld [tilespmem:s12+$0x11830];
	v10 =	vadd.f32 v13, v10;
	v2 =	vadd.f32 v2, v4  }
0x306: {  	v4 =	vadd.f32 v14, v6;
	v3 =	vadd.f32 v3, v5  }
0x307: {  	v5 =	vadd.f32 v9, v10;
	v0 =	vadd.f32 v0, v2  }
0x308: {  	v2 =	vadd.f32 v11, v4;
	v1 =	vadd.f32 v1, v3  }
0x309: {  	v3 =	vadd.f32 v8, v5;
	[tilespmem:s11+$0x13380] =	vst v0  }
0x30a: {  	v0 =	vadd.f32 v7, v2;
	[tilespmem:s11+$0x13390] =	vst v1  }
0x30b: {  	[tilespmem:s11+$0x133A0] =	vst v3  }
0x30c: {  	s12 =	simm.s32 $0x0;
	[tilespmem:s11+$0x133B0] =	vst v0  }
0x30d: {  	v0 =	vld [tilespmem:s12+$0x12480]  }
0x30e: {  	v1 =	vld [tilespmem:s12+$0x12490]  }
0x30f: {  	v2 =	vld [tilespmem:s12+$0x12440]  }
0x310: {  	v3 =	vld [tilespmem:s12+$0x12450]  }
0x311: {  	v4 =	vld [tilespmem:s12+$0x12400]  }
0x312: {  	v5 =	vld [tilespmem:s12+$0x12410]  }
0x313: {  	v6 =	vld [tilespmem:s12+$0x123C0]  }
0x314: {  	v7 =	vld [tilespmem:s12+$0x123D0]  }
0x315: {  	v13 =	vld [tilespmem:s12+$0x12380]  }
0x316: {  	v10 =	vimm.f32 $0.0e+00;
	v14 =	vld [tilespmem:s12+$0x12390]  }
0x317: {  	s13 =	simm.s32 $0x500;
	v9 =	vimm.f32 $0.0e+00;
	v11 =	vimm.f32 $0.0e+00;
	v8 =	vimm.f32 $0.0e+00;
	v12 =	vld [tilespmem:s12+$0x123A0]  }
.LBB2_33:
0x318: {  	p0 =	sne.s32 s13, $0x2D00;
	v15 =	vld [tilespmem:s12+$0x123B0]  }
0x319: {  	v16 =	vld [tilespmem:s12+$0x123E0]  }
0x31a: {  	v17 =	vld [tilespmem:s12+$0x123F0]  }
0x31b: {  	v18 =	vld [tilespmem:s12+$0x12420]  }
0x31c: {  	v8 =	vadd.f32 v13, v8;
	v11 =	vadd.f32 v14, v11;
	v13 =	vld [tilespmem:s12+$0x12430]  }
0x31d: {  	v10 =	vadd.f32 v12, v10;
	v9 =	vadd.f32 v15, v9;
	v12 =	vld [tilespmem:s12+$0x12460]  }
0x31e: {  	v6 =	vadd.f32 v6, v8;
	v7 =	vadd.f32 v7, v11;
	v8 =	vld [tilespmem:s12+$0x12470]  }
0x31f: {  	v10 =	vadd.f32 v16, v10;
	v9 =	vadd.f32 v17, v9;
	v14 =	vld [tilespmem:s12+$0x124A0]  }
0x320: {  	v4 =	vadd.f32 v4, v6;
	v5 =	vadd.f32 v5, v7;
	v6 =	vld [tilespmem:s12+$0x124B0];
	s12 =	sshra.s32 s13, $0x2  }
0x321: {  	v10 =	vadd.f32 v18, v10;
	v7 =	vld [tilespmem:s12+$0x12480];
	v9 =	vadd.f32 v13, v9  }
0x322: {  	v4 =	vadd.f32 v2, v4;
	v5 =	vadd.f32 v3, v5;
	v13 =	vld [tilespmem:s12+$0x12490]  }
0x323: {  	v10 =	vadd.f32 v12, v10;
	v2 =	vld [tilespmem:s12+$0x12440];
	v9 =	vadd.f32 v8, v9  }
0x324: {  	v8 =	vadd.f32 v0, v4;
	v11 =	vadd.f32 v1, v5;
	v3 =	vld [tilespmem:s12+$0x12450]  }
0x325: {  	v10 =	vadd.f32 v14, v10;
	v4 =	vld [tilespmem:s12+$0x12400];
	v9 =	vadd.f32 v6, v9  }
0x326: {  	v5 =	vld [tilespmem:s12+$0x12410];
	v0 =	vmov v7  }
.Ltmp15:
0x327: {  	v6 =	vld [tilespmem:s12+$0x123C0];
	v1 =	vmov v13;
	(pc) =	sbr.rel @p0 .LBB2_33-.Ltmp15, $4  }
0x328: {  	v7 =	vld [tilespmem:s12+$0x123D0]  }
0x329: {  	v13 =	vld [tilespmem:s12+$0x12380]  }
0x32a: {  	v14 =	vld [tilespmem:s12+$0x12390]  }
0x32b: {  	s13 =	sadd.s32 $0x500, s13;
	v12 =	vld [tilespmem:s12+$0x123A0]  }
0x32c: {  	v15 =	vld [tilespmem:s12+$0x123B0]  }
0x32d: {  	v16 =	vld [tilespmem:s12+$0x123E0]  }
0x32e: {  	v17 =	vld [tilespmem:s12+$0x123F0];
	v8 =	vadd.f32 v13, v8  }
0x32f: {  	v51 =	vld [tilespmem:s12+$0x12420];
	v11 =	vadd.f32 v14, v11  }
0x330: {  	v52 =	vld [tilespmem:s12+$0x12430];
	v10 =	vadd.f32 v12, v10;
	v6 =	vadd.f32 v6, v8  }
0x331: {  	v54 =	vld [tilespmem:s12+$0x12460];
	v53 =	vadd.f32 v15, v9;
	v7 =	vadd.f32 v7, v11  }
0x332: {  	v55 =	vld [tilespmem:s12+$0x12470];
	v10 =	vadd.f32 v16, v10;
	v4 =	vadd.f32 v4, v6  }
0x333: {  	v57 =	vld [tilespmem:s12+$0x124A0];
	v56 =	vadd.f32 v17, v53;
	v5 =	vadd.f32 v5, v7  }
0x334: {  	v58 =	vld [tilespmem:s12+$0x124B0];
	v10 =	vadd.f32 v51, v10;
	v2 =	vadd.f32 v2, v4  }
0x335: {  	s10 =	sadd.s32 $0x1, s10;
	v59 =	vadd.f32 v52, v56;
	v3 =	vadd.f32 v3, v5  }
0x336: {  	p0 =	sne.s32 s10, $0x20;
	v60 =	vadd.f32 v54, v10;
	v0 =	vadd.f32 v0, v2  }
.Ltmp16:
0x337: {  	v61 =	vadd.f32 v55, v59;
	v1 =	vadd.f32 v1, v3;
	(pc) =	sbr.rel @p0 .LBB2_2-.Ltmp16, $4  }
0x338: {  	v62 =	vadd.f32 v57, v60;
	[tilespmem:s11+$0x133C0] =	vst v0  }
0x339: {  	v63 =	vadd.f32 v58, v61;
	[tilespmem:s11+$0x133D0] =	vst v1  }
0x33a: {  	[tilespmem:s11+$0x133E0] =	vst v62  }
0x33b: {  	[tilespmem:s11+$0x133F0] =	vst v63  }
0x33c: {  	s9 =	sadd.s32 $0x1, s9  }
0x33d: {  	p0 =	sne.s32 s9, s6  }
.Ltmp17:
0x33e: {  	_ = 	snop;
	(pc) =	sbr.rel @p0 .LBB2_1-.Ltmp17, $4  }
0x33f: {  	[hbm4b:s5+s2] =	stream.linear.scatter [tilespmem:s0], [sflag:$0x9], $0x8000, $0x38;
	[tilespmem:$0x1B000] =	vst v63  }
0x340: {  	_ =	swait.ge [sflag:s7], $0x8000  }
0x341: {  	[sflag:s7] =	ssyncset.done $0x0  }
0x342: {  	[sflag:s7] =	ssyncadd.s32 $0xFFFF8000  }
0x343: {  	_ =	sfence.sel $0x180000  }
0x344: {  	[bflag:$0x0] =	sbarrier.arrive $0xFFFF  }
0x345: {  	_ =	strace $0x90000047  }
0x346: {  	s0 =	stileid.u32;
	[bflag:$0x2] =	sbarrier.arrive $0xFFFF  }
0x347: {  	p0 =	sne.s32 s0, $0x0;
	s0 =	rddreg [dreg:$0x1]  }
0x348: {  	s0 =	sadd.s32 @!p0 $0x100000, s0  }
0x349: {  	[sflag:s0] =	ssyncadd.tile.s32 @!p0 $0x1;
	_ =	shalt  }
.Lfunc_end2:
_tile_overlayer_lowered:
.L_overlay_start_2:
0x34a: {  	(tag) =	ssettag $0x2  }
0x34b: {  	s0 =	rddreg [dreg:$0x0];
	s2 =	stileid.u32  }
0x34c: {  	s1 =	rddreg [dreg:$0x1];
	p0 =	sne.s32 s2, $0x0  }
0x34d: {  	s3 =	rddreg [dreg:$0x2];
	[bflag:$0x3] =	sbarrier.arrive $0xFFFF;
	s2 =	simm.s32 @!p0 $0x1C09  }
0x34e: {  	[timem:s3], [sflag:s2] =	dma.local @!p0 [hbm:s0], s1  }
0x34f: {  	s0 =	simm.s32 @!p0 $0x9  }
0x350: {  	_ =	swait.ge @!p0 [sflag:s0], s1  }
0x351: {  	s1 =	ssub.s32 @!p0 $0x0, s1;
	[sflag:s0] =	ssyncset.done @!p0 $0x0  }
0x352: {  	[sflag:s0] =	ssyncadd.s32 @!p0 s1  }
0x353: {  	[bflag:$0x3] =	sbarrier.arrive $0xFFFF  }
0x354: {  	_ =	shalt  }

</sc_bundles>
